<compile_context>
chip_gen: v7x
topology: tpu7x:2x2x1
jax: 0.10.2.dev20260603
libtpu: 0.0.44.dev20260713+nightly
codegen_flags: <defaults>
</compile_context>

<pallas_src>
import functools

import jax
import jax.numpy as jnp
from jax import lax
from jax.experimental import pallas as pl
from jax.experimental.pallas import tpu as pltpu
from jax.experimental.pallas import tpu_sc as plsc

N = 50000
E = 1600000
F = 32
NC = 2
NS = 16
NW = NC * NS
E_PER_W = E // NW
CB = 1000
NCHUNK = E_PER_W // CB
NCH = E // CB
PR = CB // 4
IB = 125
N_PER_TILE = N // NS

BN = 2000
BR = 2000


def _elu(v):
    return jnp.where(v > 0, v, jnp.exp(v) - 1.0)



def _node_body(x_ref, dn_ref, w1_ref, b1_ref, w2_ref, b2_ref, w3_ref, b3_ref,
               wa_ref, ba_ref, wb_ref, xa_ref, xb_ref):
    xn = x_ref[...] * dn_ref[...]
    h = jnp.tanh(jnp.dot(xn, w1_ref[...], preferred_element_type=jnp.float32) + b1_ref[...])
    h = jnp.tanh(jnp.dot(h, w2_ref[...], preferred_element_type=jnp.float32) + b2_ref[...])
    hh = jnp.tanh(jnp.dot(h, w3_ref[...], preferred_element_type=jnp.float32) + b3_ref[...])
    feat = jnp.concatenate([hh, xn, jnp.zeros((BN, 11), jnp.float32)], axis=1)
    xa_ref[...] = jnp.dot(feat, wa_ref[...], preferred_element_type=jnp.float32) + ba_ref[...]
    xb_ref[...] = jnp.dot(feat, wb_ref[...], preferred_element_type=jnp.float32)


def _node_stage(x, dn, W1, b1, W2, b2, W3, b3, Apad, bc1p, Bpad):
    full = lambda shape: pl.BlockSpec(shape, lambda i: (0, 0))
    return pl.pallas_call(
        _node_body,
        grid=(N // BN,),
        in_specs=[
            pl.BlockSpec((BN, 5), lambda i: (i, 0)),
            full((1, 5)), full((5, 32)), full((1, 32)), full((32, 32)),
            full((1, 32)), full((32, 16)), full((1, 16)),
            full((32, F)), full((1, F)), full((32, F)),
        ],
        out_specs=[pl.BlockSpec((BN, F), lambda i: (i, 0)),
                   pl.BlockSpec((BN, F), lambda i: (i, 0))],
        out_shape=[jax.ShapeDtypeStruct((N, F), jnp.float32),
                   jax.ShapeDtypeStruct((N, F), jnp.float32)],
    )(x, dn, W1, b1, W2, b2, W3, b3, Apad, bc1p, Bpad)


def _t1_body(z_ref, wbd_ref, bbd_ref, m_ref):
    p = _elu(z_ref[...])
    mm = _elu(jnp.dot(p, wbd_ref[...], preferred_element_type=jnp.float32) + bbd_ref[...])
    m_ref[...] = jnp.concatenate([mm, jnp.zeros((BR, 64), jnp.float32)], axis=1)


def _t1_stage(z1, Wc2bd, bc2bd):
    return pl.pallas_call(
        _t1_body,
        grid=(E // 4 // BR,),
        in_specs=[pl.BlockSpec((BR, 128), lambda i: (i, 0)),
                  pl.BlockSpec((128, 64), lambda i: (0, 0)),
                  pl.BlockSpec((1, 64), lambda i: (0, 0))],
        out_specs=pl.BlockSpec((BR, 128), lambda i: (i, 0)),
        out_shape=jax.ShapeDtypeStruct((E // 4, 128), jnp.float32),
    )(z1, Wc2bd, bc2bd)


def _combine_body(p_ref, wa_ref, ba_ref, wb_ref, ha_ref, hb_ref):
    h = p_ref[0] + p_ref[1]
    ha_ref[...] = jnp.dot(h, wa_ref[...], preferred_element_type=jnp.float32) + ba_ref[...]
    hb_ref[...] = jnp.dot(h, wb_ref[...], preferred_element_type=jnp.float32)


def _combine_stage(partial, Wa, be1, Wb):
    return pl.pallas_call(
        _combine_body,
        grid=(N // BN,),
        in_specs=[pl.BlockSpec((2, BN, 16), lambda i: (0, i, 0)),
                  pl.BlockSpec((16, F), lambda i: (0, 0)),
                  pl.BlockSpec((1, F), lambda i: (0, 0)),
                  pl.BlockSpec((16, F), lambda i: (0, 0))],
        out_specs=[pl.BlockSpec((BN, F), lambda i: (i, 0)),
                   pl.BlockSpec((BN, F), lambda i: (i, 0))],
        out_shape=[jax.ShapeDtypeStruct((N, F), jnp.float32),
                   jax.ShapeDtypeStruct((N, F), jnp.float32)],
    )(partial, Wa, be1, Wb)


def _t2_body(z_ref, w2_ref, b2_ref, w3_ref, b3_ref, p1_ref, p2_ref, p3_ref,
             s_ref, g_ref, o_ref):
    e = _elu(z_ref[...])
    e = _elu(jnp.dot(e, w2_ref[...], preferred_element_type=jnp.float32) + b2_ref[...])
    l = jnp.dot(e, w3_ref[...], preferred_element_type=jnp.float32) + b3_ref[...]
    l1 = jnp.dot(l, p1_ref[...], preferred_element_type=jnp.float32)
    l2 = jnp.dot(l, p2_ref[...], preferred_element_type=jnp.float32)
    l3 = jnp.dot(l, p3_ref[...], preferred_element_type=jnp.float32)
    mx = jnp.maximum(jnp.maximum(l, l1), jnp.maximum(l2, l3))
    bmx = jnp.dot(mx, s_ref[...], preferred_element_type=jnp.float32)
    sh = l - bmx
    ssum = jnp.dot(jnp.exp(sh), g_ref[...], preferred_element_type=jnp.float32)
    o_ref[...] = jnp.concatenate(
        [sh - jnp.log(ssum), jnp.zeros((BR, 112), jnp.float32)], axis=1)


def _t2_stage(z2, We2bd, be2bd, We3bd, be3bd, P1, P2, P3, S16, G16):
    full = lambda shape: pl.BlockSpec(shape, lambda i: (0, 0))
    return pl.pallas_call(
        _t2_body,
        grid=(E // 4 // BR,),
        in_specs=[pl.BlockSpec((BR, 128), lambda i: (i, 0)),
                  full((128, 128)), full((1, 128)), full((128, 16)),
                  full((1, 16)), full((16, 16)), full((16, 16)),
                  full((16, 16)), full((16, 16)), full((16, 16))],
        out_specs=pl.BlockSpec((BR, 128), lambda i: (i, 0)),
        out_shape=jax.ShapeDtypeStruct((E // 4, 128), jnp.float32),
    )(z2, We2bd, be2bd, We3bd, be3bd, P1, P2, P3, S16, G16)



@functools.partial(
    pl.kernel,
    out_type=jax.ShapeDtypeStruct((NCH, CB, F), jnp.float32),
    mesh=plsc.VectorSubcoreMesh(core_axis_name="c", subcore_axis_name="s"),
    compiler_params=pltpu.CompilerParams(use_tc_tiling_on_sc=False),
    scratch_types=[
        pltpu.VMEM((8, IB), jnp.int32),
        pltpu.VMEM((8, IB), jnp.int32),
        pltpu.VMEM((8, IB), jnp.int32),
        pltpu.VMEM((CB, F), jnp.float32),
        pltpu.VMEM((CB, F), jnp.float32),
        pltpu.VMEM((CB, F), jnp.float32),
        pltpu.SemaphoreType.DMA,
        pltpu.SemaphoreType.DMA,
        pltpu.SemaphoreType.DMA,
        pltpu.SemaphoreType.DMA,
        pltpu.SemaphoreType.DMA,
    ],
)
def _gather_add(ta_ref, tb_ref, ia_ref, ib_ref, out_ref,
                ia0_v, ia1_v, ib_v, ba0_v, ba1_v, bb_v,
                sa0, sa1, sb, so0, so1):
    wid = lax.axis_index("s") * NC + lax.axis_index("c")
    ia = (ia0_v, ia1_v)
    ba = (ba0_v, ba1_v)
    sa = (sa0, sa1)
    so = (so0, so1)

    def fire_a(c, p):
        gch = wid * NCHUNK + c
        rbase = pl.multiple_of(8 * gch, 8)
        pltpu.sync_copy(ia_ref.at[pl.ds(rbase, 8)], ia[p])
        for b in range(8):
            pltpu.async_copy(ta_ref.at[ia[p].at[b]],
                             ba[p].at[pl.ds(IB * b, IB)], sa[p])

    def fire_b(c):
        gch = wid * NCHUNK + c
        rbase = pl.multiple_of(8 * gch, 8)
        pltpu.sync_copy(ib_ref.at[pl.ds(rbase, 8)], ib_v)
        for b in range(8):
            pltpu.async_copy(tb_ref.at[ib_v.at[b]],
                             bb_v.at[pl.ds(IB * b, IB)], sb)

    def process(c, p):
        gch = wid * NCHUNK + c
        pltpu.make_async_copy(out_ref.at[gch], ba[p], sa[p]).wait()
        pltpu.make_async_copy(out_ref.at[gch], bb_v, sb).wait()

        @pl.when(c + 1 < NCHUNK)
        def _():
            @pl.when(c > 0)
            def _():
                pltpu.make_async_copy(out_ref.at[gch], ba[1 - p], so[1 - p]).wait()
            fire_a(c + 1, 1 - p)

        def add_row(r, _):
            for u in range(4):
                for k in range(2):
                    ba[p][4 * r + u, pl.ds(16 * k, 16)] = (
                        ba[p][4 * r + u, pl.ds(16 * k, 16)]
                        + bb_v[4 * r + u, pl.ds(16 * k, 16)])
            return 0

        lax.fori_loop(0, CB // 4, add_row, 0)

        @pl.when(c + 1 < NCHUNK)
        def _():
            fire_b(c + 1)

        pltpu.async_copy(ba[p], out_ref.at[gch], so[p])

    fire_a(0, 0)
    fire_b(0)

    def pair(t, _):
        process(2 * t, 0)
        process(2 * t + 1, 1)
        return 0

    lax.fori_loop(0, NCHUNK // 2, pair, 0)
    pltpu.make_async_copy(out_ref.at[0], ba[0], so[0]).wait()
    pltpu.make_async_copy(out_ref.at[0], ba[1], so[1]).wait()


@functools.partial(
    pl.kernel,
    out_type=jax.ShapeDtypeStruct((NC, N, 16), jnp.float32),
    mesh=plsc.VectorSubcoreMesh(core_axis_name="c", subcore_axis_name="s"),
    compiler_params=pltpu.CompilerParams(use_tc_tiling_on_sc=False),
    scratch_types=[
        pltpu.VMEM((8, IB), jnp.int32),
        pltpu.VMEM((PR * 128,), jnp.float32),
        pltpu.VMEM((CB, 16), jnp.float32),
        pltpu.VMEM_SHARED((N, 16), jnp.float32),
    ],
)
def _scatter_add(m_ref, col_ref, out_ref, idx_v, m_v, mc_v, acc_sh):
    c = lax.axis_index("c")
    s = lax.axis_index("s")
    wid = s * NC + c

    def zrow(r, _):
        for u in range(4):
            mc_v[4 * r + u, :] = jnp.zeros((16,), jnp.float32)
        return 0

    lax.fori_loop(0, CB // 4, zrow, 0)
    for k in range(3):
        pltpu.sync_copy(mc_v, acc_sh.at[pl.ds(s * N_PER_TILE + k * CB, CB)])
    pltpu.sync_copy(mc_v.at[pl.ds(0, IB)],
                    acc_sh.at[pl.ds(s * N_PER_TILE + 3 * CB, IB)])
    plsc.subcore_barrier()

    def chunk(ch, _):
        gch = wid * NCHUNK + ch
        rbase = pl.multiple_of(8 * gch, 8)
        pltpu.sync_copy(col_ref.at[pl.ds(rbase, 8)], idx_v)
        pltpu.sync_copy(m_ref.at[gch], m_v)

        def unpack_row(r, _):
            for u in range(2):
                for j in range(4):
                    mc_v[8 * r + 4 * u + j, :] = (
                        m_v[pl.ds(256 * r + 128 * u + 16 * j, 16)])
            return 0

        lax.fori_loop(0, PR // 2, unpack_row, 0)
        for b in range(8):
            pltpu.sync_copy(mc_v.at[pl.ds(IB * b, IB)],
                            acc_sh.at[idx_v.at[b]], add=True)
        return 0

    lax.fori_loop(0, NCHUNK, chunk, 0)
    plsc.subcore_barrier()
    for k in range(3):
        pltpu.sync_copy(acc_sh.at[pl.ds(s * N_PER_TILE + k * CB, CB)], mc_v)
        pltpu.sync_copy(mc_v, out_ref.at[c, pl.ds(s * N_PER_TILE + k * CB, CB)])
    pltpu.sync_copy(acc_sh.at[pl.ds(s * N_PER_TILE + 3 * CB, IB)],
                    mc_v.at[pl.ds(0, IB)])
    pltpu.sync_copy(mc_v.at[pl.ds(0, IB)],
                    out_ref.at[c, pl.ds(s * N_PER_TILE + 3 * CB, IB)])


@functools.partial(
    pl.kernel,
    out_type=jax.ShapeDtypeStruct((NCH, CB * 4), jnp.float32),
    mesh=plsc.VectorSubcoreMesh(core_axis_name="c", subcore_axis_name="s"),
    compiler_params=pltpu.CompilerParams(use_tc_tiling_on_sc=False),
    scratch_types=[
        pltpu.VMEM((PR * 128,), jnp.float32),
        pltpu.VMEM((CB * 4,), jnp.float32),
    ],
)
def _fmt_out(lg_ref, out_ref, m_v, ov_v):
    wid = lax.axis_index("s") * NC + lax.axis_index("c")

    def chunk(ch, _):
        gch = wid * NCHUNK + ch
        pltpu.sync_copy(lg_ref.at[gch], m_v)

        def row(r, _):
            for u in range(5):
                ov_v[pl.ds(16 * (5 * r + u), 16)] = m_v[pl.ds(128 * (5 * r + u), 16)]
            return 0

        lax.fori_loop(0, PR // 5, row, 0)
        pltpu.sync_copy(ov_v, out_ref.at[gch])
        return 0

    lax.fori_loop(0, NCHUNK, chunk, 0)



def kernel(x, edge_index, datanorm, W1, b1, W2, b2, W3, b3,
           Wc1, bc1, Wc2, bc2, We1, be1, We2, be2, We3, be3):
    row3 = edge_index[0].reshape(NCH * 8, IB)
    col3 = edge_index[1].reshape(NCH * 8, IB)
    col3p = col3

    A = Wc1[:21] - Wc1[21:]
    Bm = Wc1[21:]
    Apad = jnp.zeros((32, F), jnp.float32).at[:21, :29].set(A)
    Bpad = jnp.zeros((32, F), jnp.float32).at[:21, :29].set(Bm)
    bc1p = jnp.zeros((1, F), jnp.float32).at[0, :29].set(bc1)
    Wc2p = jnp.zeros((F, 16), jnp.float32).at[:29].set(Wc2)

    eye4 = jnp.eye(4, dtype=jnp.float32)
    Wc2bd = jnp.kron(eye4, Wc2p)
    bc2bd = jnp.tile(bc2, 4).reshape(1, 64)
    We2bd = jnp.kron(eye4, We2)
    be2bd = jnp.tile(be2, 4).reshape(1, 128)
    We3bd = jnp.kron(eye4, We3)
    be3bd = jnp.tile(be3, 4).reshape(1, 16)
    P1 = jnp.eye(16, k=-1, dtype=jnp.float32)
    P2 = jnp.eye(16, k=-2, dtype=jnp.float32)
    P3 = jnp.eye(16, k=-3, dtype=jnp.float32)
    spread = jnp.zeros((4, 4), jnp.float32).at[0].set(1.0)
    S16 = jnp.kron(eye4, spread)
    G16 = jnp.kron(eye4, jnp.ones((4, 4), jnp.float32))

    XA, XB = _node_stage(x, datanorm.reshape(1, 5), W1, b1.reshape(1, 32),
                         W2, b2.reshape(1, 32), W3, b3.reshape(1, 16),
                         Apad, bc1p, Bpad)
    z1 = _gather_add(XA, XB, col3, row3).reshape(E // 4, 128)
    m = _t1_stage(z1, Wc2bd, bc2bd).reshape(NCH, PR * 128)
    partial = _scatter_add(m, col3p)
    HA, HB = _combine_stage(partial, We1[:16], be1.reshape(1, F), We1[16:])
    z2 = _gather_add(HA, HB, row3, col3).reshape(E // 4, 128)
    out = _t2_stage(z2, We2bd, be2bd, We3bd, be3bd, P1, P2, P3, S16, G16)
    return _fmt_out(out.reshape(NCH, PR * 128)).reshape(E, 4)

# --- scband reference (transcript-rebuilt; emitter-appended) ---
"""Pipeline reference for scband-edge-net-with-categories-jittable-12670153523552 (READ-ONLY COPY).

The authoritative reference and input builder live on the scoring server;
editing this copy changes nothing except your own understanding.
"""

import jax, jax.numpy as jnp
import numpy as np

N = 50000
E = 1600000
IN = 5
HID = 16
OUT = 4
START = 2 * (HID + IN)
MID = (3 * HID + 2 * IN) // 2


def _lin(key, fan_in, fan_out):
    k1, k2 = jax.random.split(key)
    lim = 1.0 / np.sqrt(fan_in)
    W = jax.random.uniform(k1, (fan_in, fan_out), minval=-lim, maxval=lim, dtype=jnp.float32)
    b = jax.random.uniform(k2, (fan_out,), minval=-lim, maxval=lim, dtype=jnp.float32)
    return W, b


def setup_inputs(seed: int = 0):
    key = jax.random.key(seed)
    ks = jax.random.split(key, 10)
    x = jax.random.normal(ks[0], (N, IN), dtype=jnp.float32)
    edge_index = jax.random.randint(ks[1], (2, E), 0, N, dtype=jnp.int32)
    datanorm = jnp.array([1.0 / 500.0, 1.0 / 500.0, 1.0 / 54.0, 1.0 / 25.0, 1.0 / 1000.0], dtype=jnp.float32)
    W1, b1 = _lin(ks[2], IN, 2 * HID)
    W2, b2 = _lin(ks[3], 2 * HID, 2 * HID)
    W3, b3 = _lin(ks[4], 2 * HID, HID)
    Wc1, bc1 = _lin(ks[5], START, MID)
    Wc2, bc2 = _lin(ks[6], MID, HID)
    We1, be1 = _lin(ks[7], 2 * HID, 2 * HID)
    We2, be2 = _lin(ks[8], 2 * HID, 2 * HID)
    We3, be3 = _lin(ks[9], 2 * HID, OUT)
    return {"x": x, "edge_index": edge_index, "datanorm": datanorm,
            "W1": W1, "b1": b1, "W2": W2, "b2": b2, "W3": W3, "b3": b3,
            "Wc1": Wc1, "bc1": bc1, "Wc2": Wc2, "bc2": bc2,
            "We1": We1, "be1": be1, "We2": We2, "be2": be2, "We3": We3, "be3": be3}


def reference(x, edge_index, datanorm, W1, b1, W2, b2, W3, b3, Wc1, bc1, Wc2, bc2, We1, be1, We2, be2, We3, be3):
    row = edge_index[0]
    col = edge_index[1]
    x_norm = datanorm * x
    h = jnp.tanh(x_norm @ W1 + b1)
    h = jnp.tanh(h @ W2 + b2)
    H = jnp.tanh(h @ W3 + b3)
    feat = jnp.concatenate([H, x_norm], axis=-1)
    # EdgeConv (flow source_to_target): x_i = feat[col] (target), x_j = feat[row] (source)
    x_i = feat[col]
    x_j = feat[row]
    m = jnp.concatenate([x_i, x_j - x_i], axis=-1)
    m = jax.nn.elu(m @ Wc1 + bc1)
    m = jax.nn.elu(m @ Wc2 + bc2)
    # aggr='add' scatter onto target nodes
    H = jax.ops.segment_sum(m, col, num_segments=N)
    H_cat = H
    e = jnp.concatenate([H_cat[row], H_cat[col]], axis=-1)
    e = jax.nn.elu(e @ We1 + be1)
    e = jax.nn.elu(e @ We2 + be2)
    e = e @ We3 + be3
    return jax.nn.log_softmax(e, axis=-1)

if __name__ == "__main__":
    import jax
    _d = setup_inputs()
    print(jax.jit(kernel)(*tuple(_d.values())))

</pallas_src>

<mosaic_0001>
#map = affine_map<(d0, d1) -> (0, 0)>
module attributes {stable_mosaic.version = 14 : i64} {
  func.func @_fmt_out(%arg0: i32, %arg1: i32, %arg2: memref<1600x32000xf32, #tpu.memory_space<hbm>>, %arg3: memref<1600x4000xf32, #tpu.memory_space<hbm>>, %arg4: memref<32000xf32, #tpu.memory_space<vmem>>, %arg5: memref<4000xf32, #tpu.memory_space<vmem>>) attributes {dimension_semantics = [#tpu.dimension_semantics<core_parallel>, #tpu.dimension_semantics<subcore_parallel>], iteration_bounds = array<i64: 2, 16>, scalar_prefetch = 0 : i64, scratch_operands = 2 : i64, tpu.core_type = #tpu.core_type<sc_vector_subcore>, window_params = [{transform_indices = #map}, {transform_indices = #map}]} {
    %mul3A = arith.constant 2 : i32
    %mul3A_0 = arith.muli %arg1, %mul3A : i32
    %add3A = arith.addi %mul3A_0, %arg0 : i32
    %scan3A = arith.constant 0 : i32
    %scan3A_1 = arith.constant 0 : i32
    %scan3A_2 = arith.constant 50 : i32
    %scan3A_3 = arith.addi %scan3A_1, %scan3A_2 : i32
    %scan3A_4 = arith.constant 1 : i32
    %scan3A_5 = scf.for %scan3A_7 = %scan3A_1 to %scan3A_3 step %scan3A_4 iter_args(%scan3A_8 = %scan3A) -> (i32)  : i32 {
      %mul3A_9 = arith.constant 50 : i32
      %mul3A_10 = arith.muli %add3A, %mul3A_9 : i32
      %add3A_11 = arith.addi %mul3A_10, %scan3A_7 : i32
      "tpu.region"() ({
        %run_scoped3A = tpu.sem_alloc : memref<!tpu.dma_semaphore, #tpu.memory_space<semaphore_mem>>
        %dma_start3A = arith.constant 0 : i32
        %dma_start3A_20 = tpu.memref_slice %arg2[%add3A_11, %dma_start3A] : memref<1600x32000xf32, #tpu.memory_space<hbm>> -> memref<1x32000xf32, #tpu.memory_space<hbm>>
        %dma_start3A_21 = tpu.memref_squeeze %dma_start3A_20 : memref<1x32000xf32, #tpu.memory_space<hbm>> -> memref<32000xf32, #tpu.memory_space<hbm>>
        %dma_start3A_22 = arith.constant 0 : i32
        %dma_start3A_23 = tpu.memref_slice %arg2[%add3A_11, %dma_start3A_22] : memref<1600x32000xf32, #tpu.memory_space<hbm>> -> memref<1x32000xf32, #tpu.memory_space<hbm>>
        %dma_start3A_24 = tpu.memref_squeeze %dma_start3A_23 : memref<1x32000xf32, #tpu.memory_space<hbm>> -> memref<32000xf32, #tpu.memory_space<hbm>>
        tpu.enqueue_dma source(%dma_start3A_24 : memref<32000xf32, #tpu.memory_space<hbm>>) target(%arg4 : memref<32000xf32, #tpu.memory_space<vmem>>) target_semaphore(%run_scoped3A : memref<!tpu.dma_semaphore, #tpu.memory_space<semaphore_mem>>)
        %dma_wait3A = arith.constant 0 : i32
        %dma_wait3A_25 = tpu.memref_slice %arg2[%add3A_11, %dma_wait3A] : memref<1600x32000xf32, #tpu.memory_space<hbm>> -> memref<1x32000xf32, #tpu.memory_space<hbm>>
        %dma_wait3A_26 = tpu.memref_squeeze %dma_wait3A_25 : memref<1x32000xf32, #tpu.memory_space<hbm>> -> memref<32000xf32, #tpu.memory_space<hbm>>
        %dma_wait3A_27 = arith.constant 0 : i32
        %dma_wait3A_28 = tpu.memref_slice %arg2[%add3A_11, %dma_wait3A_27] : memref<1600x32000xf32, #tpu.memory_space<hbm>> -> memref<1x32000xf32, #tpu.memory_space<hbm>>
        %dma_wait3A_29 = tpu.memref_squeeze %dma_wait3A_28 : memref<1x32000xf32, #tpu.memory_space<hbm>> -> memref<32000xf32, #tpu.memory_space<hbm>>
        tpu.wait_dma2 semaphore(%run_scoped3A : memref<!tpu.dma_semaphore, #tpu.memory_space<semaphore_mem>>) src(%dma_wait3A_29 : memref<32000xf32, #tpu.memory_space<hbm>>) dst(%arg4 : memref<32000xf32, #tpu.memory_space<vmem>>)
        tpu.yield
      }) : () -> ()
      %scan3A_12 = arith.constant 0 : i32
      %scan3A_13 = arith.constant 0 : i32
      %scan3A_14 = arith.constant 50 : i32
      %scan3A_15 = arith.addi %scan3A_13, %scan3A_14 : i32
      %scan3A_16 = arith.constant 1 : i32
      %scan3A_17 = scf.for %scan3A_20 = %scan3A_13 to %scan3A_15 step %scan3A_16 iter_args(%scan3A_21 = %scan3A_12) -> (i32)  : i32 {
        %mul3A_22 = arith.constant 5 : i32
        %mul3A_23 = arith.muli %mul3A_22, %scan3A_20 : i32
        %add3A_24 = arith.constant 0 : i32
        %add3A_25 = arith.addi %mul3A_23, %add3A_24 : i32
        %mul3A_26 = arith.constant 128 : i32
        %mul3A_27 = arith.muli %mul3A_26, %add3A_25 : i32
        %get3A = arith.index_cast %mul3A_27 : i32 to index
        %get3A_28 = tpu.vector_load %arg4[%get3A] {strides = array<i32>} : memref<32000xf32, #tpu.memory_space<vmem>>, vector<16xf32>,
        %get3A_29 = vector.shape_cast %get3A_28 : vector<16xf32> to vector<16xf32>
        %mul3A_30 = arith.constant 5 : i32
        %mul3A_31 = arith.muli %mul3A_30, %scan3A_20 : i32
        %add3A_32 = arith.constant 0 : i32
        %add3A_33 = arith.addi %mul3A_31, %add3A_32 : i32
        %mul3A_34 = arith.constant 16 : i32
        %mul3A_35 = arith.muli %mul3A_34, %add3A_33 : i32
        %swap3A = arith.index_cast %mul3A_35 : i32 to index
        %swap3A_36 = tpu.vector_load %arg5[%swap3A] {strides = array<i32>} : memref<4000xf32, #tpu.memory_space<vmem>>, vector<16xf32>,
        %swap3A_37 = vector.shape_cast %swap3A_36 : vector<16xf32> to vector<16xf32>
        %swap3A_38 = vector.shape_cast %get3A_29 : vector<16xf32> to vector<16xf32>
        tpu.vector_store %arg5[%swap3A], %swap3A_38 {strides = array<i32>} : memref<4000xf32, #tpu.memory_space<vmem>>, vector<16xf32>,
        %mul3A_39 = arith.constant 5 : i32
        %mul3A_40 = arith.muli %mul3A_39, %scan3A_20 : i32
        %add3A_41 = arith.constant 1 : i32
        %add3A_42 = arith.addi %mul3A_40, %add3A_41 : i32
        %mul3A_43 = arith.constant 128 : i32
        %mul3A_44 = arith.muli %mul3A_43, %add3A_42 : i32
        %get3A_45 = arith.index_cast %mul3A_44 : i32 to index
        %get3A_46 = tpu.vector_load %arg4[%get3A_45] {strides = array<i32>} : memref<32000xf32, #tpu.memory_space<vmem>>, vector<16xf32>,
        %get3A_47 = vector.shape_cast %get3A_46 : vector<16xf32> to vector<16xf32>
        %mul3A_48 = arith.constant 5 : i32
        %mul3A_49 = arith.muli %mul3A_48, %scan3A_20 : i32
        %add3A_50 = arith.constant 1 : i32
        %add3A_51 = arith.addi %mul3A_49, %add3A_50 : i32
        %mul3A_52 = arith.constant 16 : i32
        %mul3A_53 = arith.muli %mul3A_52, %add3A_51 : i32
        %swap3A_54 = arith.index_cast %mul3A_53 : i32 to index
        %swap3A_55 = tpu.vector_load %arg5[%swap3A_54] {strides = array<i32>} : memref<4000xf32, #tpu.memory_space<vmem>>, vector<16xf32>,
        %swap3A_56 = vector.shape_cast %swap3A_55 : vector<16xf32> to vector<16xf32>
        %swap3A_57 = vector.shape_cast %get3A_47 : vector<16xf32> to vector<16xf32>
        tpu.vector_store %arg5[%swap3A_54], %swap3A_57 {strides = array<i32>} : memref<4000xf32, #tpu.memory_space<vmem>>, vector<16xf32>,
        %mul3A_58 = arith.constant 5 : i32
        %mul3A_59 = arith.muli %mul3A_58, %scan3A_20 : i32
        %add3A_60 = arith.constant 2 : i32
        %add3A_61 = arith.addi %mul3A_59, %add3A_60 : i32
        %mul3A_62 = arith.constant 128 : i32
        %mul3A_63 = arith.muli %mul3A_62, %add3A_61 : i32
        %get3A_64 = arith.index_cast %mul3A_63 : i32 to index
        %get3A_65 = tpu.vector_load %arg4[%get3A_64] {strides = array<i32>} : memref<32000xf32, #tpu.memory_space<vmem>>, vector<16xf32>,
        %get3A_66 = vector.shape_cast %get3A_65 : vector<16xf32> to vector<16xf32>
        %mul3A_67 = arith.constant 5 : i32
        %mul3A_68 = arith.muli %mul3A_67, %scan3A_20 : i32
        %add3A_69 = arith.constant 2 : i32
        %add3A_70 = arith.addi %mul3A_68, %add3A_69 : i32
        %mul3A_71 = arith.constant 16 : i32
        %mul3A_72 = arith.muli %mul3A_71, %add3A_70 : i32
        %swap3A_73 = arith.index_cast %mul3A_72 : i32 to index
        %swap3A_74 = tpu.vector_load %arg5[%swap3A_73] {strides = array<i32>} : memref<4000xf32, #tpu.memory_space<vmem>>, vector<16xf32>,
        %swap3A_75 = vector.shape_cast %swap3A_74 : vector<16xf32> to vector<16xf32>
        %swap3A_76 = vector.shape_cast %get3A_66 : vector<16xf32> to vector<16xf32>
        tpu.vector_store %arg5[%swap3A_73], %swap3A_76 {strides = array<i32>} : memref<4000xf32, #tpu.memory_space<vmem>>, vector<16xf32>,
        %mul3A_77 = arith.constant 5 : i32
        %mul3A_78 = arith.muli %mul3A_77, %scan3A_20 : i32
        %add3A_79 = arith.constant 3 : i32
        %add3A_80 = arith.addi %mul3A_78, %add3A_79 : i32
        %mul3A_81 = arith.constant 128 : i32
        %mul3A_82 = arith.muli %mul3A_81, %add3A_80 : i32
        %get3A_83 = arith.index_cast %mul3A_82 : i32 to index
        %get3A_84 = tpu.vector_load %arg4[%get3A_83] {strides = array<i32>} : memref<32000xf32, #tpu.memory_space<vmem>>, vector<16xf32>,
        %get3A_85 = vector.shape_cast %get3A_84 : vector<16xf32> to vector<16xf32>
        %mul3A_86 = arith.constant 5 : i32
        %mul3A_87 = arith.muli %mul3A_86, %scan3A_20 : i32
        %add3A_88 = arith.constant 3 : i32
        %add3A_89 = arith.addi %mul3A_87, %add3A_88 : i32
        %mul3A_90 = arith.constant 16 : i32
        %mul3A_91 = arith.muli %mul3A_90, %add3A_89 : i32
        %swap3A_92 = arith.index_cast %mul3A_91 : i32 to index
        %swap3A_93 = tpu.vector_load %arg5[%swap3A_92] {strides = array<i32>} : memref<4000xf32, #tpu.memory_space<vmem>>, vector<16xf32>,
        %swap3A_94 = vector.shape_cast %swap3A_93 : vector<16xf32> to vector<16xf32>
        %swap3A_95 = vector.shape_cast %get3A_85 : vector<16xf32> to vector<16xf32>
        tpu.vector_store %arg5[%swap3A_92], %swap3A_95 {strides = array<i32>} : memref<4000xf32, #tpu.memory_space<vmem>>, vector<16xf32>,
        %mul3A_96 = arith.constant 5 : i32
        %mul3A_97 = arith.muli %mul3A_96, %scan3A_20 : i32
        %add3A_98 = arith.constant 4 : i32
        %add3A_99 = arith.addi %mul3A_97, %add3A_98 : i32
        %mul3A_100 = arith.constant 128 : i32
        %mul3A_101 = arith.muli %mul3A_100, %add3A_99 : i32
        %get3A_102 = arith.index_cast %mul3A_101 : i32 to index
        %get3A_103 = tpu.vector_load %arg4[%get3A_102] {strides = array<i32>} : memref<32000xf32, #tpu.memory_space<vmem>>, vector<16xf32>,
        %get3A_104 = vector.shape_cast %get3A_103 : vector<16xf32> to vector<16xf32>
        %mul3A_105 = arith.constant 5 : i32
        %mul3A_106 = arith.muli %mul3A_105, %scan3A_20 : i32
        %add3A_107 = arith.constant 4 : i32
        %add3A_108 = arith.addi %mul3A_106, %add3A_107 : i32
        %mul3A_109 = arith.constant 16 : i32
        %mul3A_110 = arith.muli %mul3A_109, %add3A_108 : i32
        %swap3A_111 = arith.index_cast %mul3A_110 : i32 to index
        %swap3A_112 = tpu.vector_load %arg5[%swap3A_111] {strides = array<i32>} : memref<4000xf32, #tpu.memory_space<vmem>>, vector<16xf32>,
        %swap3A_113 = vector.shape_cast %swap3A_112 : vector<16xf32> to vector<16xf32>
        %swap3A_114 = vector.shape_cast %get3A_104 : vector<16xf32> to vector<16xf32>
        tpu.vector_store %arg5[%swap3A_111], %swap3A_114 {strides = array<i32>} : memref<4000xf32, #tpu.memory_space<vmem>>, vector<16xf32>,
        %scan3A_115 = arith.constant 0 : i32
        scf.yield %scan3A_115 : i32
      }
      %scan3A_18 = arith.constant 50 : i32
      "tpu.region"() ({
        %run_scoped3A = tpu.sem_alloc : memref<!tpu.dma_semaphore, #tpu.memory_space<semaphore_mem>>
        %dma_start3A = arith.constant 0 : i32
        %dma_start3A_20 = tpu.memref_slice %arg3[%add3A_11, %dma_start3A] : memref<1600x4000xf32, #tpu.memory_space<hbm>> -> memref<1x4000xf32, #tpu.memory_space<hbm>>
        %dma_start3A_21 = tpu.memref_squeeze %dma_start3A_20 : memref<1x4000xf32, #tpu.memory_space<hbm>> -> memref<4000xf32, #tpu.memory_space<hbm>>
        %dma_start3A_22 = arith.constant 0 : i32
        %dma_start3A_23 = tpu.memref_slice %arg3[%add3A_11, %dma_start3A_22] : memref<1600x4000xf32, #tpu.memory_space<hbm>> -> memref<1x4000xf32, #tpu.memory_space<hbm>>
        %dma_start3A_24 = tpu.memref_squeeze %dma_start3A_23 : memref<1x4000xf32, #tpu.memory_space<hbm>> -> memref<4000xf32, #tpu.memory_space<hbm>>
        tpu.enqueue_dma source(%arg5 : memref<4000xf32, #tpu.memory_space<vmem>>) target(%dma_start3A_24 : memref<4000xf32, #tpu.memory_space<hbm>>) target_semaphore(%run_scoped3A : memref<!tpu.dma_semaphore, #tpu.memory_space<semaphore_mem>>)
        %dma_wait3A = arith.constant 0 : i32
        %dma_wait3A_25 = tpu.memref_slice %arg3[%add3A_11, %dma_wait3A] : memref<1600x4000xf32, #tpu.memory_space<hbm>> -> memref<1x4000xf32, #tpu.memory_space<hbm>>
        %dma_wait3A_26 = tpu.memref_squeeze %dma_wait3A_25 : memref<1x4000xf32, #tpu.memory_space<hbm>> -> memref<4000xf32, #tpu.memory_space<hbm>>
        %dma_wait3A_27 = arith.constant 0 : i32
        %dma_wait3A_28 = tpu.memref_slice %arg3[%add3A_11, %dma_wait3A_27] : memref<1600x4000xf32, #tpu.memory_space<hbm>> -> memref<1x4000xf32, #tpu.memory_space<hbm>>
        %dma_wait3A_29 = tpu.memref_squeeze %dma_wait3A_28 : memref<1x4000xf32, #tpu.memory_space<hbm>> -> memref<4000xf32, #tpu.memory_space<hbm>>
        tpu.wait_dma2 semaphore(%run_scoped3A : memref<!tpu.dma_semaphore, #tpu.memory_space<semaphore_mem>>) src(%arg5 : memref<4000xf32, #tpu.memory_space<vmem>>) dst(%dma_wait3A_29 : memref<4000xf32, #tpu.memory_space<hbm>>)
        tpu.yield
      }) : () -> ()
      %scan3A_19 = arith.constant 0 : i32
      scf.yield %scan3A_19 : i32
    }
    %scan3A_6 = arith.constant 50 : i32
    return
  }
}

#map = affine_map<(d0, d1) -> (0, 0)>
#map1 = affine_map<(d0, d1) -> (0, 0, 0)>
module attributes {stable_mosaic.version = 14 : i64} {
  func.func @_gather_add(%arg0: i32, %arg1: i32, %arg2: memref<50000x32xf32, #tpu.memory_space<hbm>>, %arg3: memref<50000x32xf32, #tpu.memory_space<hbm>>, %arg4: memref<12800x125xi32, #tpu.memory_space<hbm>>, %arg5: memref<12800x125xi32, #tpu.memory_space<hbm>>, %arg6: memref<1600x1000x32xf32, #tpu.memory_space<hbm>>, %arg7: memref<8x125xi32, #tpu.memory_space<vmem>>, %arg8: memref<8x125xi32, #tpu.memory_space<vmem>>, %arg9: memref<8x125xi32, #tpu.memory_space<vmem>>, %arg10: memref<1000x32xf32, #tpu.memory_space<vmem>>, %arg11: memref<1000x32xf32, #tpu.memory_space<vmem>>, %arg12: memref<1000x32xf32, #tpu.memory_space<vmem>>, %arg13: memref<!tpu.dma_semaphore, #tpu.memory_space<semaphore_mem>>, %arg14: memref<!tpu.dma_semaphore, #tpu.memory_space<semaphore_mem>>, %arg15: memref<!tpu.dma_semaphore, #tpu.memory_space<semaphore_mem>>, %arg16: memref<!tpu.dma_semaphore, #tpu.memory_space<semaphore_mem>>, %arg17: memref<!tpu.dma_semaphore, #tpu.memory_space<semaphore_mem>>) attributes {dimension_semantics = [#tpu.dimension_semantics<core_parallel>, #tpu.dimension_semantics<subcore_parallel>], iteration_bounds = array<i64: 2, 16>, scalar_prefetch = 0 : i64, scratch_operands = 11 : i64, tpu.core_type = #tpu.core_type<sc_vector_subcore>, window_params = [{transform_indices = #map}, {transform_indices = #map}, {transform_indices = #map}, {transform_indices = #map}, {transform_indices = #map1}]} {
    %mul3A = arith.constant 2 : i32
    %mul3A_0 = arith.muli %arg1, %mul3A : i32
    %add3A = arith.addi %mul3A_0, %arg0 : i32
    %mul3A_1 = arith.constant 50 : i32
    %mul3A_2 = arith.muli %add3A, %mul3A_1 : i32
    %add3A_3 = arith.constant 0 : i32
    %add3A_4 = arith.addi %mul3A_2, %add3A_3 : i32
    %mul3A_5 = arith.constant 8 : i32
    %mul3A_6 = arith.muli %mul3A_5, %add3A_4 : i32
    %multiple_of3A = tpu.assume_multiple %mul3A_6, 8 : i32
    "tpu.region"() ({
      %run_scoped3A = tpu.sem_alloc : memref<!tpu.dma_semaphore, #tpu.memory_space<semaphore_mem>>
      %dma_start3A_196 = arith.constant 0 : i32
      %dma_start3A_197 = tpu.memref_slice %arg4[%multiple_of3A, %dma_start3A_196] : memref<12800x125xi32, #tpu.memory_space<hbm>> -> memref<8x125xi32, #tpu.memory_space<hbm>>
      %dma_start3A_198 = arith.constant 0 : i32
      %dma_start3A_199 = tpu.memref_slice %arg4[%multiple_of3A, %dma_start3A_198] : memref<12800x125xi32, #tpu.memory_space<hbm>> -> memref<8x125xi32, #tpu.memory_space<hbm>>
      tpu.enqueue_dma source(%dma_start3A_199 : memref<8x125xi32, #tpu.memory_space<hbm>>) target(%arg7 : memref<8x125xi32, #tpu.memory_space<vmem>>) target_semaphore(%run_scoped3A : memref<!tpu.dma_semaphore, #tpu.memory_space<semaphore_mem>>)
      %dma_wait3A_200 = arith.constant 0 : i32
      %dma_wait3A_201 = tpu.memref_slice %arg4[%multiple_of3A, %dma_wait3A_200] : memref<12800x125xi32, #tpu.memory_space<hbm>> -> memref<8x125xi32, #tpu.memory_space<hbm>>
      %dma_wait3A_202 = arith.constant 0 : i32
      %dma_wait3A_203 = tpu.memref_slice %arg4[%multiple_of3A, %dma_wait3A_202] : memref<12800x125xi32, #tpu.memory_space<hbm>> -> memref<8x125xi32, #tpu.memory_space<hbm>>
      tpu.wait_dma2 semaphore(%run_scoped3A : memref<!tpu.dma_semaphore, #tpu.memory_space<semaphore_mem>>) src(%dma_wait3A_203 : memref<8x125xi32, #tpu.memory_space<hbm>>) dst(%arg7 : memref<8x125xi32, #tpu.memory_space<vmem>>)
      tpu.yield
    }) : () -> ()
    %dma_start3A = arith.constant 0 : i32
    %dma_start3A_7 = arith.constant 0 : i32
    %dma_start3A_8 = arith.constant 0 : i32
    %dma_start3A_9 = tpu.memref_slice %arg10[%dma_start3A_7, %dma_start3A_8] : memref<1000x32xf32, #tpu.memory_space<vmem>> -> memref<125x32xf32, #tpu.memory_space<vmem>>
    %dma_start3A_10 = arith.constant 0 : i32
    %dma_start3A_11 = tpu.memref_slice %arg7[%dma_start3A, %dma_start3A_10] : memref<8x125xi32, #tpu.memory_space<vmem>> -> memref<1x125xi32, #tpu.memory_space<vmem>>
    %dma_start3A_12 = tpu.memref_squeeze %dma_start3A_11 : memref<1x125xi32, #tpu.memory_space<vmem>> -> memref<125xi32, #tpu.memory_space<vmem>>
    %dma_start3A_13 = arith.constant 0 : i32
    %dma_start3A_14 = arith.constant 0 : i32
    %dma_start3A_15 = tpu.memref_slice %arg2[%dma_start3A_13, %dma_start3A_14] : memref<50000x32xf32, #tpu.memory_space<hbm>> -> memref<50000x32xf32, #tpu.memory_space<hbm>>
    tpu.enqueue_indirect_dma source(%dma_start3A_15 : memref<50000x32xf32, #tpu.memory_space<hbm>>) target(%dma_start3A_9 : memref<125x32xf32, #tpu.memory_space<vmem>>) offsets(%dma_start3A_12 : memref<125xi32, #tpu.memory_space<vmem>>) semaphore(%arg13 : memref<!tpu.dma_semaphore, #tpu.memory_space<semaphore_mem>>)
    %dma_start3A_16 = arith.constant 1 : i32
    %dma_start3A_17 = arith.constant 125 : i32
    %dma_start3A_18 = arith.constant 0 : i32
    %dma_start3A_19 = tpu.memref_slice %arg10[%dma_start3A_17, %dma_start3A_18] : memref<1000x32xf32, #tpu.memory_space<vmem>> -> memref<125x32xf32, #tpu.memory_space<vmem>>
    %dma_start3A_20 = arith.constant 0 : i32
    %dma_start3A_21 = tpu.memref_slice %arg7[%dma_start3A_16, %dma_start3A_20] : memref<8x125xi32, #tpu.memory_space<vmem>> -> memref<1x125xi32, #tpu.memory_space<vmem>>
    %dma_start3A_22 = tpu.memref_squeeze %dma_start3A_21 : memref<1x125xi32, #tpu.memory_space<vmem>> -> memref<125xi32, #tpu.memory_space<vmem>>
    %dma_start3A_23 = arith.constant 0 : i32
    %dma_start3A_24 = arith.constant 0 : i32
    %dma_start3A_25 = tpu.memref_slice %arg2[%dma_start3A_23, %dma_start3A_24] : memref<50000x32xf32, #tpu.memory_space<hbm>> -> memref<50000x32xf32, #tpu.memory_space<hbm>>
    tpu.enqueue_indirect_dma source(%dma_start3A_25 : memref<50000x32xf32, #tpu.memory_space<hbm>>) target(%dma_start3A_19 : memref<125x32xf32, #tpu.memory_space<vmem>>) offsets(%dma_start3A_22 : memref<125xi32, #tpu.memory_space<vmem>>) semaphore(%arg13 : memref<!tpu.dma_semaphore, #tpu.memory_space<semaphore_mem>>)
    %dma_start3A_26 = arith.constant 2 : i32
    %dma_start3A_27 = arith.constant 250 : i32
    %dma_start3A_28 = arith.constant 0 : i32
    %dma_start3A_29 = tpu.memref_slice %arg10[%dma_start3A_27, %dma_start3A_28] : memref<1000x32xf32, #tpu.memory_space<vmem>> -> memref<125x32xf32, #tpu.memory_space<vmem>>
    %dma_start3A_30 = arith.constant 0 : i32
    %dma_start3A_31 = tpu.memref_slice %arg7[%dma_start3A_26, %dma_start3A_30] : memref<8x125xi32, #tpu.memory_space<vmem>> -> memref<1x125xi32, #tpu.memory_space<vmem>>
    %dma_start3A_32 = tpu.memref_squeeze %dma_start3A_31 : memref<1x125xi32, #tpu.memory_space<vmem>> -> memref<125xi32, #tpu.memory_space<vmem>>
    %dma_start3A_33 = arith.constant 0 : i32
    %dma_start3A_34 = arith.constant 0 : i32
    %dma_start3A_35 = tpu.memref_slice %arg2[%dma_start3A_33, %dma_start3A_34] : memref<50000x32xf32, #tpu.memory_space<hbm>> -> memref<50000x32xf32, #tpu.memory_space<hbm>>
    tpu.enqueue_indirect_dma source(%dma_start3A_35 : memref<50000x32xf32, #tpu.memory_space<hbm>>) target(%dma_start3A_29 : memref<125x32xf32, #tpu.memory_space<vmem>>) offsets(%dma_start3A_32 : memref<125xi32, #tpu.memory_space<vmem>>) semaphore(%arg13 : memref<!tpu.dma_semaphore, #tpu.memory_space<semaphore_mem>>)
    %dma_start3A_36 = arith.constant 3 : i32
    %dma_start3A_37 = arith.constant 375 : i32
    %dma_start3A_38 = arith.constant 0 : i32
    %dma_start3A_39 = tpu.memref_slice %arg10[%dma_start3A_37, %dma_start3A_38] : memref<1000x32xf32, #tpu.memory_space<vmem>> -> memref<125x32xf32, #tpu.memory_space<vmem>>
    %dma_start3A_40 = arith.constant 0 : i32
    %dma_start3A_41 = tpu.memref_slice %arg7[%dma_start3A_36, %dma_start3A_40] : memref<8x125xi32, #tpu.memory_space<vmem>> -> memref<1x125xi32, #tpu.memory_space<vmem>>
    %dma_start3A_42 = tpu.memref_squeeze %dma_start3A_41 : memref<1x125xi32, #tpu.memory_space<vmem>> -> memref<125xi32, #tpu.memory_space<vmem>>
    %dma_start3A_43 = arith.constant 0 : i32
    %dma_start3A_44 = arith.constant 0 : i32
    %dma_start3A_45 = tpu.memref_slice %arg2[%dma_start3A_43, %dma_start3A_44] : memref<50000x32xf32, #tpu.memory_space<hbm>> -> memref<50000x32xf32, #tpu.memory_space<hbm>>
    tpu.enqueue_indirect_dma source(%dma_start3A_45 : memref<50000x32xf32, #tpu.memory_space<hbm>>) target(%dma_start3A_39 : memref<125x32xf32, #tpu.memory_space<vmem>>) offsets(%dma_start3A_42 : memref<125xi32, #tpu.memory_space<vmem>>) semaphore(%arg13 : memref<!tpu.dma_semaphore, #tpu.memory_space<semaphore_mem>>)
    %dma_start3A_46 = arith.constant 4 : i32
    %dma_start3A_47 = arith.constant 500 : i32
    %dma_start3A_48 = arith.constant 0 : i32
    %dma_start3A_49 = tpu.memref_slice %arg10[%dma_start3A_47, %dma_start3A_48] : memref<1000x32xf32, #tpu.memory_space<vmem>> -> memref<125x32xf32, #tpu.memory_space<vmem>>
    %dma_start3A_50 = arith.constant 0 : i32
    %dma_start3A_51 = tpu.memref_slice %arg7[%dma_start3A_46, %dma_start3A_50] : memref<8x125xi32, #tpu.memory_space<vmem>> -> memref<1x125xi32, #tpu.memory_space<vmem>>
    %dma_start3A_52 = tpu.memref_squeeze %dma_start3A_51 : memref<1x125xi32, #tpu.memory_space<vmem>> -> memref<125xi32, #tpu.memory_space<vmem>>
    %dma_start3A_53 = arith.constant 0 : i32
    %dma_start3A_54 = arith.constant 0 : i32
    %dma_start3A_55 = tpu.memref_slice %arg2[%dma_start3A_53, %dma_start3A_54] : memref<50000x32xf32, #tpu.memory_space<hbm>> -> memref<50000x32xf32, #tpu.memory_space<hbm>>
    tpu.enqueue_indirect_dma source(%dma_start3A_55 : memref<50000x32xf32, #tpu.memory_space<hbm>>) target(%dma_start3A_49 : memref<125x32xf32, #tpu.memory_space<vmem>>) offsets(%dma_start3A_52 : memref<125xi32, #tpu.memory_space<vmem>>) semaphore(%arg13 : memref<!tpu.dma_semaphore, #tpu.memory_space<semaphore_mem>>)
    %dma_start3A_56 = arith.constant 5 : i32
    %dma_start3A_57 = arith.constant 625 : i32
    %dma_start3A_58 = arith.constant 0 : i32
    %dma_start3A_59 = tpu.memref_slice %arg10[%dma_start3A_57, %dma_start3A_58] : memref<1000x32xf32, #tpu.memory_space<vmem>> -> memref<125x32xf32, #tpu.memory_space<vmem>>
    %dma_start3A_60 = arith.constant 0 : i32
    %dma_start3A_61 = tpu.memref_slice %arg7[%dma_start3A_56, %dma_start3A_60] : memref<8x125xi32, #tpu.memory_space<vmem>> -> memref<1x125xi32, #tpu.memory_space<vmem>>
    %dma_start3A_62 = tpu.memref_squeeze %dma_start3A_61 : memref<1x125xi32, #tpu.memory_space<vmem>> -> memref<125xi32, #tpu.memory_space<vmem>>
    %dma_start3A_63 = arith.constant 0 : i32
    %dma_start3A_64 = arith.constant 0 : i32
    %dma_start3A_65 = tpu.memref_slice %arg2[%dma_start3A_63, %dma_start3A_64] : memref<50000x32xf32, #tpu.memory_space<hbm>> -> memref<50000x32xf32, #tpu.memory_space<hbm>>
    tpu.enqueue_indirect_dma source(%dma_start3A_65 : memref<50000x32xf32, #tpu.memory_space<hbm>>) target(%dma_start3A_59 : memref<125x32xf32, #tpu.memory_space<vmem>>) offsets(%dma_start3A_62 : memref<125xi32, #tpu.memory_space<vmem>>) semaphore(%arg13 : memref<!tpu.dma_semaphore, #tpu.memory_space<semaphore_mem>>)
    %dma_start3A_66 = arith.constant 6 : i32
    %dma_start3A_67 = arith.constant 750 : i32
    %dma_start3A_68 = arith.constant 0 : i32
    %dma_start3A_69 = tpu.memref_slice %arg10[%dma_start3A_67, %dma_start3A_68] : memref<1000x32xf32, #tpu.memory_space<vmem>> -> memref<125x32xf32, #tpu.memory_space<vmem>>
    %dma_start3A_70 = arith.constant 0 : i32
    %dma_start3A_71 = tpu.memref_slice %arg7[%dma_start3A_66, %dma_start3A_70] : memref<8x125xi32, #tpu.memory_space<vmem>> -> memref<1x125xi32, #tpu.memory_space<vmem>>
    %dma_start3A_72 = tpu.memref_squeeze %dma_start3A_71 : memref<1x125xi32, #tpu.memory_space<vmem>> -> memref<125xi32, #tpu.memory_space<vmem>>
    %dma_start3A_73 = arith.constant 0 : i32
    %dma_start3A_74 = arith.constant 0 : i32
    %dma_start3A_75 = tpu.memref_slice %arg2[%dma_start3A_73, %dma_start3A_74] : memref<50000x32xf32, #tpu.memory_space<hbm>> -> memref<50000x32xf32, #tpu.memory_space<hbm>>
    tpu.enqueue_indirect_dma source(%dma_start3A_75 : memref<50000x32xf32, #tpu.memory_space<hbm>>) target(%dma_start3A_69 : memref<125x32xf32, #tpu.memory_space<vmem>>) offsets(%dma_start3A_72 : memref<125xi32, #tpu.memory_space<vmem>>) semaphore(%arg13 : memref<!tpu.dma_semaphore, #tpu.memory_space<semaphore_mem>>)
    %dma_start3A_76 = arith.constant 7 : i32
    %dma_start3A_77 = arith.constant 875 : i32
    %dma_start3A_78 = arith.constant 0 : i32
    %dma_start3A_79 = tpu.memref_slice %arg10[%dma_start3A_77, %dma_start3A_78] : memref<1000x32xf32, #tpu.memory_space<vmem>> -> memref<125x32xf32, #tpu.memory_space<vmem>>
    %dma_start3A_80 = arith.constant 0 : i32
    %dma_start3A_81 = tpu.memref_slice %arg7[%dma_start3A_76, %dma_start3A_80] : memref<8x125xi32, #tpu.memory_space<vmem>> -> memref<1x125xi32, #tpu.memory_space<vmem>>
    %dma_start3A_82 = tpu.memref_squeeze %dma_start3A_81 : memref<1x125xi32, #tpu.memory_space<vmem>> -> memref<125xi32, #tpu.memory_space<vmem>>
    %dma_start3A_83 = arith.constant 0 : i32
    %dma_start3A_84 = arith.constant 0 : i32
    %dma_start3A_85 = tpu.memref_slice %arg2[%dma_start3A_83, %dma_start3A_84] : memref<50000x32xf32, #tpu.memory_space<hbm>> -> memref<50000x32xf32, #tpu.memory_space<hbm>>
    tpu.enqueue_indirect_dma source(%dma_start3A_85 : memref<50000x32xf32, #tpu.memory_space<hbm>>) target(%dma_start3A_79 : memref<125x32xf32, #tpu.memory_space<vmem>>) offsets(%dma_start3A_82 : memref<125xi32, #tpu.memory_space<vmem>>) semaphore(%arg13 : memref<!tpu.dma_semaphore, #tpu.memory_space<semaphore_mem>>)
    %mul3A_86 = arith.constant 50 : i32
    %mul3A_87 = arith.muli %add3A, %mul3A_86 : i32
    %add3A_88 = arith.constant 0 : i32
    %add3A_89 = arith.addi %mul3A_87, %add3A_88 : i32
    %mul3A_90 = arith.constant 8 : i32
    %mul3A_91 = arith.muli %mul3A_90, %add3A_89 : i32
    %multiple_of3A_92 = tpu.assume_multiple %mul3A_91, 8 : i32
    "tpu.region"() ({
      %run_scoped3A = tpu.sem_alloc : memref<!tpu.dma_semaphore, #tpu.memory_space<semaphore_mem>>
      %dma_start3A_196 = arith.constant 0 : i32
      %dma_start3A_197 = tpu.memref_slice %arg5[%multiple_of3A_92, %dma_start3A_196] : memref<12800x125xi32, #tpu.memory_space<hbm>> -> memref<8x125xi32, #tpu.memory_space<hbm>>
      %dma_start3A_198 = arith.constant 0 : i32
      %dma_start3A_199 = tpu.memref_slice %arg5[%multiple_of3A_92, %dma_start3A_198] : memref<12800x125xi32, #tpu.memory_space<hbm>> -> memref<8x125xi32, #tpu.memory_space<hbm>>
      tpu.enqueue_dma source(%dma_start3A_199 : memref<8x125xi32, #tpu.memory_space<hbm>>) target(%arg9 : memref<8x125xi32, #tpu.memory_space<vmem>>) target_semaphore(%run_scoped3A : memref<!tpu.dma_semaphore, #tpu.memory_space<semaphore_mem>>)
      %dma_wait3A_200 = arith.constant 0 : i32
      %dma_wait3A_201 = tpu.memref_slice %arg5[%multiple_of3A_92, %dma_wait3A_200] : memref<12800x125xi32, #tpu.memory_space<hbm>> -> memref<8x125xi32, #tpu.memory_space<hbm>>
      %dma_wait3A_202 = arith.constant 0 : i32
      %dma_wait3A_203 = tpu.memref_slice %arg5[%multiple_of3A_92, %dma_wait3A_202] : memref<12800x125xi32, #tpu.memory_space<hbm>> -> memref<8x125xi32, #tpu.memory_space<hbm>>
      tpu.wait_dma2 semaphore(%run_scoped3A : memref<!tpu.dma_semaphore, #tpu.memory_space<semaphore_mem>>) src(%dma_wait3A_203 : memref<8x125xi32, #tpu.memory_space<hbm>>) dst(%arg9 : memref<8x125xi32, #tpu.memory_space<vmem>>)
      tpu.yield
    }) : () -> ()
    %dma_start3A_93 = arith.constant 0 : i32
    %dma_start3A_94 = arith.constant 0 : i32
    %dma_start3A_95 = arith.constant 0 : i32
    %dma_start3A_96 = tpu.memref_slice %arg12[%dma_start3A_94, %dma_start3A_95] : memref<1000x32xf32, #tpu.memory_space<vmem>> -> memref<125x32xf32, #tpu.memory_space<vmem>>
    %dma_start3A_97 = arith.constant 0 : i32
    %dma_start3A_98 = tpu.memref_slice %arg9[%dma_start3A_93, %dma_start3A_97] : memref<8x125xi32, #tpu.memory_space<vmem>> -> memref<1x125xi32, #tpu.memory_space<vmem>>
    %dma_start3A_99 = tpu.memref_squeeze %dma_start3A_98 : memref<1x125xi32, #tpu.memory_space<vmem>> -> memref<125xi32, #tpu.memory_space<vmem>>
    %dma_start3A_100 = arith.constant 0 : i32
    %dma_start3A_101 = arith.constant 0 : i32
    %dma_start3A_102 = tpu.memref_slice %arg3[%dma_start3A_100, %dma_start3A_101] : memref<50000x32xf32, #tpu.memory_space<hbm>> -> memref<50000x32xf32, #tpu.memory_space<hbm>>
    tpu.enqueue_indirect_dma source(%dma_start3A_102 : memref<50000x32xf32, #tpu.memory_space<hbm>>) target(%dma_start3A_96 : memref<125x32xf32, #tpu.memory_space<vmem>>) offsets(%dma_start3A_99 : memref<125xi32, #tpu.memory_space<vmem>>) semaphore(%arg15 : memref<!tpu.dma_semaphore, #tpu.memory_space<semaphore_mem>>)
    %dma_start3A_103 = arith.constant 1 : i32
    %dma_start3A_104 = arith.constant 125 : i32
    %dma_start3A_105 = arith.constant 0 : i32
    %dma_start3A_106 = tpu.memref_slice %arg12[%dma_start3A_104, %dma_start3A_105] : memref<1000x32xf32, #tpu.memory_space<vmem>> -> memref<125x32xf32, #tpu.memory_space<vmem>>
    %dma_start3A_107 = arith.constant 0 : i32
    %dma_start3A_108 = tpu.memref_slice %arg9[%dma_start3A_103, %dma_start3A_107] : memref<8x125xi32, #tpu.memory_space<vmem>> -> memref<1x125xi32, #tpu.memory_space<vmem>>
    %dma_start3A_109 = tpu.memref_squeeze %dma_start3A_108 : memref<1x125xi32, #tpu.memory_space<vmem>> -> memref<125xi32, #tpu.memory_space<vmem>>
    %dma_start3A_110 = arith.constant 0 : i32
    %dma_start3A_111 = arith.constant 0 : i32
    %dma_start3A_112 = tpu.memref_slice %arg3[%dma_start3A_110, %dma_start3A_111] : memref<50000x32xf32, #tpu.memory_space<hbm>> -> memref<50000x32xf32, #tpu.memory_space<hbm>>
    tpu.enqueue_indirect_dma source(%dma_start3A_112 : memref<50000x32xf32, #tpu.memory_space<hbm>>) target(%dma_start3A_106 : memref<125x32xf32, #tpu.memory_space<vmem>>) offsets(%dma_start3A_109 : memref<125xi32, #tpu.memory_space<vmem>>) semaphore(%arg15 : memref<!tpu.dma_semaphore, #tpu.memory_space<semaphore_mem>>)
    %dma_start3A_113 = arith.constant 2 : i32
    %dma_start3A_114 = arith.constant 250 : i32
    %dma_start3A_115 = arith.constant 0 : i32
    %dma_start3A_116 = tpu.memref_slice %arg12[%dma_start3A_114, %dma_start3A_115] : memref<1000x32xf32, #tpu.memory_space<vmem>> -> memref<125x32xf32, #tpu.memory_space<vmem>>
    %dma_start3A_117 = arith.constant 0 : i32
    %dma_start3A_118 = tpu.memref_slice %arg9[%dma_start3A_113, %dma_start3A_117] : memref<8x125xi32, #tpu.memory_space<vmem>> -> memref<1x125xi32, #tpu.memory_space<vmem>>
    %dma_start3A_119 = tpu.memref_squeeze %dma_start3A_118 : memref<1x125xi32, #tpu.memory_space<vmem>> -> memref<125xi32, #tpu.memory_space<vmem>>
    %dma_start3A_120 = arith.constant 0 : i32
    %dma_start3A_121 = arith.constant 0 : i32
    %dma_start3A_122 = tpu.memref_slice %arg3[%dma_start3A_120, %dma_start3A_121] : memref<50000x32xf32, #tpu.memory_space<hbm>> -> memref<50000x32xf32, #tpu.memory_space<hbm>>
    tpu.enqueue_indirect_dma source(%dma_start3A_122 : memref<50000x32xf32, #tpu.memory_space<hbm>>) target(%dma_start3A_116 : memref<125x32xf32, #tpu.memory_space<vmem>>) offsets(%dma_start3A_119 : memref<125xi32, #tpu.memory_space<vmem>>) semaphore(%arg15 : memref<!tpu.dma_semaphore, #tpu.memory_space<semaphore_mem>>)
    %dma_start3A_123 = arith.constant 3 : i32
    %dma_start3A_124 = arith.constant 375 : i32
    %dma_start3A_125 = arith.constant 0 : i32
    %dma_start3A_126 = tpu.memref_slice %arg12[%dma_start3A_124, %dma_start3A_125] : memref<1000x32xf32, #tpu.memory_space<vmem>> -> memref<125x32xf32, #tpu.memory_space<vmem>>
    %dma_start3A_127 = arith.constant 0 : i32
    %dma_start3A_128 = tpu.memref_slice %arg9[%dma_start3A_123, %dma_start3A_127] : memref<8x125xi32, #tpu.memory_space<vmem>> -> memref<1x125xi32, #tpu.memory_space<vmem>>
    %dma_start3A_129 = tpu.memref_squeeze %dma_start3A_128 : memref<1x125xi32, #tpu.memory_space<vmem>> -> memref<125xi32, #tpu.memory_space<vmem>>
    %dma_start3A_130 = arith.constant 0 : i32
    %dma_start3A_131 = arith.constant 0 : i32
    %dma_start3A_132 = tpu.memref_slice %arg3[%dma_start3A_130, %dma_start3A_131] : memref<50000x32xf32, #tpu.memory_space<hbm>> -> memref<50000x32xf32, #tpu.memory_space<hbm>>
    tpu.enqueue_indirect_dma source(%dma_start3A_132 : memref<50000x32xf32, #tpu.memory_space<hbm>>) target(%dma_start3A_126 : memref<125x32xf32, #tpu.memory_space<vmem>>) offsets(%dma_start3A_129 : memref<125xi32, #tpu.memory_space<vmem>>) semaphore(%arg15 : memref<!tpu.dma_semaphore, #tpu.memory_space<semaphore_mem>>)
    %dma_start3A_133 = arith.constant 4 : i32
    %dma_start3A_134 = arith.constant 500 : i32
    %dma_start3A_135 = arith.constant 0 : i32
    %dma_start3A_136 = tpu.memref_slice %arg12[%dma_start3A_134, %dma_start3A_135] : memref<1000x32xf32, #tpu.memory_space<vmem>> -> memref<125x32xf32, #tpu.memory_space<vmem>>
    %dma_start3A_137 = arith.constant 0 : i32
    %dma_start3A_138 = tpu.memref_slice %arg9[%dma_start3A_133, %dma_start3A_137] : memref<8x125xi32, #tpu.memory_space<vmem>> -> memref<1x125xi32, #tpu.memory_space<vmem>>
    %dma_start3A_139 = tpu.memref_squeeze %dma_start3A_138 : memref<1x125xi32, #tpu.memory_space<vmem>> -> memref<125xi32, #tpu.memory_space<vmem>>
    %dma_start3A_140 = arith.constant 0 : i32
    %dma_start3A_141 = arith.constant 0 : i32
    %dma_start3A_142 = tpu.memref_slice %arg3[%dma_start3A_140, %dma_start3A_141] : memref<50000x32xf32, #tpu.memory_space<hbm>> -> memref<50000x32xf32, #tpu.memory_space<hbm>>
    tpu.enqueue_indirect_dma source(%dma_start3A_142 : memref<50000x32xf32, #tpu.memory_space<hbm>>) target(%dma_start3A_136 : memref<125x32xf32, #tpu.memory_space<vmem>>) offsets(%dma_start3A_139 : memref<125xi32, #tpu.memory_space<vmem>>) semaphore(%arg15 : memref<!tpu.dma_semaphore, #tpu.memory_space<semaphore_mem>>)
    %dma_start3A_143 = arith.constant 5 : i32
    %dma_start3A_144 = arith.constant 625 : i32
    %dma_start3A_145 = arith.constant 0 : i32
    %dma_start3A_146 = tpu.memref_slice %arg12[%dma_start3A_144, %dma_start3A_145] : memref<1000x32xf32, #tpu.memory_space<vmem>> -> memref<125x32xf32, #tpu.memory_space<vmem>>
    %dma_start3A_147 = arith.constant 0 : i32
    %dma_start3A_148 = tpu.memref_slice %arg9[%dma_start3A_143, %dma_start3A_147] : memref<8x125xi32, #tpu.memory_space<vmem>> -> memref<1x125xi32, #tpu.memory_space<vmem>>
    %dma_start3A_149 = tpu.memref_squeeze %dma_start3A_148 : memref<1x125xi32, #tpu.memory_space<vmem>> -> memref<125xi32, #tpu.memory_space<vmem>>
    %dma_start3A_150 = arith.constant 0 : i32
    %dma_start3A_151 = arith.constant 0 : i32
    %dma_start3A_152 = tpu.memref_slice %arg3[%dma_start3A_150, %dma_start3A_151] : memref<50000x32xf32, #tpu.memory_space<hbm>> -> memref<50000x32xf32, #tpu.memory_space<hbm>>
    tpu.enqueue_indirect_dma source(%dma_start3A_152 : memref<50000x32xf32, #tpu.memory_space<hbm>>) target(%dma_start3A_146 : memref<125x32xf32, #tpu.memory_space<vmem>>) offsets(%dma_start3A_149 : memref<125xi32, #tpu.memory_space<vmem>>) semaphore(%arg15 : memref<!tpu.dma_semaphore, #tpu.memory_space<semaphore_mem>>)
    %dma_start3A_153 = arith.constant 6 : i32
    %dma_start3A_154 = arith.constant 750 : i32
    %dma_start3A_155 = arith.constant 0 : i32
    %dma_start3A_156 = tpu.memref_slice %arg12[%dma_start3A_154, %dma_start3A_155] : memref<1000x32xf32, #tpu.memory_space<vmem>> -> memref<125x32xf32, #tpu.memory_space<vmem>>
    %dma_start3A_157 = arith.constant 0 : i32
    %dma_start3A_158 = tpu.memref_slice %arg9[%dma_start3A_153, %dma_start3A_157] : memref<8x125xi32, #tpu.memory_space<vmem>> -> memref<1x125xi32, #tpu.memory_space<vmem>>
    %dma_start3A_159 = tpu.memref_squeeze %dma_start3A_158 : memref<1x125xi32, #tpu.memory_space<vmem>> -> memref<125xi32, #tpu.memory_space<vmem>>
    %dma_start3A_160 = arith.constant 0 : i32
    %dma_start3A_161 = arith.constant 0 : i32
    %dma_start3A_162 = tpu.memref_slice %arg3[%dma_start3A_160, %dma_start3A_161] : memref<50000x32xf32, #tpu.memory_space<hbm>> -> memref<50000x32xf32, #tpu.memory_space<hbm>>
    tpu.enqueue_indirect_dma source(%dma_start3A_162 : memref<50000x32xf32, #tpu.memory_space<hbm>>) target(%dma_start3A_156 : memref<125x32xf32, #tpu.memory_space<vmem>>) offsets(%dma_start3A_159 : memref<125xi32, #tpu.memory_space<vmem>>) semaphore(%arg15 : memref<!tpu.dma_semaphore, #tpu.memory_space<semaphore_mem>>)
    %dma_start3A_163 = arith.constant 7 : i32
    %dma_start3A_164 = arith.constant 875 : i32
    %dma_start3A_165 = arith.constant 0 : i32
    %dma_start3A_166 = tpu.memref_slice %arg12[%dma_start3A_164, %dma_start3A_165] : memref<1000x32xf32, #tpu.memory_space<vmem>> -> memref<125x32xf32, #tpu.memory_space<vmem>>
    %dma_start3A_167 = arith.constant 0 : i32
    %dma_start3A_168 = tpu.memref_slice %arg9[%dma_start3A_163, %dma_start3A_167] : memref<8x125xi32, #tpu.memory_space<vmem>> -> memref<1x125xi32, #tpu.memory_space<vmem>>
    %dma_start3A_169 = tpu.memref_squeeze %dma_start3A_168 : memref<1x125xi32, #tpu.memory_space<vmem>> -> memref<125xi32, #tpu.memory_space<vmem>>
    %dma_start3A_170 = arith.constant 0 : i32
    %dma_start3A_171 = arith.constant 0 : i32
    %dma_start3A_172 = tpu.memref_slice %arg3[%dma_start3A_170, %dma_start3A_171] : memref<50000x32xf32, #tpu.memory_space<hbm>> -> memref<50000x32xf32, #tpu.memory_space<hbm>>
    tpu.enqueue_indirect_dma source(%dma_start3A_172 : memref<50000x32xf32, #tpu.memory_space<hbm>>) target(%dma_start3A_166 : memref<125x32xf32, #tpu.memory_space<vmem>>) offsets(%dma_start3A_169 : memref<125xi32, #tpu.memory_space<vmem>>) semaphore(%arg15 : memref<!tpu.dma_semaphore, #tpu.memory_space<semaphore_mem>>)
    %scan3A = arith.constant 0 : i32
    %scan3A_173 = arith.constant 0 : i32
    %scan3A_174 = arith.constant 25 : i32
    %scan3A_175 = arith.addi %scan3A_173, %scan3A_174 : i32
    %scan3A_176 = arith.constant 1 : i32
    %scan3A_177 = scf.for %scan3A_196 = %scan3A_173 to %scan3A_175 step %scan3A_176 iter_args(%scan3A_197 = %scan3A) -> (i32)  : i32 {
      %mul3A_198 = arith.constant 2 : i32
      %mul3A_199 = arith.muli %mul3A_198, %scan3A_196 : i32
      %mul3A_200 = arith.constant 50 : i32
      %mul3A_201 = arith.muli %add3A, %mul3A_200 : i32
      %add3A_202 = arith.addi %mul3A_201, %mul3A_199 : i32
      %dma_wait3A_203 = arith.constant 0 : i32
      %dma_wait3A_204 = arith.constant 0 : i32
      %dma_wait3A_205 = tpu.memref_slice %arg6[%add3A_202, %dma_wait3A_203, %dma_wait3A_204] : memref<1600x1000x32xf32, #tpu.memory_space<hbm>> -> memref<1x1000x32xf32, #tpu.memory_space<hbm>>
      %dma_wait3A_206 = tpu.memref_squeeze %dma_wait3A_205 : memref<1x1000x32xf32, #tpu.memory_space<hbm>> -> memref<1000x32xf32, #tpu.memory_space<hbm>>
      %dma_wait3A_207 = arith.constant 0 : i32
      %dma_wait3A_208 = arith.constant 0 : i32
      %dma_wait3A_209 = tpu.memref_slice %arg6[%add3A_202, %dma_wait3A_207, %dma_wait3A_208] : memref<1600x1000x32xf32, #tpu.memory_space<hbm>> -> memref<1x1000x32xf32, #tpu.memory_space<hbm>>
      %dma_wait3A_210 = tpu.memref_squeeze %dma_wait3A_209 : memref<1x1000x32xf32, #tpu.memory_space<hbm>> -> memref<1000x32xf32, #tpu.memory_space<hbm>>
      tpu.wait_dma2 semaphore(%arg13 : memref<!tpu.dma_semaphore, #tpu.memory_space<semaphore_mem>>) src(%dma_wait3A_210 : memref<1000x32xf32, #tpu.memory_space<hbm>>) dst(%arg10 : memref<1000x32xf32, #tpu.memory_space<vmem>>)
      %dma_wait3A_211 = arith.constant 0 : i32
      %dma_wait3A_212 = arith.constant 0 : i32
      %dma_wait3A_213 = tpu.memref_slice %arg6[%add3A_202, %dma_wait3A_211, %dma_wait3A_212] : memref<1600x1000x32xf32, #tpu.memory_space<hbm>> -> memref<1x1000x32xf32, #tpu.memory_space<hbm>>
      %dma_wait3A_214 = tpu.memref_squeeze %dma_wait3A_213 : memref<1x1000x32xf32, #tpu.memory_space<hbm>> -> memref<1000x32xf32, #tpu.memory_space<hbm>>
      %dma_wait3A_215 = arith.constant 0 : i32
      %dma_wait3A_216 = arith.constant 0 : i32
      %dma_wait3A_217 = tpu.memref_slice %arg6[%add3A_202, %dma_wait3A_215, %dma_wait3A_216] : memref<1600x1000x32xf32, #tpu.memory_space<hbm>> -> memref<1x1000x32xf32, #tpu.memory_space<hbm>>
      %dma_wait3A_218 = tpu.memref_squeeze %dma_wait3A_217 : memref<1x1000x32xf32, #tpu.memory_space<hbm>> -> memref<1000x32xf32, #tpu.memory_space<hbm>>
      tpu.wait_dma2 semaphore(%arg15 : memref<!tpu.dma_semaphore, #tpu.memory_space<semaphore_mem>>) src(%dma_wait3A_218 : memref<1000x32xf32, #tpu.memory_space<hbm>>) dst(%arg12 : memref<1000x32xf32, #tpu.memory_space<vmem>>)
      %add3A_219 = arith.constant 1 : i32
      %add3A_220 = arith.addi %mul3A_199, %add3A_219 : i32
      %lt3A = arith.constant 50 : i32
      %lt3A_221 = arith.cmpi slt, %add3A_220, %lt3A : i32
      %convert_element_type3A = arith.extui %lt3A_221 : i1 to i32
      %cond3A = arith.constant 0 : i32
      %cond3A_222 = arith.cmpi ne, %convert_element_type3A, %cond3A : i32
      scf.if %cond3A_222 {
        %gt3A = arith.constant 0 : i32
        %gt3A_298 = arith.cmpi sgt, %mul3A_199, %gt3A : i32
        %convert_element_type3A_299 = arith.extui %gt3A_298 : i1 to i32
        %cond3A_300 = arith.constant 0 : i32
        %cond3A_301 = arith.cmpi ne, %convert_element_type3A_299, %cond3A_300 : i32
        scf.if %cond3A_301 {
          %dma_wait3A_390 = arith.constant 0 : i32
          %dma_wait3A_391 = arith.constant 0 : i32
          %dma_wait3A_392 = tpu.memref_slice %arg6[%add3A_202, %dma_wait3A_390, %dma_wait3A_391] : memref<1600x1000x32xf32, #tpu.memory_space<hbm>> -> memref<1x1000x32xf32, #tpu.memory_space<hbm>>
          %dma_wait3A_393 = tpu.memref_squeeze %dma_wait3A_392 : memref<1x1000x32xf32, #tpu.memory_space<hbm>> -> memref<1000x32xf32, #tpu.memory_space<hbm>>
          %dma_wait3A_394 = arith.constant 0 : i32
          %dma_wait3A_395 = arith.constant 0 : i32
          %dma_wait3A_396 = tpu.memref_slice %arg6[%add3A_202, %dma_wait3A_394, %dma_wait3A_395] : memref<1600x1000x32xf32, #tpu.memory_space<hbm>> -> memref<1x1000x32xf32, #tpu.memory_space<hbm>>
          %dma_wait3A_397 = tpu.memref_squeeze %dma_wait3A_396 : memref<1x1000x32xf32, #tpu.memory_space<hbm>> -> memref<1000x32xf32, #tpu.memory_space<hbm>>
          tpu.wait_dma2 semaphore(%arg17 : memref<!tpu.dma_semaphore, #tpu.memory_space<semaphore_mem>>) src(%dma_wait3A_397 : memref<1000x32xf32, #tpu.memory_space<hbm>>) dst(%arg11 : memref<1000x32xf32, #tpu.memory_space<vmem>>)
        } else {
        }
        %add3A_302 = arith.constant 1 : i32
        %add3A_303 = arith.addi %mul3A_199, %add3A_302 : i32
        %mul3A_304 = arith.constant 50 : i32
        %mul3A_305 = arith.muli %add3A, %mul3A_304 : i32
        %add3A_306 = arith.addi %mul3A_305, %add3A_303 : i32
        %mul3A_307 = arith.constant 8 : i32
        %mul3A_308 = arith.muli %mul3A_307, %add3A_306 : i32
        %multiple_of3A_309 = tpu.assume_multiple %mul3A_308, 8 : i32
        "tpu.region"() ({
          %run_scoped3A = tpu.sem_alloc : memref<!tpu.dma_semaphore, #tpu.memory_space<semaphore_mem>>
          %dma_start3A_390 = arith.constant 0 : i32
          %dma_start3A_391 = tpu.memref_slice %arg4[%multiple_of3A_309, %dma_start3A_390] : memref<12800x125xi32, #tpu.memory_space<hbm>> -> memref<8x125xi32, #tpu.memory_space<hbm>>
          %dma_start3A_392 = arith.constant 0 : i32
          %dma_start3A_393 = tpu.memref_slice %arg4[%multiple_of3A_309, %dma_start3A_392] : memref<12800x125xi32, #tpu.memory_space<hbm>> -> memref<8x125xi32, #tpu.memory_space<hbm>>
          tpu.enqueue_dma source(%dma_start3A_393 : memref<8x125xi32, #tpu.memory_space<hbm>>) target(%arg8 : memref<8x125xi32, #tpu.memory_space<vmem>>) target_semaphore(%run_scoped3A : memref<!tpu.dma_semaphore, #tpu.memory_space<semaphore_mem>>)
          %dma_wait3A_394 = arith.constant 0 : i32
          %dma_wait3A_395 = tpu.memref_slice %arg4[%multiple_of3A_309, %dma_wait3A_394] : memref<12800x125xi32, #tpu.memory_space<hbm>> -> memref<8x125xi32, #tpu.memory_space<hbm>>
          %dma_wait3A_396 = arith.constant 0 : i32
          %dma_wait3A_397 = tpu.memref_slice %arg4[%multiple_of3A_309, %dma_wait3A_396] : memref<12800x125xi32, #tpu.memory_space<hbm>> -> memref<8x125xi32, #tpu.memory_space<hbm>>
          tpu.wait_dma2 semaphore(%run_scoped3A : memref<!tpu.dma_semaphore, #tpu.memory_space<semaphore_mem>>) src(%dma_wait3A_397 : memref<8x125xi32, #tpu.memory_space<hbm>>) dst(%arg8 : memref<8x125xi32, #tpu.memory_space<vmem>>)
          tpu.yield
        }) : () -> ()
        %dma_start3A_310 = arith.constant 0 : i32
        %dma_start3A_311 = arith.constant 0 : i32
        %dma_start3A_312 = arith.constant 0 : i32
        %dma_start3A_313 = tpu.memref_slice %arg11[%dma_start3A_311, %dma_start3A_312] : memref<1000x32xf32, #tpu.memory_space<vmem>> -> memref<125x32xf32, #tpu.memory_space<vmem>>
        %dma_start3A_314 = arith.constant 0 : i32
        %dma_start3A_315 = tpu.memref_slice %arg8[%dma_start3A_310, %dma_start3A_314] : memref<8x125xi32, #tpu.memory_space<vmem>> -> memref<1x125xi32, #tpu.memory_space<vmem>>
        %dma_start3A_316 = tpu.memref_squeeze %dma_start3A_315 : memref<1x125xi32, #tpu.memory_space<vmem>> -> memref<125xi32, #tpu.memory_space<vmem>>
        %dma_start3A_317 = arith.constant 0 : i32
        %dma_start3A_318 = arith.constant 0 : i32
        %dma_start3A_319 = tpu.memref_slice %arg2[%dma_start3A_317, %dma_start3A_318] : memref<50000x32xf32, #tpu.memory_space<hbm>> -> memref<50000x32xf32, #tpu.memory_space<hbm>>
        tpu.enqueue_indirect_dma source(%dma_start3A_319 : memref<50000x32xf32, #tpu.memory_space<hbm>>) target(%dma_start3A_313 : memref<125x32xf32, #tpu.memory_space<vmem>>) offsets(%dma_start3A_316 : memref<125xi32, #tpu.memory_space<vmem>>) semaphore(%arg14 : memref<!tpu.dma_semaphore, #tpu.memory_space<semaphore_mem>>)
        %dma_start3A_320 = arith.constant 1 : i32
        %dma_start3A_321 = arith.constant 125 : i32
        %dma_start3A_322 = arith.constant 0 : i32
        %dma_start3A_323 = tpu.memref_slice %arg11[%dma_start3A_321, %dma_start3A_322] : memref<1000x32xf32, #tpu.memory_space<vmem>> -> memref<125x32xf32, #tpu.memory_space<vmem>>
        %dma_start3A_324 = arith.constant 0 : i32
        %dma_start3A_325 = tpu.memref_slice %arg8[%dma_start3A_320, %dma_start3A_324] : memref<8x125xi32, #tpu.memory_space<vmem>> -> memref<1x125xi32, #tpu.memory_space<vmem>>
        %dma_start3A_326 = tpu.memref_squeeze %dma_start3A_325 : memref<1x125xi32, #tpu.memory_space<vmem>> -> memref<125xi32, #tpu.memory_space<vmem>>
        %dma_start3A_327 = arith.constant 0 : i32
        %dma_start3A_328 = arith.constant 0 : i32
        %dma_start3A_329 = tpu.memref_slice %arg2[%dma_start3A_327, %dma_start3A_328] : memref<50000x32xf32, #tpu.memory_space<hbm>> -> memref<50000x32xf32, #tpu.memory_space<hbm>>
        tpu.enqueue_indirect_dma source(%dma_start3A_329 : memref<50000x32xf32, #tpu.memory_space<hbm>>) target(%dma_start3A_323 : memref<125x32xf32, #tpu.memory_space<vmem>>) offsets(%dma_start3A_326 : memref<125xi32, #tpu.memory_space<vmem>>) semaphore(%arg14 : memref<!tpu.dma_semaphore, #tpu.memory_space<semaphore_mem>>)
        %dma_start3A_330 = arith.constant 2 : i32
        %dma_start3A_331 = arith.constant 250 : i32
        %dma_start3A_332 = arith.constant 0 : i32
        %dma_start3A_333 = tpu.memref_slice %arg11[%dma_start3A_331, %dma_start3A_332] : memref<1000x32xf32, #tpu.memory_space<vmem>> -> memref<125x32xf32, #tpu.memory_space<vmem>>
        %dma_start3A_334 = arith.constant 0 : i32
        %dma_start3A_335 = tpu.memref_slice %arg8[%dma_start3A_330, %dma_start3A_334] : memref<8x125xi32, #tpu.memory_space<vmem>> -> memref<1x125xi32, #tpu.memory_space<vmem>>
        %dma_start3A_336 = tpu.memref_squeeze %dma_start3A_335 : memref<1x125xi32, #tpu.memory_space<vmem>> -> memref<125xi32, #tpu.memory_space<vmem>>
        %dma_start3A_337 = arith.constant 0 : i32
        %dma_start3A_338 = arith.constant 0 : i32
        %dma_start3A_339 = tpu.memref_slice %arg2[%dma_start3A_337, %dma_start3A_338] : memref<50000x32xf32, #tpu.memory_space<hbm>> -> memref<50000x32xf32, #tpu.memory_space<hbm>>
        tpu.enqueue_indirect_dma source(%dma_start3A_339 : memref<50000x32xf32, #tpu.memory_space<hbm>>) target(%dma_start3A_333 : memref<125x32xf32, #tpu.memory_space<vmem>>) offsets(%dma_start3A_336 : memref<125xi32, #tpu.memory_space<vmem>>) semaphore(%arg14 : memref<!tpu.dma_semaphore, #tpu.memory_space<semaphore_mem>>)
        %dma_start3A_340 = arith.constant 3 : i32
        %dma_start3A_341 = arith.constant 375 : i32
        %dma_start3A_342 = arith.constant 0 : i32
        %dma_start3A_343 = tpu.memref_slice %arg11[%dma_start3A_341, %dma_start3A_342] : memref<1000x32xf32, #tpu.memory_space<vmem>> -> memref<125x32xf32, #tpu.memory_space<vmem>>
        %dma_start3A_344 = arith.constant 0 : i32
        %dma_start3A_345 = tpu.memref_slice %arg8[%dma_start3A_340, %dma_start3A_344] : memref<8x125xi32, #tpu.memory_space<vmem>> -> memref<1x125xi32, #tpu.memory_space<vmem>>
        %dma_start3A_346 = tpu.memref_squeeze %dma_start3A_345 : memref<1x125xi32, #tpu.memory_space<vmem>> -> memref<125xi32, #tpu.memory_space<vmem>>
        %dma_start3A_347 = arith.constant 0 : i32
        %dma_start3A_348 = arith.constant 0 : i32
        %dma_start3A_349 = tpu.memref_slice %arg2[%dma_start3A_347, %dma_start3A_348] : memref<50000x32xf32, #tpu.memory_space<hbm>> -> memref<50000x32xf32, #tpu.memory_space<hbm>>
        tpu.enqueue_indirect_dma source(%dma_start3A_349 : memref<50000x32xf32, #tpu.memory_space<hbm>>) target(%dma_start3A_343 : memref<125x32xf32, #tpu.memory_space<vmem>>) offsets(%dma_start3A_346 : memref<125xi32, #tpu.memory_space<vmem>>) semaphore(%arg14 : memref<!tpu.dma_semaphore, #tpu.memory_space<semaphore_mem>>)
        %dma_start3A_350 = arith.constant 4 : i32
        %dma_start3A_351 = arith.constant 500 : i32
        %dma_start3A_352 = arith.constant 0 : i32
        %dma_start3A_353 = tpu.memref_slice %arg11[%dma_start3A_351, %dma_start3A_352] : memref<1000x32xf32, #tpu.memory_space<vmem>> -> memref<125x32xf32, #tpu.memory_space<vmem>>
        %dma_start3A_354 = arith.constant 0 : i32
        %dma_start3A_355 = tpu.memref_slice %arg8[%dma_start3A_350, %dma_start3A_354] : memref<8x125xi32, #tpu.memory_space<vmem>> -> memref<1x125xi32, #tpu.memory_space<vmem>>
        %dma_start3A_356 = tpu.memref_squeeze %dma_start3A_355 : memref<1x125xi32, #tpu.memory_space<vmem>> -> memref<125xi32, #tpu.memory_space<vmem>>
        %dma_start3A_357 = arith.constant 0 : i32
        %dma_start3A_358 = arith.constant 0 : i32
        %dma_start3A_359 = tpu.memref_slice %arg2[%dma_start3A_357, %dma_start3A_358] : memref<50000x32xf32, #tpu.memory_space<hbm>> -> memref<50000x32xf32, #tpu.memory_space<hbm>>
        tpu.enqueue_indirect_dma source(%dma_start3A_359 : memref<50000x32xf32, #tpu.memory_space<hbm>>) target(%dma_start3A_353 : memref<125x32xf32, #tpu.memory_space<vmem>>) offsets(%dma_start3A_356 : memref<125xi32, #tpu.memory_space<vmem>>) semaphore(%arg14 : memref<!tpu.dma_semaphore, #tpu.memory_space<semaphore_mem>>)
        %dma_start3A_360 = arith.constant 5 : i32
        %dma_start3A_361 = arith.constant 625 : i32
        %dma_start3A_362 = arith.constant 0 : i32
        %dma_start3A_363 = tpu.memref_slice %arg11[%dma_start3A_361, %dma_start3A_362] : memref<1000x32xf32, #tpu.memory_space<vmem>> -> memref<125x32xf32, #tpu.memory_space<vmem>>
        %dma_start3A_364 = arith.constant 0 : i32
        %dma_start3A_365 = tpu.memref_slice %arg8[%dma_start3A_360, %dma_start3A_364] : memref<8x125xi32, #tpu.memory_space<vmem>> -> memref<1x125xi32, #tpu.memory_space<vmem>>
        %dma_start3A_366 = tpu.memref_squeeze %dma_start3A_365 : memref<1x125xi32, #tpu.memory_space<vmem>> -> memref<125xi32, #tpu.memory_space<vmem>>
        %dma_start3A_367 = arith.constant 0 : i32
        %dma_start3A_368 = arith.constant 0 : i32
        %dma_start3A_369 = tpu.memref_slice %arg2[%dma_start3A_367, %dma_start3A_368] : memref<50000x32xf32, #tpu.memory_space<hbm>> -> memref<50000x32xf32, #tpu.memory_space<hbm>>
        tpu.enqueue_indirect_dma source(%dma_start3A_369 : memref<50000x32xf32, #tpu.memory_space<hbm>>) target(%dma_start3A_363 : memref<125x32xf32, #tpu.memory_space<vmem>>) offsets(%dma_start3A_366 : memref<125xi32, #tpu.memory_space<vmem>>) semaphore(%arg14 : memref<!tpu.dma_semaphore, #tpu.memory_space<semaphore_mem>>)
        %dma_start3A_370 = arith.constant 6 : i32
        %dma_start3A_371 = arith.constant 750 : i32
        %dma_start3A_372 = arith.constant 0 : i32
        %dma_start3A_373 = tpu.memref_slice %arg11[%dma_start3A_371, %dma_start3A_372] : memref<1000x32xf32, #tpu.memory_space<vmem>> -> memref<125x32xf32, #tpu.memory_space<vmem>>
        %dma_start3A_374 = arith.constant 0 : i32
        %dma_start3A_375 = tpu.memref_slice %arg8[%dma_start3A_370, %dma_start3A_374] : memref<8x125xi32, #tpu.memory_space<vmem>> -> memref<1x125xi32, #tpu.memory_space<vmem>>
        %dma_start3A_376 = tpu.memref_squeeze %dma_start3A_375 : memref<1x125xi32, #tpu.memory_space<vmem>> -> memref<125xi32, #tpu.memory_space<vmem>>
        %dma_start3A_377 = arith.constant 0 : i32
        %dma_start3A_378 = arith.constant 0 : i32
        %dma_start3A_379 = tpu.memref_slice %arg2[%dma_start3A_377, %dma_start3A_378] : memref<50000x32xf32, #tpu.memory_space<hbm>> -> memref<50000x32xf32, #tpu.memory_space<hbm>>
        tpu.enqueue_indirect_dma source(%dma_start3A_379 : memref<50000x32xf32, #tpu.memory_space<hbm>>) target(%dma_start3A_373 : memref<125x32xf32, #tpu.memory_space<vmem>>) offsets(%dma_start3A_376 : memref<125xi32, #tpu.memory_space<vmem>>) semaphore(%arg14 : memref<!tpu.dma_semaphore, #tpu.memory_space<semaphore_mem>>)
        %dma_start3A_380 = arith.constant 7 : i32
        %dma_start3A_381 = arith.constant 875 : i32
        %dma_start3A_382 = arith.constant 0 : i32
        %dma_start3A_383 = tpu.memref_slice %arg11[%dma_start3A_381, %dma_start3A_382] : memref<1000x32xf32, #tpu.memory_space<vmem>> -> memref<125x32xf32, #tpu.memory_space<vmem>>
        %dma_start3A_384 = arith.constant 0 : i32
        %dma_start3A_385 = tpu.memref_slice %arg8[%dma_start3A_380, %dma_start3A_384] : memref<8x125xi32, #tpu.memory_space<vmem>> -> memref<1x125xi32, #tpu.memory_space<vmem>>
        %dma_start3A_386 = tpu.memref_squeeze %dma_start3A_385 : memref<1x125xi32, #tpu.memory_space<vmem>> -> memref<125xi32, #tpu.memory_space<vmem>>
        %dma_start3A_387 = arith.constant 0 : i32
        %dma_start3A_388 = arith.constant 0 : i32
        %dma_start3A_389 = tpu.memref_slice %arg2[%dma_start3A_387, %dma_start3A_388] : memref<50000x32xf32, #tpu.memory_space<hbm>> -> memref<50000x32xf32, #tpu.memory_space<hbm>>
        tpu.enqueue_indirect_dma source(%dma_start3A_389 : memref<50000x32xf32, #tpu.memory_space<hbm>>) target(%dma_start3A_383 : memref<125x32xf32, #tpu.memory_space<vmem>>) offsets(%dma_start3A_386 : memref<125xi32, #tpu.memory_space<vmem>>) semaphore(%arg14 : memref<!tpu.dma_semaphore, #tpu.memory_space<semaphore_mem>>)
      } else {
      }
      %scan3A_223 = arith.constant 0 : i32
      %scan3A_224 = arith.constant 0 : i32
      %scan3A_225 = arith.constant 250 : i32
      %scan3A_226 = arith.addi %scan3A_224, %scan3A_225 : i32
      %scan3A_227 = arith.constant 1 : i32
      %scan3A_228 = scf.for %scan3A_298 = %scan3A_224 to %scan3A_226 step %scan3A_227 iter_args(%scan3A_299 = %scan3A_223) -> (i32)  : i32 {
        %mul3A_300 = arith.constant 4 : i32
        %mul3A_301 = arith.muli %mul3A_300, %scan3A_298 : i32
        %add3A_302 = arith.constant 0 : i32
        %add3A_303 = arith.addi %mul3A_301, %add3A_302 : i32
        %get3A = arith.index_cast %add3A_303 : i32 to index
        %get3A_304 = arith.constant 0 : index
        %get3A_305 = tpu.vector_load %arg10[%get3A, %get3A_304] {strides = array<i32>} : memref<1000x32xf32, #tpu.memory_space<vmem>>, vector<1x16xf32>,
        %get3A_306 = vector.shape_cast %get3A_305 : vector<1x16xf32> to vector<16xf32>
        %mul3A_307 = arith.constant 4 : i32
        %mul3A_308 = arith.muli %mul3A_307, %scan3A_298 : i32
        %add3A_309 = arith.constant 0 : i32
        %add3A_310 = arith.addi %mul3A_308, %add3A_309 : i32
        %get3A_311 = arith.index_cast %add3A_310 : i32 to index
        %get3A_312 = arith.constant 0 : index
        %get3A_313 = tpu.vector_load %arg12[%get3A_311, %get3A_312] {strides = array<i32>} : memref<1000x32xf32, #tpu.memory_space<vmem>>, vector<1x16xf32>,
        %get3A_314 = vector.shape_cast %get3A_313 : vector<1x16xf32> to vector<16xf32>
        %add3A_315 = arith.addf %get3A_306, %get3A_314 : vector<16xf32>
        %mul3A_316 = arith.constant 4 : i32
        %mul3A_317 = arith.muli %mul3A_316, %scan3A_298 : i32
        %add3A_318 = arith.constant 0 : i32
        %add3A_319 = arith.addi %mul3A_317, %add3A_318 : i32
        %swap3A = arith.index_cast %add3A_319 : i32 to index
        %swap3A_320 = arith.constant 0 : index
        %swap3A_321 = tpu.vector_load %arg10[%swap3A, %swap3A_320] {strides = array<i32>} : memref<1000x32xf32, #tpu.memory_space<vmem>>, vector<1x16xf32>,
        %swap3A_322 = vector.shape_cast %swap3A_321 : vector<1x16xf32> to vector<16xf32>
        %swap3A_323 = vector.shape_cast %add3A_315 : vector<16xf32> to vector<1x16xf32>
        tpu.vector_store %arg10[%swap3A, %swap3A_320], %swap3A_323 {strides = array<i32>} : memref<1000x32xf32, #tpu.memory_space<vmem>>, vector<1x16xf32>,
        %mul3A_324 = arith.constant 4 : i32
        %mul3A_325 = arith.muli %mul3A_324, %scan3A_298 : i32
        %add3A_326 = arith.constant 0 : i32
        %add3A_327 = arith.addi %mul3A_325, %add3A_326 : i32
        %get3A_328 = arith.index_cast %add3A_327 : i32 to index
        %get3A_329 = arith.constant 16 : index
        %get3A_330 = tpu.vector_load %arg10[%get3A_328, %get3A_329] {strides = array<i32>} : memref<1000x32xf32, #tpu.memory_space<vmem>>, vector<1x16xf32>,
        %get3A_331 = vector.shape_cast %get3A_330 : vector<1x16xf32> to vector<16xf32>
        %mul3A_332 = arith.constant 4 : i32
        %mul3A_333 = arith.muli %mul3A_332, %scan3A_298 : i32
        %add3A_334 = arith.constant 0 : i32
        %add3A_335 = arith.addi %mul3A_333, %add3A_334 : i32
        %get3A_336 = arith.index_cast %add3A_335 : i32 to index
        %get3A_337 = arith.constant 16 : index
        %get3A_338 = tpu.vector_load %arg12[%get3A_336, %get3A_337] {strides = array<i32>} : memref<1000x32xf32, #tpu.memory_space<vmem>>, vector<1x16xf32>,
        %get3A_339 = vector.shape_cast %get3A_338 : vector<1x16xf32> to vector<16xf32>
        %add3A_340 = arith.addf %get3A_331, %get3A_339 : vector<16xf32>
        %mul3A_341 = arith.constant 4 : i32
        %mul3A_342 = arith.muli %mul3A_341, %scan3A_298 : i32
        %add3A_343 = arith.constant 0 : i32
        %add3A_344 = arith.addi %mul3A_342, %add3A_343 : i32
        %swap3A_345 = arith.index_cast %add3A_344 : i32 to index
        %swap3A_346 = arith.constant 16 : index
        %swap3A_347 = tpu.vector_load %arg10[%swap3A_345, %swap3A_346] {strides = array<i32>} : memref<1000x32xf32, #tpu.memory_space<vmem>>, vector<1x16xf32>,
        %swap3A_348 = vector.shape_cast %swap3A_347 : vector<1x16xf32> to vector<16xf32>
        %swap3A_349 = vector.shape_cast %add3A_340 : vector<16xf32> to vector<1x16xf32>
        tpu.vector_store %arg10[%swap3A_345, %swap3A_346], %swap3A_349 {strides = array<i32>} : memref<1000x32xf32, #tpu.memory_space<vmem>>, vector<1x16xf32>,
        %mul3A_350 = arith.constant 4 : i32
        %mul3A_351 = arith.muli %mul3A_350, %scan3A_298 : i32
        %add3A_352 = arith.constant 1 : i32
        %add3A_353 = arith.addi %mul3A_351, %add3A_352 : i32
        %get3A_354 = arith.index_cast %add3A_353 : i32 to index
        %get3A_355 = arith.constant 0 : index
        %get3A_356 = tpu.vector_load %arg10[%get3A_354, %get3A_355] {strides = array<i32>} : memref<1000x32xf32, #tpu.memory_space<vmem>>, vector<1x16xf32>,
        %get3A_357 = vector.shape_cast %get3A_356 : vector<1x16xf32> to vector<16xf32>
        %mul3A_358 = arith.constant 4 : i32
        %mul3A_359 = arith.muli %mul3A_358, %scan3A_298 : i32
        %add3A_360 = arith.constant 1 : i32
        %add3A_361 = arith.addi %mul3A_359, %add3A_360 : i32
        %get3A_362 = arith.index_cast %add3A_361 : i32 to index
        %get3A_363 = arith.constant 0 : index
        %get3A_364 = tpu.vector_load %arg12[%get3A_362, %get3A_363] {strides = array<i32>} : memref<1000x32xf32, #tpu.memory_space<vmem>>, vector<1x16xf32>,
        %get3A_365 = vector.shape_cast %get3A_364 : vector<1x16xf32> to vector<16xf32>
        %add3A_366 = arith.addf %get3A_357, %get3A_365 : vector<16xf32>
        %mul3A_367 = arith.constant 4 : i32
        %mul3A_368 = arith.muli %mul3A_367, %scan3A_298 : i32
        %add3A_369 = arith.constant 1 : i32
        %add3A_370 = arith.addi %mul3A_368, %add3A_369 : i32
        %swap3A_371 = arith.index_cast %add3A_370 : i32 to index
        %swap3A_372 = arith.constant 0 : index
        %swap3A_373 = tpu.vector_load %arg10[%swap3A_371, %swap3A_372] {strides = array<i32>} : memref<1000x32xf32, #tpu.memory_space<vmem>>, vector<1x16xf32>,
        %swap3A_374 = vector.shape_cast %swap3A_373 : vector<1x16xf32> to vector<16xf32>
        %swap3A_375 = vector.shape_cast %add3A_366 : vector<16xf32> to vector<1x16xf32>
        tpu.vector_store %arg10[%swap3A_371, %swap3A_372], %swap3A_375 {strides = array<i32>} : memref<1000x32xf32, #tpu.memory_space<vmem>>, vector<1x16xf32>,
        %mul3A_376 = arith.constant 4 : i32
        %mul3A_377 = arith.muli %mul3A_376, %scan3A_298 : i32
        %add3A_378 = arith.constant 1 : i32
        %add3A_379 = arith.addi %mul3A_377, %add3A_378 : i32
        %get3A_380 = arith.index_cast %add3A_379 : i32 to index
        %get3A_381 = arith.constant 16 : index
        %get3A_382 = tpu.vector_load %arg10[%get3A_380, %get3A_381] {strides = array<i32>} : memref<1000x32xf32, #tpu.memory_space<vmem>>, vector<1x16xf32>,
        %get3A_383 = vector.shape_cast %get3A_382 : vector<1x16xf32> to vector<16xf32>
        %mul3A_384 = arith.constant 4 : i32
        %mul3A_385 = arith.muli %mul3A_384, %scan3A_298 : i32
        %add3A_386 = arith.constant 1 : i32
        %add3A_387 = arith.addi %mul3A_385, %add3A_386 : i32
        %get3A_388 = arith.index_cast %add3A_387 : i32 to index
        %get3A_389 = arith.constant 16 : index
        %get3A_390 = tpu.vector_load %arg12[%get3A_388, %get3A_389] {strides = array<i32>} : memref<1000x32xf32, #tpu.memory_space<vmem>>, vector<1x16xf32>,
        %get3A_391 = vector.shape_cast %get3A_390 : vector<1x16xf32> to vector<16xf32>
        %add3A_392 = arith.addf %get3A_383, %get3A_391 : vector<16xf32>
        %mul3A_393 = arith.constant 4 : i32
        %mul3A_394 = arith.muli %mul3A_393, %scan3A_298 : i32
        %add3A_395 = arith.constant 1 : i32
        %add3A_396 = arith.addi %mul3A_394, %add3A_395 : i32
        %swap3A_397 = arith.index_cast %add3A_396 : i32 to index
        %swap3A_398 = arith.constant 16 : index
        %swap3A_399 = tpu.vector_load %arg10[%swap3A_397, %swap3A_398] {strides = array<i32>} : memref<1000x32xf32, #tpu.memory_space<vmem>>, vector<1x16xf32>,
        %swap3A_400 = vector.shape_cast %swap3A_399 : vector<1x16xf32> to vector<16xf32>
        %swap3A_401 = vector.shape_cast %add3A_392 : vector<16xf32> to vector<1x16xf32>
        tpu.vector_store %arg10[%swap3A_397, %swap3A_398], %swap3A_401 {strides = array<i32>} : memref<1000x32xf32, #tpu.memory_space<vmem>>, vector<1x16xf32>,
        %mul3A_402 = arith.constant 4 : i32
        %mul3A_403 = arith.muli %mul3A_402, %scan3A_298 : i32
        %add3A_404 = arith.constant 2 : i32
        %add3A_405 = arith.addi %mul3A_403, %add3A_404 : i32
        %get3A_406 = arith.index_cast %add3A_405 : i32 to index
        %get3A_407 = arith.constant 0 : index
        %get3A_408 = tpu.vector_load %arg10[%get3A_406, %get3A_407] {strides = array<i32>} : memref<1000x32xf32, #tpu.memory_space<vmem>>, vector<1x16xf32>,
        %get3A_409 = vector.shape_cast %get3A_408 : vector<1x16xf32> to vector<16xf32>
        %mul3A_410 = arith.constant 4 : i32
        %mul3A_411 = arith.muli %mul3A_410, %scan3A_298 : i32
        %add3A_412 = arith.constant 2 : i32
        %add3A_413 = arith.addi %mul3A_411, %add3A_412 : i32
        %get3A_414 = arith.index_cast %add3A_413 : i32 to index
        %get3A_415 = arith.constant 0 : index
        %get3A_416 = tpu.vector_load %arg12[%get3A_414, %get3A_415] {strides = array<i32>} : memref<1000x32xf32, #tpu.memory_space<vmem>>, vector<1x16xf32>,
        %get3A_417 = vector.shape_cast %get3A_416 : vector<1x16xf32> to vector<16xf32>
        %add3A_418 = arith.addf %get3A_409, %get3A_417 : vector<16xf32>
        %mul3A_419 = arith.constant 4 : i32
        %mul3A_420 = arith.muli %mul3A_419, %scan3A_298 : i32
        %add3A_421 = arith.constant 2 : i32
        %add3A_422 = arith.addi %mul3A_420, %add3A_421 : i32
        %swap3A_423 = arith.index_cast %add3A_422 : i32 to index
        %swap3A_424 = arith.constant 0 : index
        %swap3A_425 = tpu.vector_load %arg10[%swap3A_423, %swap3A_424] {strides = array<i32>} : memref<1000x32xf32, #tpu.memory_space<vmem>>, vector<1x16xf32>,
        %swap3A_426 = vector.shape_cast %swap3A_425 : vector<1x16xf32> to vector<16xf32>
        %swap3A_427 = vector.shape_cast %add3A_418 : vector<16xf32> to vector<1x16xf32>
        tpu.vector_store %arg10[%swap3A_423, %swap3A_424], %swap3A_427 {strides = array<i32>} : memref<1000x32xf32, #tpu.memory_space<vmem>>, vector<1x16xf32>,
        %mul3A_428 = arith.constant 4 : i32
        %mul3A_429 = arith.muli %mul3A_428, %scan3A_298 : i32
        %add3A_430 = arith.constant 2 : i32
        %add3A_431 = arith.addi %mul3A_429, %add3A_430 : i32
        %get3A_432 = arith.index_cast %add3A_431 : i32 to index
        %get3A_433 = arith.constant 16 : index
        %get3A_434 = tpu.vector_load %arg10[%get3A_432, %get3A_433] {strides = array<i32>} : memref<1000x32xf32, #tpu.memory_space<vmem>>, vector<1x16xf32>,
        %get3A_435 = vector.shape_cast %get3A_434 : vector<1x16xf32> to vector<16xf32>
        %mul3A_436 = arith.constant 4 : i32
        %mul3A_437 = arith.muli %mul3A_436, %scan3A_298 : i32
        %add3A_438 = arith.constant 2 : i32
        %add3A_439 = arith.addi %mul3A_437, %add3A_438 : i32
        %get3A_440 = arith.index_cast %add3A_439 : i32 to index
        %get3A_441 = arith.constant 16 : index
        %get3A_442 = tpu.vector_load %arg12[%get3A_440, %get3A_441] {strides = array<i32>} : memref<1000x32xf32, #tpu.memory_space<vmem>>, vector<1x16xf32>,
        %get3A_443 = vector.shape_cast %get3A_442 : vector<1x16xf32> to vector<16xf32>
        %add3A_444 = arith.addf %get3A_435, %get3A_443 : vector<16xf32>
        %mul3A_445 = arith.constant 4 : i32
        %mul3A_446 = arith.muli %mul3A_445, %scan3A_298 : i32
        %add3A_447 = arith.constant 2 : i32
        %add3A_448 = arith.addi %mul3A_446, %add3A_447 : i32
        %swap3A_449 = arith.index_cast %add3A_448 : i32 to index
        %swap3A_450 = arith.constant 16 : index
        %swap3A_451 = tpu.vector_load %arg10[%swap3A_449, %swap3A_450] {strides = array<i32>} : memref<1000x32xf32, #tpu.memory_space<vmem>>, vector<1x16xf32>,
        %swap3A_452 = vector.shape_cast %swap3A_451 : vector<1x16xf32> to vector<16xf32>
        %swap3A_453 = vector.shape_cast %add3A_444 : vector<16xf32> to vector<1x16xf32>
        tpu.vector_store %arg10[%swap3A_449, %swap3A_450], %swap3A_453 {strides = array<i32>} : memref<1000x32xf32, #tpu.memory_space<vmem>>, vector<1x16xf32>,
        %mul3A_454 = arith.constant 4 : i32
        %mul3A_455 = arith.muli %mul3A_454, %scan3A_298 : i32
        %add3A_456 = arith.constant 3 : i32
        %add3A_457 = arith.addi %mul3A_455, %add3A_456 : i32
        %get3A_458 = arith.index_cast %add3A_457 : i32 to index
        %get3A_459 = arith.constant 0 : index
        %get3A_460 = tpu.vector_load %arg10[%get3A_458, %get3A_459] {strides = array<i32>} : memref<1000x32xf32, #tpu.memory_space<vmem>>, vector<1x16xf32>,
        %get3A_461 = vector.shape_cast %get3A_460 : vector<1x16xf32> to vector<16xf32>
        %mul3A_462 = arith.constant 4 : i32
        %mul3A_463 = arith.muli %mul3A_462, %scan3A_298 : i32
        %add3A_464 = arith.constant 3 : i32
        %add3A_465 = arith.addi %mul3A_463, %add3A_464 : i32
        %get3A_466 = arith.index_cast %add3A_465 : i32 to index
        %get3A_467 = arith.constant 0 : index
        %get3A_468 = tpu.vector_load %arg12[%get3A_466, %get3A_467] {strides = array<i32>} : memref<1000x32xf32, #tpu.memory_space<vmem>>, vector<1x16xf32>,
        %get3A_469 = vector.shape_cast %get3A_468 : vector<1x16xf32> to vector<16xf32>
        %add3A_470 = arith.addf %get3A_461, %get3A_469 : vector<16xf32>
        %mul3A_471 = arith.constant 4 : i32
        %mul3A_472 = arith.muli %mul3A_471, %scan3A_298 : i32
        %add3A_473 = arith.constant 3 : i32
        %add3A_474 = arith.addi %mul3A_472, %add3A_473 : i32
        %swap3A_475 = arith.index_cast %add3A_474 : i32 to index
        %swap3A_476 = arith.constant 0 : index
        %swap3A_477 = tpu.vector_load %arg10[%swap3A_475, %swap3A_476] {strides = array<i32>} : memref<1000x32xf32, #tpu.memory_space<vmem>>, vector<1x16xf32>,
        %swap3A_478 = vector.shape_cast %swap3A_477 : vector<1x16xf32> to vector<16xf32>
        %swap3A_479 = vector.shape_cast %add3A_470 : vector<16xf32> to vector<1x16xf32>
        tpu.vector_store %arg10[%swap3A_475, %swap3A_476], %swap3A_479 {strides = array<i32>} : memref<1000x32xf32, #tpu.memory_space<vmem>>, vector<1x16xf32>,
        %mul3A_480 = arith.constant 4 : i32
        %mul3A_481 = arith.muli %mul3A_480, %scan3A_298 : i32
        %add3A_482 = arith.constant 3 : i32
        %add3A_483 = arith.addi %mul3A_481, %add3A_482 : i32
        %get3A_484 = arith.index_cast %add3A_483 : i32 to index
        %get3A_485 = arith.constant 16 : index
        %get3A_486 = tpu.vector_load %arg10[%get3A_484, %get3A_485] {strides = array<i32>} : memref<1000x32xf32, #tpu.memory_space<vmem>>, vector<1x16xf32>,
        %get3A_487 = vector.shape_cast %get3A_486 : vector<1x16xf32> to vector<16xf32>
        %mul3A_488 = arith.constant 4 : i32
        %mul3A_489 = arith.muli %mul3A_488, %scan3A_298 : i32
        %add3A_490 = arith.constant 3 : i32
        %add3A_491 = arith.addi %mul3A_489, %add3A_490 : i32
        %get3A_492 = arith.index_cast %add3A_491 : i32 to index
        %get3A_493 = arith.constant 16 : index
        %get3A_494 = tpu.vector_load %arg12[%get3A_492, %get3A_493] {strides = array<i32>} : memref<1000x32xf32, #tpu.memory_space<vmem>>, vector<1x16xf32>,
        %get3A_495 = vector.shape_cast %get3A_494 : vector<1x16xf32> to vector<16xf32>
        %add3A_496 = arith.addf %get3A_487, %get3A_495 : vector<16xf32>
        %mul3A_497 = arith.constant 4 : i32
        %mul3A_498 = arith.muli %mul3A_497, %scan3A_298 : i32
        %add3A_499 = arith.constant 3 : i32
        %add3A_500 = arith.addi %mul3A_498, %add3A_499 : i32
        %swap3A_501 = arith.index_cast %add3A_500 : i32 to index
        %swap3A_502 = arith.constant 16 : index
        %swap3A_503 = tpu.vector_load %arg10[%swap3A_501, %swap3A_502] {strides = array<i32>} : memref<1000x32xf32, #tpu.memory_space<vmem>>, vector<1x16xf32>,
        %swap3A_504 = vector.shape_cast %swap3A_503 : vector<1x16xf32> to vector<16xf32>
        %swap3A_505 = vector.shape_cast %add3A_496 : vector<16xf32> to vector<1x16xf32>
        tpu.vector_store %arg10[%swap3A_501, %swap3A_502], %swap3A_505 {strides = array<i32>} : memref<1000x32xf32, #tpu.memory_space<vmem>>, vector<1x16xf32>,
        %scan3A_506 = arith.constant 0 : i32
        scf.yield %scan3A_506 : i32
      }
      %scan3A_229 = arith.constant 250 : i32
      %add3A_230 = arith.constant 1 : i32
      %add3A_231 = arith.addi %mul3A_199, %add3A_230 : i32
      %lt3A_232 = arith.constant 50 : i32
      %lt3A_233 = arith.cmpi slt, %add3A_231, %lt3A_232 : i32
      %convert_element_type3A_234 = arith.extui %lt3A_233 : i1 to i32
      %cond3A_235 = arith.constant 0 : i32
      %cond3A_236 = arith.cmpi ne, %convert_element_type3A_234, %cond3A_235 : i32
      scf.if %cond3A_236 {
        %add3A_298 = arith.constant 1 : i32
        %add3A_299 = arith.addi %mul3A_199, %add3A_298 : i32
        %mul3A_300 = arith.constant 50 : i32
        %mul3A_301 = arith.muli %add3A, %mul3A_300 : i32
        %add3A_302 = arith.addi %mul3A_301, %add3A_299 : i32
        %mul3A_303 = arith.constant 8 : i32
        %mul3A_304 = arith.muli %mul3A_303, %add3A_302 : i32
        %multiple_of3A_305 = tpu.assume_multiple %mul3A_304, 8 : i32
        "tpu.region"() ({
          %run_scoped3A = tpu.sem_alloc : memref<!tpu.dma_semaphore, #tpu.memory_space<semaphore_mem>>
          %dma_start3A_386 = arith.constant 0 : i32
          %dma_start3A_387 = tpu.memref_slice %arg5[%multiple_of3A_305, %dma_start3A_386] : memref<12800x125xi32, #tpu.memory_space<hbm>> -> memref<8x125xi32, #tpu.memory_space<hbm>>
          %dma_start3A_388 = arith.constant 0 : i32
          %dma_start3A_389 = tpu.memref_slice %arg5[%multiple_of3A_305, %dma_start3A_388] : memref<12800x125xi32, #tpu.memory_space<hbm>> -> memref<8x125xi32, #tpu.memory_space<hbm>>
          tpu.enqueue_dma source(%dma_start3A_389 : memref<8x125xi32, #tpu.memory_space<hbm>>) target(%arg9 : memref<8x125xi32, #tpu.memory_space<vmem>>) target_semaphore(%run_scoped3A : memref<!tpu.dma_semaphore, #tpu.memory_space<semaphore_mem>>)
          %dma_wait3A_390 = arith.constant 0 : i32
          %dma_wait3A_391 = tpu.memref_slice %arg5[%multiple_of3A_305, %dma_wait3A_390] : memref<12800x125xi32, #tpu.memory_space<hbm>> -> memref<8x125xi32, #tpu.memory_space<hbm>>
          %dma_wait3A_392 = arith.constant 0 : i32
          %dma_wait3A_393 = tpu.memref_slice %arg5[%multiple_of3A_305, %dma_wait3A_392] : memref<12800x125xi32, #tpu.memory_space<hbm>> -> memref<8x125xi32, #tpu.memory_space<hbm>>
          tpu.wait_dma2 semaphore(%run_scoped3A : memref<!tpu.dma_semaphore, #tpu.memory_space<semaphore_mem>>) src(%dma_wait3A_393 : memref<8x125xi32, #tpu.memory_space<hbm>>) dst(%arg9 : memref<8x125xi32, #tpu.memory_space<vmem>>)
          tpu.yield
        }) : () -> ()
        %dma_start3A_306 = arith.constant 0 : i32
        %dma_start3A_307 = arith.constant 0 : i32
        %dma_start3A_308 = arith.constant 0 : i32
        %dma_start3A_309 = tpu.memref_slice %arg12[%dma_start3A_307, %dma_start3A_308] : memref<1000x32xf32, #tpu.memory_space<vmem>> -> memref<125x32xf32, #tpu.memory_space<vmem>>
        %dma_start3A_310 = arith.constant 0 : i32
        %dma_start3A_311 = tpu.memref_slice %arg9[%dma_start3A_306, %dma_start3A_310] : memref<8x125xi32, #tpu.memory_space<vmem>> -> memref<1x125xi32, #tpu.memory_space<vmem>>
        %dma_start3A_312 = tpu.memref_squeeze %dma_start3A_311 : memref<1x125xi32, #tpu.memory_space<vmem>> -> memref<125xi32, #tpu.memory_space<vmem>>
        %dma_start3A_313 = arith.constant 0 : i32
        %dma_start3A_314 = arith.constant 0 : i32
        %dma_start3A_315 = tpu.memref_slice %arg3[%dma_start3A_313, %dma_start3A_314] : memref<50000x32xf32, #tpu.memory_space<hbm>> -> memref<50000x32xf32, #tpu.memory_space<hbm>>
        tpu.enqueue_indirect_dma source(%dma_start3A_315 : memref<50000x32xf32, #tpu.memory_space<hbm>>) target(%dma_start3A_309 : memref<125x32xf32, #tpu.memory_space<vmem>>) offsets(%dma_start3A_312 : memref<125xi32, #tpu.memory_space<vmem>>) semaphore(%arg15 : memref<!tpu.dma_semaphore, #tpu.memory_space<semaphore_mem>>)
        %dma_start3A_316 = arith.constant 1 : i32
        %dma_start3A_317 = arith.constant 125 : i32
        %dma_start3A_318 = arith.constant 0 : i32
        %dma_start3A_319 = tpu.memref_slice %arg12[%dma_start3A_317, %dma_start3A_318] : memref<1000x32xf32, #tpu.memory_space<vmem>> -> memref<125x32xf32, #tpu.memory_space<vmem>>
        %dma_start3A_320 = arith.constant 0 : i32
        %dma_start3A_321 = tpu.memref_slice %arg9[%dma_start3A_316, %dma_start3A_320] : memref<8x125xi32, #tpu.memory_space<vmem>> -> memref<1x125xi32, #tpu.memory_space<vmem>>
        %dma_start3A_322 = tpu.memref_squeeze %dma_start3A_321 : memref<1x125xi32, #tpu.memory_space<vmem>> -> memref<125xi32, #tpu.memory_space<vmem>>
        %dma_start3A_323 = arith.constant 0 : i32
        %dma_start3A_324 = arith.constant 0 : i32
        %dma_start3A_325 = tpu.memref_slice %arg3[%dma_start3A_323, %dma_start3A_324] : memref<50000x32xf32, #tpu.memory_space<hbm>> -> memref<50000x32xf32, #tpu.memory_space<hbm>>
        tpu.enqueue_indirect_dma source(%dma_start3A_325 : memref<50000x32xf32, #tpu.memory_space<hbm>>) target(%dma_start3A_319 : memref<125x32xf32, #tpu.memory_space<vmem>>) offsets(%dma_start3A_322 : memref<125xi32, #tpu.memory_space<vmem>>) semaphore(%arg15 : memref<!tpu.dma_semaphore, #tpu.memory_space<semaphore_mem>>)
        %dma_start3A_326 = arith.constant 2 : i32
        %dma_start3A_327 = arith.constant 250 : i32
        %dma_start3A_328 = arith.constant 0 : i32
        %dma_start3A_329 = tpu.memref_slice %arg12[%dma_start3A_327, %dma_start3A_328] : memref<1000x32xf32, #tpu.memory_space<vmem>> -> memref<125x32xf32, #tpu.memory_space<vmem>>
        %dma_start3A_330 = arith.constant 0 : i32
        %dma_start3A_331 = tpu.memref_slice %arg9[%dma_start3A_326, %dma_start3A_330] : memref<8x125xi32, #tpu.memory_space<vmem>> -> memref<1x125xi32, #tpu.memory_space<vmem>>
        %dma_start3A_332 = tpu.memref_squeeze %dma_start3A_331 : memref<1x125xi32, #tpu.memory_space<vmem>> -> memref<125xi32, #tpu.memory_space<vmem>>
        %dma_start3A_333 = arith.constant 0 : i32
        %dma_start3A_334 = arith.constant 0 : i32
        %dma_start3A_335 = tpu.memref_slice %arg3[%dma_start3A_333, %dma_start3A_334] : memref<50000x32xf32, #tpu.memory_space<hbm>> -> memref<50000x32xf32, #tpu.memory_space<hbm>>
        tpu.enqueue_indirect_dma source(%dma_start3A_335 : memref<50000x32xf32, #tpu.memory_space<hbm>>) target(%dma_start3A_329 : memref<125x32xf32, #tpu.memory_space<vmem>>) offsets(%dma_start3A_332 : memref<125xi32, #tpu.memory_space<vmem>>) semaphore(%arg15 : memref<!tpu.dma_semaphore, #tpu.memory_space<semaphore_mem>>)
        %dma_start3A_336 = arith.constant 3 : i32
        %dma_start3A_337 = arith.constant 375 : i32
        %dma_start3A_338 = arith.constant 0 : i32
        %dma_start3A_339 = tpu.memref_slice %arg12[%dma_start3A_337, %dma_start3A_338] : memref<1000x32xf32, #tpu.memory_space<vmem>> -> memref<125x32xf32, #tpu.memory_space<vmem>>
        %dma_start3A_340 = arith.constant 0 : i32
        %dma_start3A_341 = tpu.memref_slice %arg9[%dma_start3A_336, %dma_start3A_340] : memref<8x125xi32, #tpu.memory_space<vmem>> -> memref<1x125xi32, #tpu.memory_space<vmem>>
        %dma_start3A_342 = tpu.memref_squeeze %dma_start3A_341 : memref<1x125xi32, #tpu.memory_space<vmem>> -> memref<125xi32, #tpu.memory_space<vmem>>
        %dma_start3A_343 = arith.constant 0 : i32
        %dma_start3A_344 = arith.constant 0 : i32
        %dma_start3A_345 = tpu.memref_slice %arg3[%dma_start3A_343, %dma_start3A_344] : memref<50000x32xf32, #tpu.memory_space<hbm>> -> memref<50000x32xf32, #tpu.memory_space<hbm>>
        tpu.enqueue_indirect_dma source(%dma_start3A_345 : memref<50000x32xf32, #tpu.memory_space<hbm>>) target(%dma_start3A_339 : memref<125x32xf32, #tpu.memory_space<vmem>>) offsets(%dma_start3A_342 : memref<125xi32, #tpu.memory_space<vmem>>) semaphore(%arg15 : memref<!tpu.dma_semaphore, #tpu.memory_space<semaphore_mem>>)
        %dma_start3A_346 = arith.constant 4 : i32
        %dma_start3A_347 = arith.constant 500 : i32
        %dma_start3A_348 = arith.constant 0 : i32
        %dma_start3A_349 = tpu.memref_slice %arg12[%dma_start3A_347, %dma_start3A_348] : memref<1000x32xf32, #tpu.memory_space<vmem>> -> memref<125x32xf32, #tpu.memory_space<vmem>>
        %dma_start3A_350 = arith.constant 0 : i32
        %dma_start3A_351 = tpu.memref_slice %arg9[%dma_start3A_346, %dma_start3A_350] : memref<8x125xi32, #tpu.memory_space<vmem>> -> memref<1x125xi32, #tpu.memory_space<vmem>>
        %dma_start3A_352 = tpu.memref_squeeze %dma_start3A_351 : memref<1x125xi32, #tpu.memory_space<vmem>> -> memref<125xi32, #tpu.memory_space<vmem>>
        %dma_start3A_353 = arith.constant 0 : i32
        %dma_start3A_354 = arith.constant 0 : i32
        %dma_start3A_355 = tpu.memref_slice %arg3[%dma_start3A_353, %dma_start3A_354] : memref<50000x32xf32, #tpu.memory_space<hbm>> -> memref<50000x32xf32, #tpu.memory_space<hbm>>
        tpu.enqueue_indirect_dma source(%dma_start3A_355 : memref<50000x32xf32, #tpu.memory_space<hbm>>) target(%dma_start3A_349 : memref<125x32xf32, #tpu.memory_space<vmem>>) offsets(%dma_start3A_352 : memref<125xi32, #tpu.memory_space<vmem>>) semaphore(%arg15 : memref<!tpu.dma_semaphore, #tpu.memory_space<semaphore_mem>>)
        %dma_start3A_356 = arith.constant 5 : i32
        %dma_start3A_357 = arith.constant 625 : i32
        %dma_start3A_358 = arith.constant 0 : i32
        %dma_start3A_359 = tpu.memref_slice %arg12[%dma_start3A_357, %dma_start3A_358] : memref<1000x32xf32, #tpu.memory_space<vmem>> -> memref<125x32xf32, #tpu.memory_space<vmem>>
        %dma_start3A_360 = arith.constant 0 : i32
        %dma_start3A_361 = tpu.memref_slice %arg9[%dma_start3A_356, %dma_start3A_360] : memref<8x125xi32, #tpu.memory_space<vmem>> -> memref<1x125xi32, #tpu.memory_space<vmem>>
        %dma_start3A_362 = tpu.memref_squeeze %dma_start3A_361 : memref<1x125xi32, #tpu.memory_space<vmem>> -> memref<125xi32, #tpu.memory_space<vmem>>
        %dma_start3A_363 = arith.constant 0 : i32
        %dma_start3A_364 = arith.constant 0 : i32
        %dma_start3A_365 = tpu.memref_slice %arg3[%dma_start3A_363, %dma_start3A_364] : memref<50000x32xf32, #tpu.memory_space<hbm>> -> memref<50000x32xf32, #tpu.memory_space<hbm>>
        tpu.enqueue_indirect_dma source(%dma_start3A_365 : memref<50000x32xf32, #tpu.memory_space<hbm>>) target(%dma_start3A_359 : memref<125x32xf32, #tpu.memory_space<vmem>>) offsets(%dma_start3A_362 : memref<125xi32, #tpu.memory_space<vmem>>) semaphore(%arg15 : memref<!tpu.dma_semaphore, #tpu.memory_space<semaphore_mem>>)
        %dma_start3A_366 = arith.constant 6 : i32
        %dma_start3A_367 = arith.constant 750 : i32
        %dma_start3A_368 = arith.constant 0 : i32
        %dma_start3A_369 = tpu.memref_slice %arg12[%dma_start3A_367, %dma_start3A_368] : memref<1000x32xf32, #tpu.memory_space<vmem>> -> memref<125x32xf32, #tpu.memory_space<vmem>>
        %dma_start3A_370 = arith.constant 0 : i32
        %dma_start3A_371 = tpu.memref_slice %arg9[%dma_start3A_366, %dma_start3A_370] : memref<8x125xi32, #tpu.memory_space<vmem>> -> memref<1x125xi32, #tpu.memory_space<vmem>>
        %dma_start3A_372 = tpu.memref_squeeze %dma_start3A_371 : memref<1x125xi32, #tpu.memory_space<vmem>> -> memref<125xi32, #tpu.memory_space<vmem>>
        %dma_start3A_373 = arith.constant 0 : i32
        %dma_start3A_374 = arith.constant 0 : i32
        %dma_start3A_375 = tpu.memref_slice %arg3[%dma_start3A_373, %dma_start3A_374] : memref<50000x32xf32, #tpu.memory_space<hbm>> -> memref<50000x32xf32, #tpu.memory_space<hbm>>
        tpu.enqueue_indirect_dma source(%dma_start3A_375 : memref<50000x32xf32, #tpu.memory_space<hbm>>) target(%dma_start3A_369 : memref<125x32xf32, #tpu.memory_space<vmem>>) offsets(%dma_start3A_372 : memref<125xi32, #tpu.memory_space<vmem>>) semaphore(%arg15 : memref<!tpu.dma_semaphore, #tpu.memory_space<semaphore_mem>>)
        %dma_start3A_376 = arith.constant 7 : i32
        %dma_start3A_377 = arith.constant 875 : i32
        %dma_start3A_378 = arith.constant 0 : i32
        %dma_start3A_379 = tpu.memref_slice %arg12[%dma_start3A_377, %dma_start3A_378] : memref<1000x32xf32, #tpu.memory_space<vmem>> -> memref<125x32xf32, #tpu.memory_space<vmem>>
        %dma_start3A_380 = arith.constant 0 : i32
        %dma_start3A_381 = tpu.memref_slice %arg9[%dma_start3A_376, %dma_start3A_380] : memref<8x125xi32, #tpu.memory_space<vmem>> -> memref<1x125xi32, #tpu.memory_space<vmem>>
        %dma_start3A_382 = tpu.memref_squeeze %dma_start3A_381 : memref<1x125xi32, #tpu.memory_space<vmem>> -> memref<125xi32, #tpu.memory_space<vmem>>
        %dma_start3A_383 = arith.constant 0 : i32
        %dma_start3A_384 = arith.constant 0 : i32
        %dma_start3A_385 = tpu.memref_slice %arg3[%dma_start3A_383, %dma_start3A_384] : memref<50000x32xf32, #tpu.memory_space<hbm>> -> memref<50000x32xf32, #tpu.memory_space<hbm>>
        tpu.enqueue_indirect_dma source(%dma_start3A_385 : memref<50000x32xf32, #tpu.memory_space<hbm>>) target(%dma_start3A_379 : memref<125x32xf32, #tpu.memory_space<vmem>>) offsets(%dma_start3A_382 : memref<125xi32, #tpu.memory_space<vmem>>) semaphore(%arg15 : memref<!tpu.dma_semaphore, #tpu.memory_space<semaphore_mem>>)
      } else {
      }
      %dma_start3A_237 = arith.constant 0 : i32
      %dma_start3A_238 = arith.constant 0 : i32
      %dma_start3A_239 = tpu.memref_slice %arg6[%add3A_202, %dma_start3A_237, %dma_start3A_238] : memref<1600x1000x32xf32, #tpu.memory_space<hbm>> -> memref<1x1000x32xf32, #tpu.memory_space<hbm>>
      %dma_start3A_240 = tpu.memref_squeeze %dma_start3A_239 : memref<1x1000x32xf32, #tpu.memory_space<hbm>> -> memref<1000x32xf32, #tpu.memory_space<hbm>>
      %dma_start3A_241 = arith.constant 0 : i32
      %dma_start3A_242 = arith.constant 0 : i32
      %dma_start3A_243 = tpu.memref_slice %arg6[%add3A_202, %dma_start3A_241, %dma_start3A_242] : memref<1600x1000x32xf32, #tpu.memory_space<hbm>> -> memref<1x1000x32xf32, #tpu.memory_space<hbm>>
      %dma_start3A_244 = tpu.memref_squeeze %dma_start3A_243 : memref<1x1000x32xf32, #tpu.memory_space<hbm>> -> memref<1000x32xf32, #tpu.memory_space<hbm>>
      tpu.enqueue_dma source(%arg10 : memref<1000x32xf32, #tpu.memory_space<vmem>>) target(%dma_start3A_244 : memref<1000x32xf32, #tpu.memory_space<hbm>>) target_semaphore(%arg16 : memref<!tpu.dma_semaphore, #tpu.memory_space<semaphore_mem>>)
      %mul3A_245 = arith.constant 2 : i32
      %mul3A_246 = arith.muli %mul3A_245, %scan3A_196 : i32
      %add3A_247 = arith.constant 1 : i32
      %add3A_248 = arith.addi %mul3A_246, %add3A_247 : i32
      %mul3A_249 = arith.constant 50 : i32
      %mul3A_250 = arith.muli %add3A, %mul3A_249 : i32
      %add3A_251 = arith.addi %mul3A_250, %add3A_248 : i32
      %dma_wait3A_252 = arith.constant 0 : i32
      %dma_wait3A_253 = arith.constant 0 : i32
      %dma_wait3A_254 = tpu.memref_slice %arg6[%add3A_251, %dma_wait3A_252, %dma_wait3A_253] : memref<1600x1000x32xf32, #tpu.memory_space<hbm>> -> memref<1x1000x32xf32, #tpu.memory_space<hbm>>
      %dma_wait3A_255 = tpu.memref_squeeze %dma_wait3A_254 : memref<1x1000x32xf32, #tpu.memory_space<hbm>> -> memref<1000x32xf32, #tpu.memory_space<hbm>>
      %dma_wait3A_256 = arith.constant 0 : i32
      %dma_wait3A_257 = arith.constant 0 : i32
      %dma_wait3A_258 = tpu.memref_slice %arg6[%add3A_251, %dma_wait3A_256, %dma_wait3A_257] : memref<1600x1000x32xf32, #tpu.memory_space<hbm>> -> memref<1x1000x32xf32, #tpu.memory_space<hbm>>
      %dma_wait3A_259 = tpu.memref_squeeze %dma_wait3A_258 : memref<1x1000x32xf32, #tpu.memory_space<hbm>> -> memref<1000x32xf32, #tpu.memory_space<hbm>>
      tpu.wait_dma2 semaphore(%arg14 : memref<!tpu.dma_semaphore, #tpu.memory_space<semaphore_mem>>) src(%dma_wait3A_259 : memref<1000x32xf32, #tpu.memory_space<hbm>>) dst(%arg11 : memref<1000x32xf32, #tpu.memory_space<vmem>>)
      %dma_wait3A_260 = arith.constant 0 : i32
      %dma_wait3A_261 = arith.constant 0 : i32
      %dma_wait3A_262 = tpu.memref_slice %arg6[%add3A_251, %dma_wait3A_260, %dma_wait3A_261] : memref<1600x1000x32xf32, #tpu.memory_space<hbm>> -> memref<1x1000x32xf32, #tpu.memory_space<hbm>>
      %dma_wait3A_263 = tpu.memref_squeeze %dma_wait3A_262 : memref<1x1000x32xf32, #tpu.memory_space<hbm>> -> memref<1000x32xf32, #tpu.memory_space<hbm>>
      %dma_wait3A_264 = arith.constant 0 : i32
      %dma_wait3A_265 = arith.constant 0 : i32
      %dma_wait3A_266 = tpu.memref_slice %arg6[%add3A_251, %dma_wait3A_264, %dma_wait3A_265] : memref<1600x1000x32xf32, #tpu.memory_space<hbm>> -> memref<1x1000x32xf32, #tpu.memory_space<hbm>>
      %dma_wait3A_267 = tpu.memref_squeeze %dma_wait3A_266 : memref<1x1000x32xf32, #tpu.memory_space<hbm>> -> memref<1000x32xf32, #tpu.memory_space<hbm>>
      tpu.wait_dma2 semaphore(%arg15 : memref<!tpu.dma_semaphore, #tpu.memory_space<semaphore_mem>>) src(%dma_wait3A_267 : memref<1000x32xf32, #tpu.memory_space<hbm>>) dst(%arg12 : memref<1000x32xf32, #tpu.memory_space<vmem>>)
      %add3A_268 = arith.constant 1 : i32
      %add3A_269 = arith.addi %add3A_248, %add3A_268 : i32
      %lt3A_270 = arith.constant 50 : i32
      %lt3A_271 = arith.cmpi slt, %add3A_269, %lt3A_270 : i32
      %convert_element_type3A_272 = arith.extui %lt3A_271 : i1 to i32
      %cond3A_273 = arith.constant 0 : i32
      %cond3A_274 = arith.cmpi ne, %convert_element_type3A_272, %cond3A_273 : i32
      scf.if %cond3A_274 {
        %gt3A = arith.constant 0 : i32
        %gt3A_298 = arith.cmpi sgt, %add3A_248, %gt3A : i32
        %convert_element_type3A_299 = arith.extui %gt3A_298 : i1 to i32
        %cond3A_300 = arith.constant 0 : i32
        %cond3A_301 = arith.cmpi ne, %convert_element_type3A_299, %cond3A_300 : i32
        scf.if %cond3A_301 {
          %dma_wait3A_390 = arith.constant 0 : i32
          %dma_wait3A_391 = arith.constant 0 : i32
          %dma_wait3A_392 = tpu.memref_slice %arg6[%add3A_251, %dma_wait3A_390, %dma_wait3A_391] : memref<1600x1000x32xf32, #tpu.memory_space<hbm>> -> memref<1x1000x32xf32, #tpu.memory_space<hbm>>
          %dma_wait3A_393 = tpu.memref_squeeze %dma_wait3A_392 : memref<1x1000x32xf32, #tpu.memory_space<hbm>> -> memref<1000x32xf32, #tpu.memory_space<hbm>>
          %dma_wait3A_394 = arith.constant 0 : i32
          %dma_wait3A_395 = arith.constant 0 : i32
          %dma_wait3A_396 = tpu.memref_slice %arg6[%add3A_251, %dma_wait3A_394, %dma_wait3A_395] : memref<1600x1000x32xf32, #tpu.memory_space<hbm>> -> memref<1x1000x32xf32, #tpu.memory_space<hbm>>
          %dma_wait3A_397 = tpu.memref_squeeze %dma_wait3A_396 : memref<1x1000x32xf32, #tpu.memory_space<hbm>> -> memref<1000x32xf32, #tpu.memory_space<hbm>>
          tpu.wait_dma2 semaphore(%arg16 : memref<!tpu.dma_semaphore, #tpu.memory_space<semaphore_mem>>) src(%dma_wait3A_397 : memref<1000x32xf32, #tpu.memory_space<hbm>>) dst(%arg10 : memref<1000x32xf32, #tpu.memory_space<vmem>>)
        } else {
        }
        %add3A_302 = arith.constant 1 : i32
        %add3A_303 = arith.addi %add3A_248, %add3A_302 : i32
        %mul3A_304 = arith.constant 50 : i32
        %mul3A_305 = arith.muli %add3A, %mul3A_304 : i32
        %add3A_306 = arith.addi %mul3A_305, %add3A_303 : i32
        %mul3A_307 = arith.constant 8 : i32
        %mul3A_308 = arith.muli %mul3A_307, %add3A_306 : i32
        %multiple_of3A_309 = tpu.assume_multiple %mul3A_308, 8 : i32
        "tpu.region"() ({
          %run_scoped3A = tpu.sem_alloc : memref<!tpu.dma_semaphore, #tpu.memory_space<semaphore_mem>>
          %dma_start3A_390 = arith.constant 0 : i32
          %dma_start3A_391 = tpu.memref_slice %arg4[%multiple_of3A_309, %dma_start3A_390] : memref<12800x125xi32, #tpu.memory_space<hbm>> -> memref<8x125xi32, #tpu.memory_space<hbm>>
          %dma_start3A_392 = arith.constant 0 : i32
          %dma_start3A_393 = tpu.memref_slice %arg4[%multiple_of3A_309, %dma_start3A_392] : memref<12800x125xi32, #tpu.memory_space<hbm>> -> memref<8x125xi32, #tpu.memory_space<hbm>>
          tpu.enqueue_dma source(%dma_start3A_393 : memref<8x125xi32, #tpu.memory_space<hbm>>) target(%arg7 : memref<8x125xi32, #tpu.memory_space<vmem>>) target_semaphore(%run_scoped3A : memref<!tpu.dma_semaphore, #tpu.memory_space<semaphore_mem>>)
          %dma_wait3A_394 = arith.constant 0 : i32
          %dma_wait3A_395 = tpu.memref_slice %arg4[%multiple_of3A_309, %dma_wait3A_394] : memref<12800x125xi32, #tpu.memory_space<hbm>> -> memref<8x125xi32, #tpu.memory_space<hbm>>
          %dma_wait3A_396 = arith.constant 0 : i32
          %dma_wait3A_397 = tpu.memref_slice %arg4[%multiple_of3A_309, %dma_wait3A_396] : memref<12800x125xi32, #tpu.memory_space<hbm>> -> memref<8x125xi32, #tpu.memory_space<hbm>>
          tpu.wait_dma2 semaphore(%run_scoped3A : memref<!tpu.dma_semaphore, #tpu.memory_space<semaphore_mem>>) src(%dma_wait3A_397 : memref<8x125xi32, #tpu.memory_space<hbm>>) dst(%arg7 : memref<8x125xi32, #tpu.memory_space<vmem>>)
          tpu.yield
        }) : () -> ()
        %dma_start3A_310 = arith.constant 0 : i32
        %dma_start3A_311 = arith.constant 0 : i32
        %dma_start3A_312 = arith.constant 0 : i32
        %dma_start3A_313 = tpu.memref_slice %arg10[%dma_start3A_311, %dma_start3A_312] : memref<1000x32xf32, #tpu.memory_space<vmem>> -> memref<125x32xf32, #tpu.memory_space<vmem>>
        %dma_start3A_314 = arith.constant 0 : i32
        %dma_start3A_315 = tpu.memref_slice %arg7[%dma_start3A_310, %dma_start3A_314] : memref<8x125xi32, #tpu.memory_space<vmem>> -> memref<1x125xi32, #tpu.memory_space<vmem>>
        %dma_start3A_316 = tpu.memref_squeeze %dma_start3A_315 : memref<1x125xi32, #tpu.memory_space<vmem>> -> memref<125xi32, #tpu.memory_space<vmem>>
        %dma_start3A_317 = arith.constant 0 : i32
        %dma_start3A_318 = arith.constant 0 : i32
        %dma_start3A_319 = tpu.memref_slice %arg2[%dma_start3A_317, %dma_start3A_318] : memref<50000x32xf32, #tpu.memory_space<hbm>> -> memref<50000x32xf32, #tpu.memory_space<hbm>>
        tpu.enqueue_indirect_dma source(%dma_start3A_319 : memref<50000x32xf32, #tpu.memory_space<hbm>>) target(%dma_start3A_313 : memref<125x32xf32, #tpu.memory_space<vmem>>) offsets(%dma_start3A_316 : memref<125xi32, #tpu.memory_space<vmem>>) semaphore(%arg13 : memref<!tpu.dma_semaphore, #tpu.memory_space<semaphore_mem>>)
        %dma_start3A_320 = arith.constant 1 : i32
        %dma_start3A_321 = arith.constant 125 : i32
        %dma_start3A_322 = arith.constant 0 : i32
        %dma_start3A_323 = tpu.memref_slice %arg10[%dma_start3A_321, %dma_start3A_322] : memref<1000x32xf32, #tpu.memory_space<vmem>> -> memref<125x32xf32, #tpu.memory_space<vmem>>
        %dma_start3A_324 = arith.constant 0 : i32
        %dma_start3A_325 = tpu.memref_slice %arg7[%dma_start3A_320, %dma_start3A_324] : memref<8x125xi32, #tpu.memory_space<vmem>> -> memref<1x125xi32, #tpu.memory_space<vmem>>
        %dma_start3A_326 = tpu.memref_squeeze %dma_start3A_325 : memref<1x125xi32, #tpu.memory_space<vmem>> -> memref<125xi32, #tpu.memory_space<vmem>>
        %dma_start3A_327 = arith.constant 0 : i32
        %dma_start3A_328 = arith.constant 0 : i32
        %dma_start3A_329 = tpu.memref_slice %arg2[%dma_start3A_327, %dma_start3A_328] : memref<50000x32xf32, #tpu.memory_space<hbm>> -> memref<50000x32xf32, #tpu.memory_space<hbm>>
        tpu.enqueue_indirect_dma source(%dma_start3A_329 : memref<50000x32xf32, #tpu.memory_space<hbm>>) target(%dma_start3A_323 : memref<125x32xf32, #tpu.memory_space<vmem>>) offsets(%dma_start3A_326 : memref<125xi32, #tpu.memory_space<vmem>>) semaphore(%arg13 : memref<!tpu.dma_semaphore, #tpu.memory_space<semaphore_mem>>)
        %dma_start3A_330 = arith.constant 2 : i32
        %dma_start3A_331 = arith.constant 250 : i32
        %dma_start3A_332 = arith.constant 0 : i32
        %dma_start3A_333 = tpu.memref_slice %arg10[%dma_start3A_331, %dma_start3A_332] : memref<1000x32xf32, #tpu.memory_space<vmem>> -> memref<125x32xf32, #tpu.memory_space<vmem>>
        %dma_start3A_334 = arith.constant 0 : i32
        %dma_start3A_335 = tpu.memref_slice %arg7[%dma_start3A_330, %dma_start3A_334] : memref<8x125xi32, #tpu.memory_space<vmem>> -> memref<1x125xi32, #tpu.memory_space<vmem>>
        %dma_start3A_336 = tpu.memref_squeeze %dma_start3A_335 : memref<1x125xi32, #tpu.memory_space<vmem>> -> memref<125xi32, #tpu.memory_space<vmem>>
        %dma_start3A_337 = arith.constant 0 : i32
        %dma_start3A_338 = arith.constant 0 : i32
        %dma_start3A_339 = tpu.memref_slice %arg2[%dma_start3A_337, %dma_start3A_338] : memref<50000x32xf32, #tpu.memory_space<hbm>> -> memref<50000x32xf32, #tpu.memory_space<hbm>>
        tpu.enqueue_indirect_dma source(%dma_start3A_339 : memref<50000x32xf32, #tpu.memory_space<hbm>>) target(%dma_start3A_333 : memref<125x32xf32, #tpu.memory_space<vmem>>) offsets(%dma_start3A_336 : memref<125xi32, #tpu.memory_space<vmem>>) semaphore(%arg13 : memref<!tpu.dma_semaphore, #tpu.memory_space<semaphore_mem>>)
        %dma_start3A_340 = arith.constant 3 : i32
        %dma_start3A_341 = arith.constant 375 : i32
        %dma_start3A_342 = arith.constant 0 : i32
        %dma_start3A_343 = tpu.memref_slice %arg10[%dma_start3A_341, %dma_start3A_342] : memref<1000x32xf32, #tpu.memory_space<vmem>> -> memref<125x32xf32, #tpu.memory_space<vmem>>
        %dma_start3A_344 = arith.constant 0 : i32
        %dma_start3A_345 = tpu.memref_slice %arg7[%dma_start3A_340, %dma_start3A_344] : memref<8x125xi32, #tpu.memory_space<vmem>> -> memref<1x125xi32, #tpu.memory_space<vmem>>
        %dma_start3A_346 = tpu.memref_squeeze %dma_start3A_345 : memref<1x125xi32, #tpu.memory_space<vmem>> -> memref<125xi32, #tpu.memory_space<vmem>>
        %dma_start3A_347 = arith.constant 0 : i32
        %dma_start3A_348 = arith.constant 0 : i32
        %dma_start3A_349 = tpu.memref_slice %arg2[%dma_start3A_347, %dma_start3A_348] : memref<50000x32xf32, #tpu.memory_space<hbm>> -> memref<50000x32xf32, #tpu.memory_space<hbm>>
        tpu.enqueue_indirect_dma source(%dma_start3A_349 : memref<50000x32xf32, #tpu.memory_space<hbm>>) target(%dma_start3A_343 : memref<125x32xf32, #tpu.memory_space<vmem>>) offsets(%dma_start3A_346 : memref<125xi32, #tpu.memory_space<vmem>>) semaphore(%arg13 : memref<!tpu.dma_semaphore, #tpu.memory_space<semaphore_mem>>)
        %dma_start3A_350 = arith.constant 4 : i32
        %dma_start3A_351 = arith.constant 500 : i32
        %dma_start3A_352 = arith.constant 0 : i32
        %dma_start3A_353 = tpu.memref_slice %arg10[%dma_start3A_351, %dma_start3A_352] : memref<1000x32xf32, #tpu.memory_space<vmem>> -> memref<125x32xf32, #tpu.memory_space<vmem>>
        %dma_start3A_354 = arith.constant 0 : i32
        %dma_start3A_355 = tpu.memref_slice %arg7[%dma_start3A_350, %dma_start3A_354] : memref<8x125xi32, #tpu.memory_space<vmem>> -> memref<1x125xi32, #tpu.memory_space<vmem>>
        %dma_start3A_356 = tpu.memref_squeeze %dma_start3A_355 : memref<1x125xi32, #tpu.memory_space<vmem>> -> memref<125xi32, #tpu.memory_space<vmem>>
        %dma_start3A_357 = arith.constant 0 : i32
        %dma_start3A_358 = arith.constant 0 : i32
        %dma_start3A_359 = tpu.memref_slice %arg2[%dma_start3A_357, %dma_start3A_358] : memref<50000x32xf32, #tpu.memory_space<hbm>> -> memref<50000x32xf32, #tpu.memory_space<hbm>>
        tpu.enqueue_indirect_dma source(%dma_start3A_359 : memref<50000x32xf32, #tpu.memory_space<hbm>>) target(%dma_start3A_353 : memref<125x32xf32, #tpu.memory_space<vmem>>) offsets(%dma_start3A_356 : memref<125xi32, #tpu.memory_space<vmem>>) semaphore(%arg13 : memref<!tpu.dma_semaphore, #tpu.memory_space<semaphore_mem>>)
        %dma_start3A_360 = arith.constant 5 : i32
        %dma_start3A_361 = arith.constant 625 : i32
        %dma_start3A_362 = arith.constant 0 : i32
        %dma_start3A_363 = tpu.memref_slice %arg10[%dma_start3A_361, %dma_start3A_362] : memref<1000x32xf32, #tpu.memory_space<vmem>> -> memref<125x32xf32, #tpu.memory_space<vmem>>
        %dma_start3A_364 = arith.constant 0 : i32
        %dma_start3A_365 = tpu.memref_slice %arg7[%dma_start3A_360, %dma_start3A_364] : memref<8x125xi32, #tpu.memory_space<vmem>> -> memref<1x125xi32, #tpu.memory_space<vmem>>
        %dma_start3A_366 = tpu.memref_squeeze %dma_start3A_365 : memref<1x125xi32, #tpu.memory_space<vmem>> -> memref<125xi32, #tpu.memory_space<vmem>>
        %dma_start3A_367 = arith.constant 0 : i32
        %dma_start3A_368 = arith.constant 0 : i32
        %dma_start3A_369 = tpu.memref_slice %arg2[%dma_start3A_367, %dma_start3A_368] : memref<50000x32xf32, #tpu.memory_space<hbm>> -> memref<50000x32xf32, #tpu.memory_space<hbm>>
        tpu.enqueue_indirect_dma source(%dma_start3A_369 : memref<50000x32xf32, #tpu.memory_space<hbm>>) target(%dma_start3A_363 : memref<125x32xf32, #tpu.memory_space<vmem>>) offsets(%dma_start3A_366 : memref<125xi32, #tpu.memory_space<vmem>>) semaphore(%arg13 : memref<!tpu.dma_semaphore, #tpu.memory_space<semaphore_mem>>)
        %dma_start3A_370 = arith.constant 6 : i32
        %dma_start3A_371 = arith.constant 750 : i32
        %dma_start3A_372 = arith.constant 0 : i32
        %dma_start3A_373 = tpu.memref_slice %arg10[%dma_start3A_371, %dma_start3A_372] : memref<1000x32xf32, #tpu.memory_space<vmem>> -> memref<125x32xf32, #tpu.memory_space<vmem>>
        %dma_start3A_374 = arith.constant 0 : i32
        %dma_start3A_375 = tpu.memref_slice %arg7[%dma_start3A_370, %dma_start3A_374] : memref<8x125xi32, #tpu.memory_space<vmem>> -> memref<1x125xi32, #tpu.memory_space<vmem>>
        %dma_start3A_376 = tpu.memref_squeeze %dma_start3A_375 : memref<1x125xi32, #tpu.memory_space<vmem>> -> memref<125xi32, #tpu.memory_space<vmem>>
        %dma_start3A_377 = arith.constant 0 : i32
        %dma_start3A_378 = arith.constant 0 : i32
        %dma_start3A_379 = tpu.memref_slice %arg2[%dma_start3A_377, %dma_start3A_378] : memref<50000x32xf32, #tpu.memory_space<hbm>> -> memref<50000x32xf32, #tpu.memory_space<hbm>>
        tpu.enqueue_indirect_dma source(%dma_start3A_379 : memref<50000x32xf32, #tpu.memory_space<hbm>>) target(%dma_start3A_373 : memref<125x32xf32, #tpu.memory_space<vmem>>) offsets(%dma_start3A_376 : memref<125xi32, #tpu.memory_space<vmem>>) semaphore(%arg13 : memref<!tpu.dma_semaphore, #tpu.memory_space<semaphore_mem>>)
        %dma_start3A_380 = arith.constant 7 : i32
        %dma_start3A_381 = arith.constant 875 : i32
        %dma_start3A_382 = arith.constant 0 : i32
        %dma_start3A_383 = tpu.memref_slice %arg10[%dma_start3A_381, %dma_start3A_382] : memref<1000x32xf32, #tpu.memory_space<vmem>> -> memref<125x32xf32, #tpu.memory_space<vmem>>
        %dma_start3A_384 = arith.constant 0 : i32
        %dma_start3A_385 = tpu.memref_slice %arg7[%dma_start3A_380, %dma_start3A_384] : memref<8x125xi32, #tpu.memory_space<vmem>> -> memref<1x125xi32, #tpu.memory_space<vmem>>
        %dma_start3A_386 = tpu.memref_squeeze %dma_start3A_385 : memref<1x125xi32, #tpu.memory_space<vmem>> -> memref<125xi32, #tpu.memory_space<vmem>>
        %dma_start3A_387 = arith.constant 0 : i32
        %dma_start3A_388 = arith.constant 0 : i32
        %dma_start3A_389 = tpu.memref_slice %arg2[%dma_start3A_387, %dma_start3A_388] : memref<50000x32xf32, #tpu.memory_space<hbm>> -> memref<50000x32xf32, #tpu.memory_space<hbm>>
        tpu.enqueue_indirect_dma source(%dma_start3A_389 : memref<50000x32xf32, #tpu.memory_space<hbm>>) target(%dma_start3A_383 : memref<125x32xf32, #tpu.memory_space<vmem>>) offsets(%dma_start3A_386 : memref<125xi32, #tpu.memory_space<vmem>>) semaphore(%arg13 : memref<!tpu.dma_semaphore, #tpu.memory_space<semaphore_mem>>)
      } else {
      }
      %scan3A_275 = arith.constant 0 : i32
      %scan3A_276 = arith.constant 0 : i32
      %scan3A_277 = arith.constant 250 : i32
      %scan3A_278 = arith.addi %scan3A_276, %scan3A_277 : i32
      %scan3A_279 = arith.constant 1 : i32
      %scan3A_280 = scf.for %scan3A_298 = %scan3A_276 to %scan3A_278 step %scan3A_279 iter_args(%scan3A_299 = %scan3A_275) -> (i32)  : i32 {
        %mul3A_300 = arith.constant 4 : i32
        %mul3A_301 = arith.muli %mul3A_300, %scan3A_298 : i32
        %add3A_302 = arith.constant 0 : i32
        %add3A_303 = arith.addi %mul3A_301, %add3A_302 : i32
        %get3A = arith.index_cast %add3A_303 : i32 to index
        %get3A_304 = arith.constant 0 : index
        %get3A_305 = tpu.vector_load %arg11[%get3A, %get3A_304] {strides = array<i32>} : memref<1000x32xf32, #tpu.memory_space<vmem>>, vector<1x16xf32>,
        %get3A_306 = vector.shape_cast %get3A_305 : vector<1x16xf32> to vector<16xf32>
        %mul3A_307 = arith.constant 4 : i32
        %mul3A_308 = arith.muli %mul3A_307, %scan3A_298 : i32
        %add3A_309 = arith.constant 0 : i32
        %add3A_310 = arith.addi %mul3A_308, %add3A_309 : i32
        %get3A_311 = arith.index_cast %add3A_310 : i32 to index
        %get3A_312 = arith.constant 0 : index
        %get3A_313 = tpu.vector_load %arg12[%get3A_311, %get3A_312] {strides = array<i32>} : memref<1000x32xf32, #tpu.memory_space<vmem>>, vector<1x16xf32>,
        %get3A_314 = vector.shape_cast %get3A_313 : vector<1x16xf32> to vector<16xf32>
        %add3A_315 = arith.addf %get3A_306, %get3A_314 : vector<16xf32>
        %mul3A_316 = arith.constant 4 : i32
        %mul3A_317 = arith.muli %mul3A_316, %scan3A_298 : i32
        %add3A_318 = arith.constant 0 : i32
        %add3A_319 = arith.addi %mul3A_317, %add3A_318 : i32
        %swap3A = arith.index_cast %add3A_319 : i32 to index
        %swap3A_320 = arith.constant 0 : index
        %swap3A_321 = tpu.vector_load %arg11[%swap3A, %swap3A_320] {strides = array<i32>} : memref<1000x32xf32, #tpu.memory_space<vmem>>, vector<1x16xf32>,
        %swap3A_322 = vector.shape_cast %swap3A_321 : vector<1x16xf32> to vector<16xf32>
        %swap3A_323 = vector.shape_cast %add3A_315 : vector<16xf32> to vector<1x16xf32>
        tpu.vector_store %arg11[%swap3A, %swap3A_320], %swap3A_323 {strides = array<i32>} : memref<1000x32xf32, #tpu.memory_space<vmem>>, vector<1x16xf32>,
        %mul3A_324 = arith.constant 4 : i32
        %mul3A_325 = arith.muli %mul3A_324, %scan3A_298 : i32
        %add3A_326 = arith.constant 0 : i32
        %add3A_327 = arith.addi %mul3A_325, %add3A_326 : i32
        %get3A_328 = arith.index_cast %add3A_327 : i32 to index
        %get3A_329 = arith.constant 16 : index
        %get3A_330 = tpu.vector_load %arg11[%get3A_328, %get3A_329] {strides = array<i32>} : memref<1000x32xf32, #tpu.memory_space<vmem>>, vector<1x16xf32>,
        %get3A_331 = vector.shape_cast %get3A_330 : vector<1x16xf32> to vector<16xf32>
        %mul3A_332 = arith.constant 4 : i32
        %mul3A_333 = arith.muli %mul3A_332, %scan3A_298 : i32
        %add3A_334 = arith.constant 0 : i32
        %add3A_335 = arith.addi %mul3A_333, %add3A_334 : i32
        %get3A_336 = arith.index_cast %add3A_335 : i32 to index
        %get3A_337 = arith.constant 16 : index
        %get3A_338 = tpu.vector_load %arg12[%get3A_336, %get3A_337] {strides = array<i32>} : memref<1000x32xf32, #tpu.memory_space<vmem>>, vector<1x16xf32>,
        %get3A_339 = vector.shape_cast %get3A_338 : vector<1x16xf32> to vector<16xf32>
        %add3A_340 = arith.addf %get3A_331, %get3A_339 : vector<16xf32>
        %mul3A_341 = arith.constant 4 : i32
        %mul3A_342 = arith.muli %mul3A_341, %scan3A_298 : i32
        %add3A_343 = arith.constant 0 : i32
        %add3A_344 = arith.addi %mul3A_342, %add3A_343 : i32
        %swap3A_345 = arith.index_cast %add3A_344 : i32 to index
        %swap3A_346 = arith.constant 16 : index
        %swap3A_347 = tpu.vector_load %arg11[%swap3A_345, %swap3A_346] {strides = array<i32>} : memref<1000x32xf32, #tpu.memory_space<vmem>>, vector<1x16xf32>,
        %swap3A_348 = vector.shape_cast %swap3A_347 : vector<1x16xf32> to vector<16xf32>
        %swap3A_349 = vector.shape_cast %add3A_340 : vector<16xf32> to vector<1x16xf32>
        tpu.vector_store %arg11[%swap3A_345, %swap3A_346], %swap3A_349 {strides = array<i32>} : memref<1000x32xf32, #tpu.memory_space<vmem>>, vector<1x16xf32>,
        %mul3A_350 = arith.constant 4 : i32
        %mul3A_351 = arith.muli %mul3A_350, %scan3A_298 : i32
        %add3A_352 = arith.constant 1 : i32
        %add3A_353 = arith.addi %mul3A_351, %add3A_352 : i32
        %get3A_354 = arith.index_cast %add3A_353 : i32 to index
        %get3A_355 = arith.constant 0 : index
        %get3A_356 = tpu.vector_load %arg11[%get3A_354, %get3A_355] {strides = array<i32>} : memref<1000x32xf32, #tpu.memory_space<vmem>>, vector<1x16xf32>,
        %get3A_357 = vector.shape_cast %get3A_356 : vector<1x16xf32> to vector<16xf32>
        %mul3A_358 = arith.constant 4 : i32
        %mul3A_359 = arith.muli %mul3A_358, %scan3A_298 : i32
        %add3A_360 = arith.constant 1 : i32
        %add3A_361 = arith.addi %mul3A_359, %add3A_360 : i32
        %get3A_362 = arith.index_cast %add3A_361 : i32 to index
        %get3A_363 = arith.constant 0 : index
        %get3A_364 = tpu.vector_load %arg12[%get3A_362, %get3A_363] {strides = array<i32>} : memref<1000x32xf32, #tpu.memory_space<vmem>>, vector<1x16xf32>,
        %get3A_365 = vector.shape_cast %get3A_364 : vector<1x16xf32> to vector<16xf32>
        %add3A_366 = arith.addf %get3A_357, %get3A_365 : vector<16xf32>
        %mul3A_367 = arith.constant 4 : i32
        %mul3A_368 = arith.muli %mul3A_367, %scan3A_298 : i32
        %add3A_369 = arith.constant 1 : i32
        %add3A_370 = arith.addi %mul3A_368, %add3A_369 : i32
        %swap3A_371 = arith.index_cast %add3A_370 : i32 to index
        %swap3A_372 = arith.constant 0 : index
        %swap3A_373 = tpu.vector_load %arg11[%swap3A_371, %swap3A_372] {strides = array<i32>} : memref<1000x32xf32, #tpu.memory_space<vmem>>, vector<1x16xf32>,
        %swap3A_374 = vector.shape_cast %swap3A_373 : vector<1x16xf32> to vector<16xf32>
        %swap3A_375 = vector.shape_cast %add3A_366 : vector<16xf32> to vector<1x16xf32>
        tpu.vector_store %arg11[%swap3A_371, %swap3A_372], %swap3A_375 {strides = array<i32>} : memref<1000x32xf32, #tpu.memory_space<vmem>>, vector<1x16xf32>,
        %mul3A_376 = arith.constant 4 : i32
        %mul3A_377 = arith.muli %mul3A_376, %scan3A_298 : i32
        %add3A_378 = arith.constant 1 : i32
        %add3A_379 = arith.addi %mul3A_377, %add3A_378 : i32
        %get3A_380 = arith.index_cast %add3A_379 : i32 to index
        %get3A_381 = arith.constant 16 : index
        %get3A_382 = tpu.vector_load %arg11[%get3A_380, %get3A_381] {strides = array<i32>} : memref<1000x32xf32, #tpu.memory_space<vmem>>, vector<1x16xf32>,
        %get3A_383 = vector.shape_cast %get3A_382 : vector<1x16xf32> to vector<16xf32>
        %mul3A_384 = arith.constant 4 : i32
        %mul3A_385 = arith.muli %mul3A_384, %scan3A_298 : i32
        %add3A_386 = arith.constant 1 : i32
        %add3A_387 = arith.addi %mul3A_385, %add3A_386 : i32
        %get3A_388 = arith.index_cast %add3A_387 : i32 to index
        %get3A_389 = arith.constant 16 : index
        %get3A_390 = tpu.vector_load %arg12[%get3A_388, %get3A_389] {strides = array<i32>} : memref<1000x32xf32, #tpu.memory_space<vmem>>, vector<1x16xf32>,
        %get3A_391 = vector.shape_cast %get3A_390 : vector<1x16xf32> to vector<16xf32>
        %add3A_392 = arith.addf %get3A_383, %get3A_391 : vector<16xf32>
        %mul3A_393 = arith.constant 4 : i32
        %mul3A_394 = arith.muli %mul3A_393, %scan3A_298 : i32
        %add3A_395 = arith.constant 1 : i32
        %add3A_396 = arith.addi %mul3A_394, %add3A_395 : i32
        %swap3A_397 = arith.index_cast %add3A_396 : i32 to index
        %swap3A_398 = arith.constant 16 : index
        %swap3A_399 = tpu.vector_load %arg11[%swap3A_397, %swap3A_398] {strides = array<i32>} : memref<1000x32xf32, #tpu.memory_space<vmem>>, vector<1x16xf32>,
        %swap3A_400 = vector.shape_cast %swap3A_399 : vector<1x16xf32> to vector<16xf32>
        %swap3A_401 = vector.shape_cast %add3A_392 : vector<16xf32> to vector<1x16xf32>
        tpu.vector_store %arg11[%swap3A_397, %swap3A_398], %swap3A_401 {strides = array<i32>} : memref<1000x32xf32, #tpu.memory_space<vmem>>, vector<1x16xf32>,
        %mul3A_402 = arith.constant 4 : i32
        %mul3A_403 = arith.muli %mul3A_402, %scan3A_298 : i32
        %add3A_404 = arith.constant 2 : i32
        %add3A_405 = arith.addi %mul3A_403, %add3A_404 : i32
        %get3A_406 = arith.index_cast %add3A_405 : i32 to index
        %get3A_407 = arith.constant 0 : index
        %get3A_408 = tpu.vector_load %arg11[%get3A_406, %get3A_407] {strides = array<i32>} : memref<1000x32xf32, #tpu.memory_space<vmem>>, vector<1x16xf32>,
        %get3A_409 = vector.shape_cast %get3A_408 : vector<1x16xf32> to vector<16xf32>
        %mul3A_410 = arith.constant 4 : i32
        %mul3A_411 = arith.muli %mul3A_410, %scan3A_298 : i32
        %add3A_412 = arith.constant 2 : i32
        %add3A_413 = arith.addi %mul3A_411, %add3A_412 : i32
        %get3A_414 = arith.index_cast %add3A_413 : i32 to index
        %get3A_415 = arith.constant 0 : index
        %get3A_416 = tpu.vector_load %arg12[%get3A_414, %get3A_415] {strides = array<i32>} : memref<1000x32xf32, #tpu.memory_space<vmem>>, vector<1x16xf32>,
        %get3A_417 = vector.shape_cast %get3A_416 : vector<1x16xf32> to vector<16xf32>
        %add3A_418 = arith.addf %get3A_409, %get3A_417 : vector<16xf32>
        %mul3A_419 = arith.constant 4 : i32
        %mul3A_420 = arith.muli %mul3A_419, %scan3A_298 : i32
        %add3A_421 = arith.constant 2 : i32
        %add3A_422 = arith.addi %mul3A_420, %add3A_421 : i32
        %swap3A_423 = arith.index_cast %add3A_422 : i32 to index
        %swap3A_424 = arith.constant 0 : index
        %swap3A_425 = tpu.vector_load %arg11[%swap3A_423, %swap3A_424] {strides = array<i32>} : memref<1000x32xf32, #tpu.memory_space<vmem>>, vector<1x16xf32>,
        %swap3A_426 = vector.shape_cast %swap3A_425 : vector<1x16xf32> to vector<16xf32>
        %swap3A_427 = vector.shape_cast %add3A_418 : vector<16xf32> to vector<1x16xf32>
        tpu.vector_store %arg11[%swap3A_423, %swap3A_424], %swap3A_427 {strides = array<i32>} : memref<1000x32xf32, #tpu.memory_space<vmem>>, vector<1x16xf32>,
        %mul3A_428 = arith.constant 4 : i32
        %mul3A_429 = arith.muli %mul3A_428, %scan3A_298 : i32
        %add3A_430 = arith.constant 2 : i32
        %add3A_431 = arith.addi %mul3A_429, %add3A_430 : i32
        %get3A_432 = arith.index_cast %add3A_431 : i32 to index
        %get3A_433 = arith.constant 16 : index
        %get3A_434 = tpu.vector_load %arg11[%get3A_432, %get3A_433] {strides = array<i32>} : memref<1000x32xf32, #tpu.memory_space<vmem>>, vector<1x16xf32>,
        %get3A_435 = vector.shape_cast %get3A_434 : vector<1x16xf32> to vector<16xf32>
        %mul3A_436 = arith.constant 4 : i32
        %mul3A_437 = arith.muli %mul3A_436, %scan3A_298 : i32
        %add3A_438 = arith.constant 2 : i32
        %add3A_439 = arith.addi %mul3A_437, %add3A_438 : i32
        %get3A_440 = arith.index_cast %add3A_439 : i32 to index
        %get3A_441 = arith.constant 16 : index
        %get3A_442 = tpu.vector_load %arg12[%get3A_440, %get3A_441] {strides = array<i32>} : memref<1000x32xf32, #tpu.memory_space<vmem>>, vector<1x16xf32>,
        %get3A_443 = vector.shape_cast %get3A_442 : vector<1x16xf32> to vector<16xf32>
        %add3A_444 = arith.addf %get3A_435, %get3A_443 : vector<16xf32>
        %mul3A_445 = arith.constant 4 : i32
        %mul3A_446 = arith.muli %mul3A_445, %scan3A_298 : i32
        %add3A_447 = arith.constant 2 : i32
        %add3A_448 = arith.addi %mul3A_446, %add3A_447 : i32
        %swap3A_449 = arith.index_cast %add3A_448 : i32 to index
        %swap3A_450 = arith.constant 16 : index
        %swap3A_451 = tpu.vector_load %arg11[%swap3A_449, %swap3A_450] {strides = array<i32>} : memref<1000x32xf32, #tpu.memory_space<vmem>>, vector<1x16xf32>,
        %swap3A_452 = vector.shape_cast %swap3A_451 : vector<1x16xf32> to vector<16xf32>
        %swap3A_453 = vector.shape_cast %add3A_444 : vector<16xf32> to vector<1x16xf32>
        tpu.vector_store %arg11[%swap3A_449, %swap3A_450], %swap3A_453 {strides = array<i32>} : memref<1000x32xf32, #tpu.memory_space<vmem>>, vector<1x16xf32>,
        %mul3A_454 = arith.constant 4 : i32
        %mul3A_455 = arith.muli %mul3A_454, %scan3A_298 : i32
        %add3A_456 = arith.constant 3 : i32
        %add3A_457 = arith.addi %mul3A_455, %add3A_456 : i32
        %get3A_458 = arith.index_cast %add3A_457 : i32 to index
        %get3A_459 = arith.constant 0 : index
        %get3A_460 = tpu.vector_load %arg11[%get3A_458, %get3A_459] {strides = array<i32>} : memref<1000x32xf32, #tpu.memory_space<vmem>>, vector<1x16xf32>,
        %get3A_461 = vector.shape_cast %get3A_460 : vector<1x16xf32> to vector<16xf32>
        %mul3A_462 = arith.constant 4 : i32
        %mul3A_463 = arith.muli %mul3A_462, %scan3A_298 : i32
        %add3A_464 = arith.constant 3 : i32
        %add3A_465 = arith.addi %mul3A_463, %add3A_464 : i32
        %get3A_466 = arith.index_cast %add3A_465 : i32 to index
        %get3A_467 = arith.constant 0 : index
        %get3A_468 = tpu.vector_load %arg12[%get3A_466, %get3A_467] {strides = array<i32>} : memref<1000x32xf32, #tpu.memory_space<vmem>>, vector<1x16xf32>,
        %get3A_469 = vector.shape_cast %get3A_468 : vector<1x16xf32> to vector<16xf32>
        %add3A_470 = arith.addf %get3A_461, %get3A_469 : vector<16xf32>
        %mul3A_471 = arith.constant 4 : i32
        %mul3A_472 = arith.muli %mul3A_471, %scan3A_298 : i32
        %add3A_473 = arith.constant 3 : i32
        %add3A_474 = arith.addi %mul3A_472, %add3A_473 : i32
        %swap3A_475 = arith.index_cast %add3A_474 : i32 to index
        %swap3A_476 = arith.constant 0 : index
        %swap3A_477 = tpu.vector_load %arg11[%swap3A_475, %swap3A_476] {strides = array<i32>} : memref<1000x32xf32, #tpu.memory_space<vmem>>, vector<1x16xf32>,
        %swap3A_478 = vector.shape_cast %swap3A_477 : vector<1x16xf32> to vector<16xf32>
        %swap3A_479 = vector.shape_cast %add3A_470 : vector<16xf32> to vector<1x16xf32>
        tpu.vector_store %arg11[%swap3A_475, %swap3A_476], %swap3A_479 {strides = array<i32>} : memref<1000x32xf32, #tpu.memory_space<vmem>>, vector<1x16xf32>,
        %mul3A_480 = arith.constant 4 : i32
        %mul3A_481 = arith.muli %mul3A_480, %scan3A_298 : i32
        %add3A_482 = arith.constant 3 : i32
        %add3A_483 = arith.addi %mul3A_481, %add3A_482 : i32
        %get3A_484 = arith.index_cast %add3A_483 : i32 to index
        %get3A_485 = arith.constant 16 : index
        %get3A_486 = tpu.vector_load %arg11[%get3A_484, %get3A_485] {strides = array<i32>} : memref<1000x32xf32, #tpu.memory_space<vmem>>, vector<1x16xf32>,
        %get3A_487 = vector.shape_cast %get3A_486 : vector<1x16xf32> to vector<16xf32>
        %mul3A_488 = arith.constant 4 : i32
        %mul3A_489 = arith.muli %mul3A_488, %scan3A_298 : i32
        %add3A_490 = arith.constant 3 : i32
        %add3A_491 = arith.addi %mul3A_489, %add3A_490 : i32
        %get3A_492 = arith.index_cast %add3A_491 : i32 to index
        %get3A_493 = arith.constant 16 : index
        %get3A_494 = tpu.vector_load %arg12[%get3A_492, %get3A_493] {strides = array<i32>} : memref<1000x32xf32, #tpu.memory_space<vmem>>, vector<1x16xf32>,
        %get3A_495 = vector.shape_cast %get3A_494 : vector<1x16xf32> to vector<16xf32>
        %add3A_496 = arith.addf %get3A_487, %get3A_495 : vector<16xf32>
        %mul3A_497 = arith.constant 4 : i32
        %mul3A_498 = arith.muli %mul3A_497, %scan3A_298 : i32
        %add3A_499 = arith.constant 3 : i32
        %add3A_500 = arith.addi %mul3A_498, %add3A_499 : i32
        %swap3A_501 = arith.index_cast %add3A_500 : i32 to index
        %swap3A_502 = arith.constant 16 : index
        %swap3A_503 = tpu.vector_load %arg11[%swap3A_501, %swap3A_502] {strides = array<i32>} : memref<1000x32xf32, #tpu.memory_space<vmem>>, vector<1x16xf32>,
        %swap3A_504 = vector.shape_cast %swap3A_503 : vector<1x16xf32> to vector<16xf32>
        %swap3A_505 = vector.shape_cast %add3A_496 : vector<16xf32> to vector<1x16xf32>
        tpu.vector_store %arg11[%swap3A_501, %swap3A_502], %swap3A_505 {strides = array<i32>} : memref<1000x32xf32, #tpu.memory_space<vmem>>, vector<1x16xf32>,
        %scan3A_506 = arith.constant 0 : i32
        scf.yield %scan3A_506 : i32
      }
      %scan3A_281 = arith.constant 250 : i32
      %add3A_282 = arith.constant 1 : i32
      %add3A_283 = arith.addi %add3A_248, %add3A_282 : i32
      %lt3A_284 = arith.constant 50 : i32
      %lt3A_285 = arith.cmpi slt, %add3A_283, %lt3A_284 : i32
      %convert_element_type3A_286 = arith.extui %lt3A_285 : i1 to i32
      %cond3A_287 = arith.constant 0 : i32
      %cond3A_288 = arith.cmpi ne, %convert_element_type3A_286, %cond3A_287 : i32
      scf.if %cond3A_288 {
        %add3A_298 = arith.constant 1 : i32
        %add3A_299 = arith.addi %add3A_248, %add3A_298 : i32
        %mul3A_300 = arith.constant 50 : i32
        %mul3A_301 = arith.muli %add3A, %mul3A_300 : i32
        %add3A_302 = arith.addi %mul3A_301, %add3A_299 : i32
        %mul3A_303 = arith.constant 8 : i32
        %mul3A_304 = arith.muli %mul3A_303, %add3A_302 : i32
        %multiple_of3A_305 = tpu.assume_multiple %mul3A_304, 8 : i32
        "tpu.region"() ({
          %run_scoped3A = tpu.sem_alloc : memref<!tpu.dma_semaphore, #tpu.memory_space<semaphore_mem>>
          %dma_start3A_386 = arith.constant 0 : i32
          %dma_start3A_387 = tpu.memref_slice %arg5[%multiple_of3A_305, %dma_start3A_386] : memref<12800x125xi32, #tpu.memory_space<hbm>> -> memref<8x125xi32, #tpu.memory_space<hbm>>
          %dma_start3A_388 = arith.constant 0 : i32
          %dma_start3A_389 = tpu.memref_slice %arg5[%multiple_of3A_305, %dma_start3A_388] : memref<12800x125xi32, #tpu.memory_space<hbm>> -> memref<8x125xi32, #tpu.memory_space<hbm>>
          tpu.enqueue_dma source(%dma_start3A_389 : memref<8x125xi32, #tpu.memory_space<hbm>>) target(%arg9 : memref<8x125xi32, #tpu.memory_space<vmem>>) target_semaphore(%run_scoped3A : memref<!tpu.dma_semaphore, #tpu.memory_space<semaphore_mem>>)
          %dma_wait3A_390 = arith.constant 0 : i32
          %dma_wait3A_391 = tpu.memref_slice %arg5[%multiple_of3A_305, %dma_wait3A_390] : memref<12800x125xi32, #tpu.memory_space<hbm>> -> memref<8x125xi32, #tpu.memory_space<hbm>>
          %dma_wait3A_392 = arith.constant 0 : i32
          %dma_wait3A_393 = tpu.memref_slice %arg5[%multiple_of3A_305, %dma_wait3A_392] : memref<12800x125xi32, #tpu.memory_space<hbm>> -> memref<8x125xi32, #tpu.memory_space<hbm>>
          tpu.wait_dma2 semaphore(%run_scoped3A : memref<!tpu.dma_semaphore, #tpu.memory_space<semaphore_mem>>) src(%dma_wait3A_393 : memref<8x125xi32, #tpu.memory_space<hbm>>) dst(%arg9 : memref<8x125xi32, #tpu.memory_space<vmem>>)
          tpu.yield
        }) : () -> ()
        %dma_start3A_306 = arith.constant 0 : i32
        %dma_start3A_307 = arith.constant 0 : i32
        %dma_start3A_308 = arith.constant 0 : i32
        %dma_start3A_309 = tpu.memref_slice %arg12[%dma_start3A_307, %dma_start3A_308] : memref<1000x32xf32, #tpu.memory_space<vmem>> -> memref<125x32xf32, #tpu.memory_space<vmem>>
        %dma_start3A_310 = arith.constant 0 : i32
        %dma_start3A_311 = tpu.memref_slice %arg9[%dma_start3A_306, %dma_start3A_310] : memref<8x125xi32, #tpu.memory_space<vmem>> -> memref<1x125xi32, #tpu.memory_space<vmem>>
        %dma_start3A_312 = tpu.memref_squeeze %dma_start3A_311 : memref<1x125xi32, #tpu.memory_space<vmem>> -> memref<125xi32, #tpu.memory_space<vmem>>
        %dma_start3A_313 = arith.constant 0 : i32
        %dma_start3A_314 = arith.constant 0 : i32
        %dma_start3A_315 = tpu.memref_slice %arg3[%dma_start3A_313, %dma_start3A_314] : memref<50000x32xf32, #tpu.memory_space<hbm>> -> memref<50000x32xf32, #tpu.memory_space<hbm>>
        tpu.enqueue_indirect_dma source(%dma_start3A_315 : memref<50000x32xf32, #tpu.memory_space<hbm>>) target(%dma_start3A_309 : memref<125x32xf32, #tpu.memory_space<vmem>>) offsets(%dma_start3A_312 : memref<125xi32, #tpu.memory_space<vmem>>) semaphore(%arg15 : memref<!tpu.dma_semaphore, #tpu.memory_space<semaphore_mem>>)
        %dma_start3A_316 = arith.constant 1 : i32
        %dma_start3A_317 = arith.constant 125 : i32
        %dma_start3A_318 = arith.constant 0 : i32
        %dma_start3A_319 = tpu.memref_slice %arg12[%dma_start3A_317, %dma_start3A_318] : memref<1000x32xf32, #tpu.memory_space<vmem>> -> memref<125x32xf32, #tpu.memory_space<vmem>>
        %dma_start3A_320 = arith.constant 0 : i32
        %dma_start3A_321 = tpu.memref_slice %arg9[%dma_start3A_316, %dma_start3A_320] : memref<8x125xi32, #tpu.memory_space<vmem>> -> memref<1x125xi32, #tpu.memory_space<vmem>>
        %dma_start3A_322 = tpu.memref_squeeze %dma_start3A_321 : memref<1x125xi32, #tpu.memory_space<vmem>> -> memref<125xi32, #tpu.memory_space<vmem>>
        %dma_start3A_323 = arith.constant 0 : i32
        %dma_start3A_324 = arith.constant 0 : i32
        %dma_start3A_325 = tpu.memref_slice %arg3[%dma_start3A_323, %dma_start3A_324] : memref<50000x32xf32, #tpu.memory_space<hbm>> -> memref<50000x32xf32, #tpu.memory_space<hbm>>
        tpu.enqueue_indirect_dma source(%dma_start3A_325 : memref<50000x32xf32, #tpu.memory_space<hbm>>) target(%dma_start3A_319 : memref<125x32xf32, #tpu.memory_space<vmem>>) offsets(%dma_start3A_322 : memref<125xi32, #tpu.memory_space<vmem>>) semaphore(%arg15 : memref<!tpu.dma_semaphore, #tpu.memory_space<semaphore_mem>>)
        %dma_start3A_326 = arith.constant 2 : i32
        %dma_start3A_327 = arith.constant 250 : i32
        %dma_start3A_328 = arith.constant 0 : i32
        %dma_start3A_329 = tpu.memref_slice %arg12[%dma_start3A_327, %dma_start3A_328] : memref<1000x32xf32, #tpu.memory_space<vmem>> -> memref<125x32xf32, #tpu.memory_space<vmem>>
        %dma_start3A_330 = arith.constant 0 : i32
        %dma_start3A_331 = tpu.memref_slice %arg9[%dma_start3A_326, %dma_start3A_330] : memref<8x125xi32, #tpu.memory_space<vmem>> -> memref<1x125xi32, #tpu.memory_space<vmem>>
        %dma_start3A_332 = tpu.memref_squeeze %dma_start3A_331 : memref<1x125xi32, #tpu.memory_space<vmem>> -> memref<125xi32, #tpu.memory_space<vmem>>
        %dma_start3A_333 = arith.constant 0 : i32
        %dma_start3A_334 = arith.constant 0 : i32
        %dma_start3A_335 = tpu.memref_slice %arg3[%dma_start3A_333, %dma_start3A_334] : memref<50000x32xf32, #tpu.memory_space<hbm>> -> memref<50000x32xf32, #tpu.memory_space<hbm>>
        tpu.enqueue_indirect_dma source(%dma_start3A_335 : memref<50000x32xf32, #tpu.memory_space<hbm>>) target(%dma_start3A_329 : memref<125x32xf32, #tpu.memory_space<vmem>>) offsets(%dma_start3A_332 : memref<125xi32, #tpu.memory_space<vmem>>) semaphore(%arg15 : memref<!tpu.dma_semaphore, #tpu.memory_space<semaphore_mem>>)
        %dma_start3A_336 = arith.constant 3 : i32
        %dma_start3A_337 = arith.constant 375 : i32
        %dma_start3A_338 = arith.constant 0 : i32
        %dma_start3A_339 = tpu.memref_slice %arg12[%dma_start3A_337, %dma_start3A_338] : memref<1000x32xf32, #tpu.memory_space<vmem>> -> memref<125x32xf32, #tpu.memory_space<vmem>>
        %dma_start3A_340 = arith.constant 0 : i32
        %dma_start3A_341 = tpu.memref_slice %arg9[%dma_start3A_336, %dma_start3A_340] : memref<8x125xi32, #tpu.memory_space<vmem>> -> memref<1x125xi32, #tpu.memory_space<vmem>>
        %dma_start3A_342 = tpu.memref_squeeze %dma_start3A_341 : memref<1x125xi32, #tpu.memory_space<vmem>> -> memref<125xi32, #tpu.memory_space<vmem>>
        %dma_start3A_343 = arith.constant 0 : i32
        %dma_start3A_344 = arith.constant 0 : i32
        %dma_start3A_345 = tpu.memref_slice %arg3[%dma_start3A_343, %dma_start3A_344] : memref<50000x32xf32, #tpu.memory_space<hbm>> -> memref<50000x32xf32, #tpu.memory_space<hbm>>
        tpu.enqueue_indirect_dma source(%dma_start3A_345 : memref<50000x32xf32, #tpu.memory_space<hbm>>) target(%dma_start3A_339 : memref<125x32xf32, #tpu.memory_space<vmem>>) offsets(%dma_start3A_342 : memref<125xi32, #tpu.memory_space<vmem>>) semaphore(%arg15 : memref<!tpu.dma_semaphore, #tpu.memory_space<semaphore_mem>>)
        %dma_start3A_346 = arith.constant 4 : i32
        %dma_start3A_347 = arith.constant 500 : i32
        %dma_start3A_348 = arith.constant 0 : i32
        %dma_start3A_349 = tpu.memref_slice %arg12[%dma_start3A_347, %dma_start3A_348] : memref<1000x32xf32, #tpu.memory_space<vmem>> -> memref<125x32xf32, #tpu.memory_space<vmem>>
        %dma_start3A_350 = arith.constant 0 : i32
        %dma_start3A_351 = tpu.memref_slice %arg9[%dma_start3A_346, %dma_start3A_350] : memref<8x125xi32, #tpu.memory_space<vmem>> -> memref<1x125xi32, #tpu.memory_space<vmem>>
        %dma_start3A_352 = tpu.memref_squeeze %dma_start3A_351 : memref<1x125xi32, #tpu.memory_space<vmem>> -> memref<125xi32, #tpu.memory_space<vmem>>
        %dma_start3A_353 = arith.constant 0 : i32
        %dma_start3A_354 = arith.constant 0 : i32
        %dma_start3A_355 = tpu.memref_slice %arg3[%dma_start3A_353, %dma_start3A_354] : memref<50000x32xf32, #tpu.memory_space<hbm>> -> memref<50000x32xf32, #tpu.memory_space<hbm>>
        tpu.enqueue_indirect_dma source(%dma_start3A_355 : memref<50000x32xf32, #tpu.memory_space<hbm>>) target(%dma_start3A_349 : memref<125x32xf32, #tpu.memory_space<vmem>>) offsets(%dma_start3A_352 : memref<125xi32, #tpu.memory_space<vmem>>) semaphore(%arg15 : memref<!tpu.dma_semaphore, #tpu.memory_space<semaphore_mem>>)
        %dma_start3A_356 = arith.constant 5 : i32
        %dma_start3A_357 = arith.constant 625 : i32
        %dma_start3A_358 = arith.constant 0 : i32
        %dma_start3A_359 = tpu.memref_slice %arg12[%dma_start3A_357, %dma_start3A_358] : memref<1000x32xf32, #tpu.memory_space<vmem>> -> memref<125x32xf32, #tpu.memory_space<vmem>>
        %dma_start3A_360 = arith.constant 0 : i32
        %dma_start3A_361 = tpu.memref_slice %arg9[%dma_start3A_356, %dma_start3A_360] : memref<8x125xi32, #tpu.memory_space<vmem>> -> memref<1x125xi32, #tpu.memory_space<vmem>>
        %dma_start3A_362 = tpu.memref_squeeze %dma_start3A_361 : memref<1x125xi32, #tpu.memory_space<vmem>> -> memref<125xi32, #tpu.memory_space<vmem>>
        %dma_start3A_363 = arith.constant 0 : i32
        %dma_start3A_364 = arith.constant 0 : i32
        %dma_start3A_365 = tpu.memref_slice %arg3[%dma_start3A_363, %dma_start3A_364] : memref<50000x32xf32, #tpu.memory_space<hbm>> -> memref<50000x32xf32, #tpu.memory_space<hbm>>
        tpu.enqueue_indirect_dma source(%dma_start3A_365 : memref<50000x32xf32, #tpu.memory_space<hbm>>) target(%dma_start3A_359 : memref<125x32xf32, #tpu.memory_space<vmem>>) offsets(%dma_start3A_362 : memref<125xi32, #tpu.memory_space<vmem>>) semaphore(%arg15 : memref<!tpu.dma_semaphore, #tpu.memory_space<semaphore_mem>>)
        %dma_start3A_366 = arith.constant 6 : i32
        %dma_start3A_367 = arith.constant 750 : i32
        %dma_start3A_368 = arith.constant 0 : i32
        %dma_start3A_369 = tpu.memref_slice %arg12[%dma_start3A_367, %dma_start3A_368] : memref<1000x32xf32, #tpu.memory_space<vmem>> -> memref<125x32xf32, #tpu.memory_space<vmem>>
        %dma_start3A_370 = arith.constant 0 : i32
        %dma_start3A_371 = tpu.memref_slice %arg9[%dma_start3A_366, %dma_start3A_370] : memref<8x125xi32, #tpu.memory_space<vmem>> -> memref<1x125xi32, #tpu.memory_space<vmem>>
        %dma_start3A_372 = tpu.memref_squeeze %dma_start3A_371 : memref<1x125xi32, #tpu.memory_space<vmem>> -> memref<125xi32, #tpu.memory_space<vmem>>
        %dma_start3A_373 = arith.constant 0 : i32
        %dma_start3A_374 = arith.constant 0 : i32
        %dma_start3A_375 = tpu.memref_slice %arg3[%dma_start3A_373, %dma_start3A_374] : memref<50000x32xf32, #tpu.memory_space<hbm>> -> memref<50000x32xf32, #tpu.memory_space<hbm>>
        tpu.enqueue_indirect_dma source(%dma_start3A_375 : memref<50000x32xf32, #tpu.memory_space<hbm>>) target(%dma_start3A_369 : memref<125x32xf32, #tpu.memory_space<vmem>>) offsets(%dma_start3A_372 : memref<125xi32, #tpu.memory_space<vmem>>) semaphore(%arg15 : memref<!tpu.dma_semaphore, #tpu.memory_space<semaphore_mem>>)
        %dma_start3A_376 = arith.constant 7 : i32
        %dma_start3A_377 = arith.constant 875 : i32
        %dma_start3A_378 = arith.constant 0 : i32
        %dma_start3A_379 = tpu.memref_slice %arg12[%dma_start3A_377, %dma_start3A_378] : memref<1000x32xf32, #tpu.memory_space<vmem>> -> memref<125x32xf32, #tpu.memory_space<vmem>>
        %dma_start3A_380 = arith.constant 0 : i32
        %dma_start3A_381 = tpu.memref_slice %arg9[%dma_start3A_376, %dma_start3A_380] : memref<8x125xi32, #tpu.memory_space<vmem>> -> memref<1x125xi32, #tpu.memory_space<vmem>>
        %dma_start3A_382 = tpu.memref_squeeze %dma_start3A_381 : memref<1x125xi32, #tpu.memory_space<vmem>> -> memref<125xi32, #tpu.memory_space<vmem>>
        %dma_start3A_383 = arith.constant 0 : i32
        %dma_start3A_384 = arith.constant 0 : i32
        %dma_start3A_385 = tpu.memref_slice %arg3[%dma_start3A_383, %dma_start3A_384] : memref<50000x32xf32, #tpu.memory_space<hbm>> -> memref<50000x32xf32, #tpu.memory_space<hbm>>
        tpu.enqueue_indirect_dma source(%dma_start3A_385 : memref<50000x32xf32, #tpu.memory_space<hbm>>) target(%dma_start3A_379 : memref<125x32xf32, #tpu.memory_space<vmem>>) offsets(%dma_start3A_382 : memref<125xi32, #tpu.memory_space<vmem>>) semaphore(%arg15 : memref<!tpu.dma_semaphore, #tpu.memory_space<semaphore_mem>>)
      } else {
      }
      %dma_start3A_289 = arith.constant 0 : i32
      %dma_start3A_290 = arith.constant 0 : i32
      %dma_start3A_291 = tpu.memref_slice %arg6[%add3A_251, %dma_start3A_289, %dma_start3A_290] : memref<1600x1000x32xf32, #tpu.memory_space<hbm>> -> memref<1x1000x32xf32, #tpu.memory_space<hbm>>
      %dma_start3A_292 = tpu.memref_squeeze %dma_start3A_291 : memref<1x1000x32xf32, #tpu.memory_space<hbm>> -> memref<1000x32xf32, #tpu.memory_space<hbm>>
      %dma_start3A_293 = arith.constant 0 : i32
      %dma_start3A_294 = arith.constant 0 : i32
      %dma_start3A_295 = tpu.memref_slice %arg6[%add3A_251, %dma_start3A_293, %dma_start3A_294] : memref<1600x1000x32xf32, #tpu.memory_space<hbm>> -> memref<1x1000x32xf32, #tpu.memory_space<hbm>>
      %dma_start3A_296 = tpu.memref_squeeze %dma_start3A_295 : memref<1x1000x32xf32, #tpu.memory_space<hbm>> -> memref<1000x32xf32, #tpu.memory_space<hbm>>
      tpu.enqueue_dma source(%arg11 : memref<1000x32xf32, #tpu.memory_space<vmem>>) target(%dma_start3A_296 : memref<1000x32xf32, #tpu.memory_space<hbm>>) target_semaphore(%arg17 : memref<!tpu.dma_semaphore, #tpu.memory_space<semaphore_mem>>)
      %scan3A_297 = arith.constant 0 : i32
      scf.yield %scan3A_297 : i32
    }
    %scan3A_178 = arith.constant 25 : i32
    %dma_wait3A = arith.constant 0 : i32
    %dma_wait3A_179 = arith.constant 0 : i32
    %dma_wait3A_180 = arith.constant 0 : i32
    %dma_wait3A_181 = tpu.memref_slice %arg6[%dma_wait3A, %dma_wait3A_179, %dma_wait3A_180] : memref<1600x1000x32xf32, #tpu.memory_space<hbm>> -> memref<1x1000x32xf32, #tpu.memory_space<hbm>>
    %dma_wait3A_182 = tpu.memref_squeeze %dma_wait3A_181 : memref<1x1000x32xf32, #tpu.memory_space<hbm>> -> memref<1000x32xf32, #tpu.memory_space<hbm>>
    %dma_wait3A_183 = arith.constant 0 : i32
    %dma_wait3A_184 = arith.constant 0 : i32
    %dma_wait3A_185 = tpu.memref_slice %arg6[%dma_wait3A, %dma_wait3A_183, %dma_wait3A_184] : memref<1600x1000x32xf32, #tpu.memory_space<hbm>> -> memref<1x1000x32xf32, #tpu.memory_space<hbm>>
    %dma_wait3A_186 = tpu.memref_squeeze %dma_wait3A_185 : memref<1x1000x32xf32, #tpu.memory_space<hbm>> -> memref<1000x32xf32, #tpu.memory_space<hbm>>
    tpu.wait_dma2 semaphore(%arg16 : memref<!tpu.dma_semaphore, #tpu.memory_space<semaphore_mem>>) src(%dma_wait3A_186 : memref<1000x32xf32, #tpu.memory_space<hbm>>) dst(%arg10 : memref<1000x32xf32, #tpu.memory_space<vmem>>)
    %dma_wait3A_187 = arith.constant 0 : i32
    %dma_wait3A_188 = arith.constant 0 : i32
    %dma_wait3A_189 = arith.constant 0 : i32
    %dma_wait3A_190 = tpu.memref_slice %arg6[%dma_wait3A_187, %dma_wait3A_188, %dma_wait3A_189] : memref<1600x1000x32xf32, #tpu.memory_space<hbm>> -> memref<1x1000x32xf32, #tpu.memory_space<hbm>>
    %dma_wait3A_191 = tpu.memref_squeeze %dma_wait3A_190 : memref<1x1000x32xf32, #tpu.memory_space<hbm>> -> memref<1000x32xf32, #tpu.memory_space<hbm>>
    %dma_wait3A_192 = arith.constant 0 : i32
    %dma_wait3A_193 = arith.constant 0 : i32
    %dma_wait3A_194 = tpu.memref_slice %arg6[%dma_wait3A_187, %dma_wait3A_192, %dma_wait3A_193] : memref<1600x1000x32xf32, #tpu.memory_space<hbm>> -> memref<1x1000x32xf32, #tpu.memory_space<hbm>>
    %dma_wait3A_195 = tpu.memref_squeeze %dma_wait3A_194 : memref<1x1000x32xf32, #tpu.memory_space<hbm>> -> memref<1000x32xf32, #tpu.memory_space<hbm>>
    tpu.wait_dma2 semaphore(%arg17 : memref<!tpu.dma_semaphore, #tpu.memory_space<semaphore_mem>>) src(%dma_wait3A_195 : memref<1000x32xf32, #tpu.memory_space<hbm>>) dst(%arg11 : memref<1000x32xf32, #tpu.memory_space<vmem>>)
    return
  }
}

#map = affine_map<(d0, d1) -> (0, 0)>
#map1 = affine_map<(d0, d1) -> (0, 0, 0)>
module attributes {stable_mosaic.version = 14 : i64} {
  func.func @_scatter_add(%arg0: i32, %arg1: i32, %arg2: memref<1600x32000xf32, #tpu.memory_space<hbm>>, %arg3: memref<12800x125xi32, #tpu.memory_space<hbm>>, %arg4: memref<2x50000x16xf32, #tpu.memory_space<hbm>>, %arg5: memref<8x125xi32, #tpu.memory_space<vmem>>, %arg6: memref<32000xf32, #tpu.memory_space<vmem>>, %arg7: memref<1000x16xf32, #tpu.memory_space<vmem>>, %arg8: memref<50000x16xf32, #tpu.memory_space<vmem_shared>>) attributes {dimension_semantics = [#tpu.dimension_semantics<core_parallel>, #tpu.dimension_semantics<subcore_parallel>], iteration_bounds = array<i64: 2, 16>, scalar_prefetch = 0 : i64, scratch_operands = 4 : i64, tpu.core_type = #tpu.core_type<sc_vector_subcore>, window_params = [{transform_indices = #map}, {transform_indices = #map}, {transform_indices = #map1}]} {
    %mul3A = arith.constant 2 : i32
    %mul3A_0 = arith.muli %arg1, %mul3A : i32
    %add3A = arith.addi %mul3A_0, %arg0 : i32
    %scan3A = arith.constant 0 : i32
    %scan3A_1 = arith.constant 0 : i32
    %scan3A_2 = arith.constant 250 : i32
    %scan3A_3 = arith.addi %scan3A_1, %scan3A_2 : i32
    %scan3A_4 = arith.constant 1 : i32
    %scan3A_5 = scf.for %scan3A_63 = %scan3A_1 to %scan3A_3 step %scan3A_4 iter_args(%scan3A_64 = %scan3A) -> (i32)  : i32 {
      %broadcast_in_dim3A = arith.constant 0.000000e+00 : f32
      %broadcast_in_dim3A_65 = vector.broadcast %broadcast_in_dim3A : f32 to vector<16xf32>
      %mul3A_66 = arith.constant 4 : i32
      %mul3A_67 = arith.muli %mul3A_66, %scan3A_63 : i32
      %add3A_68 = arith.constant 0 : i32
      %add3A_69 = arith.addi %mul3A_67, %add3A_68 : i32
      %swap3A = arith.index_cast %add3A_69 : i32 to index
      %swap3A_70 = arith.constant 0 : index
      %swap3A_71 = tpu.vector_load %arg7[%swap3A, %swap3A_70] {strides = array<i32>} : memref<1000x16xf32, #tpu.memory_space<vmem>>, vector<1x16xf32>,
      %swap3A_72 = vector.shape_cast %swap3A_71 : vector<1x16xf32> to vector<16xf32>
      %swap3A_73 = vector.shape_cast %broadcast_in_dim3A_65 : vector<16xf32> to vector<1x16xf32>
      tpu.vector_store %arg7[%swap3A, %swap3A_70], %swap3A_73 {strides = array<i32>} : memref<1000x16xf32, #tpu.memory_space<vmem>>, vector<1x16xf32>,
      %broadcast_in_dim3A_74 = arith.constant 0.000000e+00 : f32
      %broadcast_in_dim3A_75 = vector.broadcast %broadcast_in_dim3A_74 : f32 to vector<16xf32>
      %mul3A_76 = arith.constant 4 : i32
      %mul3A_77 = arith.muli %mul3A_76, %scan3A_63 : i32
      %add3A_78 = arith.constant 1 : i32
      %add3A_79 = arith.addi %mul3A_77, %add3A_78 : i32
      %swap3A_80 = arith.index_cast %add3A_79 : i32 to index
      %swap3A_81 = arith.constant 0 : index
      %swap3A_82 = tpu.vector_load %arg7[%swap3A_80, %swap3A_81] {strides = array<i32>} : memref<1000x16xf32, #tpu.memory_space<vmem>>, vector<1x16xf32>,
      %swap3A_83 = vector.shape_cast %swap3A_82 : vector<1x16xf32> to vector<16xf32>
      %swap3A_84 = vector.shape_cast %broadcast_in_dim3A_75 : vector<16xf32> to vector<1x16xf32>
      tpu.vector_store %arg7[%swap3A_80, %swap3A_81], %swap3A_84 {strides = array<i32>} : memref<1000x16xf32, #tpu.memory_space<vmem>>, vector<1x16xf32>,
      %broadcast_in_dim3A_85 = arith.constant 0.000000e+00 : f32
      %broadcast_in_dim3A_86 = vector.broadcast %broadcast_in_dim3A_85 : f32 to vector<16xf32>
      %mul3A_87 = arith.constant 4 : i32
      %mul3A_88 = arith.muli %mul3A_87, %scan3A_63 : i32
      %add3A_89 = arith.constant 2 : i32
      %add3A_90 = arith.addi %mul3A_88, %add3A_89 : i32
      %swap3A_91 = arith.index_cast %add3A_90 : i32 to index
      %swap3A_92 = arith.constant 0 : index
      %swap3A_93 = tpu.vector_load %arg7[%swap3A_91, %swap3A_92] {strides = array<i32>} : memref<1000x16xf32, #tpu.memory_space<vmem>>, vector<1x16xf32>,
      %swap3A_94 = vector.shape_cast %swap3A_93 : vector<1x16xf32> to vector<16xf32>
      %swap3A_95 = vector.shape_cast %broadcast_in_dim3A_86 : vector<16xf32> to vector<1x16xf32>
      tpu.vector_store %arg7[%swap3A_91, %swap3A_92], %swap3A_95 {strides = array<i32>} : memref<1000x16xf32, #tpu.memory_space<vmem>>, vector<1x16xf32>,
      %broadcast_in_dim3A_96 = arith.constant 0.000000e+00 : f32
      %broadcast_in_dim3A_97 = vector.broadcast %broadcast_in_dim3A_96 : f32 to vector<16xf32>
      %mul3A_98 = arith.constant 4 : i32
      %mul3A_99 = arith.muli %mul3A_98, %scan3A_63 : i32
      %add3A_100 = arith.constant 3 : i32
      %add3A_101 = arith.addi %mul3A_99, %add3A_100 : i32
      %swap3A_102 = arith.index_cast %add3A_101 : i32 to index
      %swap3A_103 = arith.constant 0 : index
      %swap3A_104 = tpu.vector_load %arg7[%swap3A_102, %swap3A_103] {strides = array<i32>} : memref<1000x16xf32, #tpu.memory_space<vmem>>, vector<1x16xf32>,
      %swap3A_105 = vector.shape_cast %swap3A_104 : vector<1x16xf32> to vector<16xf32>
      %swap3A_106 = vector.shape_cast %broadcast_in_dim3A_97 : vector<16xf32> to vector<1x16xf32>
      tpu.vector_store %arg7[%swap3A_102, %swap3A_103], %swap3A_106 {strides = array<i32>} : memref<1000x16xf32, #tpu.memory_space<vmem>>, vector<1x16xf32>,
      %scan3A_107 = arith.constant 0 : i32
      scf.yield %scan3A_107 : i32
    }
    %scan3A_6 = arith.constant 250 : i32
    %mul3A_7 = arith.constant 3125 : i32
    %mul3A_8 = arith.muli %arg1, %mul3A_7 : i32
    %add3A_9 = arith.constant 0 : i32
    %add3A_10 = arith.addi %mul3A_8, %add3A_9 : i32
    "tpu.region"() ({
      %run_scoped3A = tpu.sem_alloc : memref<!tpu.dma_semaphore, #tpu.memory_space<semaphore_mem>>
      %dma_start3A = arith.constant 0 : i32
      %dma_start3A_63 = tpu.memref_slice %arg8[%add3A_10, %dma_start3A] : memref<50000x16xf32, #tpu.memory_space<vmem_shared>> -> memref<1000x16xf32, #tpu.memory_space<vmem_shared>>
      %dma_start3A_64 = arith.constant 0 : i32
      %dma_start3A_65 = tpu.memref_slice %arg8[%add3A_10, %dma_start3A_64] : memref<50000x16xf32, #tpu.memory_space<vmem_shared>> -> memref<1000x16xf32, #tpu.memory_space<vmem_shared>>
      tpu.enqueue_dma source(%arg7 : memref<1000x16xf32, #tpu.memory_space<vmem>>) target(%dma_start3A_65 : memref<1000x16xf32, #tpu.memory_space<vmem_shared>>) target_semaphore(%run_scoped3A : memref<!tpu.dma_semaphore, #tpu.memory_space<semaphore_mem>>)
      %dma_wait3A = arith.constant 0 : i32
      %dma_wait3A_66 = tpu.memref_slice %arg8[%add3A_10, %dma_wait3A] : memref<50000x16xf32, #tpu.memory_space<vmem_shared>> -> memref<1000x16xf32, #tpu.memory_space<vmem_shared>>
      %dma_wait3A_67 = arith.constant 0 : i32
      %dma_wait3A_68 = tpu.memref_slice %arg8[%add3A_10, %dma_wait3A_67] : memref<50000x16xf32, #tpu.memory_space<vmem_shared>> -> memref<1000x16xf32, #tpu.memory_space<vmem_shared>>
      tpu.wait_dma2 semaphore(%run_scoped3A : memref<!tpu.dma_semaphore, #tpu.memory_space<semaphore_mem>>) src(%arg7 : memref<1000x16xf32, #tpu.memory_space<vmem>>) dst(%dma_wait3A_68 : memref<1000x16xf32, #tpu.memory_space<vmem_shared>>)
      tpu.yield
    }) : () -> ()
    %mul3A_11 = arith.constant 3125 : i32
    %mul3A_12 = arith.muli %arg1, %mul3A_11 : i32
    %add3A_13 = arith.constant 1000 : i32
    %add3A_14 = arith.addi %mul3A_12, %add3A_13 : i32
    "tpu.region"() ({
      %run_scoped3A = tpu.sem_alloc : memref<!tpu.dma_semaphore, #tpu.memory_space<semaphore_mem>>
      %dma_start3A = arith.constant 0 : i32
      %dma_start3A_63 = tpu.memref_slice %arg8[%add3A_14, %dma_start3A] : memref<50000x16xf32, #tpu.memory_space<vmem_shared>> -> memref<1000x16xf32, #tpu.memory_space<vmem_shared>>
      %dma_start3A_64 = arith.constant 0 : i32
      %dma_start3A_65 = tpu.memref_slice %arg8[%add3A_14, %dma_start3A_64] : memref<50000x16xf32, #tpu.memory_space<vmem_shared>> -> memref<1000x16xf32, #tpu.memory_space<vmem_shared>>
      tpu.enqueue_dma source(%arg7 : memref<1000x16xf32, #tpu.memory_space<vmem>>) target(%dma_start3A_65 : memref<1000x16xf32, #tpu.memory_space<vmem_shared>>) target_semaphore(%run_scoped3A : memref<!tpu.dma_semaphore, #tpu.memory_space<semaphore_mem>>)
      %dma_wait3A = arith.constant 0 : i32
      %dma_wait3A_66 = tpu.memref_slice %arg8[%add3A_14, %dma_wait3A] : memref<50000x16xf32, #tpu.memory_space<vmem_shared>> -> memref<1000x16xf32, #tpu.memory_space<vmem_shared>>
      %dma_wait3A_67 = arith.constant 0 : i32
      %dma_wait3A_68 = tpu.memref_slice %arg8[%add3A_14, %dma_wait3A_67] : memref<50000x16xf32, #tpu.memory_space<vmem_shared>> -> memref<1000x16xf32, #tpu.memory_space<vmem_shared>>
      tpu.wait_dma2 semaphore(%run_scoped3A : memref<!tpu.dma_semaphore, #tpu.memory_space<semaphore_mem>>) src(%arg7 : memref<1000x16xf32, #tpu.memory_space<vmem>>) dst(%dma_wait3A_68 : memref<1000x16xf32, #tpu.memory_space<vmem_shared>>)
      tpu.yield
    }) : () -> ()
    %mul3A_15 = arith.constant 3125 : i32
    %mul3A_16 = arith.muli %arg1, %mul3A_15 : i32
    %add3A_17 = arith.constant 2000 : i32
    %add3A_18 = arith.addi %mul3A_16, %add3A_17 : i32
    "tpu.region"() ({
      %run_scoped3A = tpu.sem_alloc : memref<!tpu.dma_semaphore, #tpu.memory_space<semaphore_mem>>
      %dma_start3A = arith.constant 0 : i32
      %dma_start3A_63 = tpu.memref_slice %arg8[%add3A_18, %dma_start3A] : memref<50000x16xf32, #tpu.memory_space<vmem_shared>> -> memref<1000x16xf32, #tpu.memory_space<vmem_shared>>
      %dma_start3A_64 = arith.constant 0 : i32
      %dma_start3A_65 = tpu.memref_slice %arg8[%add3A_18, %dma_start3A_64] : memref<50000x16xf32, #tpu.memory_space<vmem_shared>> -> memref<1000x16xf32, #tpu.memory_space<vmem_shared>>
      tpu.enqueue_dma source(%arg7 : memref<1000x16xf32, #tpu.memory_space<vmem>>) target(%dma_start3A_65 : memref<1000x16xf32, #tpu.memory_space<vmem_shared>>) target_semaphore(%run_scoped3A : memref<!tpu.dma_semaphore, #tpu.memory_space<semaphore_mem>>)
      %dma_wait3A = arith.constant 0 : i32
      %dma_wait3A_66 = tpu.memref_slice %arg8[%add3A_18, %dma_wait3A] : memref<50000x16xf32, #tpu.memory_space<vmem_shared>> -> memref<1000x16xf32, #tpu.memory_space<vmem_shared>>
      %dma_wait3A_67 = arith.constant 0 : i32
      %dma_wait3A_68 = tpu.memref_slice %arg8[%add3A_18, %dma_wait3A_67] : memref<50000x16xf32, #tpu.memory_space<vmem_shared>> -> memref<1000x16xf32, #tpu.memory_space<vmem_shared>>
      tpu.wait_dma2 semaphore(%run_scoped3A : memref<!tpu.dma_semaphore, #tpu.memory_space<semaphore_mem>>) src(%arg7 : memref<1000x16xf32, #tpu.memory_space<vmem>>) dst(%dma_wait3A_68 : memref<1000x16xf32, #tpu.memory_space<vmem_shared>>)
      tpu.yield
    }) : () -> ()
    %mul3A_19 = arith.constant 3125 : i32
    %mul3A_20 = arith.muli %arg1, %mul3A_19 : i32
    %add3A_21 = arith.constant 3000 : i32
    %add3A_22 = arith.addi %mul3A_20, %add3A_21 : i32
    "tpu.region"() ({
      %run_scoped3A = tpu.sem_alloc : memref<!tpu.dma_semaphore, #tpu.memory_space<semaphore_mem>>
      %dma_start3A = arith.constant 0 : i32
      %dma_start3A_63 = arith.constant 0 : i32
      %dma_start3A_64 = tpu.memref_slice %arg7[%dma_start3A, %dma_start3A_63] : memref<1000x16xf32, #tpu.memory_space<vmem>> -> memref<125x16xf32, #tpu.memory_space<vmem>>
      %dma_start3A_65 = arith.constant 0 : i32
      %dma_start3A_66 = tpu.memref_slice %arg8[%add3A_22, %dma_start3A_65] : memref<50000x16xf32, #tpu.memory_space<vmem_shared>> -> memref<125x16xf32, #tpu.memory_space<vmem_shared>>
      %dma_start3A_67 = arith.constant 0 : i32
      %dma_start3A_68 = tpu.memref_slice %arg8[%add3A_22, %dma_start3A_67] : memref<50000x16xf32, #tpu.memory_space<vmem_shared>> -> memref<125x16xf32, #tpu.memory_space<vmem_shared>>
      %dma_start3A_69 = arith.constant 0 : i32
      %dma_start3A_70 = arith.constant 0 : i32
      %dma_start3A_71 = tpu.memref_slice %arg7[%dma_start3A_69, %dma_start3A_70] : memref<1000x16xf32, #tpu.memory_space<vmem>> -> memref<125x16xf32, #tpu.memory_space<vmem>>
      tpu.enqueue_dma source(%dma_start3A_71 : memref<125x16xf32, #tpu.memory_space<vmem>>) target(%dma_start3A_68 : memref<125x16xf32, #tpu.memory_space<vmem_shared>>) target_semaphore(%run_scoped3A : memref<!tpu.dma_semaphore, #tpu.memory_space<semaphore_mem>>)
      %dma_wait3A = arith.constant 0 : i32
      %dma_wait3A_72 = arith.constant 0 : i32
      %dma_wait3A_73 = tpu.memref_slice %arg7[%dma_wait3A, %dma_wait3A_72] : memref<1000x16xf32, #tpu.memory_space<vmem>> -> memref<125x16xf32, #tpu.memory_space<vmem>>
      %dma_wait3A_74 = arith.constant 0 : i32
      %dma_wait3A_75 = tpu.memref_slice %arg8[%add3A_22, %dma_wait3A_74] : memref<50000x16xf32, #tpu.memory_space<vmem_shared>> -> memref<125x16xf32, #tpu.memory_space<vmem_shared>>
      %dma_wait3A_76 = arith.constant 0 : i32
      %dma_wait3A_77 = tpu.memref_slice %arg8[%add3A_22, %dma_wait3A_76] : memref<50000x16xf32, #tpu.memory_space<vmem_shared>> -> memref<125x16xf32, #tpu.memory_space<vmem_shared>>
      %dma_wait3A_78 = arith.constant 0 : i32
      %dma_wait3A_79 = arith.constant 0 : i32
      %dma_wait3A_80 = tpu.memref_slice %arg7[%dma_wait3A_78, %dma_wait3A_79] : memref<1000x16xf32, #tpu.memory_space<vmem>> -> memref<125x16xf32, #tpu.memory_space<vmem>>
      tpu.wait_dma2 semaphore(%run_scoped3A : memref<!tpu.dma_semaphore, #tpu.memory_space<semaphore_mem>>) src(%dma_wait3A_80 : memref<125x16xf32, #tpu.memory_space<vmem>>) dst(%dma_wait3A_77 : memref<125x16xf32, #tpu.memory_space<vmem_shared>>)
      tpu.yield
    }) : () -> ()
    %barrier3A = arith.constant 0 : index
    tpu.barrier barrier_id(%barrier3A)
    %scan3A_23 = arith.constant 0 : i32
    %scan3A_24 = arith.constant 0 : i32
    %scan3A_25 = arith.constant 50 : i32
    %scan3A_26 = arith.addi %scan3A_24, %scan3A_25 : i32
    %scan3A_27 = arith.constant 1 : i32
    %scan3A_28 = scf.for %scan3A_63 = %scan3A_24 to %scan3A_26 step %scan3A_27 iter_args(%scan3A_64 = %scan3A_23) -> (i32)  : i32 {
      %mul3A_65 = arith.constant 50 : i32
      %mul3A_66 = arith.muli %add3A, %mul3A_65 : i32
      %add3A_67 = arith.addi %mul3A_66, %scan3A_63 : i32
      %mul3A_68 = arith.constant 8 : i32
      %mul3A_69 = arith.muli %mul3A_68, %add3A_67 : i32
      %multiple_of3A = tpu.assume_multiple %mul3A_69, 8 : i32
      "tpu.region"() ({
        %run_scoped3A_85 = tpu.sem_alloc : memref<!tpu.dma_semaphore, #tpu.memory_space<semaphore_mem>>
        %dma_start3A = arith.constant 0 : i32
        %dma_start3A_86 = tpu.memref_slice %arg3[%multiple_of3A, %dma_start3A] : memref<12800x125xi32, #tpu.memory_space<hbm>> -> memref<8x125xi32, #tpu.memory_space<hbm>>
        %dma_start3A_87 = arith.constant 0 : i32
        %dma_start3A_88 = tpu.memref_slice %arg3[%multiple_of3A, %dma_start3A_87] : memref<12800x125xi32, #tpu.memory_space<hbm>> -> memref<8x125xi32, #tpu.memory_space<hbm>>
        tpu.enqueue_dma source(%dma_start3A_88 : memref<8x125xi32, #tpu.memory_space<hbm>>) target(%arg5 : memref<8x125xi32, #tpu.memory_space<vmem>>) target_semaphore(%run_scoped3A_85 : memref<!tpu.dma_semaphore, #tpu.memory_space<semaphore_mem>>)
        %dma_wait3A = arith.constant 0 : i32
        %dma_wait3A_89 = tpu.memref_slice %arg3[%multiple_of3A, %dma_wait3A] : memref<12800x125xi32, #tpu.memory_space<hbm>> -> memref<8x125xi32, #tpu.memory_space<hbm>>
        %dma_wait3A_90 = arith.constant 0 : i32
        %dma_wait3A_91 = tpu.memref_slice %arg3[%multiple_of3A, %dma_wait3A_90] : memref<12800x125xi32, #tpu.memory_space<hbm>> -> memref<8x125xi32, #tpu.memory_space<hbm>>
        tpu.wait_dma2 semaphore(%run_scoped3A_85 : memref<!tpu.dma_semaphore, #tpu.memory_space<semaphore_mem>>) src(%dma_wait3A_91 : memref<8x125xi32, #tpu.memory_space<hbm>>) dst(%arg5 : memref<8x125xi32, #tpu.memory_space<vmem>>)
        tpu.yield
      }) : () -> ()
      "tpu.region"() ({
        %run_scoped3A_85 = tpu.sem_alloc : memref<!tpu.dma_semaphore, #tpu.memory_space<semaphore_mem>>
        %dma_start3A = arith.constant 0 : i32
        %dma_start3A_86 = tpu.memref_slice %arg2[%add3A_67, %dma_start3A] : memref<1600x32000xf32, #tpu.memory_space<hbm>> -> memref<1x32000xf32, #tpu.memory_space<hbm>>
        %dma_start3A_87 = tpu.memref_squeeze %dma_start3A_86 : memref<1x32000xf32, #tpu.memory_space<hbm>> -> memref<32000xf32, #tpu.memory_space<hbm>>
        %dma_start3A_88 = arith.constant 0 : i32
        %dma_start3A_89 = tpu.memref_slice %arg2[%add3A_67, %dma_start3A_88] : memref<1600x32000xf32, #tpu.memory_space<hbm>> -> memref<1x32000xf32, #tpu.memory_space<hbm>>
        %dma_start3A_90 = tpu.memref_squeeze %dma_start3A_89 : memref<1x32000xf32, #tpu.memory_space<hbm>> -> memref<32000xf32, #tpu.memory_space<hbm>>
        tpu.enqueue_dma source(%dma_start3A_90 : memref<32000xf32, #tpu.memory_space<hbm>>) target(%arg6 : memref<32000xf32, #tpu.memory_space<vmem>>) target_semaphore(%run_scoped3A_85 : memref<!tpu.dma_semaphore, #tpu.memory_space<semaphore_mem>>)
        %dma_wait3A = arith.constant 0 : i32
        %dma_wait3A_91 = tpu.memref_slice %arg2[%add3A_67, %dma_wait3A] : memref<1600x32000xf32, #tpu.memory_space<hbm>> -> memref<1x32000xf32, #tpu.memory_space<hbm>>
        %dma_wait3A_92 = tpu.memref_squeeze %dma_wait3A_91 : memref<1x32000xf32, #tpu.memory_space<hbm>> -> memref<32000xf32, #tpu.memory_space<hbm>>
        %dma_wait3A_93 = arith.constant 0 : i32
        %dma_wait3A_94 = tpu.memref_slice %arg2[%add3A_67, %dma_wait3A_93] : memref<1600x32000xf32, #tpu.memory_space<hbm>> -> memref<1x32000xf32, #tpu.memory_space<hbm>>
        %dma_wait3A_95 = tpu.memref_squeeze %dma_wait3A_94 : memref<1x32000xf32, #tpu.memory_space<hbm>> -> memref<32000xf32, #tpu.memory_space<hbm>>
        tpu.wait_dma2 semaphore(%run_scoped3A_85 : memref<!tpu.dma_semaphore, #tpu.memory_space<semaphore_mem>>) src(%dma_wait3A_95 : memref<32000xf32, #tpu.memory_space<hbm>>) dst(%arg6 : memref<32000xf32, #tpu.memory_space<vmem>>)
        tpu.yield
      }) : () -> ()
      %scan3A_70 = arith.constant 0 : i32
      %scan3A_71 = arith.constant 0 : i32
      %scan3A_72 = arith.constant 125 : i32
      %scan3A_73 = arith.addi %scan3A_71, %scan3A_72 : i32
      %scan3A_74 = arith.constant 1 : i32
      %scan3A_75 = scf.for %scan3A_85 = %scan3A_71 to %scan3A_73 step %scan3A_74 iter_args(%scan3A_86 = %scan3A_70) -> (i32)  : i32 {
        %mul3A_87 = arith.constant 256 : i32
        %mul3A_88 = arith.muli %mul3A_87, %scan3A_85 : i32
        %add3A_89 = arith.constant 0 : i32
        %add3A_90 = arith.addi %mul3A_88, %add3A_89 : i32
        %add3A_91 = arith.constant 0 : i32
        %add3A_92 = arith.addi %add3A_90, %add3A_91 : i32
        %get3A = arith.index_cast %add3A_92 : i32 to index
        %get3A_93 = tpu.vector_load %arg6[%get3A] {strides = array<i32>} : memref<32000xf32, #tpu.memory_space<vmem>>, vector<16xf32>,
        %get3A_94 = vector.shape_cast %get3A_93 : vector<16xf32> to vector<16xf32>
        %mul3A_95 = arith.constant 8 : i32
        %mul3A_96 = arith.muli %mul3A_95, %scan3A_85 : i32
        %add3A_97 = arith.constant 0 : i32
        %add3A_98 = arith.addi %mul3A_96, %add3A_97 : i32
        %add3A_99 = arith.constant 0 : i32
        %add3A_100 = arith.addi %add3A_98, %add3A_99 : i32
        %swap3A = arith.index_cast %add3A_100 : i32 to index
        %swap3A_101 = arith.constant 0 : index
        %swap3A_102 = tpu.vector_load %arg7[%swap3A, %swap3A_101] {strides = array<i32>} : memref<1000x16xf32, #tpu.memory_space<vmem>>, vector<1x16xf32>,
        %swap3A_103 = vector.shape_cast %swap3A_102 : vector<1x16xf32> to vector<16xf32>
        %swap3A_104 = vector.shape_cast %get3A_94 : vector<16xf32> to vector<1x16xf32>
        tpu.vector_store %arg7[%swap3A, %swap3A_101], %swap3A_104 {strides = array<i32>} : memref<1000x16xf32, #tpu.memory_space<vmem>>, vector<1x16xf32>,
        %mul3A_105 = arith.constant 256 : i32
        %mul3A_106 = arith.muli %mul3A_105, %scan3A_85 : i32
        %add3A_107 = arith.constant 0 : i32
        %add3A_108 = arith.addi %mul3A_106, %add3A_107 : i32
        %add3A_109 = arith.constant 16 : i32
        %add3A_110 = arith.addi %add3A_108, %add3A_109 : i32
        %get3A_111 = arith.index_cast %add3A_110 : i32 to index
        %get3A_112 = tpu.vector_load %arg6[%get3A_111] {strides = array<i32>} : memref<32000xf32, #tpu.memory_space<vmem>>, vector<16xf32>,
        %get3A_113 = vector.shape_cast %get3A_112 : vector<16xf32> to vector<16xf32>
        %mul3A_114 = arith.constant 8 : i32
        %mul3A_115 = arith.muli %mul3A_114, %scan3A_85 : i32
        %add3A_116 = arith.constant 0 : i32
        %add3A_117 = arith.addi %mul3A_115, %add3A_116 : i32
        %add3A_118 = arith.constant 1 : i32
        %add3A_119 = arith.addi %add3A_117, %add3A_118 : i32
        %swap3A_120 = arith.index_cast %add3A_119 : i32 to index
        %swap3A_121 = arith.constant 0 : index
        %swap3A_122 = tpu.vector_load %arg7[%swap3A_120, %swap3A_121] {strides = array<i32>} : memref<1000x16xf32, #tpu.memory_space<vmem>>, vector<1x16xf32>,
        %swap3A_123 = vector.shape_cast %swap3A_122 : vector<1x16xf32> to vector<16xf32>
        %swap3A_124 = vector.shape_cast %get3A_113 : vector<16xf32> to vector<1x16xf32>
        tpu.vector_store %arg7[%swap3A_120, %swap3A_121], %swap3A_124 {strides = array<i32>} : memref<1000x16xf32, #tpu.memory_space<vmem>>, vector<1x16xf32>,
        %mul3A_125 = arith.constant 256 : i32
        %mul3A_126 = arith.muli %mul3A_125, %scan3A_85 : i32
        %add3A_127 = arith.constant 0 : i32
        %add3A_128 = arith.addi %mul3A_126, %add3A_127 : i32
        %add3A_129 = arith.constant 32 : i32
        %add3A_130 = arith.addi %add3A_128, %add3A_129 : i32
        %get3A_131 = arith.index_cast %add3A_130 : i32 to index
        %get3A_132 = tpu.vector_load %arg6[%get3A_131] {strides = array<i32>} : memref<32000xf32, #tpu.memory_space<vmem>>, vector<16xf32>,
        %get3A_133 = vector.shape_cast %get3A_132 : vector<16xf32> to vector<16xf32>
        %mul3A_134 = arith.constant 8 : i32
        %mul3A_135 = arith.muli %mul3A_134, %scan3A_85 : i32
        %add3A_136 = arith.constant 0 : i32
        %add3A_137 = arith.addi %mul3A_135, %add3A_136 : i32
        %add3A_138 = arith.constant 2 : i32
        %add3A_139 = arith.addi %add3A_137, %add3A_138 : i32
        %swap3A_140 = arith.index_cast %add3A_139 : i32 to index
        %swap3A_141 = arith.constant 0 : index
        %swap3A_142 = tpu.vector_load %arg7[%swap3A_140, %swap3A_141] {strides = array<i32>} : memref<1000x16xf32, #tpu.memory_space<vmem>>, vector<1x16xf32>,
        %swap3A_143 = vector.shape_cast %swap3A_142 : vector<1x16xf32> to vector<16xf32>
        %swap3A_144 = vector.shape_cast %get3A_133 : vector<16xf32> to vector<1x16xf32>
        tpu.vector_store %arg7[%swap3A_140, %swap3A_141], %swap3A_144 {strides = array<i32>} : memref<1000x16xf32, #tpu.memory_space<vmem>>, vector<1x16xf32>,
        %mul3A_145 = arith.constant 256 : i32
        %mul3A_146 = arith.muli %mul3A_145, %scan3A_85 : i32
        %add3A_147 = arith.constant 0 : i32
        %add3A_148 = arith.addi %mul3A_146, %add3A_147 : i32
        %add3A_149 = arith.constant 48 : i32
        %add3A_150 = arith.addi %add3A_148, %add3A_149 : i32
        %get3A_151 = arith.index_cast %add3A_150 : i32 to index
        %get3A_152 = tpu.vector_load %arg6[%get3A_151] {strides = array<i32>} : memref<32000xf32, #tpu.memory_space<vmem>>, vector<16xf32>,
        %get3A_153 = vector.shape_cast %get3A_152 : vector<16xf32> to vector<16xf32>
        %mul3A_154 = arith.constant 8 : i32
        %mul3A_155 = arith.muli %mul3A_154, %scan3A_85 : i32
        %add3A_156 = arith.constant 0 : i32
        %add3A_157 = arith.addi %mul3A_155, %add3A_156 : i32
        %add3A_158 = arith.constant 3 : i32
        %add3A_159 = arith.addi %add3A_157, %add3A_158 : i32
        %swap3A_160 = arith.index_cast %add3A_159 : i32 to index
        %swap3A_161 = arith.constant 0 : index
        %swap3A_162 = tpu.vector_load %arg7[%swap3A_160, %swap3A_161] {strides = array<i32>} : memref<1000x16xf32, #tpu.memory_space<vmem>>, vector<1x16xf32>,
        %swap3A_163 = vector.shape_cast %swap3A_162 : vector<1x16xf32> to vector<16xf32>
        %swap3A_164 = vector.shape_cast %get3A_153 : vector<16xf32> to vector<1x16xf32>
        tpu.vector_store %arg7[%swap3A_160, %swap3A_161], %swap3A_164 {strides = array<i32>} : memref<1000x16xf32, #tpu.memory_space<vmem>>, vector<1x16xf32>,
        %mul3A_165 = arith.constant 256 : i32
        %mul3A_166 = arith.muli %mul3A_165, %scan3A_85 : i32
        %add3A_167 = arith.constant 128 : i32
        %add3A_168 = arith.addi %mul3A_166, %add3A_167 : i32
        %add3A_169 = arith.constant 0 : i32
        %add3A_170 = arith.addi %add3A_168, %add3A_169 : i32
        %get3A_171 = arith.index_cast %add3A_170 : i32 to index
        %get3A_172 = tpu.vector_load %arg6[%get3A_171] {strides = array<i32>} : memref<32000xf32, #tpu.memory_space<vmem>>, vector<16xf32>,
        %get3A_173 = vector.shape_cast %get3A_172 : vector<16xf32> to vector<16xf32>
        %mul3A_174 = arith.constant 8 : i32
        %mul3A_175 = arith.muli %mul3A_174, %scan3A_85 : i32
        %add3A_176 = arith.constant 4 : i32
        %add3A_177 = arith.addi %mul3A_175, %add3A_176 : i32
        %add3A_178 = arith.constant 0 : i32
        %add3A_179 = arith.addi %add3A_177, %add3A_178 : i32
        %swap3A_180 = arith.index_cast %add3A_179 : i32 to index
        %swap3A_181 = arith.constant 0 : index
        %swap3A_182 = tpu.vector_load %arg7[%swap3A_180, %swap3A_181] {strides = array<i32>} : memref<1000x16xf32, #tpu.memory_space<vmem>>, vector<1x16xf32>,
        %swap3A_183 = vector.shape_cast %swap3A_182 : vector<1x16xf32> to vector<16xf32>
        %swap3A_184 = vector.shape_cast %get3A_173 : vector<16xf32> to vector<1x16xf32>
        tpu.vector_store %arg7[%swap3A_180, %swap3A_181], %swap3A_184 {strides = array<i32>} : memref<1000x16xf32, #tpu.memory_space<vmem>>, vector<1x16xf32>,
        %mul3A_185 = arith.constant 256 : i32
        %mul3A_186 = arith.muli %mul3A_185, %scan3A_85 : i32
        %add3A_187 = arith.constant 128 : i32
        %add3A_188 = arith.addi %mul3A_186, %add3A_187 : i32
        %add3A_189 = arith.constant 16 : i32
        %add3A_190 = arith.addi %add3A_188, %add3A_189 : i32
        %get3A_191 = arith.index_cast %add3A_190 : i32 to index
        %get3A_192 = tpu.vector_load %arg6[%get3A_191] {strides = array<i32>} : memref<32000xf32, #tpu.memory_space<vmem>>, vector<16xf32>,
        %get3A_193 = vector.shape_cast %get3A_192 : vector<16xf32> to vector<16xf32>
        %mul3A_194 = arith.constant 8 : i32
        %mul3A_195 = arith.muli %mul3A_194, %scan3A_85 : i32
        %add3A_196 = arith.constant 4 : i32
        %add3A_197 = arith.addi %mul3A_195, %add3A_196 : i32
        %add3A_198 = arith.constant 1 : i32
        %add3A_199 = arith.addi %add3A_197, %add3A_198 : i32
        %swap3A_200 = arith.index_cast %add3A_199 : i32 to index
        %swap3A_201 = arith.constant 0 : index
        %swap3A_202 = tpu.vector_load %arg7[%swap3A_200, %swap3A_201] {strides = array<i32>} : memref<1000x16xf32, #tpu.memory_space<vmem>>, vector<1x16xf32>,
        %swap3A_203 = vector.shape_cast %swap3A_202 : vector<1x16xf32> to vector<16xf32>
        %swap3A_204 = vector.shape_cast %get3A_193 : vector<16xf32> to vector<1x16xf32>
        tpu.vector_store %arg7[%swap3A_200, %swap3A_201], %swap3A_204 {strides = array<i32>} : memref<1000x16xf32, #tpu.memory_space<vmem>>, vector<1x16xf32>,
        %mul3A_205 = arith.constant 256 : i32
        %mul3A_206 = arith.muli %mul3A_205, %scan3A_85 : i32
        %add3A_207 = arith.constant 128 : i32
        %add3A_208 = arith.addi %mul3A_206, %add3A_207 : i32
        %add3A_209 = arith.constant 32 : i32
        %add3A_210 = arith.addi %add3A_208, %add3A_209 : i32
        %get3A_211 = arith.index_cast %add3A_210 : i32 to index
        %get3A_212 = tpu.vector_load %arg6[%get3A_211] {strides = array<i32>} : memref<32000xf32, #tpu.memory_space<vmem>>, vector<16xf32>,
        %get3A_213 = vector.shape_cast %get3A_212 : vector<16xf32> to vector<16xf32>
        %mul3A_214 = arith.constant 8 : i32
        %mul3A_215 = arith.muli %mul3A_214, %scan3A_85 : i32
        %add3A_216 = arith.constant 4 : i32
        %add3A_217 = arith.addi %mul3A_215, %add3A_216 : i32
        %add3A_218 = arith.constant 2 : i32
        %add3A_219 = arith.addi %add3A_217, %add3A_218 : i32
        %swap3A_220 = arith.index_cast %add3A_219 : i32 to index
        %swap3A_221 = arith.constant 0 : index
        %swap3A_222 = tpu.vector_load %arg7[%swap3A_220, %swap3A_221] {strides = array<i32>} : memref<1000x16xf32, #tpu.memory_space<vmem>>, vector<1x16xf32>,
        %swap3A_223 = vector.shape_cast %swap3A_222 : vector<1x16xf32> to vector<16xf32>
        %swap3A_224 = vector.shape_cast %get3A_213 : vector<16xf32> to vector<1x16xf32>
        tpu.vector_store %arg7[%swap3A_220, %swap3A_221], %swap3A_224 {strides = array<i32>} : memref<1000x16xf32, #tpu.memory_space<vmem>>, vector<1x16xf32>,
        %mul3A_225 = arith.constant 256 : i32
        %mul3A_226 = arith.muli %mul3A_225, %scan3A_85 : i32
        %add3A_227 = arith.constant 128 : i32
        %add3A_228 = arith.addi %mul3A_226, %add3A_227 : i32
        %add3A_229 = arith.constant 48 : i32
        %add3A_230 = arith.addi %add3A_228, %add3A_229 : i32
        %get3A_231 = arith.index_cast %add3A_230 : i32 to index
        %get3A_232 = tpu.vector_load %arg6[%get3A_231] {strides = array<i32>} : memref<32000xf32, #tpu.memory_space<vmem>>, vector<16xf32>,
        %get3A_233 = vector.shape_cast %get3A_232 : vector<16xf32> to vector<16xf32>
        %mul3A_234 = arith.constant 8 : i32
        %mul3A_235 = arith.muli %mul3A_234, %scan3A_85 : i32
        %add3A_236 = arith.constant 4 : i32
        %add3A_237 = arith.addi %mul3A_235, %add3A_236 : i32
        %add3A_238 = arith.constant 3 : i32
        %add3A_239 = arith.addi %add3A_237, %add3A_238 : i32
        %swap3A_240 = arith.index_cast %add3A_239 : i32 to index
        %swap3A_241 = arith.constant 0 : index
        %swap3A_242 = tpu.vector_load %arg7[%swap3A_240, %swap3A_241] {strides = array<i32>} : memref<1000x16xf32, #tpu.memory_space<vmem>>, vector<1x16xf32>,
        %swap3A_243 = vector.shape_cast %swap3A_242 : vector<1x16xf32> to vector<16xf32>
        %swap3A_244 = vector.shape_cast %get3A_233 : vector<16xf32> to vector<1x16xf32>
        tpu.vector_store %arg7[%swap3A_240, %swap3A_241], %swap3A_244 {strides = array<i32>} : memref<1000x16xf32, #tpu.memory_space<vmem>>, vector<1x16xf32>,
        %scan3A_245 = arith.constant 0 : i32
        scf.yield %scan3A_245 : i32
      }
      %scan3A_76 = arith.constant 125 : i32
      %run_scoped3A = arith.constant 0 : i32
      "tpu.region"() ({
        %run_scoped3A_85 = tpu.sem_alloc : memref<!tpu.dma_semaphore, #tpu.memory_space<semaphore_mem>>
        %dma_start3A = arith.constant 0 : i32
        %dma_start3A_86 = arith.constant 0 : i32
        %dma_start3A_87 = tpu.memref_slice %arg7[%dma_start3A, %dma_start3A_86] : memref<1000x16xf32, #tpu.memory_space<vmem>> -> memref<125x16xf32, #tpu.memory_space<vmem>>
        %dma_start3A_88 = arith.constant 0 : i32
        %dma_start3A_89 = tpu.memref_slice %arg5[%run_scoped3A, %dma_start3A_88] : memref<8x125xi32, #tpu.memory_space<vmem>> -> memref<1x125xi32, #tpu.memory_space<vmem>>
        %dma_start3A_90 = tpu.memref_squeeze %dma_start3A_89 : memref<1x125xi32, #tpu.memory_space<vmem>> -> memref<125xi32, #tpu.memory_space<vmem>>
        %dma_start3A_91 = arith.constant 0 : i32
        %dma_start3A_92 = arith.constant 0 : i32
        %dma_start3A_93 = tpu.memref_slice %arg8[%dma_start3A_91, %dma_start3A_92] : memref<50000x16xf32, #tpu.memory_space<vmem_shared>> -> memref<50000x16xf32, #tpu.memory_space<vmem_shared>>
        tpu.enqueue_indirect_dma source(%dma_start3A_87 : memref<125x16xf32, #tpu.memory_space<vmem>>) target(%dma_start3A_93 : memref<50000x16xf32, #tpu.memory_space<vmem_shared>>) offsets(%dma_start3A_90 : memref<125xi32, #tpu.memory_space<vmem>>) semaphore(%run_scoped3A_85 : memref<!tpu.dma_semaphore, #tpu.memory_space<semaphore_mem>>) {add = true}
        %dma_wait3A = arith.constant 0 : i32
        %dma_wait3A_94 = arith.constant 0 : i32
        %dma_wait3A_95 = tpu.memref_slice %arg7[%dma_wait3A, %dma_wait3A_94] : memref<1000x16xf32, #tpu.memory_space<vmem>> -> memref<125x16xf32, #tpu.memory_space<vmem>>
        %dma_wait3A_96 = arith.constant 0 : i32
        %dma_wait3A_97 = tpu.memref_slice %arg5[%run_scoped3A, %dma_wait3A_96] : memref<8x125xi32, #tpu.memory_space<vmem>> -> memref<1x125xi32, #tpu.memory_space<vmem>>
        %dma_wait3A_98 = tpu.memref_squeeze %dma_wait3A_97 : memref<1x125xi32, #tpu.memory_space<vmem>> -> memref<125xi32, #tpu.memory_space<vmem>>
        %dma_wait3A_99 = arith.constant 0 : i32
        %dma_wait3A_100 = arith.constant 0 : i32
        %dma_wait3A_101 = tpu.memref_slice %arg8[%dma_wait3A_99, %dma_wait3A_100] : memref<50000x16xf32, #tpu.memory_space<vmem_shared>> -> memref<50000x16xf32, #tpu.memory_space<vmem_shared>>
        tpu.wait_indirect_dma semaphore(%run_scoped3A_85 : memref<!tpu.dma_semaphore, #tpu.memory_space<semaphore_mem>>) src(%dma_wait3A_95 : memref<125x16xf32, #tpu.memory_space<vmem>>) dst(%dma_wait3A_101 : memref<50000x16xf32, #tpu.memory_space<vmem_shared>>)
        tpu.yield
      }) : () -> ()
      %run_scoped3A_77 = arith.constant 1 : i32
      "tpu.region"() ({
        %run_scoped3A_85 = tpu.sem_alloc : memref<!tpu.dma_semaphore, #tpu.memory_space<semaphore_mem>>
        %dma_start3A = arith.constant 125 : i32
        %dma_start3A_86 = arith.constant 0 : i32
        %dma_start3A_87 = tpu.memref_slice %arg7[%dma_start3A, %dma_start3A_86] : memref<1000x16xf32, #tpu.memory_space<vmem>> -> memref<125x16xf32, #tpu.memory_space<vmem>>
        %dma_start3A_88 = arith.constant 0 : i32
        %dma_start3A_89 = tpu.memref_slice %arg5[%run_scoped3A_77, %dma_start3A_88] : memref<8x125xi32, #tpu.memory_space<vmem>> -> memref<1x125xi32, #tpu.memory_space<vmem>>
        %dma_start3A_90 = tpu.memref_squeeze %dma_start3A_89 : memref<1x125xi32, #tpu.memory_space<vmem>> -> memref<125xi32, #tpu.memory_space<vmem>>
        %dma_start3A_91 = arith.constant 0 : i32
        %dma_start3A_92 = arith.constant 0 : i32
        %dma_start3A_93 = tpu.memref_slice %arg8[%dma_start3A_91, %dma_start3A_92] : memref<50000x16xf32, #tpu.memory_space<vmem_shared>> -> memref<50000x16xf32, #tpu.memory_space<vmem_shared>>
        tpu.enqueue_indirect_dma source(%dma_start3A_87 : memref<125x16xf32, #tpu.memory_space<vmem>>) target(%dma_start3A_93 : memref<50000x16xf32, #tpu.memory_space<vmem_shared>>) offsets(%dma_start3A_90 : memref<125xi32, #tpu.memory_space<vmem>>) semaphore(%run_scoped3A_85 : memref<!tpu.dma_semaphore, #tpu.memory_space<semaphore_mem>>) {add = true}
        %dma_wait3A = arith.constant 125 : i32
        %dma_wait3A_94 = arith.constant 0 : i32
        %dma_wait3A_95 = tpu.memref_slice %arg7[%dma_wait3A, %dma_wait3A_94] : memref<1000x16xf32, #tpu.memory_space<vmem>> -> memref<125x16xf32, #tpu.memory_space<vmem>>
        %dma_wait3A_96 = arith.constant 0 : i32
        %dma_wait3A_97 = tpu.memref_slice %arg5[%run_scoped3A_77, %dma_wait3A_96] : memref<8x125xi32, #tpu.memory_space<vmem>> -> memref<1x125xi32, #tpu.memory_space<vmem>>
        %dma_wait3A_98 = tpu.memref_squeeze %dma_wait3A_97 : memref<1x125xi32, #tpu.memory_space<vmem>> -> memref<125xi32, #tpu.memory_space<vmem>>
        %dma_wait3A_99 = arith.constant 0 : i32
        %dma_wait3A_100 = arith.constant 0 : i32
        %dma_wait3A_101 = tpu.memref_slice %arg8[%dma_wait3A_99, %dma_wait3A_100] : memref<50000x16xf32, #tpu.memory_space<vmem_shared>> -> memref<50000x16xf32, #tpu.memory_space<vmem_shared>>
        tpu.wait_indirect_dma semaphore(%run_scoped3A_85 : memref<!tpu.dma_semaphore, #tpu.memory_space<semaphore_mem>>) src(%dma_wait3A_95 : memref<125x16xf32, #tpu.memory_space<vmem>>) dst(%dma_wait3A_101 : memref<50000x16xf32, #tpu.memory_space<vmem_shared>>)
        tpu.yield
      }) : () -> ()
      %run_scoped3A_78 = arith.constant 2 : i32
      "tpu.region"() ({
        %run_scoped3A_85 = tpu.sem_alloc : memref<!tpu.dma_semaphore, #tpu.memory_space<semaphore_mem>>
        %dma_start3A = arith.constant 250 : i32
        %dma_start3A_86 = arith.constant 0 : i32
        %dma_start3A_87 = tpu.memref_slice %arg7[%dma_start3A, %dma_start3A_86] : memref<1000x16xf32, #tpu.memory_space<vmem>> -> memref<125x16xf32, #tpu.memory_space<vmem>>
        %dma_start3A_88 = arith.constant 0 : i32
        %dma_start3A_89 = tpu.memref_slice %arg5[%run_scoped3A_78, %dma_start3A_88] : memref<8x125xi32, #tpu.memory_space<vmem>> -> memref<1x125xi32, #tpu.memory_space<vmem>>
        %dma_start3A_90 = tpu.memref_squeeze %dma_start3A_89 : memref<1x125xi32, #tpu.memory_space<vmem>> -> memref<125xi32, #tpu.memory_space<vmem>>
        %dma_start3A_91 = arith.constant 0 : i32
        %dma_start3A_92 = arith.constant 0 : i32
        %dma_start3A_93 = tpu.memref_slice %arg8[%dma_start3A_91, %dma_start3A_92] : memref<50000x16xf32, #tpu.memory_space<vmem_shared>> -> memref<50000x16xf32, #tpu.memory_space<vmem_shared>>
        tpu.enqueue_indirect_dma source(%dma_start3A_87 : memref<125x16xf32, #tpu.memory_space<vmem>>) target(%dma_start3A_93 : memref<50000x16xf32, #tpu.memory_space<vmem_shared>>) offsets(%dma_start3A_90 : memref<125xi32, #tpu.memory_space<vmem>>) semaphore(%run_scoped3A_85 : memref<!tpu.dma_semaphore, #tpu.memory_space<semaphore_mem>>) {add = true}
        %dma_wait3A = arith.constant 250 : i32
        %dma_wait3A_94 = arith.constant 0 : i32
        %dma_wait3A_95 = tpu.memref_slice %arg7[%dma_wait3A, %dma_wait3A_94] : memref<1000x16xf32, #tpu.memory_space<vmem>> -> memref<125x16xf32, #tpu.memory_space<vmem>>
        %dma_wait3A_96 = arith.constant 0 : i32
        %dma_wait3A_97 = tpu.memref_slice %arg5[%run_scoped3A_78, %dma_wait3A_96] : memref<8x125xi32, #tpu.memory_space<vmem>> -> memref<1x125xi32, #tpu.memory_space<vmem>>
        %dma_wait3A_98 = tpu.memref_squeeze %dma_wait3A_97 : memref<1x125xi32, #tpu.memory_space<vmem>> -> memref<125xi32, #tpu.memory_space<vmem>>
        %dma_wait3A_99 = arith.constant 0 : i32
        %dma_wait3A_100 = arith.constant 0 : i32
        %dma_wait3A_101 = tpu.memref_slice %arg8[%dma_wait3A_99, %dma_wait3A_100] : memref<50000x16xf32, #tpu.memory_space<vmem_shared>> -> memref<50000x16xf32, #tpu.memory_space<vmem_shared>>
        tpu.wait_indirect_dma semaphore(%run_scoped3A_85 : memref<!tpu.dma_semaphore, #tpu.memory_space<semaphore_mem>>) src(%dma_wait3A_95 : memref<125x16xf32, #tpu.memory_space<vmem>>) dst(%dma_wait3A_101 : memref<50000x16xf32, #tpu.memory_space<vmem_shared>>)
        tpu.yield
      }) : () -> ()
      %run_scoped3A_79 = arith.constant 3 : i32
      "tpu.region"() ({
        %run_scoped3A_85 = tpu.sem_alloc : memref<!tpu.dma_semaphore, #tpu.memory_space<semaphore_mem>>
        %dma_start3A = arith.constant 375 : i32
        %dma_start3A_86 = arith.constant 0 : i32
        %dma_start3A_87 = tpu.memref_slice %arg7[%dma_start3A, %dma_start3A_86] : memref<1000x16xf32, #tpu.memory_space<vmem>> -> memref<125x16xf32, #tpu.memory_space<vmem>>
        %dma_start3A_88 = arith.constant 0 : i32
        %dma_start3A_89 = tpu.memref_slice %arg5[%run_scoped3A_79, %dma_start3A_88] : memref<8x125xi32, #tpu.memory_space<vmem>> -> memref<1x125xi32, #tpu.memory_space<vmem>>
        %dma_start3A_90 = tpu.memref_squeeze %dma_start3A_89 : memref<1x125xi32, #tpu.memory_space<vmem>> -> memref<125xi32, #tpu.memory_space<vmem>>
        %dma_start3A_91 = arith.constant 0 : i32
        %dma_start3A_92 = arith.constant 0 : i32
        %dma_start3A_93 = tpu.memref_slice %arg8[%dma_start3A_91, %dma_start3A_92] : memref<50000x16xf32, #tpu.memory_space<vmem_shared>> -> memref<50000x16xf32, #tpu.memory_space<vmem_shared>>
        tpu.enqueue_indirect_dma source(%dma_start3A_87 : memref<125x16xf32, #tpu.memory_space<vmem>>) target(%dma_start3A_93 : memref<50000x16xf32, #tpu.memory_space<vmem_shared>>) offsets(%dma_start3A_90 : memref<125xi32, #tpu.memory_space<vmem>>) semaphore(%run_scoped3A_85 : memref<!tpu.dma_semaphore, #tpu.memory_space<semaphore_mem>>) {add = true}
        %dma_wait3A = arith.constant 375 : i32
        %dma_wait3A_94 = arith.constant 0 : i32
        %dma_wait3A_95 = tpu.memref_slice %arg7[%dma_wait3A, %dma_wait3A_94] : memref<1000x16xf32, #tpu.memory_space<vmem>> -> memref<125x16xf32, #tpu.memory_space<vmem>>
        %dma_wait3A_96 = arith.constant 0 : i32
        %dma_wait3A_97 = tpu.memref_slice %arg5[%run_scoped3A_79, %dma_wait3A_96] : memref<8x125xi32, #tpu.memory_space<vmem>> -> memref<1x125xi32, #tpu.memory_space<vmem>>
        %dma_wait3A_98 = tpu.memref_squeeze %dma_wait3A_97 : memref<1x125xi32, #tpu.memory_space<vmem>> -> memref<125xi32, #tpu.memory_space<vmem>>
        %dma_wait3A_99 = arith.constant 0 : i32
        %dma_wait3A_100 = arith.constant 0 : i32
        %dma_wait3A_101 = tpu.memref_slice %arg8[%dma_wait3A_99, %dma_wait3A_100] : memref<50000x16xf32, #tpu.memory_space<vmem_shared>> -> memref<50000x16xf32, #tpu.memory_space<vmem_shared>>
        tpu.wait_indirect_dma semaphore(%run_scoped3A_85 : memref<!tpu.dma_semaphore, #tpu.memory_space<semaphore_mem>>) src(%dma_wait3A_95 : memref<125x16xf32, #tpu.memory_space<vmem>>) dst(%dma_wait3A_101 : memref<50000x16xf32, #tpu.memory_space<vmem_shared>>)
        tpu.yield
      }) : () -> ()
      %run_scoped3A_80 = arith.constant 4 : i32
      "tpu.region"() ({
        %run_scoped3A_85 = tpu.sem_alloc : memref<!tpu.dma_semaphore, #tpu.memory_space<semaphore_mem>>
        %dma_start3A = arith.constant 500 : i32
        %dma_start3A_86 = arith.constant 0 : i32
        %dma_start3A_87 = tpu.memref_slice %arg7[%dma_start3A, %dma_start3A_86] : memref<1000x16xf32, #tpu.memory_space<vmem>> -> memref<125x16xf32, #tpu.memory_space<vmem>>
        %dma_start3A_88 = arith.constant 0 : i32
        %dma_start3A_89 = tpu.memref_slice %arg5[%run_scoped3A_80, %dma_start3A_88] : memref<8x125xi32, #tpu.memory_space<vmem>> -> memref<1x125xi32, #tpu.memory_space<vmem>>
        %dma_start3A_90 = tpu.memref_squeeze %dma_start3A_89 : memref<1x125xi32, #tpu.memory_space<vmem>> -> memref<125xi32, #tpu.memory_space<vmem>>
        %dma_start3A_91 = arith.constant 0 : i32
        %dma_start3A_92 = arith.constant 0 : i32
        %dma_start3A_93 = tpu.memref_slice %arg8[%dma_start3A_91, %dma_start3A_92] : memref<50000x16xf32, #tpu.memory_space<vmem_shared>> -> memref<50000x16xf32, #tpu.memory_space<vmem_shared>>
        tpu.enqueue_indirect_dma source(%dma_start3A_87 : memref<125x16xf32, #tpu.memory_space<vmem>>) target(%dma_start3A_93 : memref<50000x16xf32, #tpu.memory_space<vmem_shared>>) offsets(%dma_start3A_90 : memref<125xi32, #tpu.memory_space<vmem>>) semaphore(%run_scoped3A_85 : memref<!tpu.dma_semaphore, #tpu.memory_space<semaphore_mem>>) {add = true}
        %dma_wait3A = arith.constant 500 : i32
        %dma_wait3A_94 = arith.constant 0 : i32
        %dma_wait3A_95 = tpu.memref_slice %arg7[%dma_wait3A, %dma_wait3A_94] : memref<1000x16xf32, #tpu.memory_space<vmem>> -> memref<125x16xf32, #tpu.memory_space<vmem>>
        %dma_wait3A_96 = arith.constant 0 : i32
        %dma_wait3A_97 = tpu.memref_slice %arg5[%run_scoped3A_80, %dma_wait3A_96] : memref<8x125xi32, #tpu.memory_space<vmem>> -> memref<1x125xi32, #tpu.memory_space<vmem>>
        %dma_wait3A_98 = tpu.memref_squeeze %dma_wait3A_97 : memref<1x125xi32, #tpu.memory_space<vmem>> -> memref<125xi32, #tpu.memory_space<vmem>>
        %dma_wait3A_99 = arith.constant 0 : i32
        %dma_wait3A_100 = arith.constant 0 : i32
        %dma_wait3A_101 = tpu.memref_slice %arg8[%dma_wait3A_99, %dma_wait3A_100] : memref<50000x16xf32, #tpu.memory_space<vmem_shared>> -> memref<50000x16xf32, #tpu.memory_space<vmem_shared>>
        tpu.wait_indirect_dma semaphore(%run_scoped3A_85 : memref<!tpu.dma_semaphore, #tpu.memory_space<semaphore_mem>>) src(%dma_wait3A_95 : memref<125x16xf32, #tpu.memory_space<vmem>>) dst(%dma_wait3A_101 : memref<50000x16xf32, #tpu.memory_space<vmem_shared>>)
        tpu.yield
      }) : () -> ()
      %run_scoped3A_81 = arith.constant 5 : i32
      "tpu.region"() ({
        %run_scoped3A_85 = tpu.sem_alloc : memref<!tpu.dma_semaphore, #tpu.memory_space<semaphore_mem>>
        %dma_start3A = arith.constant 625 : i32
        %dma_start3A_86 = arith.constant 0 : i32
        %dma_start3A_87 = tpu.memref_slice %arg7[%dma_start3A, %dma_start3A_86] : memref<1000x16xf32, #tpu.memory_space<vmem>> -> memref<125x16xf32, #tpu.memory_space<vmem>>
        %dma_start3A_88 = arith.constant 0 : i32
        %dma_start3A_89 = tpu.memref_slice %arg5[%run_scoped3A_81, %dma_start3A_88] : memref<8x125xi32, #tpu.memory_space<vmem>> -> memref<1x125xi32, #tpu.memory_space<vmem>>
        %dma_start3A_90 = tpu.memref_squeeze %dma_start3A_89 : memref<1x125xi32, #tpu.memory_space<vmem>> -> memref<125xi32, #tpu.memory_space<vmem>>
        %dma_start3A_91 = arith.constant 0 : i32
        %dma_start3A_92 = arith.constant 0 : i32
        %dma_start3A_93 = tpu.memref_slice %arg8[%dma_start3A_91, %dma_start3A_92] : memref<50000x16xf32, #tpu.memory_space<vmem_shared>> -> memref<50000x16xf32, #tpu.memory_space<vmem_shared>>
        tpu.enqueue_indirect_dma source(%dma_start3A_87 : memref<125x16xf32, #tpu.memory_space<vmem>>) target(%dma_start3A_93 : memref<50000x16xf32, #tpu.memory_space<vmem_shared>>) offsets(%dma_start3A_90 : memref<125xi32, #tpu.memory_space<vmem>>) semaphore(%run_scoped3A_85 : memref<!tpu.dma_semaphore, #tpu.memory_space<semaphore_mem>>) {add = true}
        %dma_wait3A = arith.constant 625 : i32
        %dma_wait3A_94 = arith.constant 0 : i32
        %dma_wait3A_95 = tpu.memref_slice %arg7[%dma_wait3A, %dma_wait3A_94] : memref<1000x16xf32, #tpu.memory_space<vmem>> -> memref<125x16xf32, #tpu.memory_space<vmem>>
        %dma_wait3A_96 = arith.constant 0 : i32
        %dma_wait3A_97 = tpu.memref_slice %arg5[%run_scoped3A_81, %dma_wait3A_96] : memref<8x125xi32, #tpu.memory_space<vmem>> -> memref<1x125xi32, #tpu.memory_space<vmem>>
        %dma_wait3A_98 = tpu.memref_squeeze %dma_wait3A_97 : memref<1x125xi32, #tpu.memory_space<vmem>> -> memref<125xi32, #tpu.memory_space<vmem>>
        %dma_wait3A_99 = arith.constant 0 : i32
        %dma_wait3A_100 = arith.constant 0 : i32
        %dma_wait3A_101 = tpu.memref_slice %arg8[%dma_wait3A_99, %dma_wait3A_100] : memref<50000x16xf32, #tpu.memory_space<vmem_shared>> -> memref<50000x16xf32, #tpu.memory_space<vmem_shared>>
        tpu.wait_indirect_dma semaphore(%run_scoped3A_85 : memref<!tpu.dma_semaphore, #tpu.memory_space<semaphore_mem>>) src(%dma_wait3A_95 : memref<125x16xf32, #tpu.memory_space<vmem>>) dst(%dma_wait3A_101 : memref<50000x16xf32, #tpu.memory_space<vmem_shared>>)
        tpu.yield
      }) : () -> ()
      %run_scoped3A_82 = arith.constant 6 : i32
      "tpu.region"() ({
        %run_scoped3A_85 = tpu.sem_alloc : memref<!tpu.dma_semaphore, #tpu.memory_space<semaphore_mem>>
        %dma_start3A = arith.constant 750 : i32
        %dma_start3A_86 = arith.constant 0 : i32
        %dma_start3A_87 = tpu.memref_slice %arg7[%dma_start3A, %dma_start3A_86] : memref<1000x16xf32, #tpu.memory_space<vmem>> -> memref<125x16xf32, #tpu.memory_space<vmem>>
        %dma_start3A_88 = arith.constant 0 : i32
        %dma_start3A_89 = tpu.memref_slice %arg5[%run_scoped3A_82, %dma_start3A_88] : memref<8x125xi32, #tpu.memory_space<vmem>> -> memref<1x125xi32, #tpu.memory_space<vmem>>
        %dma_start3A_90 = tpu.memref_squeeze %dma_start3A_89 : memref<1x125xi32, #tpu.memory_space<vmem>> -> memref<125xi32, #tpu.memory_space<vmem>>
        %dma_start3A_91 = arith.constant 0 : i32
        %dma_start3A_92 = arith.constant 0 : i32
        %dma_start3A_93 = tpu.memref_slice %arg8[%dma_start3A_91, %dma_start3A_92] : memref<50000x16xf32, #tpu.memory_space<vmem_shared>> -> memref<50000x16xf32, #tpu.memory_space<vmem_shared>>
        tpu.enqueue_indirect_dma source(%dma_start3A_87 : memref<125x16xf32, #tpu.memory_space<vmem>>) target(%dma_start3A_93 : memref<50000x16xf32, #tpu.memory_space<vmem_shared>>) offsets(%dma_start3A_90 : memref<125xi32, #tpu.memory_space<vmem>>) semaphore(%run_scoped3A_85 : memref<!tpu.dma_semaphore, #tpu.memory_space<semaphore_mem>>) {add = true}
        %dma_wait3A = arith.constant 750 : i32
        %dma_wait3A_94 = arith.constant 0 : i32
        %dma_wait3A_95 = tpu.memref_slice %arg7[%dma_wait3A, %dma_wait3A_94] : memref<1000x16xf32, #tpu.memory_space<vmem>> -> memref<125x16xf32, #tpu.memory_space<vmem>>
        %dma_wait3A_96 = arith.constant 0 : i32
        %dma_wait3A_97 = tpu.memref_slice %arg5[%run_scoped3A_82, %dma_wait3A_96] : memref<8x125xi32, #tpu.memory_space<vmem>> -> memref<1x125xi32, #tpu.memory_space<vmem>>
        %dma_wait3A_98 = tpu.memref_squeeze %dma_wait3A_97 : memref<1x125xi32, #tpu.memory_space<vmem>> -> memref<125xi32, #tpu.memory_space<vmem>>
        %dma_wait3A_99 = arith.constant 0 : i32
        %dma_wait3A_100 = arith.constant 0 : i32
        %dma_wait3A_101 = tpu.memref_slice %arg8[%dma_wait3A_99, %dma_wait3A_100] : memref<50000x16xf32, #tpu.memory_space<vmem_shared>> -> memref<50000x16xf32, #tpu.memory_space<vmem_shared>>
        tpu.wait_indirect_dma semaphore(%run_scoped3A_85 : memref<!tpu.dma_semaphore, #tpu.memory_space<semaphore_mem>>) src(%dma_wait3A_95 : memref<125x16xf32, #tpu.memory_space<vmem>>) dst(%dma_wait3A_101 : memref<50000x16xf32, #tpu.memory_space<vmem_shared>>)
        tpu.yield
      }) : () -> ()
      %run_scoped3A_83 = arith.constant 7 : i32
      "tpu.region"() ({
        %run_scoped3A_85 = tpu.sem_alloc : memref<!tpu.dma_semaphore, #tpu.memory_space<semaphore_mem>>
        %dma_start3A = arith.constant 875 : i32
        %dma_start3A_86 = arith.constant 0 : i32
        %dma_start3A_87 = tpu.memref_slice %arg7[%dma_start3A, %dma_start3A_86] : memref<1000x16xf32, #tpu.memory_space<vmem>> -> memref<125x16xf32, #tpu.memory_space<vmem>>
        %dma_start3A_88 = arith.constant 0 : i32
        %dma_start3A_89 = tpu.memref_slice %arg5[%run_scoped3A_83, %dma_start3A_88] : memref<8x125xi32, #tpu.memory_space<vmem>> -> memref<1x125xi32, #tpu.memory_space<vmem>>
        %dma_start3A_90 = tpu.memref_squeeze %dma_start3A_89 : memref<1x125xi32, #tpu.memory_space<vmem>> -> memref<125xi32, #tpu.memory_space<vmem>>
        %dma_start3A_91 = arith.constant 0 : i32
        %dma_start3A_92 = arith.constant 0 : i32
        %dma_start3A_93 = tpu.memref_slice %arg8[%dma_start3A_91, %dma_start3A_92] : memref<50000x16xf32, #tpu.memory_space<vmem_shared>> -> memref<50000x16xf32, #tpu.memory_space<vmem_shared>>
        tpu.enqueue_indirect_dma source(%dma_start3A_87 : memref<125x16xf32, #tpu.memory_space<vmem>>) target(%dma_start3A_93 : memref<50000x16xf32, #tpu.memory_space<vmem_shared>>) offsets(%dma_start3A_90 : memref<125xi32, #tpu.memory_space<vmem>>) semaphore(%run_scoped3A_85 : memref<!tpu.dma_semaphore, #tpu.memory_space<semaphore_mem>>) {add = true}
        %dma_wait3A = arith.constant 875 : i32
        %dma_wait3A_94 = arith.constant 0 : i32
        %dma_wait3A_95 = tpu.memref_slice %arg7[%dma_wait3A, %dma_wait3A_94] : memref<1000x16xf32, #tpu.memory_space<vmem>> -> memref<125x16xf32, #tpu.memory_space<vmem>>
        %dma_wait3A_96 = arith.constant 0 : i32
        %dma_wait3A_97 = tpu.memref_slice %arg5[%run_scoped3A_83, %dma_wait3A_96] : memref<8x125xi32, #tpu.memory_space<vmem>> -> memref<1x125xi32, #tpu.memory_space<vmem>>
        %dma_wait3A_98 = tpu.memref_squeeze %dma_wait3A_97 : memref<1x125xi32, #tpu.memory_space<vmem>> -> memref<125xi32, #tpu.memory_space<vmem>>
        %dma_wait3A_99 = arith.constant 0 : i32
        %dma_wait3A_100 = arith.constant 0 : i32
        %dma_wait3A_101 = tpu.memref_slice %arg8[%dma_wait3A_99, %dma_wait3A_100] : memref<50000x16xf32, #tpu.memory_space<vmem_shared>> -> memref<50000x16xf32, #tpu.memory_space<vmem_shared>>
        tpu.wait_indirect_dma semaphore(%run_scoped3A_85 : memref<!tpu.dma_semaphore, #tpu.memory_space<semaphore_mem>>) src(%dma_wait3A_95 : memref<125x16xf32, #tpu.memory_space<vmem>>) dst(%dma_wait3A_101 : memref<50000x16xf32, #tpu.memory_space<vmem_shared>>)
        tpu.yield
      }) : () -> ()
      %scan3A_84 = arith.constant 0 : i32
      scf.yield %scan3A_84 : i32
    }
    %scan3A_29 = arith.constant 50 : i32
    %barrier3A_30 = arith.constant 0 : index
    tpu.barrier barrier_id(%barrier3A_30)
    %mul3A_31 = arith.constant 3125 : i32
    %mul3A_32 = arith.muli %arg1, %mul3A_31 : i32
    %add3A_33 = arith.constant 0 : i32
    %add3A_34 = arith.addi %mul3A_32, %add3A_33 : i32
    "tpu.region"() ({
      %run_scoped3A = tpu.sem_alloc : memref<!tpu.dma_semaphore, #tpu.memory_space<semaphore_mem>>
      %dma_start3A = arith.constant 0 : i32
      %dma_start3A_63 = tpu.memref_slice %arg8[%add3A_34, %dma_start3A] : memref<50000x16xf32, #tpu.memory_space<vmem_shared>> -> memref<1000x16xf32, #tpu.memory_space<vmem_shared>>
      %dma_start3A_64 = arith.constant 0 : i32
      %dma_start3A_65 = tpu.memref_slice %arg8[%add3A_34, %dma_start3A_64] : memref<50000x16xf32, #tpu.memory_space<vmem_shared>> -> memref<1000x16xf32, #tpu.memory_space<vmem_shared>>
      tpu.enqueue_dma source(%dma_start3A_65 : memref<1000x16xf32, #tpu.memory_space<vmem_shared>>) target(%arg7 : memref<1000x16xf32, #tpu.memory_space<vmem>>) target_semaphore(%run_scoped3A : memref<!tpu.dma_semaphore, #tpu.memory_space<semaphore_mem>>)
      %dma_wait3A = arith.constant 0 : i32
      %dma_wait3A_66 = tpu.memref_slice %arg8[%add3A_34, %dma_wait3A] : memref<50000x16xf32, #tpu.memory_space<vmem_shared>> -> memref<1000x16xf32, #tpu.memory_space<vmem_shared>>
      %dma_wait3A_67 = arith.constant 0 : i32
      %dma_wait3A_68 = tpu.memref_slice %arg8[%add3A_34, %dma_wait3A_67] : memref<50000x16xf32, #tpu.memory_space<vmem_shared>> -> memref<1000x16xf32, #tpu.memory_space<vmem_shared>>
      tpu.wait_dma2 semaphore(%run_scoped3A : memref<!tpu.dma_semaphore, #tpu.memory_space<semaphore_mem>>) src(%dma_wait3A_68 : memref<1000x16xf32, #tpu.memory_space<vmem_shared>>) dst(%arg7 : memref<1000x16xf32, #tpu.memory_space<vmem>>)
      tpu.yield
    }) : () -> ()
    %mul3A_35 = arith.constant 3125 : i32
    %mul3A_36 = arith.muli %arg1, %mul3A_35 : i32
    %add3A_37 = arith.constant 0 : i32
    %add3A_38 = arith.addi %mul3A_36, %add3A_37 : i32
    "tpu.region"() ({
      %run_scoped3A = tpu.sem_alloc : memref<!tpu.dma_semaphore, #tpu.memory_space<semaphore_mem>>
      %dma_start3A = arith.constant 0 : i32
      %dma_start3A_63 = tpu.memref_slice %arg4[%arg0, %add3A_38, %dma_start3A] : memref<2x50000x16xf32, #tpu.memory_space<hbm>> -> memref<1x1000x16xf32, #tpu.memory_space<hbm>>
      %dma_start3A_64 = tpu.memref_squeeze %dma_start3A_63 : memref<1x1000x16xf32, #tpu.memory_space<hbm>> -> memref<1000x16xf32, #tpu.memory_space<hbm>>
      %dma_start3A_65 = arith.constant 0 : i32
      %dma_start3A_66 = tpu.memref_slice %arg4[%arg0, %add3A_38, %dma_start3A_65] : memref<2x50000x16xf32, #tpu.memory_space<hbm>> -> memref<1x1000x16xf32, #tpu.memory_space<hbm>>
      %dma_start3A_67 = tpu.memref_squeeze %dma_start3A_66 : memref<1x1000x16xf32, #tpu.memory_space<hbm>> -> memref<1000x16xf32, #tpu.memory_space<hbm>>
      tpu.enqueue_dma source(%arg7 : memref<1000x16xf32, #tpu.memory_space<vmem>>) target(%dma_start3A_67 : memref<1000x16xf32, #tpu.memory_space<hbm>>) target_semaphore(%run_scoped3A : memref<!tpu.dma_semaphore, #tpu.memory_space<semaphore_mem>>)
      %dma_wait3A = arith.constant 0 : i32
      %dma_wait3A_68 = tpu.memref_slice %arg4[%arg0, %add3A_38, %dma_wait3A] : memref<2x50000x16xf32, #tpu.memory_space<hbm>> -> memref<1x1000x16xf32, #tpu.memory_space<hbm>>
      %dma_wait3A_69 = tpu.memref_squeeze %dma_wait3A_68 : memref<1x1000x16xf32, #tpu.memory_space<hbm>> -> memref<1000x16xf32, #tpu.memory_space<hbm>>
      %dma_wait3A_70 = arith.constant 0 : i32
      %dma_wait3A_71 = tpu.memref_slice %arg4[%arg0, %add3A_38, %dma_wait3A_70] : memref<2x50000x16xf32, #tpu.memory_space<hbm>> -> memref<1x1000x16xf32, #tpu.memory_space<hbm>>
      %dma_wait3A_72 = tpu.memref_squeeze %dma_wait3A_71 : memref<1x1000x16xf32, #tpu.memory_space<hbm>> -> memref<1000x16xf32, #tpu.memory_space<hbm>>
      tpu.wait_dma2 semaphore(%run_scoped3A : memref<!tpu.dma_semaphore, #tpu.memory_space<semaphore_mem>>) src(%arg7 : memref<1000x16xf32, #tpu.memory_space<vmem>>) dst(%dma_wait3A_72 : memref<1000x16xf32, #tpu.memory_space<hbm>>)
      tpu.yield
    }) : () -> ()
    %mul3A_39 = arith.constant 3125 : i32
    %mul3A_40 = arith.muli %arg1, %mul3A_39 : i32
    %add3A_41 = arith.constant 1000 : i32
    %add3A_42 = arith.addi %mul3A_40, %add3A_41 : i32
    "tpu.region"() ({
      %run_scoped3A = tpu.sem_alloc : memref<!tpu.dma_semaphore, #tpu.memory_space<semaphore_mem>>
      %dma_start3A = arith.constant 0 : i32
      %dma_start3A_63 = tpu.memref_slice %arg8[%add3A_42, %dma_start3A] : memref<50000x16xf32, #tpu.memory_space<vmem_shared>> -> memref<1000x16xf32, #tpu.memory_space<vmem_shared>>
      %dma_start3A_64 = arith.constant 0 : i32
      %dma_start3A_65 = tpu.memref_slice %arg8[%add3A_42, %dma_start3A_64] : memref<50000x16xf32, #tpu.memory_space<vmem_shared>> -> memref<1000x16xf32, #tpu.memory_space<vmem_shared>>
      tpu.enqueue_dma source(%dma_start3A_65 : memref<1000x16xf32, #tpu.memory_space<vmem_shared>>) target(%arg7 : memref<1000x16xf32, #tpu.memory_space<vmem>>) target_semaphore(%run_scoped3A : memref<!tpu.dma_semaphore, #tpu.memory_space<semaphore_mem>>)
      %dma_wait3A = arith.constant 0 : i32
      %dma_wait3A_66 = tpu.memref_slice %arg8[%add3A_42, %dma_wait3A] : memref<50000x16xf32, #tpu.memory_space<vmem_shared>> -> memref<1000x16xf32, #tpu.memory_space<vmem_shared>>
      %dma_wait3A_67 = arith.constant 0 : i32
      %dma_wait3A_68 = tpu.memref_slice %arg8[%add3A_42, %dma_wait3A_67] : memref<50000x16xf32, #tpu.memory_space<vmem_shared>> -> memref<1000x16xf32, #tpu.memory_space<vmem_shared>>
      tpu.wait_dma2 semaphore(%run_scoped3A : memref<!tpu.dma_semaphore, #tpu.memory_space<semaphore_mem>>) src(%dma_wait3A_68 : memref<1000x16xf32, #tpu.memory_space<vmem_shared>>) dst(%arg7 : memref<1000x16xf32, #tpu.memory_space<vmem>>)
      tpu.yield
    }) : () -> ()
    %mul3A_43 = arith.constant 3125 : i32
    %mul3A_44 = arith.muli %arg1, %mul3A_43 : i32
    %add3A_45 = arith.constant 1000 : i32
    %add3A_46 = arith.addi %mul3A_44, %add3A_45 : i32
    "tpu.region"() ({
      %run_scoped3A = tpu.sem_alloc : memref<!tpu.dma_semaphore, #tpu.memory_space<semaphore_mem>>
      %dma_start3A = arith.constant 0 : i32
      %dma_start3A_63 = tpu.memref_slice %arg4[%arg0, %add3A_46, %dma_start3A] : memref<2x50000x16xf32, #tpu.memory_space<hbm>> -> memref<1x1000x16xf32, #tpu.memory_space<hbm>>
      %dma_start3A_64 = tpu.memref_squeeze %dma_start3A_63 : memref<1x1000x16xf32, #tpu.memory_space<hbm>> -> memref<1000x16xf32, #tpu.memory_space<hbm>>
      %dma_start3A_65 = arith.constant 0 : i32
      %dma_start3A_66 = tpu.memref_slice %arg4[%arg0, %add3A_46, %dma_start3A_65] : memref<2x50000x16xf32, #tpu.memory_space<hbm>> -> memref<1x1000x16xf32, #tpu.memory_space<hbm>>
      %dma_start3A_67 = tpu.memref_squeeze %dma_start3A_66 : memref<1x1000x16xf32, #tpu.memory_space<hbm>> -> memref<1000x16xf32, #tpu.memory_space<hbm>>
      tpu.enqueue_dma source(%arg7 : memref<1000x16xf32, #tpu.memory_space<vmem>>) target(%dma_start3A_67 : memref<1000x16xf32, #tpu.memory_space<hbm>>) target_semaphore(%run_scoped3A : memref<!tpu.dma_semaphore, #tpu.memory_space<semaphore_mem>>)
      %dma_wait3A = arith.constant 0 : i32
      %dma_wait3A_68 = tpu.memref_slice %arg4[%arg0, %add3A_46, %dma_wait3A] : memref<2x50000x16xf32, #tpu.memory_space<hbm>> -> memref<1x1000x16xf32, #tpu.memory_space<hbm>>
      %dma_wait3A_69 = tpu.memref_squeeze %dma_wait3A_68 : memref<1x1000x16xf32, #tpu.memory_space<hbm>> -> memref<1000x16xf32, #tpu.memory_space<hbm>>
      %dma_wait3A_70 = arith.constant 0 : i32
      %dma_wait3A_71 = tpu.memref_slice %arg4[%arg0, %add3A_46, %dma_wait3A_70] : memref<2x50000x16xf32, #tpu.memory_space<hbm>> -> memref<1x1000x16xf32, #tpu.memory_space<hbm>>
      %dma_wait3A_72 = tpu.memref_squeeze %dma_wait3A_71 : memref<1x1000x16xf32, #tpu.memory_space<hbm>> -> memref<1000x16xf32, #tpu.memory_space<hbm>>
      tpu.wait_dma2 semaphore(%run_scoped3A : memref<!tpu.dma_semaphore, #tpu.memory_space<semaphore_mem>>) src(%arg7 : memref<1000x16xf32, #tpu.memory_space<vmem>>) dst(%dma_wait3A_72 : memref<1000x16xf32, #tpu.memory_space<hbm>>)
      tpu.yield
    }) : () -> ()
    %mul3A_47 = arith.constant 3125 : i32
    %mul3A_48 = arith.muli %arg1, %mul3A_47 : i32
    %add3A_49 = arith.constant 2000 : i32
    %add3A_50 = arith.addi %mul3A_48, %add3A_49 : i32
    "tpu.region"() ({
      %run_scoped3A = tpu.sem_alloc : memref<!tpu.dma_semaphore, #tpu.memory_space<semaphore_mem>>
      %dma_start3A = arith.constant 0 : i32
      %dma_start3A_63 = tpu.memref_slice %arg8[%add3A_50, %dma_start3A] : memref<50000x16xf32, #tpu.memory_space<vmem_shared>> -> memref<1000x16xf32, #tpu.memory_space<vmem_shared>>
      %dma_start3A_64 = arith.constant 0 : i32
      %dma_start3A_65 = tpu.memref_slice %arg8[%add3A_50, %dma_start3A_64] : memref<50000x16xf32, #tpu.memory_space<vmem_shared>> -> memref<1000x16xf32, #tpu.memory_space<vmem_shared>>
      tpu.enqueue_dma source(%dma_start3A_65 : memref<1000x16xf32, #tpu.memory_space<vmem_shared>>) target(%arg7 : memref<1000x16xf32, #tpu.memory_space<vmem>>) target_semaphore(%run_scoped3A : memref<!tpu.dma_semaphore, #tpu.memory_space<semaphore_mem>>)
      %dma_wait3A = arith.constant 0 : i32
      %dma_wait3A_66 = tpu.memref_slice %arg8[%add3A_50, %dma_wait3A] : memref<50000x16xf32, #tpu.memory_space<vmem_shared>> -> memref<1000x16xf32, #tpu.memory_space<vmem_shared>>
      %dma_wait3A_67 = arith.constant 0 : i32
      %dma_wait3A_68 = tpu.memref_slice %arg8[%add3A_50, %dma_wait3A_67] : memref<50000x16xf32, #tpu.memory_space<vmem_shared>> -> memref<1000x16xf32, #tpu.memory_space<vmem_shared>>
      tpu.wait_dma2 semaphore(%run_scoped3A : memref<!tpu.dma_semaphore, #tpu.memory_space<semaphore_mem>>) src(%dma_wait3A_68 : memref<1000x16xf32, #tpu.memory_space<vmem_shared>>) dst(%arg7 : memref<1000x16xf32, #tpu.memory_space<vmem>>)
      tpu.yield
    }) : () -> ()
    %mul3A_51 = arith.constant 3125 : i32
    %mul3A_52 = arith.muli %arg1, %mul3A_51 : i32
    %add3A_53 = arith.constant 2000 : i32
    %add3A_54 = arith.addi %mul3A_52, %add3A_53 : i32
    "tpu.region"() ({
      %run_scoped3A = tpu.sem_alloc : memref<!tpu.dma_semaphore, #tpu.memory_space<semaphore_mem>>
      %dma_start3A = arith.constant 0 : i32
      %dma_start3A_63 = tpu.memref_slice %arg4[%arg0, %add3A_54, %dma_start3A] : memref<2x50000x16xf32, #tpu.memory_space<hbm>> -> memref<1x1000x16xf32, #tpu.memory_space<hbm>>
      %dma_start3A_64 = tpu.memref_squeeze %dma_start3A_63 : memref<1x1000x16xf32, #tpu.memory_space<hbm>> -> memref<1000x16xf32, #tpu.memory_space<hbm>>
      %dma_start3A_65 = arith.constant 0 : i32
      %dma_start3A_66 = tpu.memref_slice %arg4[%arg0, %add3A_54, %dma_start3A_65] : memref<2x50000x16xf32, #tpu.memory_space<hbm>> -> memref<1x1000x16xf32, #tpu.memory_space<hbm>>
      %dma_start3A_67 = tpu.memref_squeeze %dma_start3A_66 : memref<1x1000x16xf32, #tpu.memory_space<hbm>> -> memref<1000x16xf32, #tpu.memory_space<hbm>>
      tpu.enqueue_dma source(%arg7 : memref<1000x16xf32, #tpu.memory_space<vmem>>) target(%dma_start3A_67 : memref<1000x16xf32, #tpu.memory_space<hbm>>) target_semaphore(%run_scoped3A : memref<!tpu.dma_semaphore, #tpu.memory_space<semaphore_mem>>)
      %dma_wait3A = arith.constant 0 : i32
      %dma_wait3A_68 = tpu.memref_slice %arg4[%arg0, %add3A_54, %dma_wait3A] : memref<2x50000x16xf32, #tpu.memory_space<hbm>> -> memref<1x1000x16xf32, #tpu.memory_space<hbm>>
      %dma_wait3A_69 = tpu.memref_squeeze %dma_wait3A_68 : memref<1x1000x16xf32, #tpu.memory_space<hbm>> -> memref<1000x16xf32, #tpu.memory_space<hbm>>
      %dma_wait3A_70 = arith.constant 0 : i32
      %dma_wait3A_71 = tpu.memref_slice %arg4[%arg0, %add3A_54, %dma_wait3A_70] : memref<2x50000x16xf32, #tpu.memory_space<hbm>> -> memref<1x1000x16xf32, #tpu.memory_space<hbm>>
      %dma_wait3A_72 = tpu.memref_squeeze %dma_wait3A_71 : memref<1x1000x16xf32, #tpu.memory_space<hbm>> -> memref<1000x16xf32, #tpu.memory_space<hbm>>
      tpu.wait_dma2 semaphore(%run_scoped3A : memref<!tpu.dma_semaphore, #tpu.memory_space<semaphore_mem>>) src(%arg7 : memref<1000x16xf32, #tpu.memory_space<vmem>>) dst(%dma_wait3A_72 : memref<1000x16xf32, #tpu.memory_space<hbm>>)
      tpu.yield
    }) : () -> ()
    %mul3A_55 = arith.constant 3125 : i32
    %mul3A_56 = arith.muli %arg1, %mul3A_55 : i32
    %add3A_57 = arith.constant 3000 : i32
    %add3A_58 = arith.addi %mul3A_56, %add3A_57 : i32
    "tpu.region"() ({
      %run_scoped3A = tpu.sem_alloc : memref<!tpu.dma_semaphore, #tpu.memory_space<semaphore_mem>>
      %dma_start3A = arith.constant 0 : i32
      %dma_start3A_63 = arith.constant 0 : i32
      %dma_start3A_64 = tpu.memref_slice %arg7[%dma_start3A, %dma_start3A_63] : memref<1000x16xf32, #tpu.memory_space<vmem>> -> memref<125x16xf32, #tpu.memory_space<vmem>>
      %dma_start3A_65 = arith.constant 0 : i32
      %dma_start3A_66 = tpu.memref_slice %arg8[%add3A_58, %dma_start3A_65] : memref<50000x16xf32, #tpu.memory_space<vmem_shared>> -> memref<125x16xf32, #tpu.memory_space<vmem_shared>>
      %dma_start3A_67 = arith.constant 0 : i32
      %dma_start3A_68 = arith.constant 0 : i32
      %dma_start3A_69 = tpu.memref_slice %arg7[%dma_start3A_67, %dma_start3A_68] : memref<1000x16xf32, #tpu.memory_space<vmem>> -> memref<125x16xf32, #tpu.memory_space<vmem>>
      %dma_start3A_70 = arith.constant 0 : i32
      %dma_start3A_71 = tpu.memref_slice %arg8[%add3A_58, %dma_start3A_70] : memref<50000x16xf32, #tpu.memory_space<vmem_shared>> -> memref<125x16xf32, #tpu.memory_space<vmem_shared>>
      tpu.enqueue_dma source(%dma_start3A_71 : memref<125x16xf32, #tpu.memory_space<vmem_shared>>) target(%dma_start3A_69 : memref<125x16xf32, #tpu.memory_space<vmem>>) target_semaphore(%run_scoped3A : memref<!tpu.dma_semaphore, #tpu.memory_space<semaphore_mem>>)
      %dma_wait3A = arith.constant 0 : i32
      %dma_wait3A_72 = arith.constant 0 : i32
      %dma_wait3A_73 = tpu.memref_slice %arg7[%dma_wait3A, %dma_wait3A_72] : memref<1000x16xf32, #tpu.memory_space<vmem>> -> memref<125x16xf32, #tpu.memory_space<vmem>>
      %dma_wait3A_74 = arith.constant 0 : i32
      %dma_wait3A_75 = tpu.memref_slice %arg8[%add3A_58, %dma_wait3A_74] : memref<50000x16xf32, #tpu.memory_space<vmem_shared>> -> memref<125x16xf32, #tpu.memory_space<vmem_shared>>
      %dma_wait3A_76 = arith.constant 0 : i32
      %dma_wait3A_77 = arith.constant 0 : i32
      %dma_wait3A_78 = tpu.memref_slice %arg7[%dma_wait3A_76, %dma_wait3A_77] : memref<1000x16xf32, #tpu.memory_space<vmem>> -> memref<125x16xf32, #tpu.memory_space<vmem>>
      %dma_wait3A_79 = arith.constant 0 : i32
      %dma_wait3A_80 = tpu.memref_slice %arg8[%add3A_58, %dma_wait3A_79] : memref<50000x16xf32, #tpu.memory_space<vmem_shared>> -> memref<125x16xf32, #tpu.memory_space<vmem_shared>>
      tpu.wait_dma2 semaphore(%run_scoped3A : memref<!tpu.dma_semaphore, #tpu.memory_space<semaphore_mem>>) src(%dma_wait3A_80 : memref<125x16xf32, #tpu.memory_space<vmem_shared>>) dst(%dma_wait3A_78 : memref<125x16xf32, #tpu.memory_space<vmem>>)
      tpu.yield
    }) : () -> ()
    %mul3A_59 = arith.constant 3125 : i32
    %mul3A_60 = arith.muli %arg1, %mul3A_59 : i32
    %add3A_61 = arith.constant 3000 : i32
    %add3A_62 = arith.addi %mul3A_60, %add3A_61 : i32
    "tpu.region"() ({
      %run_scoped3A = tpu.sem_alloc : memref<!tpu.dma_semaphore, #tpu.memory_space<semaphore_mem>>
      %dma_start3A = arith.constant 0 : i32
      %dma_start3A_63 = arith.constant 0 : i32
      %dma_start3A_64 = tpu.memref_slice %arg7[%dma_start3A, %dma_start3A_63] : memref<1000x16xf32, #tpu.memory_space<vmem>> -> memref<125x16xf32, #tpu.memory_space<vmem>>
      %dma_start3A_65 = arith.constant 0 : i32
      %dma_start3A_66 = tpu.memref_slice %arg4[%arg0, %add3A_62, %dma_start3A_65] : memref<2x50000x16xf32, #tpu.memory_space<hbm>> -> memref<1x125x16xf32, #tpu.memory_space<hbm>>
      %dma_start3A_67 = tpu.memref_squeeze %dma_start3A_66 : memref<1x125x16xf32, #tpu.memory_space<hbm>> -> memref<125x16xf32, #tpu.memory_space<hbm>>
      %dma_start3A_68 = arith.constant 0 : i32
      %dma_start3A_69 = tpu.memref_slice %arg4[%arg0, %add3A_62, %dma_start3A_68] : memref<2x50000x16xf32, #tpu.memory_space<hbm>> -> memref<1x125x16xf32, #tpu.memory_space<hbm>>
      %dma_start3A_70 = tpu.memref_squeeze %dma_start3A_69 : memref<1x125x16xf32, #tpu.memory_space<hbm>> -> memref<125x16xf32, #tpu.memory_space<hbm>>
      %dma_start3A_71 = arith.constant 0 : i32
      %dma_start3A_72 = arith.constant 0 : i32
      %dma_start3A_73 = tpu.memref_slice %arg7[%dma_start3A_71, %dma_start3A_72] : memref<1000x16xf32, #tpu.memory_space<vmem>> -> memref<125x16xf32, #tpu.memory_space<vmem>>
      tpu.enqueue_dma source(%dma_start3A_73 : memref<125x16xf32, #tpu.memory_space<vmem>>) target(%dma_start3A_70 : memref<125x16xf32, #tpu.memory_space<hbm>>) target_semaphore(%run_scoped3A : memref<!tpu.dma_semaphore, #tpu.memory_space<semaphore_mem>>)
      %dma_wait3A = arith.constant 0 : i32
      %dma_wait3A_74 = arith.constant 0 : i32
      %dma_wait3A_75 = tpu.memref_slice %arg7[%dma_wait3A, %dma_wait3A_74] : memref<1000x16xf32, #tpu.memory_space<vmem>> -> memref<125x16xf32, #tpu.memory_space<vmem>>
      %dma_wait3A_76 = arith.constant 0 : i32
      %dma_wait3A_77 = tpu.memref_slice %arg4[%arg0, %add3A_62, %dma_wait3A_76] : memref<2x50000x16xf32, #tpu.memory_space<hbm>> -> memref<1x125x16xf32, #tpu.memory_space<hbm>>
      %dma_wait3A_78 = tpu.memref_squeeze %dma_wait3A_77 : memref<1x125x16xf32, #tpu.memory_space<hbm>> -> memref<125x16xf32, #tpu.memory_space<hbm>>
      %dma_wait3A_79 = arith.constant 0 : i32
      %dma_wait3A_80 = tpu.memref_slice %arg4[%arg0, %add3A_62, %dma_wait3A_79] : memref<2x50000x16xf32, #tpu.memory_space<hbm>> -> memref<1x125x16xf32, #tpu.memory_space<hbm>>
      %dma_wait3A_81 = tpu.memref_squeeze %dma_wait3A_80 : memref<1x125x16xf32, #tpu.memory_space<hbm>> -> memref<125x16xf32, #tpu.memory_space<hbm>>
      %dma_wait3A_82 = arith.constant 0 : i32
      %dma_wait3A_83 = arith.constant 0 : i32
      %dma_wait3A_84 = tpu.memref_slice %arg7[%dma_wait3A_82, %dma_wait3A_83] : memref<1000x16xf32, #tpu.memory_space<vmem>> -> memref<125x16xf32, #tpu.memory_space<vmem>>
      tpu.wait_dma2 semaphore(%run_scoped3A : memref<!tpu.dma_semaphore, #tpu.memory_space<semaphore_mem>>) src(%dma_wait3A_84 : memref<125x16xf32, #tpu.memory_space<vmem>>) dst(%dma_wait3A_81 : memref<125x16xf32, #tpu.memory_space<hbm>>)
      tpu.yield
    }) : () -> ()
    return
  }
}

#map = affine_map<(d0, d1) -> (0, 0)>
#map1 = affine_map<(d0, d1) -> (0, 0, 0)>
module attributes {stable_mosaic.version = 14 : i64} {
  func.func @_gather_add(%arg0: i32, %arg1: i32, %arg2: memref<50000x32xf32, #tpu.memory_space<hbm>>, %arg3: memref<50000x32xf32, #tpu.memory_space<hbm>>, %arg4: memref<12800x125xi32, #tpu.memory_space<hbm>>, %arg5: memref<12800x125xi32, #tpu.memory_space<hbm>>, %arg6: memref<1600x1000x32xf32, #tpu.memory_space<hbm>>, %arg7: memref<8x125xi32, #tpu.memory_space<vmem>>, %arg8: memref<8x125xi32, #tpu.memory_space<vmem>>, %arg9: memref<8x125xi32, #tpu.memory_space<vmem>>, %arg10: memref<1000x32xf32, #tpu.memory_space<vmem>>, %arg11: memref<1000x32xf32, #tpu.memory_space<vmem>>, %arg12: memref<1000x32xf32, #tpu.memory_space<vmem>>, %arg13: memref<!tpu.dma_semaphore, #tpu.memory_space<semaphore_mem>>, %arg14: memref<!tpu.dma_semaphore, #tpu.memory_space<semaphore_mem>>, %arg15: memref<!tpu.dma_semaphore, #tpu.memory_space<semaphore_mem>>, %arg16: memref<!tpu.dma_semaphore, #tpu.memory_space<semaphore_mem>>, %arg17: memref<!tpu.dma_semaphore, #tpu.memory_space<semaphore_mem>>) attributes {dimension_semantics = [#tpu.dimension_semantics<core_parallel>, #tpu.dimension_semantics<subcore_parallel>], iteration_bounds = array<i64: 2, 16>, scalar_prefetch = 0 : i64, scratch_operands = 11 : i64, tpu.core_type = #tpu.core_type<sc_vector_subcore>, window_params = [{transform_indices = #map}, {transform_indices = #map}, {transform_indices = #map}, {transform_indices = #map}, {transform_indices = #map1}]} {
    %mul3A = arith.constant 2 : i32
    %mul3A_0 = arith.muli %arg1, %mul3A : i32
    %add3A = arith.addi %mul3A_0, %arg0 : i32
    %mul3A_1 = arith.constant 50 : i32
    %mul3A_2 = arith.muli %add3A, %mul3A_1 : i32
    %add3A_3 = arith.constant 0 : i32
    %add3A_4 = arith.addi %mul3A_2, %add3A_3 : i32
    %mul3A_5 = arith.constant 8 : i32
    %mul3A_6 = arith.muli %mul3A_5, %add3A_4 : i32
    %multiple_of3A = tpu.assume_multiple %mul3A_6, 8 : i32
    "tpu.region"() ({
      %run_scoped3A = tpu.sem_alloc : memref<!tpu.dma_semaphore, #tpu.memory_space<semaphore_mem>>
      %dma_start3A_196 = arith.constant 0 : i32
      %dma_start3A_197 = tpu.memref_slice %arg4[%multiple_of3A, %dma_start3A_196] : memref<12800x125xi32, #tpu.memory_space<hbm>> -> memref<8x125xi32, #tpu.memory_space<hbm>>
      %dma_start3A_198 = arith.constant 0 : i32
      %dma_start3A_199 = tpu.memref_slice %arg4[%multiple_of3A, %dma_start3A_198] : memref<12800x125xi32, #tpu.memory_space<hbm>> -> memref<8x125xi32, #tpu.memory_space<hbm>>
      tpu.enqueue_dma source(%dma_start3A_199 : memref<8x125xi32, #tpu.memory_space<hbm>>) target(%arg7 : memref<8x125xi32, #tpu.memory_space<vmem>>) target_semaphore(%run_scoped3A : memref<!tpu.dma_semaphore, #tpu.memory_space<semaphore_mem>>)
      %dma_wait3A_200 = arith.constant 0 : i32
      %dma_wait3A_201 = tpu.memref_slice %arg4[%multiple_of3A, %dma_wait3A_200] : memref<12800x125xi32, #tpu.memory_space<hbm>> -> memref<8x125xi32, #tpu.memory_space<hbm>>
      %dma_wait3A_202 = arith.constant 0 : i32
      %dma_wait3A_203 = tpu.memref_slice %arg4[%multiple_of3A, %dma_wait3A_202] : memref<12800x125xi32, #tpu.memory_space<hbm>> -> memref<8x125xi32, #tpu.memory_space<hbm>>
      tpu.wait_dma2 semaphore(%run_scoped3A : memref<!tpu.dma_semaphore, #tpu.memory_space<semaphore_mem>>) src(%dma_wait3A_203 : memref<8x125xi32, #tpu.memory_space<hbm>>) dst(%arg7 : memref<8x125xi32, #tpu.memory_space<vmem>>)
      tpu.yield
    }) : () -> ()
    %dma_start3A = arith.constant 0 : i32
    %dma_start3A_7 = arith.constant 0 : i32
    %dma_start3A_8 = arith.constant 0 : i32
    %dma_start3A_9 = tpu.memref_slice %arg10[%dma_start3A_7, %dma_start3A_8] : memref<1000x32xf32, #tpu.memory_space<vmem>> -> memref<125x32xf32, #tpu.memory_space<vmem>>
    %dma_start3A_10 = arith.constant 0 : i32
    %dma_start3A_11 = tpu.memref_slice %arg7[%dma_start3A, %dma_start3A_10] : memref<8x125xi32, #tpu.memory_space<vmem>> -> memref<1x125xi32, #tpu.memory_space<vmem>>
    %dma_start3A_12 = tpu.memref_squeeze %dma_start3A_11 : memref<1x125xi32, #tpu.memory_space<vmem>> -> memref<125xi32, #tpu.memory_space<vmem>>
    %dma_start3A_13 = arith.constant 0 : i32
    %dma_start3A_14 = arith.constant 0 : i32
    %dma_start3A_15 = tpu.memref_slice %arg2[%dma_start3A_13, %dma_start3A_14] : memref<50000x32xf32, #tpu.memory_space<hbm>> -> memref<50000x32xf32, #tpu.memory_space<hbm>>
    tpu.enqueue_indirect_dma source(%dma_start3A_15 : memref<50000x32xf32, #tpu.memory_space<hbm>>) target(%dma_start3A_9 : memref<125x32xf32, #tpu.memory_space<vmem>>) offsets(%dma_start3A_12 : memref<125xi32, #tpu.memory_space<vmem>>) semaphore(%arg13 : memref<!tpu.dma_semaphore, #tpu.memory_space<semaphore_mem>>)
    %dma_start3A_16 = arith.constant 1 : i32
    %dma_start3A_17 = arith.constant 125 : i32
    %dma_start3A_18 = arith.constant 0 : i32
    %dma_start3A_19 = tpu.memref_slice %arg10[%dma_start3A_17, %dma_start3A_18] : memref<1000x32xf32, #tpu.memory_space<vmem>> -> memref<125x32xf32, #tpu.memory_space<vmem>>
    %dma_start3A_20 = arith.constant 0 : i32
    %dma_start3A_21 = tpu.memref_slice %arg7[%dma_start3A_16, %dma_start3A_20] : memref<8x125xi32, #tpu.memory_space<vmem>> -> memref<1x125xi32, #tpu.memory_space<vmem>>
    %dma_start3A_22 = tpu.memref_squeeze %dma_start3A_21 : memref<1x125xi32, #tpu.memory_space<vmem>> -> memref<125xi32, #tpu.memory_space<vmem>>
    %dma_start3A_23 = arith.constant 0 : i32
    %dma_start3A_24 = arith.constant 0 : i32
    %dma_start3A_25 = tpu.memref_slice %arg2[%dma_start3A_23, %dma_start3A_24] : memref<50000x32xf32, #tpu.memory_space<hbm>> -> memref<50000x32xf32, #tpu.memory_space<hbm>>
    tpu.enqueue_indirect_dma source(%dma_start3A_25 : memref<50000x32xf32, #tpu.memory_space<hbm>>) target(%dma_start3A_19 : memref<125x32xf32, #tpu.memory_space<vmem>>) offsets(%dma_start3A_22 : memref<125xi32, #tpu.memory_space<vmem>>) semaphore(%arg13 : memref<!tpu.dma_semaphore, #tpu.memory_space<semaphore_mem>>)
    %dma_start3A_26 = arith.constant 2 : i32
    %dma_start3A_27 = arith.constant 250 : i32
    %dma_start3A_28 = arith.constant 0 : i32
    %dma_start3A_29 = tpu.memref_slice %arg10[%dma_start3A_27, %dma_start3A_28] : memref<1000x32xf32, #tpu.memory_space<vmem>> -> memref<125x32xf32, #tpu.memory_space<vmem>>
    %dma_start3A_30 = arith.constant 0 : i32
    %dma_start3A_31 = tpu.memref_slice %arg7[%dma_start3A_26, %dma_start3A_30] : memref<8x125xi32, #tpu.memory_space<vmem>> -> memref<1x125xi32, #tpu.memory_space<vmem>>
    %dma_start3A_32 = tpu.memref_squeeze %dma_start3A_31 : memref<1x125xi32, #tpu.memory_space<vmem>> -> memref<125xi32, #tpu.memory_space<vmem>>
    %dma_start3A_33 = arith.constant 0 : i32
    %dma_start3A_34 = arith.constant 0 : i32
    %dma_start3A_35 = tpu.memref_slice %arg2[%dma_start3A_33, %dma_start3A_34] : memref<50000x32xf32, #tpu.memory_space<hbm>> -> memref<50000x32xf32, #tpu.memory_space<hbm>>
    tpu.enqueue_indirect_dma source(%dma_start3A_35 : memref<50000x32xf32, #tpu.memory_space<hbm>>) target(%dma_start3A_29 : memref<125x32xf32, #tpu.memory_space<vmem>>) offsets(%dma_start3A_32 : memref<125xi32, #tpu.memory_space<vmem>>) semaphore(%arg13 : memref<!tpu.dma_semaphore, #tpu.memory_space<semaphore_mem>>)
    %dma_start3A_36 = arith.constant 3 : i32
    %dma_start3A_37 = arith.constant 375 : i32
    %dma_start3A_38 = arith.constant 0 : i32
    %dma_start3A_39 = tpu.memref_slice %arg10[%dma_start3A_37, %dma_start3A_38] : memref<1000x32xf32, #tpu.memory_space<vmem>> -> memref<125x32xf32, #tpu.memory_space<vmem>>
    %dma_start3A_40 = arith.constant 0 : i32
    %dma_start3A_41 = tpu.memref_slice %arg7[%dma_start3A_36, %dma_start3A_40] : memref<8x125xi32, #tpu.memory_space<vmem>> -> memref<1x125xi32, #tpu.memory_space<vmem>>
    %dma_start3A_42 = tpu.memref_squeeze %dma_start3A_41 : memref<1x125xi32, #tpu.memory_space<vmem>> -> memref<125xi32, #tpu.memory_space<vmem>>
    %dma_start3A_43 = arith.constant 0 : i32
    %dma_start3A_44 = arith.constant 0 : i32
    %dma_start3A_45 = tpu.memref_slice %arg2[%dma_start3A_43, %dma_start3A_44] : memref<50000x32xf32, #tpu.memory_space<hbm>> -> memref<50000x32xf32, #tpu.memory_space<hbm>>
    tpu.enqueue_indirect_dma source(%dma_start3A_45 : memref<50000x32xf32, #tpu.memory_space<hbm>>) target(%dma_start3A_39 : memref<125x32xf32, #tpu.memory_space<vmem>>) offsets(%dma_start3A_42 : memref<125xi32, #tpu.memory_space<vmem>>) semaphore(%arg13 : memref<!tpu.dma_semaphore, #tpu.memory_space<semaphore_mem>>)
    %dma_start3A_46 = arith.constant 4 : i32
    %dma_start3A_47 = arith.constant 500 : i32
    %dma_start3A_48 = arith.constant 0 : i32
    %dma_start3A_49 = tpu.memref_slice %arg10[%dma_start3A_47, %dma_start3A_48] : memref<1000x32xf32, #tpu.memory_space<vmem>> -> memref<125x32xf32, #tpu.memory_space<vmem>>
    %dma_start3A_50 = arith.constant 0 : i32
    %dma_start3A_51 = tpu.memref_slice %arg7[%dma_start3A_46, %dma_start3A_50] : memref<8x125xi32, #tpu.memory_space<vmem>> -> memref<1x125xi32, #tpu.memory_space<vmem>>
    %dma_start3A_52 = tpu.memref_squeeze %dma_start3A_51 : memref<1x125xi32, #tpu.memory_space<vmem>> -> memref<125xi32, #tpu.memory_space<vmem>>
    %dma_start3A_53 = arith.constant 0 : i32
    %dma_start3A_54 = arith.constant 0 : i32
    %dma_start3A_55 = tpu.memref_slice %arg2[%dma_start3A_53, %dma_start3A_54] : memref<50000x32xf32, #tpu.memory_space<hbm>> -> memref<50000x32xf32, #tpu.memory_space<hbm>>
    tpu.enqueue_indirect_dma source(%dma_start3A_55 : memref<50000x32xf32, #tpu.memory_space<hbm>>) target(%dma_start3A_49 : memref<125x32xf32, #tpu.memory_space<vmem>>) offsets(%dma_start3A_52 : memref<125xi32, #tpu.memory_space<vmem>>) semaphore(%arg13 : memref<!tpu.dma_semaphore, #tpu.memory_space<semaphore_mem>>)
    %dma_start3A_56 = arith.constant 5 : i32
    %dma_start3A_57 = arith.constant 625 : i32
    %dma_start3A_58 = arith.constant 0 : i32
    %dma_start3A_59 = tpu.memref_slice %arg10[%dma_start3A_57, %dma_start3A_58] : memref<1000x32xf32, #tpu.memory_space<vmem>> -> memref<125x32xf32, #tpu.memory_space<vmem>>
    %dma_start3A_60 = arith.constant 0 : i32
    %dma_start3A_61 = tpu.memref_slice %arg7[%dma_start3A_56, %dma_start3A_60] : memref<8x125xi32, #tpu.memory_space<vmem>> -> memref<1x125xi32, #tpu.memory_space<vmem>>
    %dma_start3A_62 = tpu.memref_squeeze %dma_start3A_61 : memref<1x125xi32, #tpu.memory_space<vmem>> -> memref<125xi32, #tpu.memory_space<vmem>>
    %dma_start3A_63 = arith.constant 0 : i32
    %dma_start3A_64 = arith.constant 0 : i32
    %dma_start3A_65 = tpu.memref_slice %arg2[%dma_start3A_63, %dma_start3A_64] : memref<50000x32xf32, #tpu.memory_space<hbm>> -> memref<50000x32xf32, #tpu.memory_space<hbm>>
    tpu.enqueue_indirect_dma source(%dma_start3A_65 : memref<50000x32xf32, #tpu.memory_space<hbm>>) target(%dma_start3A_59 : memref<125x32xf32, #tpu.memory_space<vmem>>) offsets(%dma_start3A_62 : memref<125xi32, #tpu.memory_space<vmem>>) semaphore(%arg13 : memref<!tpu.dma_semaphore, #tpu.memory_space<semaphore_mem>>)
    %dma_start3A_66 = arith.constant 6 : i32
    %dma_start3A_67 = arith.constant 750 : i32
    %dma_start3A_68 = arith.constant 0 : i32
    %dma_start3A_69 = tpu.memref_slice %arg10[%dma_start3A_67, %dma_start3A_68] : memref<1000x32xf32, #tpu.memory_space<vmem>> -> memref<125x32xf32, #tpu.memory_space<vmem>>
    %dma_start3A_70 = arith.constant 0 : i32
    %dma_start3A_71 = tpu.memref_slice %arg7[%dma_start3A_66, %dma_start3A_70] : memref<8x125xi32, #tpu.memory_space<vmem>> -> memref<1x125xi32, #tpu.memory_space<vmem>>
    %dma_start3A_72 = tpu.memref_squeeze %dma_start3A_71 : memref<1x125xi32, #tpu.memory_space<vmem>> -> memref<125xi32, #tpu.memory_space<vmem>>
    %dma_start3A_73 = arith.constant 0 : i32
    %dma_start3A_74 = arith.constant 0 : i32
    %dma_start3A_75 = tpu.memref_slice %arg2[%dma_start3A_73, %dma_start3A_74] : memref<50000x32xf32, #tpu.memory_space<hbm>> -> memref<50000x32xf32, #tpu.memory_space<hbm>>
    tpu.enqueue_indirect_dma source(%dma_start3A_75 : memref<50000x32xf32, #tpu.memory_space<hbm>>) target(%dma_start3A_69 : memref<125x32xf32, #tpu.memory_space<vmem>>) offsets(%dma_start3A_72 : memref<125xi32, #tpu.memory_space<vmem>>) semaphore(%arg13 : memref<!tpu.dma_semaphore, #tpu.memory_space<semaphore_mem>>)
    %dma_start3A_76 = arith.constant 7 : i32
    %dma_start3A_77 = arith.constant 875 : i32
    %dma_start3A_78 = arith.constant 0 : i32
    %dma_start3A_79 = tpu.memref_slice %arg10[%dma_start3A_77, %dma_start3A_78] : memref<1000x32xf32, #tpu.memory_space<vmem>> -> memref<125x32xf32, #tpu.memory_space<vmem>>
    %dma_start3A_80 = arith.constant 0 : i32
    %dma_start3A_81 = tpu.memref_slice %arg7[%dma_start3A_76, %dma_start3A_80] : memref<8x125xi32, #tpu.memory_space<vmem>> -> memref<1x125xi32, #tpu.memory_space<vmem>>
    %dma_start3A_82 = tpu.memref_squeeze %dma_start3A_81 : memref<1x125xi32, #tpu.memory_space<vmem>> -> memref<125xi32, #tpu.memory_space<vmem>>
    %dma_start3A_83 = arith.constant 0 : i32
    %dma_start3A_84 = arith.constant 0 : i32
    %dma_start3A_85 = tpu.memref_slice %arg2[%dma_start3A_83, %dma_start3A_84] : memref<50000x32xf32, #tpu.memory_space<hbm>> -> memref<50000x32xf32, #tpu.memory_space<hbm>>
    tpu.enqueue_indirect_dma source(%dma_start3A_85 : memref<50000x32xf32, #tpu.memory_space<hbm>>) target(%dma_start3A_79 : memref<125x32xf32, #tpu.memory_space<vmem>>) offsets(%dma_start3A_82 : memref<125xi32, #tpu.memory_space<vmem>>) semaphore(%arg13 : memref<!tpu.dma_semaphore, #tpu.memory_space<semaphore_mem>>)
    %mul3A_86 = arith.constant 50 : i32
    %mul3A_87 = arith.muli %add3A, %mul3A_86 : i32
    %add3A_88 = arith.constant 0 : i32
    %add3A_89 = arith.addi %mul3A_87, %add3A_88 : i32
    %mul3A_90 = arith.constant 8 : i32
    %mul3A_91 = arith.muli %mul3A_90, %add3A_89 : i32
    %multiple_of3A_92 = tpu.assume_multiple %mul3A_91, 8 : i32
    "tpu.region"() ({
      %run_scoped3A = tpu.sem_alloc : memref<!tpu.dma_semaphore, #tpu.memory_space<semaphore_mem>>
      %dma_start3A_196 = arith.constant 0 : i32
      %dma_start3A_197 = tpu.memref_slice %arg5[%multiple_of3A_92, %dma_start3A_196] : memref<12800x125xi32, #tpu.memory_space<hbm>> -> memref<8x125xi32, #tpu.memory_space<hbm>>
      %dma_start3A_198 = arith.constant 0 : i32
      %dma_start3A_199 = tpu.memref_slice %arg5[%multiple_of3A_92, %dma_start3A_198] : memref<12800x125xi32, #tpu.memory_space<hbm>> -> memref<8x125xi32, #tpu.memory_space<hbm>>
      tpu.enqueue_dma source(%dma_start3A_199 : memref<8x125xi32, #tpu.memory_space<hbm>>) target(%arg9 : memref<8x125xi32, #tpu.memory_space<vmem>>) target_semaphore(%run_scoped3A : memref<!tpu.dma_semaphore, #tpu.memory_space<semaphore_mem>>)
      %dma_wait3A_200 = arith.constant 0 : i32
      %dma_wait3A_201 = tpu.memref_slice %arg5[%multiple_of3A_92, %dma_wait3A_200] : memref<12800x125xi32, #tpu.memory_space<hbm>> -> memref<8x125xi32, #tpu.memory_space<hbm>>
      %dma_wait3A_202 = arith.constant 0 : i32
      %dma_wait3A_203 = tpu.memref_slice %arg5[%multiple_of3A_92, %dma_wait3A_202] : memref<12800x125xi32, #tpu.memory_space<hbm>> -> memref<8x125xi32, #tpu.memory_space<hbm>>
      tpu.wait_dma2 semaphore(%run_scoped3A : memref<!tpu.dma_semaphore, #tpu.memory_space<semaphore_mem>>) src(%dma_wait3A_203 : memref<8x125xi32, #tpu.memory_space<hbm>>) dst(%arg9 : memref<8x125xi32, #tpu.memory_space<vmem>>)
      tpu.yield
    }) : () -> ()
    %dma_start3A_93 = arith.constant 0 : i32
    %dma_start3A_94 = arith.constant 0 : i32
    %dma_start3A_95 = arith.constant 0 : i32
    %dma_start3A_96 = tpu.memref_slice %arg12[%dma_start3A_94, %dma_start3A_95] : memref<1000x32xf32, #tpu.memory_space<vmem>> -> memref<125x32xf32, #tpu.memory_space<vmem>>
    %dma_start3A_97 = arith.constant 0 : i32
    %dma_start3A_98 = tpu.memref_slice %arg9[%dma_start3A_93, %dma_start3A_97] : memref<8x125xi32, #tpu.memory_space<vmem>> -> memref<1x125xi32, #tpu.memory_space<vmem>>
    %dma_start3A_99 = tpu.memref_squeeze %dma_start3A_98 : memref<1x125xi32, #tpu.memory_space<vmem>> -> memref<125xi32, #tpu.memory_space<vmem>>
    %dma_start3A_100 = arith.constant 0 : i32
    %dma_start3A_101 = arith.constant 0 : i32
    %dma_start3A_102 = tpu.memref_slice %arg3[%dma_start3A_100, %dma_start3A_101] : memref<50000x32xf32, #tpu.memory_space<hbm>> -> memref<50000x32xf32, #tpu.memory_space<hbm>>
    tpu.enqueue_indirect_dma source(%dma_start3A_102 : memref<50000x32xf32, #tpu.memory_space<hbm>>) target(%dma_start3A_96 : memref<125x32xf32, #tpu.memory_space<vmem>>) offsets(%dma_start3A_99 : memref<125xi32, #tpu.memory_space<vmem>>) semaphore(%arg15 : memref<!tpu.dma_semaphore, #tpu.memory_space<semaphore_mem>>)
    %dma_start3A_103 = arith.constant 1 : i32
    %dma_start3A_104 = arith.constant 125 : i32
    %dma_start3A_105 = arith.constant 0 : i32
    %dma_start3A_106 = tpu.memref_slice %arg12[%dma_start3A_104, %dma_start3A_105] : memref<1000x32xf32, #tpu.memory_space<vmem>> -> memref<125x32xf32, #tpu.memory_space<vmem>>
    %dma_start3A_107 = arith.constant 0 : i32
    %dma_start3A_108 = tpu.memref_slice %arg9[%dma_start3A_103, %dma_start3A_107] : memref<8x125xi32, #tpu.memory_space<vmem>> -> memref<1x125xi32, #tpu.memory_space<vmem>>
    %dma_start3A_109 = tpu.memref_squeeze %dma_start3A_108 : memref<1x125xi32, #tpu.memory_space<vmem>> -> memref<125xi32, #tpu.memory_space<vmem>>
    %dma_start3A_110 = arith.constant 0 : i32
    %dma_start3A_111 = arith.constant 0 : i32
    %dma_start3A_112 = tpu.memref_slice %arg3[%dma_start3A_110, %dma_start3A_111] : memref<50000x32xf32, #tpu.memory_space<hbm>> -> memref<50000x32xf32, #tpu.memory_space<hbm>>
    tpu.enqueue_indirect_dma source(%dma_start3A_112 : memref<50000x32xf32, #tpu.memory_space<hbm>>) target(%dma_start3A_106 : memref<125x32xf32, #tpu.memory_space<vmem>>) offsets(%dma_start3A_109 : memref<125xi32, #tpu.memory_space<vmem>>) semaphore(%arg15 : memref<!tpu.dma_semaphore, #tpu.memory_space<semaphore_mem>>)
    %dma_start3A_113 = arith.constant 2 : i32
    %dma_start3A_114 = arith.constant 250 : i32
    %dma_start3A_115 = arith.constant 0 : i32
    %dma_start3A_116 = tpu.memref_slice %arg12[%dma_start3A_114, %dma_start3A_115] : memref<1000x32xf32, #tpu.memory_space<vmem>> -> memref<125x32xf32, #tpu.memory_space<vmem>>
    %dma_start3A_117 = arith.constant 0 : i32
    %dma_start3A_118 = tpu.memref_slice %arg9[%dma_start3A_113, %dma_start3A_117] : memref<8x125xi32, #tpu.memory_space<vmem>> -> memref<1x125xi32, #tpu.memory_space<vmem>>
    %dma_start3A_119 = tpu.memref_squeeze %dma_start3A_118 : memref<1x125xi32, #tpu.memory_space<vmem>> -> memref<125xi32, #tpu.memory_space<vmem>>
    %dma_start3A_120 = arith.constant 0 : i32
    %dma_start3A_121 = arith.constant 0 : i32
    %dma_start3A_122 = tpu.memref_slice %arg3[%dma_start3A_120, %dma_start3A_121] : memref<50000x32xf32, #tpu.memory_space<hbm>> -> memref<50000x32xf32, #tpu.memory_space<hbm>>
    tpu.enqueue_indirect_dma source(%dma_start3A_122 : memref<50000x32xf32, #tpu.memory_space<hbm>>) target(%dma_start3A_116 : memref<125x32xf32, #tpu.memory_space<vmem>>) offsets(%dma_start3A_119 : memref<125xi32, #tpu.memory_space<vmem>>) semaphore(%arg15 : memref<!tpu.dma_semaphore, #tpu.memory_space<semaphore_mem>>)
    %dma_start3A_123 = arith.constant 3 : i32
    %dma_start3A_124 = arith.constant 375 : i32
    %dma_start3A_125 = arith.constant 0 : i32
    %dma_start3A_126 = tpu.memref_slice %arg12[%dma_start3A_124, %dma_start3A_125] : memref<1000x32xf32, #tpu.memory_space<vmem>> -> memref<125x32xf32, #tpu.memory_space<vmem>>
    %dma_start3A_127 = arith.constant 0 : i32
    %dma_start3A_128 = tpu.memref_slice %arg9[%dma_start3A_123, %dma_start3A_127] : memref<8x125xi32, #tpu.memory_space<vmem>> -> memref<1x125xi32, #tpu.memory_space<vmem>>
    %dma_start3A_129 = tpu.memref_squeeze %dma_start3A_128 : memref<1x125xi32, #tpu.memory_space<vmem>> -> memref<125xi32, #tpu.memory_space<vmem>>
    %dma_start3A_130 = arith.constant 0 : i32
    %dma_start3A_131 = arith.constant 0 : i32
    %dma_start3A_132 = tpu.memref_slice %arg3[%dma_start3A_130, %dma_start3A_131] : memref<50000x32xf32, #tpu.memory_space<hbm>> -> memref<50000x32xf32, #tpu.memory_space<hbm>>
    tpu.enqueue_indirect_dma source(%dma_start3A_132 : memref<50000x32xf32, #tpu.memory_space<hbm>>) target(%dma_start3A_126 : memref<125x32xf32, #tpu.memory_space<vmem>>) offsets(%dma_start3A_129 : memref<125xi32, #tpu.memory_space<vmem>>) semaphore(%arg15 : memref<!tpu.dma_semaphore, #tpu.memory_space<semaphore_mem>>)
    %dma_start3A_133 = arith.constant 4 : i32
    %dma_start3A_134 = arith.constant 500 : i32
    %dma_start3A_135 = arith.constant 0 : i32
    %dma_start3A_136 = tpu.memref_slice %arg12[%dma_start3A_134, %dma_start3A_135] : memref<1000x32xf32, #tpu.memory_space<vmem>> -> memref<125x32xf32, #tpu.memory_space<vmem>>
    %dma_start3A_137 = arith.constant 0 : i32
    %dma_start3A_138 = tpu.memref_slice %arg9[%dma_start3A_133, %dma_start3A_137] : memref<8x125xi32, #tpu.memory_space<vmem>> -> memref<1x125xi32, #tpu.memory_space<vmem>>
    %dma_start3A_139 = tpu.memref_squeeze %dma_start3A_138 : memref<1x125xi32, #tpu.memory_space<vmem>> -> memref<125xi32, #tpu.memory_space<vmem>>
    %dma_start3A_140 = arith.constant 0 : i32
    %dma_start3A_141 = arith.constant 0 : i32
    %dma_start3A_142 = tpu.memref_slice %arg3[%dma_start3A_140, %dma_start3A_141] : memref<50000x32xf32, #tpu.memory_space<hbm>> -> memref<50000x32xf32, #tpu.memory_space<hbm>>
    tpu.enqueue_indirect_dma source(%dma_start3A_142 : memref<50000x32xf32, #tpu.memory_space<hbm>>) target(%dma_start3A_136 : memref<125x32xf32, #tpu.memory_space<vmem>>) offsets(%dma_start3A_139 : memref<125xi32, #tpu.memory_space<vmem>>) semaphore(%arg15 : memref<!tpu.dma_semaphore, #tpu.memory_space<semaphore_mem>>)
    %dma_start3A_143 = arith.constant 5 : i32
    %dma_start3A_144 = arith.constant 625 : i32
    %dma_start3A_145 = arith.constant 0 : i32
    %dma_start3A_146 = tpu.memref_slice %arg12[%dma_start3A_144, %dma_start3A_145] : memref<1000x32xf32, #tpu.memory_space<vmem>> -> memref<125x32xf32, #tpu.memory_space<vmem>>
    %dma_start3A_147 = arith.constant 0 : i32
    %dma_start3A_148 = tpu.memref_slice %arg9[%dma_start3A_143, %dma_start3A_147] : memref<8x125xi32, #tpu.memory_space<vmem>> -> memref<1x125xi32, #tpu.memory_space<vmem>>
    %dma_start3A_149 = tpu.memref_squeeze %dma_start3A_148 : memref<1x125xi32, #tpu.memory_space<vmem>> -> memref<125xi32, #tpu.memory_space<vmem>>
    %dma_start3A_150 = arith.constant 0 : i32
    %dma_start3A_151 = arith.constant 0 : i32
    %dma_start3A_152 = tpu.memref_slice %arg3[%dma_start3A_150, %dma_start3A_151] : memref<50000x32xf32, #tpu.memory_space<hbm>> -> memref<50000x32xf32, #tpu.memory_space<hbm>>
    tpu.enqueue_indirect_dma source(%dma_start3A_152 : memref<50000x32xf32, #tpu.memory_space<hbm>>) target(%dma_start3A_146 : memref<125x32xf32, #tpu.memory_space<vmem>>) offsets(%dma_start3A_149 : memref<125xi32, #tpu.memory_space<vmem>>) semaphore(%arg15 : memref<!tpu.dma_semaphore, #tpu.memory_space<semaphore_mem>>)
    %dma_start3A_153 = arith.constant 6 : i32
    %dma_start3A_154 = arith.constant 750 : i32
    %dma_start3A_155 = arith.constant 0 : i32
    %dma_start3A_156 = tpu.memref_slice %arg12[%dma_start3A_154, %dma_start3A_155] : memref<1000x32xf32, #tpu.memory_space<vmem>> -> memref<125x32xf32, #tpu.memory_space<vmem>>
    %dma_start3A_157 = arith.constant 0 : i32
    %dma_start3A_158 = tpu.memref_slice %arg9[%dma_start3A_153, %dma_start3A_157] : memref<8x125xi32, #tpu.memory_space<vmem>> -> memref<1x125xi32, #tpu.memory_space<vmem>>
    %dma_start3A_159 = tpu.memref_squeeze %dma_start3A_158 : memref<1x125xi32, #tpu.memory_space<vmem>> -> memref<125xi32, #tpu.memory_space<vmem>>
    %dma_start3A_160 = arith.constant 0 : i32
    %dma_start3A_161 = arith.constant 0 : i32
    %dma_start3A_162 = tpu.memref_slice %arg3[%dma_start3A_160, %dma_start3A_161] : memref<50000x32xf32, #tpu.memory_space<hbm>> -> memref<50000x32xf32, #tpu.memory_space<hbm>>
    tpu.enqueue_indirect_dma source(%dma_start3A_162 : memref<50000x32xf32, #tpu.memory_space<hbm>>) target(%dma_start3A_156 : memref<125x32xf32, #tpu.memory_space<vmem>>) offsets(%dma_start3A_159 : memref<125xi32, #tpu.memory_space<vmem>>) semaphore(%arg15 : memref<!tpu.dma_semaphore, #tpu.memory_space<semaphore_mem>>)
    %dma_start3A_163 = arith.constant 7 : i32
    %dma_start3A_164 = arith.constant 875 : i32
    %dma_start3A_165 = arith.constant 0 : i32
    %dma_start3A_166 = tpu.memref_slice %arg12[%dma_start3A_164, %dma_start3A_165] : memref<1000x32xf32, #tpu.memory_space<vmem>> -> memref<125x32xf32, #tpu.memory_space<vmem>>
    %dma_start3A_167 = arith.constant 0 : i32
    %dma_start3A_168 = tpu.memref_slice %arg9[%dma_start3A_163, %dma_start3A_167] : memref<8x125xi32, #tpu.memory_space<vmem>> -> memref<1x125xi32, #tpu.memory_space<vmem>>
    %dma_start3A_169 = tpu.memref_squeeze %dma_start3A_168 : memref<1x125xi32, #tpu.memory_space<vmem>> -> memref<125xi32, #tpu.memory_space<vmem>>
    %dma_start3A_170 = arith.constant 0 : i32
    %dma_start3A_171 = arith.constant 0 : i32
    %dma_start3A_172 = tpu.memref_slice %arg3[%dma_start3A_170, %dma_start3A_171] : memref<50000x32xf32, #tpu.memory_space<hbm>> -> memref<50000x32xf32, #tpu.memory_space<hbm>>
    tpu.enqueue_indirect_dma source(%dma_start3A_172 : memref<50000x32xf32, #tpu.memory_space<hbm>>) target(%dma_start3A_166 : memref<125x32xf32, #tpu.memory_space<vmem>>) offsets(%dma_start3A_169 : memref<125xi32, #tpu.memory_space<vmem>>) semaphore(%arg15 : memref<!tpu.dma_semaphore, #tpu.memory_space<semaphore_mem>>)
    %scan3A = arith.constant 0 : i32
    %scan3A_173 = arith.constant 0 : i32
    %scan3A_174 = arith.constant 25 : i32
    %scan3A_175 = arith.addi %scan3A_173, %scan3A_174 : i32
    %scan3A_176 = arith.constant 1 : i32
    %scan3A_177 = scf.for %scan3A_196 = %scan3A_173 to %scan3A_175 step %scan3A_176 iter_args(%scan3A_197 = %scan3A) -> (i32)  : i32 {
      %mul3A_198 = arith.constant 2 : i32
      %mul3A_199 = arith.muli %mul3A_198, %scan3A_196 : i32
      %mul3A_200 = arith.constant 50 : i32
      %mul3A_201 = arith.muli %add3A, %mul3A_200 : i32
      %add3A_202 = arith.addi %mul3A_201, %mul3A_199 : i32
      %dma_wait3A_203 = arith.constant 0 : i32
      %dma_wait3A_204 = arith.constant 0 : i32
      %dma_wait3A_205 = tpu.memref_slice %arg6[%add3A_202, %dma_wait3A_203, %dma_wait3A_204] : memref<1600x1000x32xf32, #tpu.memory_space<hbm>> -> memref<1x1000x32xf32, #tpu.memory_space<hbm>>
      %dma_wait3A_206 = tpu.memref_squeeze %dma_wait3A_205 : memref<1x1000x32xf32, #tpu.memory_space<hbm>> -> memref<1000x32xf32, #tpu.memory_space<hbm>>
      %dma_wait3A_207 = arith.constant 0 : i32
      %dma_wait3A_208 = arith.constant 0 : i32
      %dma_wait3A_209 = tpu.memref_slice %arg6[%add3A_202, %dma_wait3A_207, %dma_wait3A_208] : memref<1600x1000x32xf32, #tpu.memory_space<hbm>> -> memref<1x1000x32xf32, #tpu.memory_space<hbm>>
      %dma_wait3A_210 = tpu.memref_squeeze %dma_wait3A_209 : memref<1x1000x32xf32, #tpu.memory_space<hbm>> -> memref<1000x32xf32, #tpu.memory_space<hbm>>
      tpu.wait_dma2 semaphore(%arg13 : memref<!tpu.dma_semaphore, #tpu.memory_space<semaphore_mem>>) src(%dma_wait3A_210 : memref<1000x32xf32, #tpu.memory_space<hbm>>) dst(%arg10 : memref<1000x32xf32, #tpu.memory_space<vmem>>)
      %dma_wait3A_211 = arith.constant 0 : i32
      %dma_wait3A_212 = arith.constant 0 : i32
      %dma_wait3A_213 = tpu.memref_slice %arg6[%add3A_202, %dma_wait3A_211, %dma_wait3A_212] : memref<1600x1000x32xf32, #tpu.memory_space<hbm>> -> memref<1x1000x32xf32, #tpu.memory_space<hbm>>
      %dma_wait3A_214 = tpu.memref_squeeze %dma_wait3A_213 : memref<1x1000x32xf32, #tpu.memory_space<hbm>> -> memref<1000x32xf32, #tpu.memory_space<hbm>>
      %dma_wait3A_215 = arith.constant 0 : i32
      %dma_wait3A_216 = arith.constant 0 : i32
      %dma_wait3A_217 = tpu.memref_slice %arg6[%add3A_202, %dma_wait3A_215, %dma_wait3A_216] : memref<1600x1000x32xf32, #tpu.memory_space<hbm>> -> memref<1x1000x32xf32, #tpu.memory_space<hbm>>
      %dma_wait3A_218 = tpu.memref_squeeze %dma_wait3A_217 : memref<1x1000x32xf32, #tpu.memory_space<hbm>> -> memref<1000x32xf32, #tpu.memory_space<hbm>>
      tpu.wait_dma2 semaphore(%arg15 : memref<!tpu.dma_semaphore, #tpu.memory_space<semaphore_mem>>) src(%dma_wait3A_218 : memref<1000x32xf32, #tpu.memory_space<hbm>>) dst(%arg12 : memref<1000x32xf32, #tpu.memory_space<vmem>>)
      %add3A_219 = arith.constant 1 : i32
      %add3A_220 = arith.addi %mul3A_199, %add3A_219 : i32
      %lt3A = arith.constant 50 : i32
      %lt3A_221 = arith.cmpi slt, %add3A_220, %lt3A : i32
      %convert_element_type3A = arith.extui %lt3A_221 : i1 to i32
      %cond3A = arith.constant 0 : i32
      %cond3A_222 = arith.cmpi ne, %convert_element_type3A, %cond3A : i32
      scf.if %cond3A_222 {
        %gt3A = arith.constant 0 : i32
        %gt3A_298 = arith.cmpi sgt, %mul3A_199, %gt3A : i32
        %convert_element_type3A_299 = arith.extui %gt3A_298 : i1 to i32
        %cond3A_300 = arith.constant 0 : i32
        %cond3A_301 = arith.cmpi ne, %convert_element_type3A_299, %cond3A_300 : i32
        scf.if %cond3A_301 {
          %dma_wait3A_390 = arith.constant 0 : i32
          %dma_wait3A_391 = arith.constant 0 : i32
          %dma_wait3A_392 = tpu.memref_slice %arg6[%add3A_202, %dma_wait3A_390, %dma_wait3A_391] : memref<1600x1000x32xf32, #tpu.memory_space<hbm>> -> memref<1x1000x32xf32, #tpu.memory_space<hbm>>
          %dma_wait3A_393 = tpu.memref_squeeze %dma_wait3A_392 : memref<1x1000x32xf32, #tpu.memory_space<hbm>> -> memref<1000x32xf32, #tpu.memory_space<hbm>>
          %dma_wait3A_394 = arith.constant 0 : i32
          %dma_wait3A_395 = arith.constant 0 : i32
          %dma_wait3A_396 = tpu.memref_slice %arg6[%add3A_202, %dma_wait3A_394, %dma_wait3A_395] : memref<1600x1000x32xf32, #tpu.memory_space<hbm>> -> memref<1x1000x32xf32, #tpu.memory_space<hbm>>
          %dma_wait3A_397 = tpu.memref_squeeze %dma_wait3A_396 : memref<1x1000x32xf32, #tpu.memory_space<hbm>> -> memref<1000x32xf32, #tpu.memory_space<hbm>>
          tpu.wait_dma2 semaphore(%arg17 : memref<!tpu.dma_semaphore, #tpu.memory_space<semaphore_mem>>) src(%dma_wait3A_397 : memref<1000x32xf32, #tpu.memory_space<hbm>>) dst(%arg11 : memref<1000x32xf32, #tpu.memory_space<vmem>>)
        } else {
        }
        %add3A_302 = arith.constant 1 : i32
        %add3A_303 = arith.addi %mul3A_199, %add3A_302 : i32
        %mul3A_304 = arith.constant 50 : i32
        %mul3A_305 = arith.muli %add3A, %mul3A_304 : i32
        %add3A_306 = arith.addi %mul3A_305, %add3A_303 : i32
        %mul3A_307 = arith.constant 8 : i32
        %mul3A_308 = arith.muli %mul3A_307, %add3A_306 : i32
        %multiple_of3A_309 = tpu.assume_multiple %mul3A_308, 8 : i32
        "tpu.region"() ({
          %run_scoped3A = tpu.sem_alloc : memref<!tpu.dma_semaphore, #tpu.memory_space<semaphore_mem>>
          %dma_start3A_390 = arith.constant 0 : i32
          %dma_start3A_391 = tpu.memref_slice %arg4[%multiple_of3A_309, %dma_start3A_390] : memref<12800x125xi32, #tpu.memory_space<hbm>> -> memref<8x125xi32, #tpu.memory_space<hbm>>
          %dma_start3A_392 = arith.constant 0 : i32
          %dma_start3A_393 = tpu.memref_slice %arg4[%multiple_of3A_309, %dma_start3A_392] : memref<12800x125xi32, #tpu.memory_space<hbm>> -> memref<8x125xi32, #tpu.memory_space<hbm>>
          tpu.enqueue_dma source(%dma_start3A_393 : memref<8x125xi32, #tpu.memory_space<hbm>>) target(%arg8 : memref<8x125xi32, #tpu.memory_space<vmem>>) target_semaphore(%run_scoped3A : memref<!tpu.dma_semaphore, #tpu.memory_space<semaphore_mem>>)
          %dma_wait3A_394 = arith.constant 0 : i32
          %dma_wait3A_395 = tpu.memref_slice %arg4[%multiple_of3A_309, %dma_wait3A_394] : memref<12800x125xi32, #tpu.memory_space<hbm>> -> memref<8x125xi32, #tpu.memory_space<hbm>>
          %dma_wait3A_396 = arith.constant 0 : i32
          %dma_wait3A_397 = tpu.memref_slice %arg4[%multiple_of3A_309, %dma_wait3A_396] : memref<12800x125xi32, #tpu.memory_space<hbm>> -> memref<8x125xi32, #tpu.memory_space<hbm>>
          tpu.wait_dma2 semaphore(%run_scoped3A : memref<!tpu.dma_semaphore, #tpu.memory_space<semaphore_mem>>) src(%dma_wait3A_397 : memref<8x125xi32, #tpu.memory_space<hbm>>) dst(%arg8 : memref<8x125xi32, #tpu.memory_space<vmem>>)
          tpu.yield
        }) : () -> ()
        %dma_start3A_310 = arith.constant 0 : i32
        %dma_start3A_311 = arith.constant 0 : i32
        %dma_start3A_312 = arith.constant 0 : i32
        %dma_start3A_313 = tpu.memref_slice %arg11[%dma_start3A_311, %dma_start3A_312] : memref<1000x32xf32, #tpu.memory_space<vmem>> -> memref<125x32xf32, #tpu.memory_space<vmem>>
        %dma_start3A_314 = arith.constant 0 : i32
        %dma_start3A_315 = tpu.memref_slice %arg8[%dma_start3A_310, %dma_start3A_314] : memref<8x125xi32, #tpu.memory_space<vmem>> -> memref<1x125xi32, #tpu.memory_space<vmem>>
        %dma_start3A_316 = tpu.memref_squeeze %dma_start3A_315 : memref<1x125xi32, #tpu.memory_space<vmem>> -> memref<125xi32, #tpu.memory_space<vmem>>
        %dma_start3A_317 = arith.constant 0 : i32
        %dma_start3A_318 = arith.constant 0 : i32
        %dma_start3A_319 = tpu.memref_slice %arg2[%dma_start3A_317, %dma_start3A_318] : memref<50000x32xf32, #tpu.memory_space<hbm>> -> memref<50000x32xf32, #tpu.memory_space<hbm>>
        tpu.enqueue_indirect_dma source(%dma_start3A_319 : memref<50000x32xf32, #tpu.memory_space<hbm>>) target(%dma_start3A_313 : memref<125x32xf32, #tpu.memory_space<vmem>>) offsets(%dma_start3A_316 : memref<125xi32, #tpu.memory_space<vmem>>) semaphore(%arg14 : memref<!tpu.dma_semaphore, #tpu.memory_space<semaphore_mem>>)
        %dma_start3A_320 = arith.constant 1 : i32
        %dma_start3A_321 = arith.constant 125 : i32
        %dma_start3A_322 = arith.constant 0 : i32
        %dma_start3A_323 = tpu.memref_slice %arg11[%dma_start3A_321, %dma_start3A_322] : memref<1000x32xf32, #tpu.memory_space<vmem>> -> memref<125x32xf32, #tpu.memory_space<vmem>>
        %dma_start3A_324 = arith.constant 0 : i32
        %dma_start3A_325 = tpu.memref_slice %arg8[%dma_start3A_320, %dma_start3A_324] : memref<8x125xi32, #tpu.memory_space<vmem>> -> memref<1x125xi32, #tpu.memory_space<vmem>>
        %dma_start3A_326 = tpu.memref_squeeze %dma_start3A_325 : memref<1x125xi32, #tpu.memory_space<vmem>> -> memref<125xi32, #tpu.memory_space<vmem>>
        %dma_start3A_327 = arith.constant 0 : i32
        %dma_start3A_328 = arith.constant 0 : i32
        %dma_start3A_329 = tpu.memref_slice %arg2[%dma_start3A_327, %dma_start3A_328] : memref<50000x32xf32, #tpu.memory_space<hbm>> -> memref<50000x32xf32, #tpu.memory_space<hbm>>
        tpu.enqueue_indirect_dma source(%dma_start3A_329 : memref<50000x32xf32, #tpu.memory_space<hbm>>) target(%dma_start3A_323 : memref<125x32xf32, #tpu.memory_space<vmem>>) offsets(%dma_start3A_326 : memref<125xi32, #tpu.memory_space<vmem>>) semaphore(%arg14 : memref<!tpu.dma_semaphore, #tpu.memory_space<semaphore_mem>>)
        %dma_start3A_330 = arith.constant 2 : i32
        %dma_start3A_331 = arith.constant 250 : i32
        %dma_start3A_332 = arith.constant 0 : i32
        %dma_start3A_333 = tpu.memref_slice %arg11[%dma_start3A_331, %dma_start3A_332] : memref<1000x32xf32, #tpu.memory_space<vmem>> -> memref<125x32xf32, #tpu.memory_space<vmem>>
        %dma_start3A_334 = arith.constant 0 : i32
        %dma_start3A_335 = tpu.memref_slice %arg8[%dma_start3A_330, %dma_start3A_334] : memref<8x125xi32, #tpu.memory_space<vmem>> -> memref<1x125xi32, #tpu.memory_space<vmem>>
        %dma_start3A_336 = tpu.memref_squeeze %dma_start3A_335 : memref<1x125xi32, #tpu.memory_space<vmem>> -> memref<125xi32, #tpu.memory_space<vmem>>
        %dma_start3A_337 = arith.constant 0 : i32
        %dma_start3A_338 = arith.constant 0 : i32
        %dma_start3A_339 = tpu.memref_slice %arg2[%dma_start3A_337, %dma_start3A_338] : memref<50000x32xf32, #tpu.memory_space<hbm>> -> memref<50000x32xf32, #tpu.memory_space<hbm>>
        tpu.enqueue_indirect_dma source(%dma_start3A_339 : memref<50000x32xf32, #tpu.memory_space<hbm>>) target(%dma_start3A_333 : memref<125x32xf32, #tpu.memory_space<vmem>>) offsets(%dma_start3A_336 : memref<125xi32, #tpu.memory_space<vmem>>) semaphore(%arg14 : memref<!tpu.dma_semaphore, #tpu.memory_space<semaphore_mem>>)
        %dma_start3A_340 = arith.constant 3 : i32
        %dma_start3A_341 = arith.constant 375 : i32
        %dma_start3A_342 = arith.constant 0 : i32
        %dma_start3A_343 = tpu.memref_slice %arg11[%dma_start3A_341, %dma_start3A_342] : memref<1000x32xf32, #tpu.memory_space<vmem>> -> memref<125x32xf32, #tpu.memory_space<vmem>>
        %dma_start3A_344 = arith.constant 0 : i32
        %dma_start3A_345 = tpu.memref_slice %arg8[%dma_start3A_340, %dma_start3A_344] : memref<8x125xi32, #tpu.memory_space<vmem>> -> memref<1x125xi32, #tpu.memory_space<vmem>>
        %dma_start3A_346 = tpu.memref_squeeze %dma_start3A_345 : memref<1x125xi32, #tpu.memory_space<vmem>> -> memref<125xi32, #tpu.memory_space<vmem>>
        %dma_start3A_347 = arith.constant 0 : i32
        %dma_start3A_348 = arith.constant 0 : i32
        %dma_start3A_349 = tpu.memref_slice %arg2[%dma_start3A_347, %dma_start3A_348] : memref<50000x32xf32, #tpu.memory_space<hbm>> -> memref<50000x32xf32, #tpu.memory_space<hbm>>
        tpu.enqueue_indirect_dma source(%dma_start3A_349 : memref<50000x32xf32, #tpu.memory_space<hbm>>) target(%dma_start3A_343 : memref<125x32xf32, #tpu.memory_space<vmem>>) offsets(%dma_start3A_346 : memref<125xi32, #tpu.memory_space<vmem>>) semaphore(%arg14 : memref<!tpu.dma_semaphore, #tpu.memory_space<semaphore_mem>>)
        %dma_start3A_350 = arith.constant 4 : i32
        %dma_start3A_351 = arith.constant 500 : i32
        %dma_start3A_352 = arith.constant 0 : i32
        %dma_start3A_353 = tpu.memref_slice %arg11[%dma_start3A_351, %dma_start3A_352] : memref<1000x32xf32, #tpu.memory_space<vmem>> -> memref<125x32xf32, #tpu.memory_space<vmem>>
        %dma_start3A_354 = arith.constant 0 : i32
        %dma_start3A_355 = tpu.memref_slice %arg8[%dma_start3A_350, %dma_start3A_354] : memref<8x125xi32, #tpu.memory_space<vmem>> -> memref<1x125xi32, #tpu.memory_space<vmem>>
        %dma_start3A_356 = tpu.memref_squeeze %dma_start3A_355 : memref<1x125xi32, #tpu.memory_space<vmem>> -> memref<125xi32, #tpu.memory_space<vmem>>
        %dma_start3A_357 = arith.constant 0 : i32
        %dma_start3A_358 = arith.constant 0 : i32
        %dma_start3A_359 = tpu.memref_slice %arg2[%dma_start3A_357, %dma_start3A_358] : memref<50000x32xf32, #tpu.memory_space<hbm>> -> memref<50000x32xf32, #tpu.memory_space<hbm>>
        tpu.enqueue_indirect_dma source(%dma_start3A_359 : memref<50000x32xf32, #tpu.memory_space<hbm>>) target(%dma_start3A_353 : memref<125x32xf32, #tpu.memory_space<vmem>>) offsets(%dma_start3A_356 : memref<125xi32, #tpu.memory_space<vmem>>) semaphore(%arg14 : memref<!tpu.dma_semaphore, #tpu.memory_space<semaphore_mem>>)
        %dma_start3A_360 = arith.constant 5 : i32
        %dma_start3A_361 = arith.constant 625 : i32
        %dma_start3A_362 = arith.constant 0 : i32
        %dma_start3A_363 = tpu.memref_slice %arg11[%dma_start3A_361, %dma_start3A_362] : memref<1000x32xf32, #tpu.memory_space<vmem>> -> memref<125x32xf32, #tpu.memory_space<vmem>>
        %dma_start3A_364 = arith.constant 0 : i32
        %dma_start3A_365 = tpu.memref_slice %arg8[%dma_start3A_360, %dma_start3A_364] : memref<8x125xi32, #tpu.memory_space<vmem>> -> memref<1x125xi32, #tpu.memory_space<vmem>>
        %dma_start3A_366 = tpu.memref_squeeze %dma_start3A_365 : memref<1x125xi32, #tpu.memory_space<vmem>> -> memref<125xi32, #tpu.memory_space<vmem>>
        %dma_start3A_367 = arith.constant 0 : i32
        %dma_start3A_368 = arith.constant 0 : i32
        %dma_start3A_369 = tpu.memref_slice %arg2[%dma_start3A_367, %dma_start3A_368] : memref<50000x32xf32, #tpu.memory_space<hbm>> -> memref<50000x32xf32, #tpu.memory_space<hbm>>
        tpu.enqueue_indirect_dma source(%dma_start3A_369 : memref<50000x32xf32, #tpu.memory_space<hbm>>) target(%dma_start3A_363 : memref<125x32xf32, #tpu.memory_space<vmem>>) offsets(%dma_start3A_366 : memref<125xi32, #tpu.memory_space<vmem>>) semaphore(%arg14 : memref<!tpu.dma_semaphore, #tpu.memory_space<semaphore_mem>>)
        %dma_start3A_370 = arith.constant 6 : i32
        %dma_start3A_371 = arith.constant 750 : i32
        %dma_start3A_372 = arith.constant 0 : i32
        %dma_start3A_373 = tpu.memref_slice %arg11[%dma_start3A_371, %dma_start3A_372] : memref<1000x32xf32, #tpu.memory_space<vmem>> -> memref<125x32xf32, #tpu.memory_space<vmem>>
        %dma_start3A_374 = arith.constant 0 : i32
        %dma_start3A_375 = tpu.memref_slice %arg8[%dma_start3A_370, %dma_start3A_374] : memref<8x125xi32, #tpu.memory_space<vmem>> -> memref<1x125xi32, #tpu.memory_space<vmem>>
        %dma_start3A_376 = tpu.memref_squeeze %dma_start3A_375 : memref<1x125xi32, #tpu.memory_space<vmem>> -> memref<125xi32, #tpu.memory_space<vmem>>
        %dma_start3A_377 = arith.constant 0 : i32
        %dma_start3A_378 = arith.constant 0 : i32
        %dma_start3A_379 = tpu.memref_slice %arg2[%dma_start3A_377, %dma_start3A_378] : memref<50000x32xf32, #tpu.memory_space<hbm>> -> memref<50000x32xf32, #tpu.memory_space<hbm>>
        tpu.enqueue_indirect_dma source(%dma_start3A_379 : memref<50000x32xf32, #tpu.memory_space<hbm>>) target(%dma_start3A_373 : memref<125x32xf32, #tpu.memory_space<vmem>>) offsets(%dma_start3A_376 : memref<125xi32, #tpu.memory_space<vmem>>) semaphore(%arg14 : memref<!tpu.dma_semaphore, #tpu.memory_space<semaphore_mem>>)
        %dma_start3A_380 = arith.constant 7 : i32
        %dma_start3A_381 = arith.constant 875 : i32
        %dma_start3A_382 = arith.constant 0 : i32
        %dma_start3A_383 = tpu.memref_slice %arg11[%dma_start3A_381, %dma_start3A_382] : memref<1000x32xf32, #tpu.memory_space<vmem>> -> memref<125x32xf32, #tpu.memory_space<vmem>>
        %dma_start3A_384 = arith.constant 0 : i32
        %dma_start3A_385 = tpu.memref_slice %arg8[%dma_start3A_380, %dma_start3A_384] : memref<8x125xi32, #tpu.memory_space<vmem>> -> memref<1x125xi32, #tpu.memory_space<vmem>>
        %dma_start3A_386 = tpu.memref_squeeze %dma_start3A_385 : memref<1x125xi32, #tpu.memory_space<vmem>> -> memref<125xi32, #tpu.memory_space<vmem>>
        %dma_start3A_387 = arith.constant 0 : i32
        %dma_start3A_388 = arith.constant 0 : i32
        %dma_start3A_389 = tpu.memref_slice %arg2[%dma_start3A_387, %dma_start3A_388] : memref<50000x32xf32, #tpu.memory_space<hbm>> -> memref<50000x32xf32, #tpu.memory_space<hbm>>
        tpu.enqueue_indirect_dma source(%dma_start3A_389 : memref<50000x32xf32, #tpu.memory_space<hbm>>) target(%dma_start3A_383 : memref<125x32xf32, #tpu.memory_space<vmem>>) offsets(%dma_start3A_386 : memref<125xi32, #tpu.memory_space<vmem>>) semaphore(%arg14 : memref<!tpu.dma_semaphore, #tpu.memory_space<semaphore_mem>>)
      } else {
      }
      %scan3A_223 = arith.constant 0 : i32
      %scan3A_224 = arith.constant 0 : i32
      %scan3A_225 = arith.constant 250 : i32
      %scan3A_226 = arith.addi %scan3A_224, %scan3A_225 : i32
      %scan3A_227 = arith.constant 1 : i32
      %scan3A_228 = scf.for %scan3A_298 = %scan3A_224 to %scan3A_226 step %scan3A_227 iter_args(%scan3A_299 = %scan3A_223) -> (i32)  : i32 {
        %mul3A_300 = arith.constant 4 : i32
        %mul3A_301 = arith.muli %mul3A_300, %scan3A_298 : i32
        %add3A_302 = arith.constant 0 : i32
        %add3A_303 = arith.addi %mul3A_301, %add3A_302 : i32
        %get3A = arith.index_cast %add3A_303 : i32 to index
        %get3A_304 = arith.constant 0 : index
        %get3A_305 = tpu.vector_load %arg10[%get3A, %get3A_304] {strides = array<i32>} : memref<1000x32xf32, #tpu.memory_space<vmem>>, vector<1x16xf32>,
        %get3A_306 = vector.shape_cast %get3A_305 : vector<1x16xf32> to vector<16xf32>
        %mul3A_307 = arith.constant 4 : i32
        %mul3A_308 = arith.muli %mul3A_307, %scan3A_298 : i32
        %add3A_309 = arith.constant 0 : i32
        %add3A_310 = arith.addi %mul3A_308, %add3A_309 : i32
        %get3A_311 = arith.index_cast %add3A_310 : i32 to index
        %get3A_312 = arith.constant 0 : index
        %get3A_313 = tpu.vector_load %arg12[%get3A_311, %get3A_312] {strides = array<i32>} : memref<1000x32xf32, #tpu.memory_space<vmem>>, vector<1x16xf32>,
        %get3A_314 = vector.shape_cast %get3A_313 : vector<1x16xf32> to vector<16xf32>
        %add3A_315 = arith.addf %get3A_306, %get3A_314 : vector<16xf32>
        %mul3A_316 = arith.constant 4 : i32
        %mul3A_317 = arith.muli %mul3A_316, %scan3A_298 : i32
        %add3A_318 = arith.constant 0 : i32
        %add3A_319 = arith.addi %mul3A_317, %add3A_318 : i32
        %swap3A = arith.index_cast %add3A_319 : i32 to index
        %swap3A_320 = arith.constant 0 : index
        %swap3A_321 = tpu.vector_load %arg10[%swap3A, %swap3A_320] {strides = array<i32>} : memref<1000x32xf32, #tpu.memory_space<vmem>>, vector<1x16xf32>,
        %swap3A_322 = vector.shape_cast %swap3A_321 : vector<1x16xf32> to vector<16xf32>
        %swap3A_323 = vector.shape_cast %add3A_315 : vector<16xf32> to vector<1x16xf32>
        tpu.vector_store %arg10[%swap3A, %swap3A_320], %swap3A_323 {strides = array<i32>} : memref<1000x32xf32, #tpu.memory_space<vmem>>, vector<1x16xf32>,
        %mul3A_324 = arith.constant 4 : i32
        %mul3A_325 = arith.muli %mul3A_324, %scan3A_298 : i32
        %add3A_326 = arith.constant 0 : i32
        %add3A_327 = arith.addi %mul3A_325, %add3A_326 : i32
        %get3A_328 = arith.index_cast %add3A_327 : i32 to index
        %get3A_329 = arith.constant 16 : index
        %get3A_330 = tpu.vector_load %arg10[%get3A_328, %get3A_329] {strides = array<i32>} : memref<1000x32xf32, #tpu.memory_space<vmem>>, vector<1x16xf32>,
        %get3A_331 = vector.shape_cast %get3A_330 : vector<1x16xf32> to vector<16xf32>
        %mul3A_332 = arith.constant 4 : i32
        %mul3A_333 = arith.muli %mul3A_332, %scan3A_298 : i32
        %add3A_334 = arith.constant 0 : i32
        %add3A_335 = arith.addi %mul3A_333, %add3A_334 : i32
        %get3A_336 = arith.index_cast %add3A_335 : i32 to index
        %get3A_337 = arith.constant 16 : index
        %get3A_338 = tpu.vector_load %arg12[%get3A_336, %get3A_337] {strides = array<i32>} : memref<1000x32xf32, #tpu.memory_space<vmem>>, vector<1x16xf32>,
        %get3A_339 = vector.shape_cast %get3A_338 : vector<1x16xf32> to vector<16xf32>
        %add3A_340 = arith.addf %get3A_331, %get3A_339 : vector<16xf32>
        %mul3A_341 = arith.constant 4 : i32
        %mul3A_342 = arith.muli %mul3A_341, %scan3A_298 : i32
        %add3A_343 = arith.constant 0 : i32
        %add3A_344 = arith.addi %mul3A_342, %add3A_343 : i32
        %swap3A_345 = arith.index_cast %add3A_344 : i32 to index
        %swap3A_346 = arith.constant 16 : index
        %swap3A_347 = tpu.vector_load %arg10[%swap3A_345, %swap3A_346] {strides = array<i32>} : memref<1000x32xf32, #tpu.memory_space<vmem>>, vector<1x16xf32>,
        %swap3A_348 = vector.shape_cast %swap3A_347 : vector<1x16xf32> to vector<16xf32>
        %swap3A_349 = vector.shape_cast %add3A_340 : vector<16xf32> to vector<1x16xf32>
        tpu.vector_store %arg10[%swap3A_345, %swap3A_346], %swap3A_349 {strides = array<i32>} : memref<1000x32xf32, #tpu.memory_space<vmem>>, vector<1x16xf32>,
        %mul3A_350 = arith.constant 4 : i32
        %mul3A_351 = arith.muli %mul3A_350, %scan3A_298 : i32
        %add3A_352 = arith.constant 1 : i32
        %add3A_353 = arith.addi %mul3A_351, %add3A_352 : i32
        %get3A_354 = arith.index_cast %add3A_353 : i32 to index
        %get3A_355 = arith.constant 0 : index
        %get3A_356 = tpu.vector_load %arg10[%get3A_354, %get3A_355] {strides = array<i32>} : memref<1000x32xf32, #tpu.memory_space<vmem>>, vector<1x16xf32>,
        %get3A_357 = vector.shape_cast %get3A_356 : vector<1x16xf32> to vector<16xf32>
        %mul3A_358 = arith.constant 4 : i32
        %mul3A_359 = arith.muli %mul3A_358, %scan3A_298 : i32
        %add3A_360 = arith.constant 1 : i32
        %add3A_361 = arith.addi %mul3A_359, %add3A_360 : i32
        %get3A_362 = arith.index_cast %add3A_361 : i32 to index
        %get3A_363 = arith.constant 0 : index
        %get3A_364 = tpu.vector_load %arg12[%get3A_362, %get3A_363] {strides = array<i32>} : memref<1000x32xf32, #tpu.memory_space<vmem>>, vector<1x16xf32>,
        %get3A_365 = vector.shape_cast %get3A_364 : vector<1x16xf32> to vector<16xf32>
        %add3A_366 = arith.addf %get3A_357, %get3A_365 : vector<16xf32>
        %mul3A_367 = arith.constant 4 : i32
        %mul3A_368 = arith.muli %mul3A_367, %scan3A_298 : i32
        %add3A_369 = arith.constant 1 : i32
        %add3A_370 = arith.addi %mul3A_368, %add3A_369 : i32
        %swap3A_371 = arith.index_cast %add3A_370 : i32 to index
        %swap3A_372 = arith.constant 0 : index
        %swap3A_373 = tpu.vector_load %arg10[%swap3A_371, %swap3A_372] {strides = array<i32>} : memref<1000x32xf32, #tpu.memory_space<vmem>>, vector<1x16xf32>,
        %swap3A_374 = vector.shape_cast %swap3A_373 : vector<1x16xf32> to vector<16xf32>
        %swap3A_375 = vector.shape_cast %add3A_366 : vector<16xf32> to vector<1x16xf32>
        tpu.vector_store %arg10[%swap3A_371, %swap3A_372], %swap3A_375 {strides = array<i32>} : memref<1000x32xf32, #tpu.memory_space<vmem>>, vector<1x16xf32>,
        %mul3A_376 = arith.constant 4 : i32
        %mul3A_377 = arith.muli %mul3A_376, %scan3A_298 : i32
        %add3A_378 = arith.constant 1 : i32
        %add3A_379 = arith.addi %mul3A_377, %add3A_378 : i32
        %get3A_380 = arith.index_cast %add3A_379 : i32 to index
        %get3A_381 = arith.constant 16 : index
        %get3A_382 = tpu.vector_load %arg10[%get3A_380, %get3A_381] {strides = array<i32>} : memref<1000x32xf32, #tpu.memory_space<vmem>>, vector<1x16xf32>,
        %get3A_383 = vector.shape_cast %get3A_382 : vector<1x16xf32> to vector<16xf32>
        %mul3A_384 = arith.constant 4 : i32
        %mul3A_385 = arith.muli %mul3A_384, %scan3A_298 : i32
        %add3A_386 = arith.constant 1 : i32
        %add3A_387 = arith.addi %mul3A_385, %add3A_386 : i32
        %get3A_388 = arith.index_cast %add3A_387 : i32 to index
        %get3A_389 = arith.constant 16 : index
        %get3A_390 = tpu.vector_load %arg12[%get3A_388, %get3A_389] {strides = array<i32>} : memref<1000x32xf32, #tpu.memory_space<vmem>>, vector<1x16xf32>,
        %get3A_391 = vector.shape_cast %get3A_390 : vector<1x16xf32> to vector<16xf32>
        %add3A_392 = arith.addf %get3A_383, %get3A_391 : vector<16xf32>
        %mul3A_393 = arith.constant 4 : i32
        %mul3A_394 = arith.muli %mul3A_393, %scan3A_298 : i32
        %add3A_395 = arith.constant 1 : i32
        %add3A_396 = arith.addi %mul3A_394, %add3A_395 : i32
        %swap3A_397 = arith.index_cast %add3A_396 : i32 to index
        %swap3A_398 = arith.constant 16 : index
        %swap3A_399 = tpu.vector_load %arg10[%swap3A_397, %swap3A_398] {strides = array<i32>} : memref<1000x32xf32, #tpu.memory_space<vmem>>, vector<1x16xf32>,
        %swap3A_400 = vector.shape_cast %swap3A_399 : vector<1x16xf32> to vector<16xf32>
        %swap3A_401 = vector.shape_cast %add3A_392 : vector<16xf32> to vector<1x16xf32>
        tpu.vector_store %arg10[%swap3A_397, %swap3A_398], %swap3A_401 {strides = array<i32>} : memref<1000x32xf32, #tpu.memory_space<vmem>>, vector<1x16xf32>,
        %mul3A_402 = arith.constant 4 : i32
        %mul3A_403 = arith.muli %mul3A_402, %scan3A_298 : i32
        %add3A_404 = arith.constant 2 : i32
        %add3A_405 = arith.addi %mul3A_403, %add3A_404 : i32
        %get3A_406 = arith.index_cast %add3A_405 : i32 to index
        %get3A_407 = arith.constant 0 : index
        %get3A_408 = tpu.vector_load %arg10[%get3A_406, %get3A_407] {strides = array<i32>} : memref<1000x32xf32, #tpu.memory_space<vmem>>, vector<1x16xf32>,
        %get3A_409 = vector.shape_cast %get3A_408 : vector<1x16xf32> to vector<16xf32>
        %mul3A_410 = arith.constant 4 : i32
        %mul3A_411 = arith.muli %mul3A_410, %scan3A_298 : i32
        %add3A_412 = arith.constant 2 : i32
        %add3A_413 = arith.addi %mul3A_411, %add3A_412 : i32
        %get3A_414 = arith.index_cast %add3A_413 : i32 to index
        %get3A_415 = arith.constant 0 : index
        %get3A_416 = tpu.vector_load %arg12[%get3A_414, %get3A_415] {strides = array<i32>} : memref<1000x32xf32, #tpu.memory_space<vmem>>, vector<1x16xf32>,
        %get3A_417 = vector.shape_cast %get3A_416 : vector<1x16xf32> to vector<16xf32>
        %add3A_418 = arith.addf %get3A_409, %get3A_417 : vector<16xf32>
        %mul3A_419 = arith.constant 4 : i32
        %mul3A_420 = arith.muli %mul3A_419, %scan3A_298 : i32
        %add3A_421 = arith.constant 2 : i32
        %add3A_422 = arith.addi %mul3A_420, %add3A_421 : i32
        %swap3A_423 = arith.index_cast %add3A_422 : i32 to index
        %swap3A_424 = arith.constant 0 : index
        %swap3A_425 = tpu.vector_load %arg10[%swap3A_423, %swap3A_424] {strides = array<i32>} : memref<1000x32xf32, #tpu.memory_space<vmem>>, vector<1x16xf32>,
        %swap3A_426 = vector.shape_cast %swap3A_425 : vector<1x16xf32> to vector<16xf32>
        %swap3A_427 = vector.shape_cast %add3A_418 : vector<16xf32> to vector<1x16xf32>
        tpu.vector_store %arg10[%swap3A_423, %swap3A_424], %swap3A_427 {strides = array<i32>} : memref<1000x32xf32, #tpu.memory_space<vmem>>, vector<1x16xf32>,
        %mul3A_428 = arith.constant 4 : i32
        %mul3A_429 = arith.muli %mul3A_428, %scan3A_298 : i32
        %add3A_430 = arith.constant 2 : i32
        %add3A_431 = arith.addi %mul3A_429, %add3A_430 : i32
        %get3A_432 = arith.index_cast %add3A_431 : i32 to index
        %get3A_433 = arith.constant 16 : index
        %get3A_434 = tpu.vector_load %arg10[%get3A_432, %get3A_433] {strides = array<i32>} : memref<1000x32xf32, #tpu.memory_space<vmem>>, vector<1x16xf32>,
        %get3A_435 = vector.shape_cast %get3A_434 : vector<1x16xf32> to vector<16xf32>
        %mul3A_436 = arith.constant 4 : i32
        %mul3A_437 = arith.muli %mul3A_436, %scan3A_298 : i32
        %add3A_438 = arith.constant 2 : i32
        %add3A_439 = arith.addi %mul3A_437, %add3A_438 : i32
        %get3A_440 = arith.index_cast %add3A_439 : i32 to index
        %get3A_441 = arith.constant 16 : index
        %get3A_442 = tpu.vector_load %arg12[%get3A_440, %get3A_441] {strides = array<i32>} : memref<1000x32xf32, #tpu.memory_space<vmem>>, vector<1x16xf32>,
        %get3A_443 = vector.shape_cast %get3A_442 : vector<1x16xf32> to vector<16xf32>
        %add3A_444 = arith.addf %get3A_435, %get3A_443 : vector<16xf32>
        %mul3A_445 = arith.constant 4 : i32
        %mul3A_446 = arith.muli %mul3A_445, %scan3A_298 : i32
        %add3A_447 = arith.constant 2 : i32
        %add3A_448 = arith.addi %mul3A_446, %add3A_447 : i32
        %swap3A_449 = arith.index_cast %add3A_448 : i32 to index
        %swap3A_450 = arith.constant 16 : index
        %swap3A_451 = tpu.vector_load %arg10[%swap3A_449, %swap3A_450] {strides = array<i32>} : memref<1000x32xf32, #tpu.memory_space<vmem>>, vector<1x16xf32>,
        %swap3A_452 = vector.shape_cast %swap3A_451 : vector<1x16xf32> to vector<16xf32>
        %swap3A_453 = vector.shape_cast %add3A_444 : vector<16xf32> to vector<1x16xf32>
        tpu.vector_store %arg10[%swap3A_449, %swap3A_450], %swap3A_453 {strides = array<i32>} : memref<1000x32xf32, #tpu.memory_space<vmem>>, vector<1x16xf32>,
        %mul3A_454 = arith.constant 4 : i32
        %mul3A_455 = arith.muli %mul3A_454, %scan3A_298 : i32
        %add3A_456 = arith.constant 3 : i32
        %add3A_457 = arith.addi %mul3A_455, %add3A_456 : i32
        %get3A_458 = arith.index_cast %add3A_457 : i32 to index
        %get3A_459 = arith.constant 0 : index
        %get3A_460 = tpu.vector_load %arg10[%get3A_458, %get3A_459] {strides = array<i32>} : memref<1000x32xf32, #tpu.memory_space<vmem>>, vector<1x16xf32>,
        %get3A_461 = vector.shape_cast %get3A_460 : vector<1x16xf32> to vector<16xf32>
        %mul3A_462 = arith.constant 4 : i32
        %mul3A_463 = arith.muli %mul3A_462, %scan3A_298 : i32
        %add3A_464 = arith.constant 3 : i32
        %add3A_465 = arith.addi %mul3A_463, %add3A_464 : i32
        %get3A_466 = arith.index_cast %add3A_465 : i32 to index
        %get3A_467 = arith.constant 0 : index
        %get3A_468 = tpu.vector_load %arg12[%get3A_466, %get3A_467] {strides = array<i32>} : memref<1000x32xf32, #tpu.memory_space<vmem>>, vector<1x16xf32>,
        %get3A_469 = vector.shape_cast %get3A_468 : vector<1x16xf32> to vector<16xf32>
        %add3A_470 = arith.addf %get3A_461, %get3A_469 : vector<16xf32>
        %mul3A_471 = arith.constant 4 : i32
        %mul3A_472 = arith.muli %mul3A_471, %scan3A_298 : i32
        %add3A_473 = arith.constant 3 : i32
        %add3A_474 = arith.addi %mul3A_472, %add3A_473 : i32
        %swap3A_475 = arith.index_cast %add3A_474 : i32 to index
        %swap3A_476 = arith.constant 0 : index
        %swap3A_477 = tpu.vector_load %arg10[%swap3A_475, %swap3A_476] {strides = array<i32>} : memref<1000x32xf32, #tpu.memory_space<vmem>>, vector<1x16xf32>,
        %swap3A_478 = vector.shape_cast %swap3A_477 : vector<1x16xf32> to vector<16xf32>
        %swap3A_479 = vector.shape_cast %add3A_470 : vector<16xf32> to vector<1x16xf32>
        tpu.vector_store %arg10[%swap3A_475, %swap3A_476], %swap3A_479 {strides = array<i32>} : memref<1000x32xf32, #tpu.memory_space<vmem>>, vector<1x16xf32>,
        %mul3A_480 = arith.constant 4 : i32
        %mul3A_481 = arith.muli %mul3A_480, %scan3A_298 : i32
        %add3A_482 = arith.constant 3 : i32
        %add3A_483 = arith.addi %mul3A_481, %add3A_482 : i32
        %get3A_484 = arith.index_cast %add3A_483 : i32 to index
        %get3A_485 = arith.constant 16 : index
        %get3A_486 = tpu.vector_load %arg10[%get3A_484, %get3A_485] {strides = array<i32>} : memref<1000x32xf32, #tpu.memory_space<vmem>>, vector<1x16xf32>,
        %get3A_487 = vector.shape_cast %get3A_486 : vector<1x16xf32> to vector<16xf32>
        %mul3A_488 = arith.constant 4 : i32
        %mul3A_489 = arith.muli %mul3A_488, %scan3A_298 : i32
        %add3A_490 = arith.constant 3 : i32
        %add3A_491 = arith.addi %mul3A_489, %add3A_490 : i32
        %get3A_492 = arith.index_cast %add3A_491 : i32 to index
        %get3A_493 = arith.constant 16 : index
        %get3A_494 = tpu.vector_load %arg12[%get3A_492, %get3A_493] {strides = array<i32>} : memref<1000x32xf32, #tpu.memory_space<vmem>>, vector<1x16xf32>,
        %get3A_495 = vector.shape_cast %get3A_494 : vector<1x16xf32> to vector<16xf32>
        %add3A_496 = arith.addf %get3A_487, %get3A_495 : vector<16xf32>
        %mul3A_497 = arith.constant 4 : i32
        %mul3A_498 = arith.muli %mul3A_497, %scan3A_298 : i32
        %add3A_499 = arith.constant 3 : i32
        %add3A_500 = arith.addi %mul3A_498, %add3A_499 : i32
        %swap3A_501 = arith.index_cast %add3A_500 : i32 to index
        %swap3A_502 = arith.constant 16 : index
        %swap3A_503 = tpu.vector_load %arg10[%swap3A_501, %swap3A_502] {strides = array<i32>} : memref<1000x32xf32, #tpu.memory_space<vmem>>, vector<1x16xf32>,
        %swap3A_504 = vector.shape_cast %swap3A_503 : vector<1x16xf32> to vector<16xf32>
        %swap3A_505 = vector.shape_cast %add3A_496 : vector<16xf32> to vector<1x16xf32>
        tpu.vector_store %arg10[%swap3A_501, %swap3A_502], %swap3A_505 {strides = array<i32>} : memref<1000x32xf32, #tpu.memory_space<vmem>>, vector<1x16xf32>,
        %scan3A_506 = arith.constant 0 : i32
        scf.yield %scan3A_506 : i32
      }
      %scan3A_229 = arith.constant 250 : i32
      %add3A_230 = arith.constant 1 : i32
      %add3A_231 = arith.addi %mul3A_199, %add3A_230 : i32
      %lt3A_232 = arith.constant 50 : i32
      %lt3A_233 = arith.cmpi slt, %add3A_231, %lt3A_232 : i32
      %convert_element_type3A_234 = arith.extui %lt3A_233 : i1 to i32
      %cond3A_235 = arith.constant 0 : i32
      %cond3A_236 = arith.cmpi ne, %convert_element_type3A_234, %cond3A_235 : i32
      scf.if %cond3A_236 {
        %add3A_298 = arith.constant 1 : i32
        %add3A_299 = arith.addi %mul3A_199, %add3A_298 : i32
        %mul3A_300 = arith.constant 50 : i32
        %mul3A_301 = arith.muli %add3A, %mul3A_300 : i32
        %add3A_302 = arith.addi %mul3A_301, %add3A_299 : i32
        %mul3A_303 = arith.constant 8 : i32
        %mul3A_304 = arith.muli %mul3A_303, %add3A_302 : i32
        %multiple_of3A_305 = tpu.assume_multiple %mul3A_304, 8 : i32
        "tpu.region"() ({
          %run_scoped3A = tpu.sem_alloc : memref<!tpu.dma_semaphore, #tpu.memory_space<semaphore_mem>>
          %dma_start3A_386 = arith.constant 0 : i32
          %dma_start3A_387 = tpu.memref_slice %arg5[%multiple_of3A_305, %dma_start3A_386] : memref<12800x125xi32, #tpu.memory_space<hbm>> -> memref<8x125xi32, #tpu.memory_space<hbm>>
          %dma_start3A_388 = arith.constant 0 : i32
          %dma_start3A_389 = tpu.memref_slice %arg5[%multiple_of3A_305, %dma_start3A_388] : memref<12800x125xi32, #tpu.memory_space<hbm>> -> memref<8x125xi32, #tpu.memory_space<hbm>>
          tpu.enqueue_dma source(%dma_start3A_389 : memref<8x125xi32, #tpu.memory_space<hbm>>) target(%arg9 : memref<8x125xi32, #tpu.memory_space<vmem>>) target_semaphore(%run_scoped3A : memref<!tpu.dma_semaphore, #tpu.memory_space<semaphore_mem>>)
          %dma_wait3A_390 = arith.constant 0 : i32
          %dma_wait3A_391 = tpu.memref_slice %arg5[%multiple_of3A_305, %dma_wait3A_390] : memref<12800x125xi32, #tpu.memory_space<hbm>> -> memref<8x125xi32, #tpu.memory_space<hbm>>
          %dma_wait3A_392 = arith.constant 0 : i32
          %dma_wait3A_393 = tpu.memref_slice %arg5[%multiple_of3A_305, %dma_wait3A_392] : memref<12800x125xi32, #tpu.memory_space<hbm>> -> memref<8x125xi32, #tpu.memory_space<hbm>>
          tpu.wait_dma2 semaphore(%run_scoped3A : memref<!tpu.dma_semaphore, #tpu.memory_space<semaphore_mem>>) src(%dma_wait3A_393 : memref<8x125xi32, #tpu.memory_space<hbm>>) dst(%arg9 : memref<8x125xi32, #tpu.memory_space<vmem>>)
          tpu.yield
        }) : () -> ()
        %dma_start3A_306 = arith.constant 0 : i32
        %dma_start3A_307 = arith.constant 0 : i32
        %dma_start3A_308 = arith.constant 0 : i32
        %dma_start3A_309 = tpu.memref_slice %arg12[%dma_start3A_307, %dma_start3A_308] : memref<1000x32xf32, #tpu.memory_space<vmem>> -> memref<125x32xf32, #tpu.memory_space<vmem>>
        %dma_start3A_310 = arith.constant 0 : i32
        %dma_start3A_311 = tpu.memref_slice %arg9[%dma_start3A_306, %dma_start3A_310] : memref<8x125xi32, #tpu.memory_space<vmem>> -> memref<1x125xi32, #tpu.memory_space<vmem>>
        %dma_start3A_312 = tpu.memref_squeeze %dma_start3A_311 : memref<1x125xi32, #tpu.memory_space<vmem>> -> memref<125xi32, #tpu.memory_space<vmem>>
        %dma_start3A_313 = arith.constant 0 : i32
        %dma_start3A_314 = arith.constant 0 : i32
        %dma_start3A_315 = tpu.memref_slice %arg3[%dma_start3A_313, %dma_start3A_314] : memref<50000x32xf32, #tpu.memory_space<hbm>> -> memref<50000x32xf32, #tpu.memory_space<hbm>>
        tpu.enqueue_indirect_dma source(%dma_start3A_315 : memref<50000x32xf32, #tpu.memory_space<hbm>>) target(%dma_start3A_309 : memref<125x32xf32, #tpu.memory_space<vmem>>) offsets(%dma_start3A_312 : memref<125xi32, #tpu.memory_space<vmem>>) semaphore(%arg15 : memref<!tpu.dma_semaphore, #tpu.memory_space<semaphore_mem>>)
        %dma_start3A_316 = arith.constant 1 : i32
        %dma_start3A_317 = arith.constant 125 : i32
        %dma_start3A_318 = arith.constant 0 : i32
        %dma_start3A_319 = tpu.memref_slice %arg12[%dma_start3A_317, %dma_start3A_318] : memref<1000x32xf32, #tpu.memory_space<vmem>> -> memref<125x32xf32, #tpu.memory_space<vmem>>
        %dma_start3A_320 = arith.constant 0 : i32
        %dma_start3A_321 = tpu.memref_slice %arg9[%dma_start3A_316, %dma_start3A_320] : memref<8x125xi32, #tpu.memory_space<vmem>> -> memref<1x125xi32, #tpu.memory_space<vmem>>
        %dma_start3A_322 = tpu.memref_squeeze %dma_start3A_321 : memref<1x125xi32, #tpu.memory_space<vmem>> -> memref<125xi32, #tpu.memory_space<vmem>>
        %dma_start3A_323 = arith.constant 0 : i32
        %dma_start3A_324 = arith.constant 0 : i32
        %dma_start3A_325 = tpu.memref_slice %arg3[%dma_start3A_323, %dma_start3A_324] : memref<50000x32xf32, #tpu.memory_space<hbm>> -> memref<50000x32xf32, #tpu.memory_space<hbm>>
        tpu.enqueue_indirect_dma source(%dma_start3A_325 : memref<50000x32xf32, #tpu.memory_space<hbm>>) target(%dma_start3A_319 : memref<125x32xf32, #tpu.memory_space<vmem>>) offsets(%dma_start3A_322 : memref<125xi32, #tpu.memory_space<vmem>>) semaphore(%arg15 : memref<!tpu.dma_semaphore, #tpu.memory_space<semaphore_mem>>)
        %dma_start3A_326 = arith.constant 2 : i32
        %dma_start3A_327 = arith.constant 250 : i32
        %dma_start3A_328 = arith.constant 0 : i32
        %dma_start3A_329 = tpu.memref_slice %arg12[%dma_start3A_327, %dma_start3A_328] : memref<1000x32xf32, #tpu.memory_space<vmem>> -> memref<125x32xf32, #tpu.memory_space<vmem>>
        %dma_start3A_330 = arith.constant 0 : i32
        %dma_start3A_331 = tpu.memref_slice %arg9[%dma_start3A_326, %dma_start3A_330] : memref<8x125xi32, #tpu.memory_space<vmem>> -> memref<1x125xi32, #tpu.memory_space<vmem>>
        %dma_start3A_332 = tpu.memref_squeeze %dma_start3A_331 : memref<1x125xi32, #tpu.memory_space<vmem>> -> memref<125xi32, #tpu.memory_space<vmem>>
        %dma_start3A_333 = arith.constant 0 : i32
        %dma_start3A_334 = arith.constant 0 : i32
        %dma_start3A_335 = tpu.memref_slice %arg3[%dma_start3A_333, %dma_start3A_334] : memref<50000x32xf32, #tpu.memory_space<hbm>> -> memref<50000x32xf32, #tpu.memory_space<hbm>>
        tpu.enqueue_indirect_dma source(%dma_start3A_335 : memref<50000x32xf32, #tpu.memory_space<hbm>>) target(%dma_start3A_329 : memref<125x32xf32, #tpu.memory_space<vmem>>) offsets(%dma_start3A_332 : memref<125xi32, #tpu.memory_space<vmem>>) semaphore(%arg15 : memref<!tpu.dma_semaphore, #tpu.memory_space<semaphore_mem>>)
        %dma_start3A_336 = arith.constant 3 : i32
        %dma_start3A_337 = arith.constant 375 : i32
        %dma_start3A_338 = arith.constant 0 : i32
        %dma_start3A_339 = tpu.memref_slice %arg12[%dma_start3A_337, %dma_start3A_338] : memref<1000x32xf32, #tpu.memory_space<vmem>> -> memref<125x32xf32, #tpu.memory_space<vmem>>
        %dma_start3A_340 = arith.constant 0 : i32
        %dma_start3A_341 = tpu.memref_slice %arg9[%dma_start3A_336, %dma_start3A_340] : memref<8x125xi32, #tpu.memory_space<vmem>> -> memref<1x125xi32, #tpu.memory_space<vmem>>
        %dma_start3A_342 = tpu.memref_squeeze %dma_start3A_341 : memref<1x125xi32, #tpu.memory_space<vmem>> -> memref<125xi32, #tpu.memory_space<vmem>>
        %dma_start3A_343 = arith.constant 0 : i32
        %dma_start3A_344 = arith.constant 0 : i32
        %dma_start3A_345 = tpu.memref_slice %arg3[%dma_start3A_343, %dma_start3A_344] : memref<50000x32xf32, #tpu.memory_space<hbm>> -> memref<50000x32xf32, #tpu.memory_space<hbm>>
        tpu.enqueue_indirect_dma source(%dma_start3A_345 : memref<50000x32xf32, #tpu.memory_space<hbm>>) target(%dma_start3A_339 : memref<125x32xf32, #tpu.memory_space<vmem>>) offsets(%dma_start3A_342 : memref<125xi32, #tpu.memory_space<vmem>>) semaphore(%arg15 : memref<!tpu.dma_semaphore, #tpu.memory_space<semaphore_mem>>)
        %dma_start3A_346 = arith.constant 4 : i32
        %dma_start3A_347 = arith.constant 500 : i32
        %dma_start3A_348 = arith.constant 0 : i32
        %dma_start3A_349 = tpu.memref_slice %arg12[%dma_start3A_347, %dma_start3A_348] : memref<1000x32xf32, #tpu.memory_space<vmem>> -> memref<125x32xf32, #tpu.memory_space<vmem>>
        %dma_start3A_350 = arith.constant 0 : i32
        %dma_start3A_351 = tpu.memref_slice %arg9[%dma_start3A_346, %dma_start3A_350] : memref<8x125xi32, #tpu.memory_space<vmem>> -> memref<1x125xi32, #tpu.memory_space<vmem>>
        %dma_start3A_352 = tpu.memref_squeeze %dma_start3A_351 : memref<1x125xi32, #tpu.memory_space<vmem>> -> memref<125xi32, #tpu.memory_space<vmem>>
        %dma_start3A_353 = arith.constant 0 : i32
        %dma_start3A_354 = arith.constant 0 : i32
        %dma_start3A_355 = tpu.memref_slice %arg3[%dma_start3A_353, %dma_start3A_354] : memref<50000x32xf32, #tpu.memory_space<hbm>> -> memref<50000x32xf32, #tpu.memory_space<hbm>>
        tpu.enqueue_indirect_dma source(%dma_start3A_355 : memref<50000x32xf32, #tpu.memory_space<hbm>>) target(%dma_start3A_349 : memref<125x32xf32, #tpu.memory_space<vmem>>) offsets(%dma_start3A_352 : memref<125xi32, #tpu.memory_space<vmem>>) semaphore(%arg15 : memref<!tpu.dma_semaphore, #tpu.memory_space<semaphore_mem>>)
        %dma_start3A_356 = arith.constant 5 : i32
        %dma_start3A_357 = arith.constant 625 : i32
        %dma_start3A_358 = arith.constant 0 : i32
        %dma_start3A_359 = tpu.memref_slice %arg12[%dma_start3A_357, %dma_start3A_358] : memref<1000x32xf32, #tpu.memory_space<vmem>> -> memref<125x32xf32, #tpu.memory_space<vmem>>
        %dma_start3A_360 = arith.constant 0 : i32
        %dma_start3A_361 = tpu.memref_slice %arg9[%dma_start3A_356, %dma_start3A_360] : memref<8x125xi32, #tpu.memory_space<vmem>> -> memref<1x125xi32, #tpu.memory_space<vmem>>
        %dma_start3A_362 = tpu.memref_squeeze %dma_start3A_361 : memref<1x125xi32, #tpu.memory_space<vmem>> -> memref<125xi32, #tpu.memory_space<vmem>>
        %dma_start3A_363 = arith.constant 0 : i32
        %dma_start3A_364 = arith.constant 0 : i32
        %dma_start3A_365 = tpu.memref_slice %arg3[%dma_start3A_363, %dma_start3A_364] : memref<50000x32xf32, #tpu.memory_space<hbm>> -> memref<50000x32xf32, #tpu.memory_space<hbm>>
        tpu.enqueue_indirect_dma source(%dma_start3A_365 : memref<50000x32xf32, #tpu.memory_space<hbm>>) target(%dma_start3A_359 : memref<125x32xf32, #tpu.memory_space<vmem>>) offsets(%dma_start3A_362 : memref<125xi32, #tpu.memory_space<vmem>>) semaphore(%arg15 : memref<!tpu.dma_semaphore, #tpu.memory_space<semaphore_mem>>)
        %dma_start3A_366 = arith.constant 6 : i32
        %dma_start3A_367 = arith.constant 750 : i32
        %dma_start3A_368 = arith.constant 0 : i32
        %dma_start3A_369 = tpu.memref_slice %arg12[%dma_start3A_367, %dma_start3A_368] : memref<1000x32xf32, #tpu.memory_space<vmem>> -> memref<125x32xf32, #tpu.memory_space<vmem>>
        %dma_start3A_370 = arith.constant 0 : i32
        %dma_start3A_371 = tpu.memref_slice %arg9[%dma_start3A_366, %dma_start3A_370] : memref<8x125xi32, #tpu.memory_space<vmem>> -> memref<1x125xi32, #tpu.memory_space<vmem>>
        %dma_start3A_372 = tpu.memref_squeeze %dma_start3A_371 : memref<1x125xi32, #tpu.memory_space<vmem>> -> memref<125xi32, #tpu.memory_space<vmem>>
        %dma_start3A_373 = arith.constant 0 : i32
        %dma_start3A_374 = arith.constant 0 : i32
        %dma_start3A_375 = tpu.memref_slice %arg3[%dma_start3A_373, %dma_start3A_374] : memref<50000x32xf32, #tpu.memory_space<hbm>> -> memref<50000x32xf32, #tpu.memory_space<hbm>>
        tpu.enqueue_indirect_dma source(%dma_start3A_375 : memref<50000x32xf32, #tpu.memory_space<hbm>>) target(%dma_start3A_369 : memref<125x32xf32, #tpu.memory_space<vmem>>) offsets(%dma_start3A_372 : memref<125xi32, #tpu.memory_space<vmem>>) semaphore(%arg15 : memref<!tpu.dma_semaphore, #tpu.memory_space<semaphore_mem>>)
        %dma_start3A_376 = arith.constant 7 : i32
        %dma_start3A_377 = arith.constant 875 : i32
        %dma_start3A_378 = arith.constant 0 : i32
        %dma_start3A_379 = tpu.memref_slice %arg12[%dma_start3A_377, %dma_start3A_378] : memref<1000x32xf32, #tpu.memory_space<vmem>> -> memref<125x32xf32, #tpu.memory_space<vmem>>
        %dma_start3A_380 = arith.constant 0 : i32
        %dma_start3A_381 = tpu.memref_slice %arg9[%dma_start3A_376, %dma_start3A_380] : memref<8x125xi32, #tpu.memory_space<vmem>> -> memref<1x125xi32, #tpu.memory_space<vmem>>
        %dma_start3A_382 = tpu.memref_squeeze %dma_start3A_381 : memref<1x125xi32, #tpu.memory_space<vmem>> -> memref<125xi32, #tpu.memory_space<vmem>>
        %dma_start3A_383 = arith.constant 0 : i32
        %dma_start3A_384 = arith.constant 0 : i32
        %dma_start3A_385 = tpu.memref_slice %arg3[%dma_start3A_383, %dma_start3A_384] : memref<50000x32xf32, #tpu.memory_space<hbm>> -> memref<50000x32xf32, #tpu.memory_space<hbm>>
        tpu.enqueue_indirect_dma source(%dma_start3A_385 : memref<50000x32xf32, #tpu.memory_space<hbm>>) target(%dma_start3A_379 : memref<125x32xf32, #tpu.memory_space<vmem>>) offsets(%dma_start3A_382 : memref<125xi32, #tpu.memory_space<vmem>>) semaphore(%arg15 : memref<!tpu.dma_semaphore, #tpu.memory_space<semaphore_mem>>)
      } else {
      }
      %dma_start3A_237 = arith.constant 0 : i32
      %dma_start3A_238 = arith.constant 0 : i32
      %dma_start3A_239 = tpu.memref_slice %arg6[%add3A_202, %dma_start3A_237, %dma_start3A_238] : memref<1600x1000x32xf32, #tpu.memory_space<hbm>> -> memref<1x1000x32xf32, #tpu.memory_space<hbm>>
      %dma_start3A_240 = tpu.memref_squeeze %dma_start3A_239 : memref<1x1000x32xf32, #tpu.memory_space<hbm>> -> memref<1000x32xf32, #tpu.memory_space<hbm>>
      %dma_start3A_241 = arith.constant 0 : i32
      %dma_start3A_242 = arith.constant 0 : i32
      %dma_start3A_243 = tpu.memref_slice %arg6[%add3A_202, %dma_start3A_241, %dma_start3A_242] : memref<1600x1000x32xf32, #tpu.memory_space<hbm>> -> memref<1x1000x32xf32, #tpu.memory_space<hbm>>
      %dma_start3A_244 = tpu.memref_squeeze %dma_start3A_243 : memref<1x1000x32xf32, #tpu.memory_space<hbm>> -> memref<1000x32xf32, #tpu.memory_space<hbm>>
      tpu.enqueue_dma source(%arg10 : memref<1000x32xf32, #tpu.memory_space<vmem>>) target(%dma_start3A_244 : memref<1000x32xf32, #tpu.memory_space<hbm>>) target_semaphore(%arg16 : memref<!tpu.dma_semaphore, #tpu.memory_space<semaphore_mem>>)
      %mul3A_245 = arith.constant 2 : i32
      %mul3A_246 = arith.muli %mul3A_245, %scan3A_196 : i32
      %add3A_247 = arith.constant 1 : i32
      %add3A_248 = arith.addi %mul3A_246, %add3A_247 : i32
      %mul3A_249 = arith.constant 50 : i32
      %mul3A_250 = arith.muli %add3A, %mul3A_249 : i32
      %add3A_251 = arith.addi %mul3A_250, %add3A_248 : i32
      %dma_wait3A_252 = arith.constant 0 : i32
      %dma_wait3A_253 = arith.constant 0 : i32
      %dma_wait3A_254 = tpu.memref_slice %arg6[%add3A_251, %dma_wait3A_252, %dma_wait3A_253] : memref<1600x1000x32xf32, #tpu.memory_space<hbm>> -> memref<1x1000x32xf32, #tpu.memory_space<hbm>>
      %dma_wait3A_255 = tpu.memref_squeeze %dma_wait3A_254 : memref<1x1000x32xf32, #tpu.memory_space<hbm>> -> memref<1000x32xf32, #tpu.memory_space<hbm>>
      %dma_wait3A_256 = arith.constant 0 : i32
      %dma_wait3A_257 = arith.constant 0 : i32
      %dma_wait3A_258 = tpu.memref_slice %arg6[%add3A_251, %dma_wait3A_256, %dma_wait3A_257] : memref<1600x1000x32xf32, #tpu.memory_space<hbm>> -> memref<1x1000x32xf32, #tpu.memory_space<hbm>>
      %dma_wait3A_259 = tpu.memref_squeeze %dma_wait3A_258 : memref<1x1000x32xf32, #tpu.memory_space<hbm>> -> memref<1000x32xf32, #tpu.memory_space<hbm>>
      tpu.wait_dma2 semaphore(%arg14 : memref<!tpu.dma_semaphore, #tpu.memory_space<semaphore_mem>>) src(%dma_wait3A_259 : memref<1000x32xf32, #tpu.memory_space<hbm>>) dst(%arg11 : memref<1000x32xf32, #tpu.memory_space<vmem>>)
      %dma_wait3A_260 = arith.constant 0 : i32
      %dma_wait3A_261 = arith.constant 0 : i32
      %dma_wait3A_262 = tpu.memref_slice %arg6[%add3A_251, %dma_wait3A_260, %dma_wait3A_261] : memref<1600x1000x32xf32, #tpu.memory_space<hbm>> -> memref<1x1000x32xf32, #tpu.memory_space<hbm>>
      %dma_wait3A_263 = tpu.memref_squeeze %dma_wait3A_262 : memref<1x1000x32xf32, #tpu.memory_space<hbm>> -> memref<1000x32xf32, #tpu.memory_space<hbm>>
      %dma_wait3A_264 = arith.constant 0 : i32
      %dma_wait3A_265 = arith.constant 0 : i32
      %dma_wait3A_266 = tpu.memref_slice %arg6[%add3A_251, %dma_wait3A_264, %dma_wait3A_265] : memref<1600x1000x32xf32, #tpu.memory_space<hbm>> -> memref<1x1000x32xf32, #tpu.memory_space<hbm>>
      %dma_wait3A_267 = tpu.memref_squeeze %dma_wait3A_266 : memref<1x1000x32xf32, #tpu.memory_space<hbm>> -> memref<1000x32xf32, #tpu.memory_space<hbm>>
      tpu.wait_dma2 semaphore(%arg15 : memref<!tpu.dma_semaphore, #tpu.memory_space<semaphore_mem>>) src(%dma_wait3A_267 : memref<1000x32xf32, #tpu.memory_space<hbm>>) dst(%arg12 : memref<1000x32xf32, #tpu.memory_space<vmem>>)
      %add3A_268 = arith.constant 1 : i32
      %add3A_269 = arith.addi %add3A_248, %add3A_268 : i32
      %lt3A_270 = arith.constant 50 : i32
      %lt3A_271 = arith.cmpi slt, %add3A_269, %lt3A_270 : i32
      %convert_element_type3A_272 = arith.extui %lt3A_271 : i1 to i32
      %cond3A_273 = arith.constant 0 : i32
      %cond3A_274 = arith.cmpi ne, %convert_element_type3A_272, %cond3A_273 : i32
      scf.if %cond3A_274 {
        %gt3A = arith.constant 0 : i32
        %gt3A_298 = arith.cmpi sgt, %add3A_248, %gt3A : i32
        %convert_element_type3A_299 = arith.extui %gt3A_298 : i1 to i32
        %cond3A_300 = arith.constant 0 : i32
        %cond3A_301 = arith.cmpi ne, %convert_element_type3A_299, %cond3A_300 : i32
        scf.if %cond3A_301 {
          %dma_wait3A_390 = arith.constant 0 : i32
          %dma_wait3A_391 = arith.constant 0 : i32
          %dma_wait3A_392 = tpu.memref_slice %arg6[%add3A_251, %dma_wait3A_390, %dma_wait3A_391] : memref<1600x1000x32xf32, #tpu.memory_space<hbm>> -> memref<1x1000x32xf32, #tpu.memory_space<hbm>>
          %dma_wait3A_393 = tpu.memref_squeeze %dma_wait3A_392 : memref<1x1000x32xf32, #tpu.memory_space<hbm>> -> memref<1000x32xf32, #tpu.memory_space<hbm>>
          %dma_wait3A_394 = arith.constant 0 : i32
          %dma_wait3A_395 = arith.constant 0 : i32
          %dma_wait3A_396 = tpu.memref_slice %arg6[%add3A_251, %dma_wait3A_394, %dma_wait3A_395] : memref<1600x1000x32xf32, #tpu.memory_space<hbm>> -> memref<1x1000x32xf32, #tpu.memory_space<hbm>>
          %dma_wait3A_397 = tpu.memref_squeeze %dma_wait3A_396 : memref<1x1000x32xf32, #tpu.memory_space<hbm>> -> memref<1000x32xf32, #tpu.memory_space<hbm>>
          tpu.wait_dma2 semaphore(%arg16 : memref<!tpu.dma_semaphore, #tpu.memory_space<semaphore_mem>>) src(%dma_wait3A_397 : memref<1000x32xf32, #tpu.memory_space<hbm>>) dst(%arg10 : memref<1000x32xf32, #tpu.memory_space<vmem>>)
        } else {
        }
        %add3A_302 = arith.constant 1 : i32
        %add3A_303 = arith.addi %add3A_248, %add3A_302 : i32
        %mul3A_304 = arith.constant 50 : i32
        %mul3A_305 = arith.muli %add3A, %mul3A_304 : i32
        %add3A_306 = arith.addi %mul3A_305, %add3A_303 : i32
        %mul3A_307 = arith.constant 8 : i32
        %mul3A_308 = arith.muli %mul3A_307, %add3A_306 : i32
        %multiple_of3A_309 = tpu.assume_multiple %mul3A_308, 8 : i32
        "tpu.region"() ({
          %run_scoped3A = tpu.sem_alloc : memref<!tpu.dma_semaphore, #tpu.memory_space<semaphore_mem>>
          %dma_start3A_390 = arith.constant 0 : i32
          %dma_start3A_391 = tpu.memref_slice %arg4[%multiple_of3A_309, %dma_start3A_390] : memref<12800x125xi32, #tpu.memory_space<hbm>> -> memref<8x125xi32, #tpu.memory_space<hbm>>
          %dma_start3A_392 = arith.constant 0 : i32
          %dma_start3A_393 = tpu.memref_slice %arg4[%multiple_of3A_309, %dma_start3A_392] : memref<12800x125xi32, #tpu.memory_space<hbm>> -> memref<8x125xi32, #tpu.memory_space<hbm>>
          tpu.enqueue_dma source(%dma_start3A_393 : memref<8x125xi32, #tpu.memory_space<hbm>>) target(%arg7 : memref<8x125xi32, #tpu.memory_space<vmem>>) target_semaphore(%run_scoped3A : memref<!tpu.dma_semaphore, #tpu.memory_space<semaphore_mem>>)
          %dma_wait3A_394 = arith.constant 0 : i32
          %dma_wait3A_395 = tpu.memref_slice %arg4[%multiple_of3A_309, %dma_wait3A_394] : memref<12800x125xi32, #tpu.memory_space<hbm>> -> memref<8x125xi32, #tpu.memory_space<hbm>>
          %dma_wait3A_396 = arith.constant 0 : i32
          %dma_wait3A_397 = tpu.memref_slice %arg4[%multiple_of3A_309, %dma_wait3A_396] : memref<12800x125xi32, #tpu.memory_space<hbm>> -> memref<8x125xi32, #tpu.memory_space<hbm>>
          tpu.wait_dma2 semaphore(%run_scoped3A : memref<!tpu.dma_semaphore, #tpu.memory_space<semaphore_mem>>) src(%dma_wait3A_397 : memref<8x125xi32, #tpu.memory_space<hbm>>) dst(%arg7 : memref<8x125xi32, #tpu.memory_space<vmem>>)
          tpu.yield
        }) : () -> ()
        %dma_start3A_310 = arith.constant 0 : i32
        %dma_start3A_311 = arith.constant 0 : i32
        %dma_start3A_312 = arith.constant 0 : i32
        %dma_start3A_313 = tpu.memref_slice %arg10[%dma_start3A_311, %dma_start3A_312] : memref<1000x32xf32, #tpu.memory_space<vmem>> -> memref<125x32xf32, #tpu.memory_space<vmem>>
        %dma_start3A_314 = arith.constant 0 : i32
        %dma_start3A_315 = tpu.memref_slice %arg7[%dma_start3A_310, %dma_start3A_314] : memref<8x125xi32, #tpu.memory_space<vmem>> -> memref<1x125xi32, #tpu.memory_space<vmem>>
        %dma_start3A_316 = tpu.memref_squeeze %dma_start3A_315 : memref<1x125xi32, #tpu.memory_space<vmem>> -> memref<125xi32, #tpu.memory_space<vmem>>
        %dma_start3A_317 = arith.constant 0 : i32
        %dma_start3A_318 = arith.constant 0 : i32
        %dma_start3A_319 = tpu.memref_slice %arg2[%dma_start3A_317, %dma_start3A_318] : memref<50000x32xf32, #tpu.memory_space<hbm>> -> memref<50000x32xf32, #tpu.memory_space<hbm>>
        tpu.enqueue_indirect_dma source(%dma_start3A_319 : memref<50000x32xf32, #tpu.memory_space<hbm>>) target(%dma_start3A_313 : memref<125x32xf32, #tpu.memory_space<vmem>>) offsets(%dma_start3A_316 : memref<125xi32, #tpu.memory_space<vmem>>) semaphore(%arg13 : memref<!tpu.dma_semaphore, #tpu.memory_space<semaphore_mem>>)
        %dma_start3A_320 = arith.constant 1 : i32
        %dma_start3A_321 = arith.constant 125 : i32
        %dma_start3A_322 = arith.constant 0 : i32
        %dma_start3A_323 = tpu.memref_slice %arg10[%dma_start3A_321, %dma_start3A_322] : memref<1000x32xf32, #tpu.memory_space<vmem>> -> memref<125x32xf32, #tpu.memory_space<vmem>>
        %dma_start3A_324 = arith.constant 0 : i32
        %dma_start3A_325 = tpu.memref_slice %arg7[%dma_start3A_320, %dma_start3A_324] : memref<8x125xi32, #tpu.memory_space<vmem>> -> memref<1x125xi32, #tpu.memory_space<vmem>>
        %dma_start3A_326 = tpu.memref_squeeze %dma_start3A_325 : memref<1x125xi32, #tpu.memory_space<vmem>> -> memref<125xi32, #tpu.memory_space<vmem>>
        %dma_start3A_327 = arith.constant 0 : i32
        %dma_start3A_328 = arith.constant 0 : i32
        %dma_start3A_329 = tpu.memref_slice %arg2[%dma_start3A_327, %dma_start3A_328] : memref<50000x32xf32, #tpu.memory_space<hbm>> -> memref<50000x32xf32, #tpu.memory_space<hbm>>
        tpu.enqueue_indirect_dma source(%dma_start3A_329 : memref<50000x32xf32, #tpu.memory_space<hbm>>) target(%dma_start3A_323 : memref<125x32xf32, #tpu.memory_space<vmem>>) offsets(%dma_start3A_326 : memref<125xi32, #tpu.memory_space<vmem>>) semaphore(%arg13 : memref<!tpu.dma_semaphore, #tpu.memory_space<semaphore_mem>>)
        %dma_start3A_330 = arith.constant 2 : i32
        %dma_start3A_331 = arith.constant 250 : i32
        %dma_start3A_332 = arith.constant 0 : i32
        %dma_start3A_333 = tpu.memref_slice %arg10[%dma_start3A_331, %dma_start3A_332] : memref<1000x32xf32, #tpu.memory_space<vmem>> -> memref<125x32xf32, #tpu.memory_space<vmem>>
        %dma_start3A_334 = arith.constant 0 : i32
        %dma_start3A_335 = tpu.memref_slice %arg7[%dma_start3A_330, %dma_start3A_334] : memref<8x125xi32, #tpu.memory_space<vmem>> -> memref<1x125xi32, #tpu.memory_space<vmem>>
        %dma_start3A_336 = tpu.memref_squeeze %dma_start3A_335 : memref<1x125xi32, #tpu.memory_space<vmem>> -> memref<125xi32, #tpu.memory_space<vmem>>
        %dma_start3A_337 = arith.constant 0 : i32
        %dma_start3A_338 = arith.constant 0 : i32
        %dma_start3A_339 = tpu.memref_slice %arg2[%dma_start3A_337, %dma_start3A_338] : memref<50000x32xf32, #tpu.memory_space<hbm>> -> memref<50000x32xf32, #tpu.memory_space<hbm>>
        tpu.enqueue_indirect_dma source(%dma_start3A_339 : memref<50000x32xf32, #tpu.memory_space<hbm>>) target(%dma_start3A_333 : memref<125x32xf32, #tpu.memory_space<vmem>>) offsets(%dma_start3A_336 : memref<125xi32, #tpu.memory_space<vmem>>) semaphore(%arg13 : memref<!tpu.dma_semaphore, #tpu.memory_space<semaphore_mem>>)
        %dma_start3A_340 = arith.constant 3 : i32
        %dma_start3A_341 = arith.constant 375 : i32
        %dma_start3A_342 = arith.constant 0 : i32
        %dma_start3A_343 = tpu.memref_slice %arg10[%dma_start3A_341, %dma_start3A_342] : memref<1000x32xf32, #tpu.memory_space<vmem>> -> memref<125x32xf32, #tpu.memory_space<vmem>>
        %dma_start3A_344 = arith.constant 0 : i32
        %dma_start3A_345 = tpu.memref_slice %arg7[%dma_start3A_340, %dma_start3A_344] : memref<8x125xi32, #tpu.memory_space<vmem>> -> memref<1x125xi32, #tpu.memory_space<vmem>>
        %dma_start3A_346 = tpu.memref_squeeze %dma_start3A_345 : memref<1x125xi32, #tpu.memory_space<vmem>> -> memref<125xi32, #tpu.memory_space<vmem>>
        %dma_start3A_347 = arith.constant 0 : i32
        %dma_start3A_348 = arith.constant 0 : i32
        %dma_start3A_349 = tpu.memref_slice %arg2[%dma_start3A_347, %dma_start3A_348] : memref<50000x32xf32, #tpu.memory_space<hbm>> -> memref<50000x32xf32, #tpu.memory_space<hbm>>
        tpu.enqueue_indirect_dma source(%dma_start3A_349 : memref<50000x32xf32, #tpu.memory_space<hbm>>) target(%dma_start3A_343 : memref<125x32xf32, #tpu.memory_space<vmem>>) offsets(%dma_start3A_346 : memref<125xi32, #tpu.memory_space<vmem>>) semaphore(%arg13 : memref<!tpu.dma_semaphore, #tpu.memory_space<semaphore_mem>>)
        %dma_start3A_350 = arith.constant 4 : i32
        %dma_start3A_351 = arith.constant 500 : i32
        %dma_start3A_352 = arith.constant 0 : i32
        %dma_start3A_353 = tpu.memref_slice %arg10[%dma_start3A_351, %dma_start3A_352] : memref<1000x32xf32, #tpu.memory_space<vmem>> -> memref<125x32xf32, #tpu.memory_space<vmem>>
        %dma_start3A_354 = arith.constant 0 : i32
        %dma_start3A_355 = tpu.memref_slice %arg7[%dma_start3A_350, %dma_start3A_354] : memref<8x125xi32, #tpu.memory_space<vmem>> -> memref<1x125xi32, #tpu.memory_space<vmem>>
        %dma_start3A_356 = tpu.memref_squeeze %dma_start3A_355 : memref<1x125xi32, #tpu.memory_space<vmem>> -> memref<125xi32, #tpu.memory_space<vmem>>
        %dma_start3A_357 = arith.constant 0 : i32
        %dma_start3A_358 = arith.constant 0 : i32
        %dma_start3A_359 = tpu.memref_slice %arg2[%dma_start3A_357, %dma_start3A_358] : memref<50000x32xf32, #tpu.memory_space<hbm>> -> memref<50000x32xf32, #tpu.memory_space<hbm>>
        tpu.enqueue_indirect_dma source(%dma_start3A_359 : memref<50000x32xf32, #tpu.memory_space<hbm>>) target(%dma_start3A_353 : memref<125x32xf32, #tpu.memory_space<vmem>>) offsets(%dma_start3A_356 : memref<125xi32, #tpu.memory_space<vmem>>) semaphore(%arg13 : memref<!tpu.dma_semaphore, #tpu.memory_space<semaphore_mem>>)
        %dma_start3A_360 = arith.constant 5 : i32
        %dma_start3A_361 = arith.constant 625 : i32
        %dma_start3A_362 = arith.constant 0 : i32
        %dma_start3A_363 = tpu.memref_slice %arg10[%dma_start3A_361, %dma_start3A_362] : memref<1000x32xf32, #tpu.memory_space<vmem>> -> memref<125x32xf32, #tpu.memory_space<vmem>>
        %dma_start3A_364 = arith.constant 0 : i32
        %dma_start3A_365 = tpu.memref_slice %arg7[%dma_start3A_360, %dma_start3A_364] : memref<8x125xi32, #tpu.memory_space<vmem>> -> memref<1x125xi32, #tpu.memory_space<vmem>>
        %dma_start3A_366 = tpu.memref_squeeze %dma_start3A_365 : memref<1x125xi32, #tpu.memory_space<vmem>> -> memref<125xi32, #tpu.memory_space<vmem>>
        %dma_start3A_367 = arith.constant 0 : i32
        %dma_start3A_368 = arith.constant 0 : i32
        %dma_start3A_369 = tpu.memref_slice %arg2[%dma_start3A_367, %dma_start3A_368] : memref<50000x32xf32, #tpu.memory_space<hbm>> -> memref<50000x32xf32, #tpu.memory_space<hbm>>
        tpu.enqueue_indirect_dma source(%dma_start3A_369 : memref<50000x32xf32, #tpu.memory_space<hbm>>) target(%dma_start3A_363 : memref<125x32xf32, #tpu.memory_space<vmem>>) offsets(%dma_start3A_366 : memref<125xi32, #tpu.memory_space<vmem>>) semaphore(%arg13 : memref<!tpu.dma_semaphore, #tpu.memory_space<semaphore_mem>>)
        %dma_start3A_370 = arith.constant 6 : i32
        %dma_start3A_371 = arith.constant 750 : i32
        %dma_start3A_372 = arith.constant 0 : i32
        %dma_start3A_373 = tpu.memref_slice %arg10[%dma_start3A_371, %dma_start3A_372] : memref<1000x32xf32, #tpu.memory_space<vmem>> -> memref<125x32xf32, #tpu.memory_space<vmem>>
        %dma_start3A_374 = arith.constant 0 : i32
        %dma_start3A_375 = tpu.memref_slice %arg7[%dma_start3A_370, %dma_start3A_374] : memref<8x125xi32, #tpu.memory_space<vmem>> -> memref<1x125xi32, #tpu.memory_space<vmem>>
        %dma_start3A_376 = tpu.memref_squeeze %dma_start3A_375 : memref<1x125xi32, #tpu.memory_space<vmem>> -> memref<125xi32, #tpu.memory_space<vmem>>
        %dma_start3A_377 = arith.constant 0 : i32
        %dma_start3A_378 = arith.constant 0 : i32
        %dma_start3A_379 = tpu.memref_slice %arg2[%dma_start3A_377, %dma_start3A_378] : memref<50000x32xf32, #tpu.memory_space<hbm>> -> memref<50000x32xf32, #tpu.memory_space<hbm>>
        tpu.enqueue_indirect_dma source(%dma_start3A_379 : memref<50000x32xf32, #tpu.memory_space<hbm>>) target(%dma_start3A_373 : memref<125x32xf32, #tpu.memory_space<vmem>>) offsets(%dma_start3A_376 : memref<125xi32, #tpu.memory_space<vmem>>) semaphore(%arg13 : memref<!tpu.dma_semaphore, #tpu.memory_space<semaphore_mem>>)
        %dma_start3A_380 = arith.constant 7 : i32
        %dma_start3A_381 = arith.constant 875 : i32
        %dma_start3A_382 = arith.constant 0 : i32
        %dma_start3A_383 = tpu.memref_slice %arg10[%dma_start3A_381, %dma_start3A_382] : memref<1000x32xf32, #tpu.memory_space<vmem>> -> memref<125x32xf32, #tpu.memory_space<vmem>>
        %dma_start3A_384 = arith.constant 0 : i32
        %dma_start3A_385 = tpu.memref_slice %arg7[%dma_start3A_380, %dma_start3A_384] : memref<8x125xi32, #tpu.memory_space<vmem>> -> memref<1x125xi32, #tpu.memory_space<vmem>>
        %dma_start3A_386 = tpu.memref_squeeze %dma_start3A_385 : memref<1x125xi32, #tpu.memory_space<vmem>> -> memref<125xi32, #tpu.memory_space<vmem>>
        %dma_start3A_387 = arith.constant 0 : i32
        %dma_start3A_388 = arith.constant 0 : i32
        %dma_start3A_389 = tpu.memref_slice %arg2[%dma_start3A_387, %dma_start3A_388] : memref<50000x32xf32, #tpu.memory_space<hbm>> -> memref<50000x32xf32, #tpu.memory_space<hbm>>
        tpu.enqueue_indirect_dma source(%dma_start3A_389 : memref<50000x32xf32, #tpu.memory_space<hbm>>) target(%dma_start3A_383 : memref<125x32xf32, #tpu.memory_space<vmem>>) offsets(%dma_start3A_386 : memref<125xi32, #tpu.memory_space<vmem>>) semaphore(%arg13 : memref<!tpu.dma_semaphore, #tpu.memory_space<semaphore_mem>>)
      } else {
      }
      %scan3A_275 = arith.constant 0 : i32
      %scan3A_276 = arith.constant 0 : i32
      %scan3A_277 = arith.constant 250 : i32
      %scan3A_278 = arith.addi %scan3A_276, %scan3A_277 : i32
      %scan3A_279 = arith.constant 1 : i32
      %scan3A_280 = scf.for %scan3A_298 = %scan3A_276 to %scan3A_278 step %scan3A_279 iter_args(%scan3A_299 = %scan3A_275) -> (i32)  : i32 {
        %mul3A_300 = arith.constant 4 : i32
        %mul3A_301 = arith.muli %mul3A_300, %scan3A_298 : i32
        %add3A_302 = arith.constant 0 : i32
        %add3A_303 = arith.addi %mul3A_301, %add3A_302 : i32
        %get3A = arith.index_cast %add3A_303 : i32 to index
        %get3A_304 = arith.constant 0 : index
        %get3A_305 = tpu.vector_load %arg11[%get3A, %get3A_304] {strides = array<i32>} : memref<1000x32xf32, #tpu.memory_space<vmem>>, vector<1x16xf32>,
        %get3A_306 = vector.shape_cast %get3A_305 : vector<1x16xf32> to vector<16xf32>
        %mul3A_307 = arith.constant 4 : i32
        %mul3A_308 = arith.muli %mul3A_307, %scan3A_298 : i32
        %add3A_309 = arith.constant 0 : i32
        %add3A_310 = arith.addi %mul3A_308, %add3A_309 : i32
        %get3A_311 = arith.index_cast %add3A_310 : i32 to index
        %get3A_312 = arith.constant 0 : index
        %get3A_313 = tpu.vector_load %arg12[%get3A_311, %get3A_312] {strides = array<i32>} : memref<1000x32xf32, #tpu.memory_space<vmem>>, vector<1x16xf32>,
        %get3A_314 = vector.shape_cast %get3A_313 : vector<1x16xf32> to vector<16xf32>
        %add3A_315 = arith.addf %get3A_306, %get3A_314 : vector<16xf32>
        %mul3A_316 = arith.constant 4 : i32
        %mul3A_317 = arith.muli %mul3A_316, %scan3A_298 : i32
        %add3A_318 = arith.constant 0 : i32
        %add3A_319 = arith.addi %mul3A_317, %add3A_318 : i32
        %swap3A = arith.index_cast %add3A_319 : i32 to index
        %swap3A_320 = arith.constant 0 : index
        %swap3A_321 = tpu.vector_load %arg11[%swap3A, %swap3A_320] {strides = array<i32>} : memref<1000x32xf32, #tpu.memory_space<vmem>>, vector<1x16xf32>,
        %swap3A_322 = vector.shape_cast %swap3A_321 : vector<1x16xf32> to vector<16xf32>
        %swap3A_323 = vector.shape_cast %add3A_315 : vector<16xf32> to vector<1x16xf32>
        tpu.vector_store %arg11[%swap3A, %swap3A_320], %swap3A_323 {strides = array<i32>} : memref<1000x32xf32, #tpu.memory_space<vmem>>, vector<1x16xf32>,
        %mul3A_324 = arith.constant 4 : i32
        %mul3A_325 = arith.muli %mul3A_324, %scan3A_298 : i32
        %add3A_326 = arith.constant 0 : i32
        %add3A_327 = arith.addi %mul3A_325, %add3A_326 : i32
        %get3A_328 = arith.index_cast %add3A_327 : i32 to index
        %get3A_329 = arith.constant 16 : index
        %get3A_330 = tpu.vector_load %arg11[%get3A_328, %get3A_329] {strides = array<i32>} : memref<1000x32xf32, #tpu.memory_space<vmem>>, vector<1x16xf32>,
        %get3A_331 = vector.shape_cast %get3A_330 : vector<1x16xf32> to vector<16xf32>
        %mul3A_332 = arith.constant 4 : i32
        %mul3A_333 = arith.muli %mul3A_332, %scan3A_298 : i32
        %add3A_334 = arith.constant 0 : i32
        %add3A_335 = arith.addi %mul3A_333, %add3A_334 : i32
        %get3A_336 = arith.index_cast %add3A_335 : i32 to index
        %get3A_337 = arith.constant 16 : index
        %get3A_338 = tpu.vector_load %arg12[%get3A_336, %get3A_337] {strides = array<i32>} : memref<1000x32xf32, #tpu.memory_space<vmem>>, vector<1x16xf32>,
        %get3A_339 = vector.shape_cast %get3A_338 : vector<1x16xf32> to vector<16xf32>
        %add3A_340 = arith.addf %get3A_331, %get3A_339 : vector<16xf32>
        %mul3A_341 = arith.constant 4 : i32
        %mul3A_342 = arith.muli %mul3A_341, %scan3A_298 : i32
        %add3A_343 = arith.constant 0 : i32
        %add3A_344 = arith.addi %mul3A_342, %add3A_343 : i32
        %swap3A_345 = arith.index_cast %add3A_344 : i32 to index
        %swap3A_346 = arith.constant 16 : index
        %swap3A_347 = tpu.vector_load %arg11[%swap3A_345, %swap3A_346] {strides = array<i32>} : memref<1000x32xf32, #tpu.memory_space<vmem>>, vector<1x16xf32>,
        %swap3A_348 = vector.shape_cast %swap3A_347 : vector<1x16xf32> to vector<16xf32>
        %swap3A_349 = vector.shape_cast %add3A_340 : vector<16xf32> to vector<1x16xf32>
        tpu.vector_store %arg11[%swap3A_345, %swap3A_346], %swap3A_349 {strides = array<i32>} : memref<1000x32xf32, #tpu.memory_space<vmem>>, vector<1x16xf32>,
        %mul3A_350 = arith.constant 4 : i32
        %mul3A_351 = arith.muli %mul3A_350, %scan3A_298 : i32
        %add3A_352 = arith.constant 1 : i32
        %add3A_353 = arith.addi %mul3A_351, %add3A_352 : i32
        %get3A_354 = arith.index_cast %add3A_353 : i32 to index
        %get3A_355 = arith.constant 0 : index
        %get3A_356 = tpu.vector_load %arg11[%get3A_354, %get3A_355] {strides = array<i32>} : memref<1000x32xf32, #tpu.memory_space<vmem>>, vector<1x16xf32>,
        %get3A_357 = vector.shape_cast %get3A_356 : vector<1x16xf32> to vector<16xf32>
        %mul3A_358 = arith.constant 4 : i32
        %mul3A_359 = arith.muli %mul3A_358, %scan3A_298 : i32
        %add3A_360 = arith.constant 1 : i32
        %add3A_361 = arith.addi %mul3A_359, %add3A_360 : i32
        %get3A_362 = arith.index_cast %add3A_361 : i32 to index
        %get3A_363 = arith.constant 0 : index
        %get3A_364 = tpu.vector_load %arg12[%get3A_362, %get3A_363] {strides = array<i32>} : memref<1000x32xf32, #tpu.memory_space<vmem>>, vector<1x16xf32>,
        %get3A_365 = vector.shape_cast %get3A_364 : vector<1x16xf32> to vector<16xf32>
        %add3A_366 = arith.addf %get3A_357, %get3A_365 : vector<16xf32>
        %mul3A_367 = arith.constant 4 : i32
        %mul3A_368 = arith.muli %mul3A_367, %scan3A_298 : i32
        %add3A_369 = arith.constant 1 : i32
        %add3A_370 = arith.addi %mul3A_368, %add3A_369 : i32
        %swap3A_371 = arith.index_cast %add3A_370 : i32 to index
        %swap3A_372 = arith.constant 0 : index
        %swap3A_373 = tpu.vector_load %arg11[%swap3A_371, %swap3A_372] {strides = array<i32>} : memref<1000x32xf32, #tpu.memory_space<vmem>>, vector<1x16xf32>,
        %swap3A_374 = vector.shape_cast %swap3A_373 : vector<1x16xf32> to vector<16xf32>
        %swap3A_375 = vector.shape_cast %add3A_366 : vector<16xf32> to vector<1x16xf32>
        tpu.vector_store %arg11[%swap3A_371, %swap3A_372], %swap3A_375 {strides = array<i32>} : memref<1000x32xf32, #tpu.memory_space<vmem>>, vector<1x16xf32>,
        %mul3A_376 = arith.constant 4 : i32
        %mul3A_377 = arith.muli %mul3A_376, %scan3A_298 : i32
        %add3A_378 = arith.constant 1 : i32
        %add3A_379 = arith.addi %mul3A_377, %add3A_378 : i32
        %get3A_380 = arith.index_cast %add3A_379 : i32 to index
        %get3A_381 = arith.constant 16 : index
        %get3A_382 = tpu.vector_load %arg11[%get3A_380, %get3A_381] {strides = array<i32>} : memref<1000x32xf32, #tpu.memory_space<vmem>>, vector<1x16xf32>,
        %get3A_383 = vector.shape_cast %get3A_382 : vector<1x16xf32> to vector<16xf32>
        %mul3A_384 = arith.constant 4 : i32
        %mul3A_385 = arith.muli %mul3A_384, %scan3A_298 : i32
        %add3A_386 = arith.constant 1 : i32
        %add3A_387 = arith.addi %mul3A_385, %add3A_386 : i32
        %get3A_388 = arith.index_cast %add3A_387 : i32 to index
        %get3A_389 = arith.constant 16 : index
        %get3A_390 = tpu.vector_load %arg12[%get3A_388, %get3A_389] {strides = array<i32>} : memref<1000x32xf32, #tpu.memory_space<vmem>>, vector<1x16xf32>,
        %get3A_391 = vector.shape_cast %get3A_390 : vector<1x16xf32> to vector<16xf32>
        %add3A_392 = arith.addf %get3A_383, %get3A_391 : vector<16xf32>
        %mul3A_393 = arith.constant 4 : i32
        %mul3A_394 = arith.muli %mul3A_393, %scan3A_298 : i32
        %add3A_395 = arith.constant 1 : i32
        %add3A_396 = arith.addi %mul3A_394, %add3A_395 : i32
        %swap3A_397 = arith.index_cast %add3A_396 : i32 to index
        %swap3A_398 = arith.constant 16 : index
        %swap3A_399 = tpu.vector_load %arg11[%swap3A_397, %swap3A_398] {strides = array<i32>} : memref<1000x32xf32, #tpu.memory_space<vmem>>, vector<1x16xf32>,
        %swap3A_400 = vector.shape_cast %swap3A_399 : vector<1x16xf32> to vector<16xf32>
        %swap3A_401 = vector.shape_cast %add3A_392 : vector<16xf32> to vector<1x16xf32>
        tpu.vector_store %arg11[%swap3A_397, %swap3A_398], %swap3A_401 {strides = array<i32>} : memref<1000x32xf32, #tpu.memory_space<vmem>>, vector<1x16xf32>,
        %mul3A_402 = arith.constant 4 : i32
        %mul3A_403 = arith.muli %mul3A_402, %scan3A_298 : i32
        %add3A_404 = arith.constant 2 : i32
        %add3A_405 = arith.addi %mul3A_403, %add3A_404 : i32
        %get3A_406 = arith.index_cast %add3A_405 : i32 to index
        %get3A_407 = arith.constant 0 : index
        %get3A_408 = tpu.vector_load %arg11[%get3A_406, %get3A_407] {strides = array<i32>} : memref<1000x32xf32, #tpu.memory_space<vmem>>, vector<1x16xf32>,
        %get3A_409 = vector.shape_cast %get3A_408 : vector<1x16xf32> to vector<16xf32>
        %mul3A_410 = arith.constant 4 : i32
        %mul3A_411 = arith.muli %mul3A_410, %scan3A_298 : i32
        %add3A_412 = arith.constant 2 : i32
        %add3A_413 = arith.addi %mul3A_411, %add3A_412 : i32
        %get3A_414 = arith.index_cast %add3A_413 : i32 to index
        %get3A_415 = arith.constant 0 : index
        %get3A_416 = tpu.vector_load %arg12[%get3A_414, %get3A_415] {strides = array<i32>} : memref<1000x32xf32, #tpu.memory_space<vmem>>, vector<1x16xf32>,
        %get3A_417 = vector.shape_cast %get3A_416 : vector<1x16xf32> to vector<16xf32>
        %add3A_418 = arith.addf %get3A_409, %get3A_417 : vector<16xf32>
        %mul3A_419 = arith.constant 4 : i32
        %mul3A_420 = arith.muli %mul3A_419, %scan3A_298 : i32
        %add3A_421 = arith.constant 2 : i32
        %add3A_422 = arith.addi %mul3A_420, %add3A_421 : i32
        %swap3A_423 = arith.index_cast %add3A_422 : i32 to index
        %swap3A_424 = arith.constant 0 : index
        %swap3A_425 = tpu.vector_load %arg11[%swap3A_423, %swap3A_424] {strides = array<i32>} : memref<1000x32xf32, #tpu.memory_space<vmem>>, vector<1x16xf32>,
        %swap3A_426 = vector.shape_cast %swap3A_425 : vector<1x16xf32> to vector<16xf32>
        %swap3A_427 = vector.shape_cast %add3A_418 : vector<16xf32> to vector<1x16xf32>
        tpu.vector_store %arg11[%swap3A_423, %swap3A_424], %swap3A_427 {strides = array<i32>} : memref<1000x32xf32, #tpu.memory_space<vmem>>, vector<1x16xf32>,
        %mul3A_428 = arith.constant 4 : i32
        %mul3A_429 = arith.muli %mul3A_428, %scan3A_298 : i32
        %add3A_430 = arith.constant 2 : i32
        %add3A_431 = arith.addi %mul3A_429, %add3A_430 : i32
        %get3A_432 = arith.index_cast %add3A_431 : i32 to index
        %get3A_433 = arith.constant 16 : index
        %get3A_434 = tpu.vector_load %arg11[%get3A_432, %get3A_433] {strides = array<i32>} : memref<1000x32xf32, #tpu.memory_space<vmem>>, vector<1x16xf32>,
        %get3A_435 = vector.shape_cast %get3A_434 : vector<1x16xf32> to vector<16xf32>
        %mul3A_436 = arith.constant 4 : i32
        %mul3A_437 = arith.muli %mul3A_436, %scan3A_298 : i32
        %add3A_438 = arith.constant 2 : i32
        %add3A_439 = arith.addi %mul3A_437, %add3A_438 : i32
        %get3A_440 = arith.index_cast %add3A_439 : i32 to index
        %get3A_441 = arith.constant 16 : index
        %get3A_442 = tpu.vector_load %arg12[%get3A_440, %get3A_441] {strides = array<i32>} : memref<1000x32xf32, #tpu.memory_space<vmem>>, vector<1x16xf32>,
        %get3A_443 = vector.shape_cast %get3A_442 : vector<1x16xf32> to vector<16xf32>
        %add3A_444 = arith.addf %get3A_435, %get3A_443 : vector<16xf32>
        %mul3A_445 = arith.constant 4 : i32
        %mul3A_446 = arith.muli %mul3A_445, %scan3A_298 : i32
        %add3A_447 = arith.constant 2 : i32
        %add3A_448 = arith.addi %mul3A_446, %add3A_447 : i32
        %swap3A_449 = arith.index_cast %add3A_448 : i32 to index
        %swap3A_450 = arith.constant 16 : index
        %swap3A_451 = tpu.vector_load %arg11[%swap3A_449, %swap3A_450] {strides = array<i32>} : memref<1000x32xf32, #tpu.memory_space<vmem>>, vector<1x16xf32>,
        %swap3A_452 = vector.shape_cast %swap3A_451 : vector<1x16xf32> to vector<16xf32>
        %swap3A_453 = vector.shape_cast %add3A_444 : vector<16xf32> to vector<1x16xf32>
        tpu.vector_store %arg11[%swap3A_449, %swap3A_450], %swap3A_453 {strides = array<i32>} : memref<1000x32xf32, #tpu.memory_space<vmem>>, vector<1x16xf32>,
        %mul3A_454 = arith.constant 4 : i32
        %mul3A_455 = arith.muli %mul3A_454, %scan3A_298 : i32
        %add3A_456 = arith.constant 3 : i32
        %add3A_457 = arith.addi %mul3A_455, %add3A_456 : i32
        %get3A_458 = arith.index_cast %add3A_457 : i32 to index
        %get3A_459 = arith.constant 0 : index
        %get3A_460 = tpu.vector_load %arg11[%get3A_458, %get3A_459] {strides = array<i32>} : memref<1000x32xf32, #tpu.memory_space<vmem>>, vector<1x16xf32>,
        %get3A_461 = vector.shape_cast %get3A_460 : vector<1x16xf32> to vector<16xf32>
        %mul3A_462 = arith.constant 4 : i32
        %mul3A_463 = arith.muli %mul3A_462, %scan3A_298 : i32
        %add3A_464 = arith.constant 3 : i32
        %add3A_465 = arith.addi %mul3A_463, %add3A_464 : i32
        %get3A_466 = arith.index_cast %add3A_465 : i32 to index
        %get3A_467 = arith.constant 0 : index
        %get3A_468 = tpu.vector_load %arg12[%get3A_466, %get3A_467] {strides = array<i32>} : memref<1000x32xf32, #tpu.memory_space<vmem>>, vector<1x16xf32>,
        %get3A_469 = vector.shape_cast %get3A_468 : vector<1x16xf32> to vector<16xf32>
        %add3A_470 = arith.addf %get3A_461, %get3A_469 : vector<16xf32>
        %mul3A_471 = arith.constant 4 : i32
        %mul3A_472 = arith.muli %mul3A_471, %scan3A_298 : i32
        %add3A_473 = arith.constant 3 : i32
        %add3A_474 = arith.addi %mul3A_472, %add3A_473 : i32
        %swap3A_475 = arith.index_cast %add3A_474 : i32 to index
        %swap3A_476 = arith.constant 0 : index
        %swap3A_477 = tpu.vector_load %arg11[%swap3A_475, %swap3A_476] {strides = array<i32>} : memref<1000x32xf32, #tpu.memory_space<vmem>>, vector<1x16xf32>,
        %swap3A_478 = vector.shape_cast %swap3A_477 : vector<1x16xf32> to vector<16xf32>
        %swap3A_479 = vector.shape_cast %add3A_470 : vector<16xf32> to vector<1x16xf32>
        tpu.vector_store %arg11[%swap3A_475, %swap3A_476], %swap3A_479 {strides = array<i32>} : memref<1000x32xf32, #tpu.memory_space<vmem>>, vector<1x16xf32>,
        %mul3A_480 = arith.constant 4 : i32
        %mul3A_481 = arith.muli %mul3A_480, %scan3A_298 : i32
        %add3A_482 = arith.constant 3 : i32
        %add3A_483 = arith.addi %mul3A_481, %add3A_482 : i32
        %get3A_484 = arith.index_cast %add3A_483 : i32 to index
        %get3A_485 = arith.constant 16 : index
        %get3A_486 = tpu.vector_load %arg11[%get3A_484, %get3A_485] {strides = array<i32>} : memref<1000x32xf32, #tpu.memory_space<vmem>>, vector<1x16xf32>,
        %get3A_487 = vector.shape_cast %get3A_486 : vector<1x16xf32> to vector<16xf32>
        %mul3A_488 = arith.constant 4 : i32
        %mul3A_489 = arith.muli %mul3A_488, %scan3A_298 : i32
        %add3A_490 = arith.constant 3 : i32
        %add3A_491 = arith.addi %mul3A_489, %add3A_490 : i32
        %get3A_492 = arith.index_cast %add3A_491 : i32 to index
        %get3A_493 = arith.constant 16 : index
        %get3A_494 = tpu.vector_load %arg12[%get3A_492, %get3A_493] {strides = array<i32>} : memref<1000x32xf32, #tpu.memory_space<vmem>>, vector<1x16xf32>,
        %get3A_495 = vector.shape_cast %get3A_494 : vector<1x16xf32> to vector<16xf32>
        %add3A_496 = arith.addf %get3A_487, %get3A_495 : vector<16xf32>
        %mul3A_497 = arith.constant 4 : i32
        %mul3A_498 = arith.muli %mul3A_497, %scan3A_298 : i32
        %add3A_499 = arith.constant 3 : i32
        %add3A_500 = arith.addi %mul3A_498, %add3A_499 : i32
        %swap3A_501 = arith.index_cast %add3A_500 : i32 to index
        %swap3A_502 = arith.constant 16 : index
        %swap3A_503 = tpu.vector_load %arg11[%swap3A_501, %swap3A_502] {strides = array<i32>} : memref<1000x32xf32, #tpu.memory_space<vmem>>, vector<1x16xf32>,
        %swap3A_504 = vector.shape_cast %swap3A_503 : vector<1x16xf32> to vector<16xf32>
        %swap3A_505 = vector.shape_cast %add3A_496 : vector<16xf32> to vector<1x16xf32>
        tpu.vector_store %arg11[%swap3A_501, %swap3A_502], %swap3A_505 {strides = array<i32>} : memref<1000x32xf32, #tpu.memory_space<vmem>>, vector<1x16xf32>,
        %scan3A_506 = arith.constant 0 : i32
        scf.yield %scan3A_506 : i32
      }
      %scan3A_281 = arith.constant 250 : i32
      %add3A_282 = arith.constant 1 : i32
      %add3A_283 = arith.addi %add3A_248, %add3A_282 : i32
      %lt3A_284 = arith.constant 50 : i32
      %lt3A_285 = arith.cmpi slt, %add3A_283, %lt3A_284 : i32
      %convert_element_type3A_286 = arith.extui %lt3A_285 : i1 to i32
      %cond3A_287 = arith.constant 0 : i32
      %cond3A_288 = arith.cmpi ne, %convert_element_type3A_286, %cond3A_287 : i32
      scf.if %cond3A_288 {
        %add3A_298 = arith.constant 1 : i32
        %add3A_299 = arith.addi %add3A_248, %add3A_298 : i32
        %mul3A_300 = arith.constant 50 : i32
        %mul3A_301 = arith.muli %add3A, %mul3A_300 : i32
        %add3A_302 = arith.addi %mul3A_301, %add3A_299 : i32
        %mul3A_303 = arith.constant 8 : i32
        %mul3A_304 = arith.muli %mul3A_303, %add3A_302 : i32
        %multiple_of3A_305 = tpu.assume_multiple %mul3A_304, 8 : i32
        "tpu.region"() ({
          %run_scoped3A = tpu.sem_alloc : memref<!tpu.dma_semaphore, #tpu.memory_space<semaphore_mem>>
          %dma_start3A_386 = arith.constant 0 : i32
          %dma_start3A_387 = tpu.memref_slice %arg5[%multiple_of3A_305, %dma_start3A_386] : memref<12800x125xi32, #tpu.memory_space<hbm>> -> memref<8x125xi32, #tpu.memory_space<hbm>>
          %dma_start3A_388 = arith.constant 0 : i32
          %dma_start3A_389 = tpu.memref_slice %arg5[%multiple_of3A_305, %dma_start3A_388] : memref<12800x125xi32, #tpu.memory_space<hbm>> -> memref<8x125xi32, #tpu.memory_space<hbm>>
          tpu.enqueue_dma source(%dma_start3A_389 : memref<8x125xi32, #tpu.memory_space<hbm>>) target(%arg9 : memref<8x125xi32, #tpu.memory_space<vmem>>) target_semaphore(%run_scoped3A : memref<!tpu.dma_semaphore, #tpu.memory_space<semaphore_mem>>)
          %dma_wait3A_390 = arith.constant 0 : i32
          %dma_wait3A_391 = tpu.memref_slice %arg5[%multiple_of3A_305, %dma_wait3A_390] : memref<12800x125xi32, #tpu.memory_space<hbm>> -> memref<8x125xi32, #tpu.memory_space<hbm>>
          %dma_wait3A_392 = arith.constant 0 : i32
          %dma_wait3A_393 = tpu.memref_slice %arg5[%multiple_of3A_305, %dma_wait3A_392] : memref<12800x125xi32, #tpu.memory_space<hbm>> -> memref<8x125xi32, #tpu.memory_space<hbm>>
          tpu.wait_dma2 semaphore(%run_scoped3A : memref<!tpu.dma_semaphore, #tpu.memory_space<semaphore_mem>>) src(%dma_wait3A_393 : memref<8x125xi32, #tpu.memory_space<hbm>>) dst(%arg9 : memref<8x125xi32, #tpu.memory_space<vmem>>)
          tpu.yield
        }) : () -> ()
        %dma_start3A_306 = arith.constant 0 : i32
        %dma_start3A_307 = arith.constant 0 : i32
        %dma_start3A_308 = arith.constant 0 : i32
        %dma_start3A_309 = tpu.memref_slice %arg12[%dma_start3A_307, %dma_start3A_308] : memref<1000x32xf32, #tpu.memory_space<vmem>> -> memref<125x32xf32, #tpu.memory_space<vmem>>
        %dma_start3A_310 = arith.constant 0 : i32
        %dma_start3A_311 = tpu.memref_slice %arg9[%dma_start3A_306, %dma_start3A_310] : memref<8x125xi32, #tpu.memory_space<vmem>> -> memref<1x125xi32, #tpu.memory_space<vmem>>
        %dma_start3A_312 = tpu.memref_squeeze %dma_start3A_311 : memref<1x125xi32, #tpu.memory_space<vmem>> -> memref<125xi32, #tpu.memory_space<vmem>>
        %dma_start3A_313 = arith.constant 0 : i32
        %dma_start3A_314 = arith.constant 0 : i32
        %dma_start3A_315 = tpu.memref_slice %arg3[%dma_start3A_313, %dma_start3A_314] : memref<50000x32xf32, #tpu.memory_space<hbm>> -> memref<50000x32xf32, #tpu.memory_space<hbm>>
        tpu.enqueue_indirect_dma source(%dma_start3A_315 : memref<50000x32xf32, #tpu.memory_space<hbm>>) target(%dma_start3A_309 : memref<125x32xf32, #tpu.memory_space<vmem>>) offsets(%dma_start3A_312 : memref<125xi32, #tpu.memory_space<vmem>>) semaphore(%arg15 : memref<!tpu.dma_semaphore, #tpu.memory_space<semaphore_mem>>)
        %dma_start3A_316 = arith.constant 1 : i32
        %dma_start3A_317 = arith.constant 125 : i32
        %dma_start3A_318 = arith.constant 0 : i32
        %dma_start3A_319 = tpu.memref_slice %arg12[%dma_start3A_317, %dma_start3A_318] : memref<1000x32xf32, #tpu.memory_space<vmem>> -> memref<125x32xf32, #tpu.memory_space<vmem>>
        %dma_start3A_320 = arith.constant 0 : i32
        %dma_start3A_321 = tpu.memref_slice %arg9[%dma_start3A_316, %dma_start3A_320] : memref<8x125xi32, #tpu.memory_space<vmem>> -> memref<1x125xi32, #tpu.memory_space<vmem>>
        %dma_start3A_322 = tpu.memref_squeeze %dma_start3A_321 : memref<1x125xi32, #tpu.memory_space<vmem>> -> memref<125xi32, #tpu.memory_space<vmem>>
        %dma_start3A_323 = arith.constant 0 : i32
        %dma_start3A_324 = arith.constant 0 : i32
        %dma_start3A_325 = tpu.memref_slice %arg3[%dma_start3A_323, %dma_start3A_324] : memref<50000x32xf32, #tpu.memory_space<hbm>> -> memref<50000x32xf32, #tpu.memory_space<hbm>>
        tpu.enqueue_indirect_dma source(%dma_start3A_325 : memref<50000x32xf32, #tpu.memory_space<hbm>>) target(%dma_start3A_319 : memref<125x32xf32, #tpu.memory_space<vmem>>) offsets(%dma_start3A_322 : memref<125xi32, #tpu.memory_space<vmem>>) semaphore(%arg15 : memref<!tpu.dma_semaphore, #tpu.memory_space<semaphore_mem>>)
        %dma_start3A_326 = arith.constant 2 : i32
        %dma_start3A_327 = arith.constant 250 : i32
        %dma_start3A_328 = arith.constant 0 : i32
        %dma_start3A_329 = tpu.memref_slice %arg12[%dma_start3A_327, %dma_start3A_328] : memref<1000x32xf32, #tpu.memory_space<vmem>> -> memref<125x32xf32, #tpu.memory_space<vmem>>
        %dma_start3A_330 = arith.constant 0 : i32
        %dma_start3A_331 = tpu.memref_slice %arg9[%dma_start3A_326, %dma_start3A_330] : memref<8x125xi32, #tpu.memory_space<vmem>> -> memref<1x125xi32, #tpu.memory_space<vmem>>
        %dma_start3A_332 = tpu.memref_squeeze %dma_start3A_331 : memref<1x125xi32, #tpu.memory_space<vmem>> -> memref<125xi32, #tpu.memory_space<vmem>>
        %dma_start3A_333 = arith.constant 0 : i32
        %dma_start3A_334 = arith.constant 0 : i32
        %dma_start3A_335 = tpu.memref_slice %arg3[%dma_start3A_333, %dma_start3A_334] : memref<50000x32xf32, #tpu.memory_space<hbm>> -> memref<50000x32xf32, #tpu.memory_space<hbm>>
        tpu.enqueue_indirect_dma source(%dma_start3A_335 : memref<50000x32xf32, #tpu.memory_space<hbm>>) target(%dma_start3A_329 : memref<125x32xf32, #tpu.memory_space<vmem>>) offsets(%dma_start3A_332 : memref<125xi32, #tpu.memory_space<vmem>>) semaphore(%arg15 : memref<!tpu.dma_semaphore, #tpu.memory_space<semaphore_mem>>)
        %dma_start3A_336 = arith.constant 3 : i32
        %dma_start3A_337 = arith.constant 375 : i32
        %dma_start3A_338 = arith.constant 0 : i32
        %dma_start3A_339 = tpu.memref_slice %arg12[%dma_start3A_337, %dma_start3A_338] : memref<1000x32xf32, #tpu.memory_space<vmem>> -> memref<125x32xf32, #tpu.memory_space<vmem>>
        %dma_start3A_340 = arith.constant 0 : i32
        %dma_start3A_341 = tpu.memref_slice %arg9[%dma_start3A_336, %dma_start3A_340] : memref<8x125xi32, #tpu.memory_space<vmem>> -> memref<1x125xi32, #tpu.memory_space<vmem>>
        %dma_start3A_342 = tpu.memref_squeeze %dma_start3A_341 : memref<1x125xi32, #tpu.memory_space<vmem>> -> memref<125xi32, #tpu.memory_space<vmem>>
        %dma_start3A_343 = arith.constant 0 : i32
        %dma_start3A_344 = arith.constant 0 : i32
        %dma_start3A_345 = tpu.memref_slice %arg3[%dma_start3A_343, %dma_start3A_344] : memref<50000x32xf32, #tpu.memory_space<hbm>> -> memref<50000x32xf32, #tpu.memory_space<hbm>>
        tpu.enqueue_indirect_dma source(%dma_start3A_345 : memref<50000x32xf32, #tpu.memory_space<hbm>>) target(%dma_start3A_339 : memref<125x32xf32, #tpu.memory_space<vmem>>) offsets(%dma_start3A_342 : memref<125xi32, #tpu.memory_space<vmem>>) semaphore(%arg15 : memref<!tpu.dma_semaphore, #tpu.memory_space<semaphore_mem>>)
        %dma_start3A_346 = arith.constant 4 : i32
        %dma_start3A_347 = arith.constant 500 : i32
        %dma_start3A_348 = arith.constant 0 : i32
        %dma_start3A_349 = tpu.memref_slice %arg12[%dma_start3A_347, %dma_start3A_348] : memref<1000x32xf32, #tpu.memory_space<vmem>> -> memref<125x32xf32, #tpu.memory_space<vmem>>
        %dma_start3A_350 = arith.constant 0 : i32
        %dma_start3A_351 = tpu.memref_slice %arg9[%dma_start3A_346, %dma_start3A_350] : memref<8x125xi32, #tpu.memory_space<vmem>> -> memref<1x125xi32, #tpu.memory_space<vmem>>
        %dma_start3A_352 = tpu.memref_squeeze %dma_start3A_351 : memref<1x125xi32, #tpu.memory_space<vmem>> -> memref<125xi32, #tpu.memory_space<vmem>>
        %dma_start3A_353 = arith.constant 0 : i32
        %dma_start3A_354 = arith.constant 0 : i32
        %dma_start3A_355 = tpu.memref_slice %arg3[%dma_start3A_353, %dma_start3A_354] : memref<50000x32xf32, #tpu.memory_space<hbm>> -> memref<50000x32xf32, #tpu.memory_space<hbm>>
        tpu.enqueue_indirect_dma source(%dma_start3A_355 : memref<50000x32xf32, #tpu.memory_space<hbm>>) target(%dma_start3A_349 : memref<125x32xf32, #tpu.memory_space<vmem>>) offsets(%dma_start3A_352 : memref<125xi32, #tpu.memory_space<vmem>>) semaphore(%arg15 : memref<!tpu.dma_semaphore, #tpu.memory_space<semaphore_mem>>)
        %dma_start3A_356 = arith.constant 5 : i32
        %dma_start3A_357 = arith.constant 625 : i32
        %dma_start3A_358 = arith.constant 0 : i32
        %dma_start3A_359 = tpu.memref_slice %arg12[%dma_start3A_357, %dma_start3A_358] : memref<1000x32xf32, #tpu.memory_space<vmem>> -> memref<125x32xf32, #tpu.memory_space<vmem>>
        %dma_start3A_360 = arith.constant 0 : i32
        %dma_start3A_361 = tpu.memref_slice %arg9[%dma_start3A_356, %dma_start3A_360] : memref<8x125xi32, #tpu.memory_space<vmem>> -> memref<1x125xi32, #tpu.memory_space<vmem>>
        %dma_start3A_362 = tpu.memref_squeeze %dma_start3A_361 : memref<1x125xi32, #tpu.memory_space<vmem>> -> memref<125xi32, #tpu.memory_space<vmem>>
        %dma_start3A_363 = arith.constant 0 : i32
        %dma_start3A_364 = arith.constant 0 : i32
        %dma_start3A_365 = tpu.memref_slice %arg3[%dma_start3A_363, %dma_start3A_364] : memref<50000x32xf32, #tpu.memory_space<hbm>> -> memref<50000x32xf32, #tpu.memory_space<hbm>>
        tpu.enqueue_indirect_dma source(%dma_start3A_365 : memref<50000x32xf32, #tpu.memory_space<hbm>>) target(%dma_start3A_359 : memref<125x32xf32, #tpu.memory_space<vmem>>) offsets(%dma_start3A_362 : memref<125xi32, #tpu.memory_space<vmem>>) semaphore(%arg15 : memref<!tpu.dma_semaphore, #tpu.memory_space<semaphore_mem>>)
        %dma_start3A_366 = arith.constant 6 : i32
        %dma_start3A_367 = arith.constant 750 : i32
        %dma_start3A_368 = arith.constant 0 : i32
        %dma_start3A_369 = tpu.memref_slice %arg12[%dma_start3A_367, %dma_start3A_368] : memref<1000x32xf32, #tpu.memory_space<vmem>> -> memref<125x32xf32, #tpu.memory_space<vmem>>
        %dma_start3A_370 = arith.constant 0 : i32
        %dma_start3A_371 = tpu.memref_slice %arg9[%dma_start3A_366, %dma_start3A_370] : memref<8x125xi32, #tpu.memory_space<vmem>> -> memref<1x125xi32, #tpu.memory_space<vmem>>
        %dma_start3A_372 = tpu.memref_squeeze %dma_start3A_371 : memref<1x125xi32, #tpu.memory_space<vmem>> -> memref<125xi32, #tpu.memory_space<vmem>>
        %dma_start3A_373 = arith.constant 0 : i32
        %dma_start3A_374 = arith.constant 0 : i32
        %dma_start3A_375 = tpu.memref_slice %arg3[%dma_start3A_373, %dma_start3A_374] : memref<50000x32xf32, #tpu.memory_space<hbm>> -> memref<50000x32xf32, #tpu.memory_space<hbm>>
        tpu.enqueue_indirect_dma source(%dma_start3A_375 : memref<50000x32xf32, #tpu.memory_space<hbm>>) target(%dma_start3A_369 : memref<125x32xf32, #tpu.memory_space<vmem>>) offsets(%dma_start3A_372 : memref<125xi32, #tpu.memory_space<vmem>>) semaphore(%arg15 : memref<!tpu.dma_semaphore, #tpu.memory_space<semaphore_mem>>)
        %dma_start3A_376 = arith.constant 7 : i32
        %dma_start3A_377 = arith.constant 875 : i32
        %dma_start3A_378 = arith.constant 0 : i32
        %dma_start3A_379 = tpu.memref_slice %arg12[%dma_start3A_377, %dma_start3A_378] : memref<1000x32xf32, #tpu.memory_space<vmem>> -> memref<125x32xf32, #tpu.memory_space<vmem>>
        %dma_start3A_380 = arith.constant 0 : i32
        %dma_start3A_381 = tpu.memref_slice %arg9[%dma_start3A_376, %dma_start3A_380] : memref<8x125xi32, #tpu.memory_space<vmem>> -> memref<1x125xi32, #tpu.memory_space<vmem>>
        %dma_start3A_382 = tpu.memref_squeeze %dma_start3A_381 : memref<1x125xi32, #tpu.memory_space<vmem>> -> memref<125xi32, #tpu.memory_space<vmem>>
        %dma_start3A_383 = arith.constant 0 : i32
        %dma_start3A_384 = arith.constant 0 : i32
        %dma_start3A_385 = tpu.memref_slice %arg3[%dma_start3A_383, %dma_start3A_384] : memref<50000x32xf32, #tpu.memory_space<hbm>> -> memref<50000x32xf32, #tpu.memory_space<hbm>>
        tpu.enqueue_indirect_dma source(%dma_start3A_385 : memref<50000x32xf32, #tpu.memory_space<hbm>>) target(%dma_start3A_379 : memref<125x32xf32, #tpu.memory_space<vmem>>) offsets(%dma_start3A_382 : memref<125xi32, #tpu.memory_space<vmem>>) semaphore(%arg15 : memref<!tpu.dma_semaphore, #tpu.memory_space<semaphore_mem>>)
      } else {
      }
      %dma_start3A_289 = arith.constant 0 : i32
      %dma_start3A_290 = arith.constant 0 : i32
      %dma_start3A_291 = tpu.memref_slice %arg6[%add3A_251, %dma_start3A_289, %dma_start3A_290] : memref<1600x1000x32xf32, #tpu.memory_space<hbm>> -> memref<1x1000x32xf32, #tpu.memory_space<hbm>>
      %dma_start3A_292 = tpu.memref_squeeze %dma_start3A_291 : memref<1x1000x32xf32, #tpu.memory_space<hbm>> -> memref<1000x32xf32, #tpu.memory_space<hbm>>
      %dma_start3A_293 = arith.constant 0 : i32
      %dma_start3A_294 = arith.constant 0 : i32
      %dma_start3A_295 = tpu.memref_slice %arg6[%add3A_251, %dma_start3A_293, %dma_start3A_294] : memref<1600x1000x32xf32, #tpu.memory_space<hbm>> -> memref<1x1000x32xf32, #tpu.memory_space<hbm>>
      %dma_start3A_296 = tpu.memref_squeeze %dma_start3A_295 : memref<1x1000x32xf32, #tpu.memory_space<hbm>> -> memref<1000x32xf32, #tpu.memory_space<hbm>>
      tpu.enqueue_dma source(%arg11 : memref<1000x32xf32, #tpu.memory_space<vmem>>) target(%dma_start3A_296 : memref<1000x32xf32, #tpu.memory_space<hbm>>) target_semaphore(%arg17 : memref<!tpu.dma_semaphore, #tpu.memory_space<semaphore_mem>>)
      %scan3A_297 = arith.constant 0 : i32
      scf.yield %scan3A_297 : i32
    }
    %scan3A_178 = arith.constant 25 : i32
    %dma_wait3A = arith.constant 0 : i32
    %dma_wait3A_179 = arith.constant 0 : i32
    %dma_wait3A_180 = arith.constant 0 : i32
    %dma_wait3A_181 = tpu.memref_slice %arg6[%dma_wait3A, %dma_wait3A_179, %dma_wait3A_180] : memref<1600x1000x32xf32, #tpu.memory_space<hbm>> -> memref<1x1000x32xf32, #tpu.memory_space<hbm>>
    %dma_wait3A_182 = tpu.memref_squeeze %dma_wait3A_181 : memref<1x1000x32xf32, #tpu.memory_space<hbm>> -> memref<1000x32xf32, #tpu.memory_space<hbm>>
    %dma_wait3A_183 = arith.constant 0 : i32
    %dma_wait3A_184 = arith.constant 0 : i32
    %dma_wait3A_185 = tpu.memref_slice %arg6[%dma_wait3A, %dma_wait3A_183, %dma_wait3A_184] : memref<1600x1000x32xf32, #tpu.memory_space<hbm>> -> memref<1x1000x32xf32, #tpu.memory_space<hbm>>
    %dma_wait3A_186 = tpu.memref_squeeze %dma_wait3A_185 : memref<1x1000x32xf32, #tpu.memory_space<hbm>> -> memref<1000x32xf32, #tpu.memory_space<hbm>>
    tpu.wait_dma2 semaphore(%arg16 : memref<!tpu.dma_semaphore, #tpu.memory_space<semaphore_mem>>) src(%dma_wait3A_186 : memref<1000x32xf32, #tpu.memory_space<hbm>>) dst(%arg10 : memref<1000x32xf32, #tpu.memory_space<vmem>>)
    %dma_wait3A_187 = arith.constant 0 : i32
    %dma_wait3A_188 = arith.constant 0 : i32
    %dma_wait3A_189 = arith.constant 0 : i32
    %dma_wait3A_190 = tpu.memref_slice %arg6[%dma_wait3A_187, %dma_wait3A_188, %dma_wait3A_189] : memref<1600x1000x32xf32, #tpu.memory_space<hbm>> -> memref<1x1000x32xf32, #tpu.memory_space<hbm>>
    %dma_wait3A_191 = tpu.memref_squeeze %dma_wait3A_190 : memref<1x1000x32xf32, #tpu.memory_space<hbm>> -> memref<1000x32xf32, #tpu.memory_space<hbm>>
    %dma_wait3A_192 = arith.constant 0 : i32
    %dma_wait3A_193 = arith.constant 0 : i32
    %dma_wait3A_194 = tpu.memref_slice %arg6[%dma_wait3A_187, %dma_wait3A_192, %dma_wait3A_193] : memref<1600x1000x32xf32, #tpu.memory_space<hbm>> -> memref<1x1000x32xf32, #tpu.memory_space<hbm>>
    %dma_wait3A_195 = tpu.memref_squeeze %dma_wait3A_194 : memref<1x1000x32xf32, #tpu.memory_space<hbm>> -> memref<1000x32xf32, #tpu.memory_space<hbm>>
    tpu.wait_dma2 semaphore(%arg17 : memref<!tpu.dma_semaphore, #tpu.memory_space<semaphore_mem>>) src(%dma_wait3A_195 : memref<1000x32xf32, #tpu.memory_space<hbm>>) dst(%arg11 : memref<1000x32xf32, #tpu.memory_space<vmem>>)
    return
  }
}

module attributes {stable_mosaic.version = 14 : i64} {
  func.func @_node_body(%arg0: i32, %arg1: memref<2000x5xf32, #tpu.memory_space<vmem>>, %arg2: memref<1x5xf32, #tpu.memory_space<vmem>>, %arg3: memref<5x32xf32, #tpu.memory_space<vmem>>, %arg4: memref<1x32xf32, #tpu.memory_space<vmem>>, %arg5: memref<32x32xf32, #tpu.memory_space<vmem>>, %arg6: memref<1x32xf32, #tpu.memory_space<vmem>>, %arg7: memref<32x16xf32, #tpu.memory_space<vmem>>, %arg8: memref<1x16xf32, #tpu.memory_space<vmem>>, %arg9: memref<32x32xf32, #tpu.memory_space<vmem>>, %arg10: memref<1x32xf32, #tpu.memory_space<vmem>>, %arg11: memref<32x32xf32, #tpu.memory_space<vmem>>, %arg12: memref<2000x32xf32, #tpu.memory_space<vmem>>, %arg13: memref<2000x32xf32, #tpu.memory_space<vmem>>) attributes {dimension_semantics = [#tpu.dimension_semantics<arbitrary>], iteration_bounds = array<i64: 25>, scalar_prefetch = 0 : i64, scratch_operands = 0 : i64, tpu.core_type = #tpu.core_type<tc>, window_params = [{transform_indices = @transform_0, window_bounds = array<i64: 2000, 5>}, {pipeline_mode = #tpu.pipeline_mode<synchronous>, transform_indices = @transform_1, window_bounds = array<i64: 1, 5>}, {pipeline_mode = #tpu.pipeline_mode<synchronous>, transform_indices = @transform_2, window_bounds = array<i64: 5, 32>}, {pipeline_mode = #tpu.pipeline_mode<synchronous>, transform_indices = @transform_3, window_bounds = array<i64: 1, 32>}, {pipeline_mode = #tpu.pipeline_mode<synchronous>, transform_indices = @transform_4, window_bounds = array<i64: 32, 32>}, {pipeline_mode = #tpu.pipeline_mode<synchronous>, transform_indices = @transform_5, window_bounds = array<i64: 1, 32>}, {pipeline_mode = #tpu.pipeline_mode<synchronous>, transform_indices = @transform_6, window_bounds = array<i64: 32, 16>}, {pipeline_mode = #tpu.pipeline_mode<synchronous>, transform_indices = @transform_7, window_bounds = array<i64: 1, 16>}, {pipeline_mode = #tpu.pipeline_mode<synchronous>, transform_indices = @transform_8, window_bounds = array<i64: 32, 32>}, {pipeline_mode = #tpu.pipeline_mode<synchronous>, transform_indices = @transform_9, window_bounds = array<i64: 1, 32>}, {pipeline_mode = #tpu.pipeline_mode<synchronous>, transform_indices = @transform_10, window_bounds = array<i64: 32, 32>}, {transform_indices = @transform_11, window_bounds = array<i64: 2000, 32>}, {transform_indices = @transform_12, window_bounds = array<i64: 2000, 32>}]} {
    %get3A = arith.constant 0 : index
    %get3A_0 = arith.constant 0 : index
    %get3A_1 = vector.load %arg1[%get3A, %get3A_0] : memref<2000x5xf32, #tpu.memory_space<vmem>>, vector<2000x5xf32>
    %get3A_2 = arith.constant 0 : index
    %get3A_3 = arith.constant 0 : index
    %get3A_4 = vector.load %arg2[%get3A_2, %get3A_3] : memref<1x5xf32, #tpu.memory_space<vmem>>, vector<1x5xf32>
    %mul3A = vector.broadcast %get3A_4 : vector<1x5xf32> to vector<2000x5xf32>
    %mul3A_5 = arith.mulf %get3A_1, %mul3A : vector<2000x5xf32>
    %get3A_6 = arith.constant 0 : index
    %get3A_7 = arith.constant 0 : index
    %get3A_8 = vector.load %arg3[%get3A_6, %get3A_7] : memref<5x32xf32, #tpu.memory_space<vmem>>, vector<5x32xf32>
    %dot_general3A = arith.constant dense<0.000000e+00> : vector<2000x32xf32>
    %dot_general3A_9 = tpu.matmul %mul3A_5, %get3A_8, %dot_general3A {dimension_numbers = #tpu.dot_dimension_numbers<[1], [0], [0], [1], [0, 0, 1, 1], [], []>, transpose_lhs_hint = false} : vector<2000x5xf32>, vector<5x32xf32>, vector<2000x32xf32> -> vector<2000x32xf32>
    %get3A_10 = arith.constant 0 : index
    %get3A_11 = arith.constant 0 : index
    %get3A_12 = vector.load %arg4[%get3A_10, %get3A_11] : memref<1x32xf32, #tpu.memory_space<vmem>>, vector<1x32xf32>
    %add3A = vector.broadcast %get3A_12 : vector<1x32xf32> to vector<2000x32xf32>
    %add3A_13 = arith.addf %dot_general3A_9, %add3A : vector<2000x32xf32>
    %tanh3A = math.tanh %add3A_13 : vector<2000x32xf32>
    %get3A_14 = arith.constant 0 : index
    %get3A_15 = arith.constant 0 : index
    %get3A_16 = vector.load %arg5[%get3A_14, %get3A_15] : memref<32x32xf32, #tpu.memory_space<vmem>>, vector<32x32xf32>
    %dot_general3A_17 = arith.constant dense<0.000000e+00> : vector<2000x32xf32>
    %dot_general3A_18 = tpu.matmul %tanh3A, %get3A_16, %dot_general3A_17 {dimension_numbers = #tpu.dot_dimension_numbers<[1], [0], [0], [1], [0, 0, 1, 1], [], []>, transpose_lhs_hint = false} : vector<2000x32xf32>, vector<32x32xf32>, vector<2000x32xf32> -> vector<2000x32xf32>
    %get3A_19 = arith.constant 0 : index
    %get3A_20 = arith.constant 0 : index
    %get3A_21 = vector.load %arg6[%get3A_19, %get3A_20] : memref<1x32xf32, #tpu.memory_space<vmem>>, vector<1x32xf32>
    %add3A_22 = vector.broadcast %get3A_21 : vector<1x32xf32> to vector<2000x32xf32>
    %add3A_23 = arith.addf %dot_general3A_18, %add3A_22 : vector<2000x32xf32>
    %tanh3A_24 = math.tanh %add3A_23 : vector<2000x32xf32>
    %get3A_25 = arith.constant 0 : index
    %get3A_26 = arith.constant 0 : index
    %get3A_27 = vector.load %arg7[%get3A_25, %get3A_26] : memref<32x16xf32, #tpu.memory_space<vmem>>, vector<32x16xf32>
    %dot_general3A_28 = arith.constant dense<0.000000e+00> : vector<2000x16xf32>
    %dot_general3A_29 = tpu.matmul %tanh3A_24, %get3A_27, %dot_general3A_28 {dimension_numbers = #tpu.dot_dimension_numbers<[1], [0], [0], [1], [0, 0, 1, 1], [], []>, transpose_lhs_hint = false} : vector<2000x32xf32>, vector<32x16xf32>, vector<2000x16xf32> -> vector<2000x16xf32>
    %get3A_30 = arith.constant 0 : index
    %get3A_31 = arith.constant 0 : index
    %get3A_32 = vector.load %arg8[%get3A_30, %get3A_31] : memref<1x16xf32, #tpu.memory_space<vmem>>, vector<1x16xf32>
    %add3A_33 = vector.broadcast %get3A_32 : vector<1x16xf32> to vector<2000x16xf32>
    %add3A_34 = arith.addf %dot_general3A_29, %add3A_33 : vector<2000x16xf32>
    %tanh3A_35 = math.tanh %add3A_34 : vector<2000x16xf32>
    %broadcast_in_dim3A = arith.constant 0.000000e+00 : f32
    %broadcast_in_dim3A_36 = vector.broadcast %broadcast_in_dim3A : f32 to vector<2000x11xf32>
    %concatenate3A = tpu.concatenate %tanh3A_35, %mul3A_5, %broadcast_in_dim3A_36 in 1 : vector<2000x16xf32>, vector<2000x5xf32>, vector<2000x11xf32> -> vector<2000x32xf32>
    %get3A_37 = arith.constant 0 : index
    %get3A_38 = arith.constant 0 : index
    %get3A_39 = vector.load %arg9[%get3A_37, %get3A_38] : memref<32x32xf32, #tpu.memory_space<vmem>>, vector<32x32xf32>
    %dot_general3A_40 = arith.constant dense<0.000000e+00> : vector<2000x32xf32>
    %dot_general3A_41 = tpu.matmul %concatenate3A, %get3A_39, %dot_general3A_40 {dimension_numbers = #tpu.dot_dimension_numbers<[1], [0], [0], [1], [0, 0, 1, 1], [], []>, transpose_lhs_hint = false} : vector<2000x32xf32>, vector<32x32xf32>, vector<2000x32xf32> -> vector<2000x32xf32>
    %get3A_42 = arith.constant 0 : index
    %get3A_43 = arith.constant 0 : index
    %get3A_44 = vector.load %arg10[%get3A_42, %get3A_43] : memref<1x32xf32, #tpu.memory_space<vmem>>, vector<1x32xf32>
    %add3A_45 = vector.broadcast %get3A_44 : vector<1x32xf32> to vector<2000x32xf32>
    %add3A_46 = arith.addf %dot_general3A_41, %add3A_45 : vector<2000x32xf32>
    %swap3A = arith.constant 0 : index
    %swap3A_47 = arith.constant 0 : index
    %swap3A_48 = vector.load %arg12[%swap3A, %swap3A_47] : memref<2000x32xf32, #tpu.memory_space<vmem>>, vector<2000x32xf32>
    tpu.vector_store %arg12[%swap3A, %swap3A_47], %add3A_46 {strides = array<i32>} : memref<2000x32xf32, #tpu.memory_space<vmem>>, vector<2000x32xf32>,
    %get3A_49 = arith.constant 0 : index
    %get3A_50 = arith.constant 0 : index
    %get3A_51 = vector.load %arg11[%get3A_49, %get3A_50] : memref<32x32xf32, #tpu.memory_space<vmem>>, vector<32x32xf32>
    %dot_general3A_52 = arith.constant dense<0.000000e+00> : vector<2000x32xf32>
    %dot_general3A_53 = tpu.matmul %concatenate3A, %get3A_51, %dot_general3A_52 {dimension_numbers = #tpu.dot_dimension_numbers<[1], [0], [0], [1], [0, 0, 1, 1], [], []>, transpose_lhs_hint = false} : vector<2000x32xf32>, vector<32x32xf32>, vector<2000x32xf32> -> vector<2000x32xf32>
    %swap3A_54 = arith.constant 0 : index
    %swap3A_55 = arith.constant 0 : index
    %swap3A_56 = vector.load %arg13[%swap3A_54, %swap3A_55] : memref<2000x32xf32, #tpu.memory_space<vmem>>, vector<2000x32xf32>
    tpu.vector_store %arg13[%swap3A_54, %swap3A_55], %dot_general3A_53 {strides = array<i32>} : memref<2000x32xf32, #tpu.memory_space<vmem>>, vector<2000x32xf32>,
    return
  }
  func.func @transform_0(%arg0: i32) -> (i32, i32) {
    %c0_i32 = arith.constant 0 : i32
    %c0_i32_0 = arith.constant 0 : i32
    return %arg0, %c0_i32 : i32, i32
  }
  func.func @transform_1(%arg0: i32) -> (i32, i32) {
    %c0_i32 = arith.constant 0 : i32
    %c0_i32_0 = arith.constant 0 : i32
    %c0_i32_1 = arith.constant 0 : i32
    return %c0_i32, %c0_i32_0 : i32, i32
  }
  func.func @transform_2(%arg0: i32) -> (i32, i32) {
    %c0_i32 = arith.constant 0 : i32
    %c0_i32_0 = arith.constant 0 : i32
    %c0_i32_1 = arith.constant 0 : i32
    return %c0_i32, %c0_i32_0 : i32, i32
  }
  func.func @transform_3(%arg0: i32) -> (i32, i32) {
    %c0_i32 = arith.constant 0 : i32
    %c0_i32_0 = arith.constant 0 : i32
    %c0_i32_1 = arith.constant 0 : i32
    return %c0_i32, %c0_i32_0 : i32, i32
  }
  func.func @transform_4(%arg0: i32) -> (i32, i32) {
    %c0_i32 = arith.constant 0 : i32
    %c0_i32_0 = arith.constant 0 : i32
    %c0_i32_1 = arith.constant 0 : i32
    return %c0_i32, %c0_i32_0 : i32, i32
  }
  func.func @transform_5(%arg0: i32) -> (i32, i32) {
    %c0_i32 = arith.constant 0 : i32
    %c0_i32_0 = arith.constant 0 : i32
    %c0_i32_1 = arith.constant 0 : i32
    return %c0_i32, %c0_i32_0 : i32, i32
  }
  func.func @transform_6(%arg0: i32) -> (i32, i32) {
    %c0_i32 = arith.constant 0 : i32
    %c0_i32_0 = arith.constant 0 : i32
    %c0_i32_1 = arith.constant 0 : i32
    return %c0_i32, %c0_i32_0 : i32, i32
  }
  func.func @transform_7(%arg0: i32) -> (i32, i32) {
    %c0_i32 = arith.constant 0 : i32
    %c0_i32_0 = arith.constant 0 : i32
    %c0_i32_1 = arith.constant 0 : i32
    return %c0_i32, %c0_i32_0 : i32, i32
  }
  func.func @transform_8(%arg0: i32) -> (i32, i32) {
    %c0_i32 = arith.constant 0 : i32
    %c0_i32_0 = arith.constant 0 : i32
    %c0_i32_1 = arith.constant 0 : i32
    return %c0_i32, %c0_i32_0 : i32, i32
  }
  func.func @transform_9(%arg0: i32) -> (i32, i32) {
    %c0_i32 = arith.constant 0 : i32
    %c0_i32_0 = arith.constant 0 : i32
    %c0_i32_1 = arith.constant 0 : i32
    return %c0_i32, %c0_i32_0 : i32, i32
  }
  func.func @transform_10(%arg0: i32) -> (i32, i32) {
    %c0_i32 = arith.constant 0 : i32
    %c0_i32_0 = arith.constant 0 : i32
    %c0_i32_1 = arith.constant 0 : i32
    return %c0_i32, %c0_i32_0 : i32, i32
  }
  func.func @transform_11(%arg0: i32) -> (i32, i32) {
    %c0_i32 = arith.constant 0 : i32
    %c0_i32_0 = arith.constant 0 : i32
    return %arg0, %c0_i32 : i32, i32
  }
  func.func @transform_12(%arg0: i32) -> (i32, i32) {
    %c0_i32 = arith.constant 0 : i32
    %c0_i32_0 = arith.constant 0 : i32
    return %arg0, %c0_i32 : i32, i32
  }
}

module attributes {stable_mosaic.version = 14 : i64} {
  func.func @_t1_body(%arg0: i32, %arg1: memref<2000x128xf32, #tpu.memory_space<vmem>>, %arg2: memref<128x64xf32, #tpu.memory_space<vmem>>, %arg3: memref<1x64xf32, #tpu.memory_space<vmem>>, %arg4: memref<2000x128xf32, #tpu.memory_space<vmem>>) attributes {dimension_semantics = [#tpu.dimension_semantics<arbitrary>], iteration_bounds = array<i64: 200>, scalar_prefetch = 0 : i64, scratch_operands = 0 : i64, tpu.core_type = #tpu.core_type<tc>, window_params = [{transform_indices = @transform_0, window_bounds = array<i64: 2000, 128>}, {pipeline_mode = #tpu.pipeline_mode<synchronous>, transform_indices = @transform_1, window_bounds = array<i64: 128, 64>}, {pipeline_mode = #tpu.pipeline_mode<synchronous>, transform_indices = @transform_2, window_bounds = array<i64: 1, 64>}, {transform_indices = @transform_3, window_bounds = array<i64: 2000, 128>}]} {
    %get3A = arith.constant 0 : index
    %get3A_0 = arith.constant 0 : index
    %get3A_1 = vector.load %arg1[%get3A, %get3A_0] : memref<2000x128xf32, #tpu.memory_space<vmem>>, vector<2000x128xf32>
    %gt3A = arith.constant 0.000000e+00 : f32
    %gt3A_2 = vector.broadcast %gt3A : f32 to vector<2000x128xf32>
    %gt3A_3 = arith.cmpf ogt, %get3A_1, %gt3A_2 : vector<2000x128xf32>
    %exp3A = math.exp %get3A_1 : vector<2000x128xf32>
    %sub3A = arith.constant 1.000000e+00 : f32
    %sub3A_4 = vector.broadcast %sub3A : f32 to vector<2000x128xf32>
    %sub3A_5 = arith.subf %exp3A, %sub3A_4 : vector<2000x128xf32>
    %select_n3A = arith.select %gt3A_3, %get3A_1, %sub3A_5 : vector<2000x128xi1>, vector<2000x128xf32>
    %get3A_6 = arith.constant 0 : index
    %get3A_7 = arith.constant 0 : index
    %get3A_8 = vector.load %arg2[%get3A_6, %get3A_7] : memref<128x64xf32, #tpu.memory_space<vmem>>, vector<128x64xf32>
    %dot_general3A = arith.constant dense<0.000000e+00> : vector<2000x64xf32>
    %dot_general3A_9 = tpu.matmul %select_n3A, %get3A_8, %dot_general3A {dimension_numbers = #tpu.dot_dimension_numbers<[1], [0], [0], [1], [0, 0, 1, 1], [], []>, transpose_lhs_hint = false} : vector<2000x128xf32>, vector<128x64xf32>, vector<2000x64xf32> -> vector<2000x64xf32>
    %get3A_10 = arith.constant 0 : index
    %get3A_11 = arith.constant 0 : index
    %get3A_12 = vector.load %arg3[%get3A_10, %get3A_11] : memref<1x64xf32, #tpu.memory_space<vmem>>, vector<1x64xf32>
    %add3A = vector.broadcast %get3A_12 : vector<1x64xf32> to vector<2000x64xf32>
    %add3A_13 = arith.addf %dot_general3A_9, %add3A : vector<2000x64xf32>
    %gt3A_14 = arith.constant 0.000000e+00 : f32
    %gt3A_15 = vector.broadcast %gt3A_14 : f32 to vector<2000x64xf32>
    %gt3A_16 = arith.cmpf ogt, %add3A_13, %gt3A_15 : vector<2000x64xf32>
    %exp3A_17 = math.exp %add3A_13 : vector<2000x64xf32>
    %sub3A_18 = arith.constant 1.000000e+00 : f32
    %sub3A_19 = vector.broadcast %sub3A_18 : f32 to vector<2000x64xf32>
    %sub3A_20 = arith.subf %exp3A_17, %sub3A_19 : vector<2000x64xf32>
    %select_n3A_21 = arith.select %gt3A_16, %add3A_13, %sub3A_20 : vector<2000x64xi1>, vector<2000x64xf32>
    %broadcast_in_dim3A = arith.constant 0.000000e+00 : f32
    %broadcast_in_dim3A_22 = vector.broadcast %broadcast_in_dim3A : f32 to vector<2000x64xf32>
    %concatenate3A = tpu.concatenate %select_n3A_21, %broadcast_in_dim3A_22 in 1 : vector<2000x64xf32>, vector<2000x64xf32> -> vector<2000x128xf32>
    %swap3A = arith.constant 0 : index
    %swap3A_23 = arith.constant 0 : index
    %swap3A_24 = vector.load %arg4[%swap3A, %swap3A_23] : memref<2000x128xf32, #tpu.memory_space<vmem>>, vector<2000x128xf32>
    tpu.vector_store %arg4[%swap3A, %swap3A_23], %concatenate3A {strides = array<i32>} : memref<2000x128xf32, #tpu.memory_space<vmem>>, vector<2000x128xf32>,
    return
  }
  func.func @transform_0(%arg0: i32) -> (i32, i32) {
    %c0_i32 = arith.constant 0 : i32
    %c0_i32_0 = arith.constant 0 : i32
    return %arg0, %c0_i32 : i32, i32
  }
  func.func @transform_1(%arg0: i32) -> (i32, i32) {
    %c0_i32 = arith.constant 0 : i32
    %c0_i32_0 = arith.constant 0 : i32
    %c0_i32_1 = arith.constant 0 : i32
    return %c0_i32, %c0_i32_0 : i32, i32
  }
  func.func @transform_2(%arg0: i32) -> (i32, i32) {
    %c0_i32 = arith.constant 0 : i32
    %c0_i32_0 = arith.constant 0 : i32
    %c0_i32_1 = arith.constant 0 : i32
    return %c0_i32, %c0_i32_0 : i32, i32
  }
  func.func @transform_3(%arg0: i32) -> (i32, i32) {
    %c0_i32 = arith.constant 0 : i32
    %c0_i32_0 = arith.constant 0 : i32
    return %arg0, %c0_i32 : i32, i32
  }
}

module attributes {stable_mosaic.version = 14 : i64} {
  func.func @_combine_body(%arg0: i32, %arg1: memref<2x2000x16xf32, #tpu.memory_space<vmem>>, %arg2: memref<16x32xf32, #tpu.memory_space<vmem>>, %arg3: memref<1x32xf32, #tpu.memory_space<vmem>>, %arg4: memref<16x32xf32, #tpu.memory_space<vmem>>, %arg5: memref<2000x32xf32, #tpu.memory_space<vmem>>, %arg6: memref<2000x32xf32, #tpu.memory_space<vmem>>) attributes {dimension_semantics = [#tpu.dimension_semantics<arbitrary>], iteration_bounds = array<i64: 25>, scalar_prefetch = 0 : i64, scratch_operands = 0 : i64, tpu.core_type = #tpu.core_type<tc>, window_params = [{transform_indices = @transform_0, window_bounds = array<i64: 2, 2000, 16>}, {pipeline_mode = #tpu.pipeline_mode<synchronous>, transform_indices = @transform_1, window_bounds = array<i64: 16, 32>}, {pipeline_mode = #tpu.pipeline_mode<synchronous>, transform_indices = @transform_2, window_bounds = array<i64: 1, 32>}, {pipeline_mode = #tpu.pipeline_mode<synchronous>, transform_indices = @transform_3, window_bounds = array<i64: 16, 32>}, {transform_indices = @transform_4, window_bounds = array<i64: 2000, 32>}, {transform_indices = @transform_5, window_bounds = array<i64: 2000, 32>}]} {
    %get3A = arith.constant 0 : index
    %get3A_0 = arith.constant 0 : index
    %get3A_1 = arith.constant 0 : index
    %get3A_2 = vector.load %arg1[%get3A, %get3A_0, %get3A_1] : memref<2x2000x16xf32, #tpu.memory_space<vmem>>, vector<1x2000x16xf32>
    %get3A_3 = vector.shape_cast %get3A_2 : vector<1x2000x16xf32> to vector<2000x16xf32>
    %get3A_4 = arith.constant 1 : index
    %get3A_5 = arith.constant 0 : index
    %get3A_6 = arith.constant 0 : index
    %get3A_7 = vector.load %arg1[%get3A_4, %get3A_5, %get3A_6] : memref<2x2000x16xf32, #tpu.memory_space<vmem>>, vector<1x2000x16xf32>
    %get3A_8 = vector.shape_cast %get3A_7 : vector<1x2000x16xf32> to vector<2000x16xf32>
    %add3A = arith.addf %get3A_3, %get3A_8 : vector<2000x16xf32>
    %get3A_9 = arith.constant 0 : index
    %get3A_10 = arith.constant 0 : index
    %get3A_11 = vector.load %arg2[%get3A_9, %get3A_10] : memref<16x32xf32, #tpu.memory_space<vmem>>, vector<16x32xf32>
    %dot_general3A = arith.constant dense<0.000000e+00> : vector<2000x32xf32>
    %dot_general3A_12 = tpu.matmul %add3A, %get3A_11, %dot_general3A {dimension_numbers = #tpu.dot_dimension_numbers<[1], [0], [0], [1], [0, 0, 1, 1], [], []>, transpose_lhs_hint = false} : vector<2000x16xf32>, vector<16x32xf32>, vector<2000x32xf32> -> vector<2000x32xf32>
    %get3A_13 = arith.constant 0 : index
    %get3A_14 = arith.constant 0 : index
    %get3A_15 = vector.load %arg3[%get3A_13, %get3A_14] : memref<1x32xf32, #tpu.memory_space<vmem>>, vector<1x32xf32>
    %add3A_16 = vector.broadcast %get3A_15 : vector<1x32xf32> to vector<2000x32xf32>
    %add3A_17 = arith.addf %dot_general3A_12, %add3A_16 : vector<2000x32xf32>
    %swap3A = arith.constant 0 : index
    %swap3A_18 = arith.constant 0 : index
    %swap3A_19 = vector.load %arg5[%swap3A, %swap3A_18] : memref<2000x32xf32, #tpu.memory_space<vmem>>, vector<2000x32xf32>
    tpu.vector_store %arg5[%swap3A, %swap3A_18], %add3A_17 {strides = array<i32>} : memref<2000x32xf32, #tpu.memory_space<vmem>>, vector<2000x32xf32>,
    %get3A_20 = arith.constant 0 : index
    %get3A_21 = arith.constant 0 : index
    %get3A_22 = vector.load %arg4[%get3A_20, %get3A_21] : memref<16x32xf32, #tpu.memory_space<vmem>>, vector<16x32xf32>
    %dot_general3A_23 = arith.constant dense<0.000000e+00> : vector<2000x32xf32>
    %dot_general3A_24 = tpu.matmul %add3A, %get3A_22, %dot_general3A_23 {dimension_numbers = #tpu.dot_dimension_numbers<[1], [0], [0], [1], [0, 0, 1, 1], [], []>, transpose_lhs_hint = false} : vector<2000x16xf32>, vector<16x32xf32>, vector<2000x32xf32> -> vector<2000x32xf32>
    %swap3A_25 = arith.constant 0 : index
    %swap3A_26 = arith.constant 0 : index
    %swap3A_27 = vector.load %arg6[%swap3A_25, %swap3A_26] : memref<2000x32xf32, #tpu.memory_space<vmem>>, vector<2000x32xf32>
    tpu.vector_store %arg6[%swap3A_25, %swap3A_26], %dot_general3A_24 {strides = array<i32>} : memref<2000x32xf32, #tpu.memory_space<vmem>>, vector<2000x32xf32>,
    return
  }
  func.func @transform_0(%arg0: i32) -> (i32, i32, i32) {
    %c0_i32 = arith.constant 0 : i32
    %c0_i32_0 = arith.constant 0 : i32
    %c0_i32_1 = arith.constant 0 : i32
    return %c0_i32, %arg0, %c0_i32_0 : i32, i32, i32
  }
  func.func @transform_1(%arg0: i32) -> (i32, i32) {
    %c0_i32 = arith.constant 0 : i32
    %c0_i32_0 = arith.constant 0 : i32
    %c0_i32_1 = arith.constant 0 : i32
    return %c0_i32, %c0_i32_0 : i32, i32
  }
  func.func @transform_2(%arg0: i32) -> (i32, i32) {
    %c0_i32 = arith.constant 0 : i32
    %c0_i32_0 = arith.constant 0 : i32
    %c0_i32_1 = arith.constant 0 : i32
    return %c0_i32, %c0_i32_0 : i32, i32
  }
  func.func @transform_3(%arg0: i32) -> (i32, i32) {
    %c0_i32 = arith.constant 0 : i32
    %c0_i32_0 = arith.constant 0 : i32
    %c0_i32_1 = arith.constant 0 : i32
    return %c0_i32, %c0_i32_0 : i32, i32
  }
  func.func @transform_4(%arg0: i32) -> (i32, i32) {
    %c0_i32 = arith.constant 0 : i32
    %c0_i32_0 = arith.constant 0 : i32
    return %arg0, %c0_i32 : i32, i32
  }
  func.func @transform_5(%arg0: i32) -> (i32, i32) {
    %c0_i32 = arith.constant 0 : i32
    %c0_i32_0 = arith.constant 0 : i32
    return %arg0, %c0_i32 : i32, i32
  }
}

module attributes {stable_mosaic.version = 14 : i64} {
  func.func @_t2_body(%arg0: i32, %arg1: memref<2000x128xf32, #tpu.memory_space<vmem>>, %arg2: memref<128x128xf32, #tpu.memory_space<vmem>>, %arg3: memref<1x128xf32, #tpu.memory_space<vmem>>, %arg4: memref<128x16xf32, #tpu.memory_space<vmem>>, %arg5: memref<1x16xf32, #tpu.memory_space<vmem>>, %arg6: memref<16x16xf32, #tpu.memory_space<vmem>>, %arg7: memref<16x16xf32, #tpu.memory_space<vmem>>, %arg8: memref<16x16xf32, #tpu.memory_space<vmem>>, %arg9: memref<16x16xf32, #tpu.memory_space<vmem>>, %arg10: memref<16x16xf32, #tpu.memory_space<vmem>>, %arg11: memref<2000x128xf32, #tpu.memory_space<vmem>>) attributes {dimension_semantics = [#tpu.dimension_semantics<arbitrary>], iteration_bounds = array<i64: 200>, scalar_prefetch = 0 : i64, scratch_operands = 0 : i64, tpu.core_type = #tpu.core_type<tc>, window_params = [{transform_indices = @transform_0, window_bounds = array<i64: 2000, 128>}, {pipeline_mode = #tpu.pipeline_mode<synchronous>, transform_indices = @transform_1, window_bounds = array<i64: 128, 128>}, {pipeline_mode = #tpu.pipeline_mode<synchronous>, transform_indices = @transform_2, window_bounds = array<i64: 1, 128>}, {pipeline_mode = #tpu.pipeline_mode<synchronous>, transform_indices = @transform_3, window_bounds = array<i64: 128, 16>}, {pipeline_mode = #tpu.pipeline_mode<synchronous>, transform_indices = @transform_4, window_bounds = array<i64: 1, 16>}, {pipeline_mode = #tpu.pipeline_mode<synchronous>, transform_indices = @transform_5, window_bounds = array<i64: 16, 16>}, {pipeline_mode = #tpu.pipeline_mode<synchronous>, transform_indices = @transform_6, window_bounds = array<i64: 16, 16>}, {pipeline_mode = #tpu.pipeline_mode<synchronous>, transform_indices = @transform_7, window_bounds = array<i64: 16, 16>}, {pipeline_mode = #tpu.pipeline_mode<synchronous>, transform_indices = @transform_8, window_bounds = array<i64: 16, 16>}, {pipeline_mode = #tpu.pipeline_mode<synchronous>, transform_indices = @transform_9, window_bounds = array<i64: 16, 16>}, {transform_indices = @transform_10, window_bounds = array<i64: 2000, 128>}]} {
    %get3A = arith.constant 0 : index
    %get3A_0 = arith.constant 0 : index
    %get3A_1 = vector.load %arg1[%get3A, %get3A_0] : memref<2000x128xf32, #tpu.memory_space<vmem>>, vector<2000x128xf32>
    %gt3A = arith.constant 0.000000e+00 : f32
    %gt3A_2 = vector.broadcast %gt3A : f32 to vector<2000x128xf32>
    %gt3A_3 = arith.cmpf ogt, %get3A_1, %gt3A_2 : vector<2000x128xf32>
    %exp3A = math.exp %get3A_1 : vector<2000x128xf32>
    %sub3A = arith.constant 1.000000e+00 : f32
    %sub3A_4 = vector.broadcast %sub3A : f32 to vector<2000x128xf32>
    %sub3A_5 = arith.subf %exp3A, %sub3A_4 : vector<2000x128xf32>
    %select_n3A = arith.select %gt3A_3, %get3A_1, %sub3A_5 : vector<2000x128xi1>, vector<2000x128xf32>
    %get3A_6 = arith.constant 0 : index
    %get3A_7 = arith.constant 0 : index
    %get3A_8 = vector.load %arg2[%get3A_6, %get3A_7] : memref<128x128xf32, #tpu.memory_space<vmem>>, vector<128x128xf32>
    %dot_general3A = arith.constant dense<0.000000e+00> : vector<2000x128xf32>
    %dot_general3A_9 = tpu.matmul %select_n3A, %get3A_8, %dot_general3A {dimension_numbers = #tpu.dot_dimension_numbers<[1], [0], [0], [1], [0, 0, 1, 1], [], []>, transpose_lhs_hint = false} : vector<2000x128xf32>, vector<128x128xf32>, vector<2000x128xf32> -> vector<2000x128xf32>
    %get3A_10 = arith.constant 0 : index
    %get3A_11 = arith.constant 0 : index
    %get3A_12 = vector.load %arg3[%get3A_10, %get3A_11] : memref<1x128xf32, #tpu.memory_space<vmem>>, vector<1x128xf32>
    %add3A = vector.broadcast %get3A_12 : vector<1x128xf32> to vector<2000x128xf32>
    %add3A_13 = arith.addf %dot_general3A_9, %add3A : vector<2000x128xf32>
    %gt3A_14 = arith.constant 0.000000e+00 : f32
    %gt3A_15 = vector.broadcast %gt3A_14 : f32 to vector<2000x128xf32>
    %gt3A_16 = arith.cmpf ogt, %add3A_13, %gt3A_15 : vector<2000x128xf32>
    %exp3A_17 = math.exp %add3A_13 : vector<2000x128xf32>
    %sub3A_18 = arith.constant 1.000000e+00 : f32
    %sub3A_19 = vector.broadcast %sub3A_18 : f32 to vector<2000x128xf32>
    %sub3A_20 = arith.subf %exp3A_17, %sub3A_19 : vector<2000x128xf32>
    %select_n3A_21 = arith.select %gt3A_16, %add3A_13, %sub3A_20 : vector<2000x128xi1>, vector<2000x128xf32>
    %get3A_22 = arith.constant 0 : index
    %get3A_23 = arith.constant 0 : index
    %get3A_24 = vector.load %arg4[%get3A_22, %get3A_23] : memref<128x16xf32, #tpu.memory_space<vmem>>, vector<128x16xf32>
    %dot_general3A_25 = arith.constant dense<0.000000e+00> : vector<2000x16xf32>
    %dot_general3A_26 = tpu.matmul %select_n3A_21, %get3A_24, %dot_general3A_25 {dimension_numbers = #tpu.dot_dimension_numbers<[1], [0], [0], [1], [0, 0, 1, 1], [], []>, transpose_lhs_hint = false} : vector<2000x128xf32>, vector<128x16xf32>, vector<2000x16xf32> -> vector<2000x16xf32>
    %get3A_27 = arith.constant 0 : index
    %get3A_28 = arith.constant 0 : index
    %get3A_29 = vector.load %arg5[%get3A_27, %get3A_28] : memref<1x16xf32, #tpu.memory_space<vmem>>, vector<1x16xf32>
    %add3A_30 = vector.broadcast %get3A_29 : vector<1x16xf32> to vector<2000x16xf32>
    %add3A_31 = arith.addf %dot_general3A_26, %add3A_30 : vector<2000x16xf32>
    %get3A_32 = arith.constant 0 : index
    %get3A_33 = arith.constant 0 : index
    %get3A_34 = vector.load %arg6[%get3A_32, %get3A_33] : memref<16x16xf32, #tpu.memory_space<vmem>>, vector<16x16xf32>
    %dot_general3A_35 = arith.constant dense<0.000000e+00> : vector<2000x16xf32>
    %dot_general3A_36 = tpu.matmul %add3A_31, %get3A_34, %dot_general3A_35 {dimension_numbers = #tpu.dot_dimension_numbers<[1], [0], [0], [1], [0, 0, 1, 1], [], []>, transpose_lhs_hint = false} : vector<2000x16xf32>, vector<16x16xf32>, vector<2000x16xf32> -> vector<2000x16xf32>
    %get3A_37 = arith.constant 0 : index
    %get3A_38 = arith.constant 0 : index
    %get3A_39 = vector.load %arg7[%get3A_37, %get3A_38] : memref<16x16xf32, #tpu.memory_space<vmem>>, vector<16x16xf32>
    %dot_general3A_40 = arith.constant dense<0.000000e+00> : vector<2000x16xf32>
    %dot_general3A_41 = tpu.matmul %add3A_31, %get3A_39, %dot_general3A_40 {dimension_numbers = #tpu.dot_dimension_numbers<[1], [0], [0], [1], [0, 0, 1, 1], [], []>, transpose_lhs_hint = false} : vector<2000x16xf32>, vector<16x16xf32>, vector<2000x16xf32> -> vector<2000x16xf32>
    %get3A_42 = arith.constant 0 : index
    %get3A_43 = arith.constant 0 : index
    %get3A_44 = vector.load %arg8[%get3A_42, %get3A_43] : memref<16x16xf32, #tpu.memory_space<vmem>>, vector<16x16xf32>
    %dot_general3A_45 = arith.constant dense<0.000000e+00> : vector<2000x16xf32>
    %dot_general3A_46 = tpu.matmul %add3A_31, %get3A_44, %dot_general3A_45 {dimension_numbers = #tpu.dot_dimension_numbers<[1], [0], [0], [1], [0, 0, 1, 1], [], []>, transpose_lhs_hint = false} : vector<2000x16xf32>, vector<16x16xf32>, vector<2000x16xf32> -> vector<2000x16xf32>
    %max3A = arith.maximumf %add3A_31, %dot_general3A_36 : vector<2000x16xf32>
    %max3A_47 = arith.maximumf %dot_general3A_41, %dot_general3A_46 : vector<2000x16xf32>
    %max3A_48 = arith.maximumf %max3A, %max3A_47 : vector<2000x16xf32>
    %get3A_49 = arith.constant 0 : index
    %get3A_50 = arith.constant 0 : index
    %get3A_51 = vector.load %arg9[%get3A_49, %get3A_50] : memref<16x16xf32, #tpu.memory_space<vmem>>, vector<16x16xf32>
    %dot_general3A_52 = arith.constant dense<0.000000e+00> : vector<2000x16xf32>
    %dot_general3A_53 = tpu.matmul %max3A_48, %get3A_51, %dot_general3A_52 {dimension_numbers = #tpu.dot_dimension_numbers<[1], [0], [0], [1], [0, 0, 1, 1], [], []>, transpose_lhs_hint = false} : vector<2000x16xf32>, vector<16x16xf32>, vector<2000x16xf32> -> vector<2000x16xf32>
    %sub3A_54 = arith.subf %add3A_31, %dot_general3A_53 : vector<2000x16xf32>
    %exp3A_55 = math.exp %sub3A_54 : vector<2000x16xf32>
    %get3A_56 = arith.constant 0 : index
    %get3A_57 = arith.constant 0 : index
    %get3A_58 = vector.load %arg10[%get3A_56, %get3A_57] : memref<16x16xf32, #tpu.memory_space<vmem>>, vector<16x16xf32>
    %dot_general3A_59 = arith.constant dense<0.000000e+00> : vector<2000x16xf32>
    %dot_general3A_60 = tpu.matmul %exp3A_55, %get3A_58, %dot_general3A_59 {dimension_numbers = #tpu.dot_dimension_numbers<[1], [0], [0], [1], [0, 0, 1, 1], [], []>, transpose_lhs_hint = false} : vector<2000x16xf32>, vector<16x16xf32>, vector<2000x16xf32> -> vector<2000x16xf32>
    %log3A = math.log %dot_general3A_60 : vector<2000x16xf32>
    %sub3A_61 = arith.subf %sub3A_54, %log3A : vector<2000x16xf32>
    %broadcast_in_dim3A = arith.constant 0.000000e+00 : f32
    %broadcast_in_dim3A_62 = vector.broadcast %broadcast_in_dim3A : f32 to vector<2000x112xf32>
    %concatenate3A = tpu.concatenate %sub3A_61, %broadcast_in_dim3A_62 in 1 : vector<2000x16xf32>, vector<2000x112xf32> -> vector<2000x128xf32>
    %swap3A = arith.constant 0 : index
    %swap3A_63 = arith.constant 0 : index
    %swap3A_64 = vector.load %arg11[%swap3A, %swap3A_63] : memref<2000x128xf32, #tpu.memory_space<vmem>>, vector<2000x128xf32>
    tpu.vector_store %arg11[%swap3A, %swap3A_63], %concatenate3A {strides = array<i32>} : memref<2000x128xf32, #tpu.memory_space<vmem>>, vector<2000x128xf32>,
    return
  }
  func.func @transform_0(%arg0: i32) -> (i32, i32) {
    %c0_i32 = arith.constant 0 : i32
    %c0_i32_0 = arith.constant 0 : i32
    return %arg0, %c0_i32 : i32, i32
  }
  func.func @transform_1(%arg0: i32) -> (i32, i32) {
    %c0_i32 = arith.constant 0 : i32
    %c0_i32_0 = arith.constant 0 : i32
    %c0_i32_1 = arith.constant 0 : i32
    return %c0_i32, %c0_i32_0 : i32, i32
  }
  func.func @transform_2(%arg0: i32) -> (i32, i32) {
    %c0_i32 = arith.constant 0 : i32
    %c0_i32_0 = arith.constant 0 : i32
    %c0_i32_1 = arith.constant 0 : i32
    return %c0_i32, %c0_i32_0 : i32, i32
  }
  func.func @transform_3(%arg0: i32) -> (i32, i32) {
    %c0_i32 = arith.constant 0 : i32
    %c0_i32_0 = arith.constant 0 : i32
    %c0_i32_1 = arith.constant 0 : i32
    return %c0_i32, %c0_i32_0 : i32, i32
  }
  func.func @transform_4(%arg0: i32) -> (i32, i32) {
    %c0_i32 = arith.constant 0 : i32
    %c0_i32_0 = arith.constant 0 : i32
    %c0_i32_1 = arith.constant 0 : i32
    return %c0_i32, %c0_i32_0 : i32, i32
  }
  func.func @transform_5(%arg0: i32) -> (i32, i32) {
    %c0_i32 = arith.constant 0 : i32
    %c0_i32_0 = arith.constant 0 : i32
    %c0_i32_1 = arith.constant 0 : i32
    return %c0_i32, %c0_i32_0 : i32, i32
  }
  func.func @transform_6(%arg0: i32) -> (i32, i32) {
    %c0_i32 = arith.constant 0 : i32
    %c0_i32_0 = arith.constant 0 : i32
    %c0_i32_1 = arith.constant 0 : i32
    return %c0_i32, %c0_i32_0 : i32, i32
  }
  func.func @transform_7(%arg0: i32) -> (i32, i32) {
    %c0_i32 = arith.constant 0 : i32
    %c0_i32_0 = arith.constant 0 : i32
    %c0_i32_1 = arith.constant 0 : i32
    return %c0_i32, %c0_i32_0 : i32, i32
  }
  func.func @transform_8(%arg0: i32) -> (i32, i32) {
    %c0_i32 = arith.constant 0 : i32
    %c0_i32_0 = arith.constant 0 : i32
    %c0_i32_1 = arith.constant 0 : i32
    return %c0_i32, %c0_i32_0 : i32, i32
  }
  func.func @transform_9(%arg0: i32) -> (i32, i32) {
    %c0_i32 = arith.constant 0 : i32
    %c0_i32_0 = arith.constant 0 : i32
    %c0_i32_1 = arith.constant 0 : i32
    return %c0_i32, %c0_i32_0 : i32, i32
  }
  func.func @transform_10(%arg0: i32) -> (i32, i32) {
    %c0_i32 = arith.constant 0 : i32
    %c0_i32_0 = arith.constant 0 : i32
    return %arg0, %c0_i32 : i32, i32
  }
}

</mosaic_0001>

<sc_bundles>
// kernel: kernel.10.cloned.1.call-start
scs
__scs_entry_jumppad:
0x0: {  	(pc) =	sbr.rel $0x88, $3  }
0x1: {  	(tag) =	ssettag $0x0;
	lr =	simm.s32 $0x1  }
0x2: {  	[smem:$0x3F8E] =	sst lr;
	_ =	strace $0xD0000000  }
0x3: {  	_ = 	snop  }
0x4: {  	_ = 	snop  }
0x5: {  	_ = 	snop  }
0x6: {  	_ = 	snop  }
0x7: {  	_ = 	snop  }
__scs_overlays_trampoline_lowered:
0x8: {  	[smem:$0x3F9D] =	sst s0  }
0x9: {  	[smem:$0x3F9E] =	sst s1  }
0xa: {  	[smem:$0x3F9F] =	sst s2  }
0xb: {  	[smem:$0x3FA0] =	sst s3  }
0xc: {  	[smem:$0x3FA1] =	sst s4  }
0xd: {  	[smem:$0x3FA2] =	sst s5  }
0xe: {  	[smem:$0x3FA3] =	sst s6  }
0xf: {  	[smem:$0x3FA4] =	sst s7  }
0x10: {  	[smem:$0x3FA5] =	sst s8  }
0x11: {  	[smem:$0x3FA6] =	sst s9;
	s0 =	simm.s32 @!p0 $0x0  }
0x12: {  	s1 =	sld [smem:$0x3F8C];
	s0 =	simm.s32 @p0 $0x1  }
0x13: {  	[smem:$0x3FA7] =	sst s0;
	s0 =	simm.s32 @!p1 $0x0  }
0x14: {  	s2 =	sld [smem:$0x3F8B];
	s0 =	simm.s32 @p1 $0x1  }
0x15: {  	[smem:$0x3FA8] =	sst s0;
	s0 =	simm.s32 @!p2 $0x0  }
0x16: {  	s3 =	sld [smem:$0x3FDB];
	s0 =	simm.s32 @p2 $0x1  }
0x17: {  	s4 =	simm.s32 $0x1BF5;
	[smem:$0x3FAA] =	sst s0  }
0x18: {  	s0 =	sld [smem:$0x3F8D];
	_ =	swait.ge [sflag:s4], $0x0  }
0x19: {  	s7 =	sld [smem:$0x3F8E]  }
0x1a: {  	s8 =	sadd.s32 $0xFFFFE003, lr  }
0x1b: {  	s9 =	sadd.s32 $0xFFFFFEF7, lr;
	s5 =	simm.s32 $0xFFFFFFFF;
	p2 =	slt.u32 s8, $0xFFFFF086  }
0x1c: {  	p1 =	slt.u32 s9, $0xF7A;
	s5 =	simm.s32 @!p2 $0x0  }
0x1d: {  	s5 =	simm.s32 @p1 $0x1;
	p0 =	seq.s32 s7, s2  }
0x1e: {  	s7 =	smul.u32 @!p0 $0xF7A, s2;
	p2 =	seq.s32 @!p0 s5, $0x0  }
0x1f: {  	s9 =	smul.u32 $0xF7A, s1;
	s8 =	simm.s32 @!p0 $0x1BF5;
	p2 =	por !p2, p0  }
0x20: {  	[sflag:s8] =	ssyncset.s32 @!p0 $0xFFFFF086;
	s6 =	sadd.s32 @!p0 s3, s7;
	s7 =	simm.s32 @!p0 $0x108  }
0x21: {  	s3 =	sadd.s32 s3, s9;
	s6 =	sadd.s32 @!p0 $0x88, s6;
	s7 =	simm.s32 @p2 $0x1082  }
0x22: {  	[simem:s7], [sflag:s8] =	dma.local @!p0 [hbm:s6], $0xF7A  }
0x23: {  	s9 =	sor.u32 $0xD0000000, s2;
	s6 =	simm.s32 $0x108;
	_ =	swait.ge @!p0 [sflag:s8], $0x0  }
0x24: {  	s3 =	sadd.s32 $0x88, s3;
	s6 =	simm.s32 @!p1 $0x1082;
	[sflag:s4] =	ssyncset.s32 $0xFFFFF086  }
0x25: {  	[simem:s6], [sflag:s4] =	dma.local [hbm:s3], $0xF7A  }
0x26: {  	[smem:$0x3F8E] =	sst s1;
	(tag) =	ssettag s2;
	_ =	strace s9  }
0x27: {  	s1 =	sld [smem:$0x3F9E]  }
0x28: {  	s2 =	sld [smem:$0x3F9F]  }
0x29: {  	s4 =	sld [smem:$0x3FA1]  }
0x2a: {  	p0 =	seq.s32 s5, $0x0;
	s5 =	sld [smem:$0x3FA2]  }
0x2b: {  	s6 =	sld [smem:$0x3FA3]  }
0x2c: {  	s7 =	sld [smem:$0x3FA4]  }
0x2d: {  	s3 =	simm.s32 $0x108;
	s8 =	sld [smem:$0x3FA5]  }
0x2e: {  	s3 =	simm.s32 @!p0 $0x1082;
	s9 =	sld [smem:$0x3FA6]  }
0x2f: {  	lr =	sadd.s32 s0, s3;
	s0 =	sld [smem:$0x3F9D]  }
0x30: {  	s3 =	sld [smem:$0x3FA0]  }
0x31: {  	[smem:$0x3FA9] =	sst s10  }
0x32: {  	s10 =	sld [smem:$0x3FA7];
	_ =	sdelay $0x3  }
0x33: {  	p0 =	seq.s32 s10, $0x1;
	s10 =	sld [smem:$0x3FA9];
	_ =	sdelay $0x3  }
0x34: {  	[smem:$0x3FA9] =	sst s10  }
0x35: {  	s10 =	sld [smem:$0x3FA8];
	_ =	sdelay $0x3  }
0x36: {  	p1 =	seq.s32 s10, $0x1;
	s10 =	sld [smem:$0x3FA9];
	_ =	sdelay $0x3  }
0x37: {  	[smem:$0x3FA9] =	sst s10  }
0x38: {  	s10 =	sld [smem:$0x3FAA]  }
0x39: {  	_ = 	snop;
	(pc) =	sbr.ind lr, $3  }
0x3a: {  	_ = 	snop  }
0x3b: {  	_ = 	snop  }
0x3c: {  	p2 =	seq.s32 s10, $0x1;
	s10 =	sld [smem:$0x3FA9]  }
0x3d: {  	_ =	shalt  }
0x3e: {  	_ =	shalt  }
0x3f: {  	_ =	shalt  }
0x40: {  	_ =	shalt  }
0x41: {  	_ =	shalt  }
0x42: {  	_ =	shalt  }
0x43: {  	_ =	shalt  }
0x44: {  	_ =	shalt  }
0x45: {  	_ =	shalt  }
0x46: {  	_ =	shalt  }
0x47: {  	_ =	shalt  }
0x48: {  	_ =	shalt  }
0x49: {  	_ =	shalt  }
0x4a: {  	_ =	shalt  }
0x4b: {  	_ =	shalt  }
0x4c: {  	_ =	shalt  }
0x4d: {  	_ =	shalt  }
0x4e: {  	_ =	shalt  }
0x4f: {  	_ =	shalt  }
0x50: {  	_ =	shalt  }
0x51: {  	_ =	shalt  }
0x52: {  	_ =	shalt  }
0x53: {  	_ =	shalt  }
0x54: {  	_ =	shalt  }
0x55: {  	_ =	shalt  }
0x56: {  	_ =	shalt  }
0x57: {  	_ =	shalt  }
0x58: {  	_ =	shalt  }
0x59: {  	_ =	shalt  }
0x5a: {  	_ =	shalt  }
0x5b: {  	_ =	shalt  }
0x5c: {  	_ =	shalt  }
0x5d: {  	_ =	shalt  }
0x5e: {  	_ =	shalt  }
0x5f: {  	_ =	shalt  }
0x60: {  	_ =	shalt  }
0x61: {  	_ =	shalt  }
0x62: {  	_ =	shalt  }
0x63: {  	_ =	shalt  }
0x64: {  	_ =	shalt  }
0x65: {  	_ =	shalt  }
0x66: {  	_ =	shalt  }
0x67: {  	_ =	shalt  }
0x68: {  	_ =	shalt  }
0x69: {  	_ =	shalt  }
0x6a: {  	_ =	shalt  }
0x6b: {  	_ =	shalt  }
0x6c: {  	_ =	shalt  }
0x6d: {  	_ =	shalt  }
0x6e: {  	_ =	shalt  }
0x6f: {  	_ =	shalt  }
0x70: {  	_ =	shalt  }
0x71: {  	_ =	shalt  }
0x72: {  	_ =	shalt  }
0x73: {  	_ =	shalt  }
0x74: {  	_ =	shalt  }
0x75: {  	_ =	shalt  }
0x76: {  	_ =	shalt  }
0x77: {  	_ =	shalt  }
0x78: {  	_ =	shalt  }
0x79: {  	_ =	shalt  }
0x7a: {  	_ =	shalt  }
0x7b: {  	_ =	shalt  }
0x7c: {  	_ =	shalt  }
0x7d: {  	_ =	shalt  }
0x7e: {  	_ =	shalt  }
0x7f: {  	_ =	shalt  }
0x80: {  	_ =	shalt  }
0x81: {  	_ =	shalt  }
0x82: {  	_ =	shalt  }
0x83: {  	_ =	shalt  }
0x84: {  	_ =	shalt  }
0x85: {  	_ =	shalt  }
0x86: {  	_ =	shalt  }
0x87: {  	_ =	shalt  }
.Lfunc_end0:
.L_simem_size_0:
called_computation_lowered:
.L_overlay_start_0:
0x88: {  	s2 =	sld [smem:$0x3FD9]  }
0x89: {  	s3 =	sld [smem:$0x3FFE];
	_ =	sdelay $0x1  }
0x8a: {  	s1 =	srdreg.scid  }
0x8b: {  	s0 =	sand.u32 $0x1, s1  }
0x8c: {  	s17 =	sshll.u32 s0, $0xA;
	s2 =	sadd.s32 s3, s2  }
0x8d: {  	s2 =	sadd.s32 s2, s17  }
0x8e: {  	[smem:$0x3FB5] =	sst s2  }
0x8f: {  	_ = 	snop  }
0x90: {  	s2 =	sld [smem:$0x3FD0];
	(tm) =	ssettm $0x1  }
0x91: {  	s18 =	sld [smem:$0x3FFB];
	_ =	sdelay $0x3  }
0x92: {  	_ =	strace s18  }
0x93: {  	s3 =	sld [smem:$0x3FFC];
	_ =	sdelay $0x3  }
0x94: {  	_ =	strace s3  }
0x95: {  	s3 =	sld [smem:$0x3FFD];
	_ =	sdelay $0x3  }
0x96: {  	_ =	strace s3  }
0x97: {  	_ =	strace $0x8FFFFFFF  }
0x98: {  	s19 =	sld [smem:$0x3FDB];
	_ =	sdelay $0x1  }
0x99: {  	s4 =	simm.s32 $_scs_section_size  }
0x9a: {  	s5 =	simm.s32 $_size__tile_overlayer_lowered;
	s6 =	simm.s32 $_tile_overlayer_lowered  }
0x9b: {  	s22 =	simm.s32 $0x1BFF;
	s21 =	sshll.u32 s6, $0x1;
	s3 =	sadd.s32 s4, s19  }
0x9c: {  	s7 =	simm.s32 $0x0;
	s20 =	sshll.u32 s5, $0x1;
	s5 =	sadd.s32 s21, s3  }
0x9d: {  	[timem:s7], [sflag:s22] =	dma.local [hbm:s5], s20  }
0x9e: {  	_ =	swait.ge [sflag:s22], s20  }
0x9f: {  	s4 =	ssub.s32 $0x0, s20;
	[sflag:s22] =	ssyncset.done $0x0  }
0xa0: {  	[sflag:s22] =	ssyncadd.s32 s4;
	_ =	sdelay $0x1  }
0xa1: {  	s23 =	simm.s32 $0x1B8B  }
0xa2: {  	_ =	swait.ge [sflag:s23], $0x1  }
0xa3: {  	[sflag:s23] =	ssyncset.done $0x0  }
0xa4: {  	s25 =	simm.s32 $0x1B8E;
	s24 =	sld [smem:$0x3FFE];
	[sflag:s23] =	ssyncadd.s32 $0xFFFFFFFF  }
0xa5: {  	s26 =	simm.s32 $execute0_lowered;
	[smem:$0x3FD2] =	sst s25  }
0xa6: {  	s5 =	sshll.u32 s26, $0x1;
	_ =	strace $0x80000046;
	[dreg:$0x1] =	wrdreg $0xFFFFFFFF  }
0xa7: {  	s28 =	simm.s32 $_size_execute0_lowered;
	s3 =	sadd.s32 s3, s5;
	[dreg:$0x0] =	wrdreg $0x0  }
0xa8: {  	s5 =	sshll.u32 s28, $0x1;
	[dreg:$0x2] =	wrdreg s3  }
0xa9: {  	[dreg:$0x3] =	wrdreg s5  }
0xaa: {  	[dreg:$0x4] =	wrdreg $0xC0  }
0xab: {  	_ =	task [dreg:s7], $0x5FFFF  }
0xac: {  	[dreg:$0x1] =	wrdreg $0xFFFFFFFF  }
0xad: {  	[dreg:$0x0] =	wrdreg $0x60  }
0xae: {  	[dreg:$0x2] =	wrdreg s2  }
0xaf: {  	[dreg:$0x3] =	wrdreg s24  }
0xb0: {  	[dreg:$0x4] =	wrdreg $0x9  }
0xb1: {  	_ =	task.clear_ibuf [dreg:s7], $0x5FFFF;
	_ =	strace $0x90000046  }
0xb2: {  	s29 =	simm.s32 $0x9;
	_ =	strace $0x80000048  }
0xb3: {  	_ =	swait.ge [sflag:s29], $0x1  }
0xb4: {  	[sflag:s29] =	ssyncadd.s32 $0xFFFFFFFF  }
0xb5: {  	_ =	strace $0x90000048  }
0xb6: {  	_ =	sfence  }
0xb7: {  	s30 =	sld [smem:$0x0];
	_ =	sdelay $0x2  }
0xb8: {  	s31 =	sshll.u32 s1, $0xD;
	s1 =	sshrl.u32 s1, $0x2  }
0xb9: {  	s3 =	sand.u32 $0x4000, s31;
	s1 =	sadd.s32 s1, s30  }
0xba: {  	s0 =	sor.u32 s3, s0;
	s1 =	sshll.u32 s1, $0x11  }
0xbb: {  	s0 =	sor.u32 s1, s0  }
0xbc: {  	s0 =	sadd.s32 $0x8F2B, s0  }
0xbd: {  	[sflag:s0] =	ssyncadd.remote.s32 $0x1  }
0xbe: {  	_ =	sfence.sel $0xFFFF  }
0xbf: {  	[dreg:$0x0] =	wrdreg $0xFFFFFFFF;
	(pc) =	sbr.abs _section_cstart, $3  }
0xc0: {  	[dreg:$0x1] =	wrdreg $0xFFFFFFFF  }
0xc1: {  	_ =	task.clear_ibuf [dreg:s7], $0x2FFFF;
	_ =	strace $0x9FFFFFFF  }
0xc2: {  	(tm) =	ssettm $0x7FFFFFFF  }
0xc3: {  	_ =	shalt  }
tec
execute0_lowered:
.L_overlay_start_1:
0x0: {  	(tag) =	ssettag $0x1  }
0x1: {  	s1 =	rddreg [dreg:$0x0]  }
0x2: {  	s0 =	rddreg [dreg:$0x1];
	s3 =	simm.s32 $0x0  }
0x3: {  	s2 =	srdreg.scid;
	s4 =	stileid.u32;
	s12 =	simm.s32 $0x6  }
0x4: {  	s13 =	simm.s32 $0x7D;
	s30 =	simm.s32 $0x800;
	s28 =	simm.s32 $0x1  }
0x5: {  	s29 =	simm.s32 $0x3;
	s17 =	simm.s32 $0xC780;
	s18 =	simm.s32 $0x680  }
0x6: {  	s11 =	simm.s32 $0xD720;
	s19 =	simm.s32 $0x700;
	s14 =	simm.s32 $0xE6C0  }
0x7: {  	s20 =	simm.s32 $0x780;
	s31 =	simm.s32 $0xF660;
	s21 =	simm.s32 $0x2  }
0x8: {  	s15 =	simm.s32 $0x0;
	s2 =	sand.u32 $0x1, s2;
	s5 =	sshll.u32 s4, $0x1  }
0x9: {  	[smem:$0x7FF] =	sst s3;
	s4 =	sadd.s32 $0x67400, s0;
	s8 =	sor.u32 s2, s5  }
0xa: {  	s6 =	sadd.s32 $0x3400, s0;
	s7 =	sadd.s32 $0x98200, s0;
	s9 =	smul.u32 $0x1900, s8  }
0xb: {  	_ =	strace $0x80000047;
	s5 =	sadd.s32 $0x35400, s0;
	s2 =	ssub.s32 $0x2, s2  }
0xc: {  	s24 =	sshrl.u32 s2, $0x1;
	s10 =	smul.u32 $0x32, s8;
	s25 =	sadd.s32 s5, s9  }
0xd: {  	s0 =	ssub.s32 s2, s24;
	s26 =	sadd.s32 s6, s9;
	[dreg:$0x3] =	wrdreg s25  }
0xe: {  	s8 =	simm.s32 $0x400;
	s0 =	smax.u32 s0, $0x1;
	[dreg:$0x4] =	wrdreg s26  }
0xf: {  	s9 =	simm.s32 $0x8900;
	[dreg:$0x5] =	wrdreg s0;
	s26 =	simm.s32 $0x17360  }
.LBB2_1:
0x10: {  	[dreg:$0x6] =	wrdreg s15  }
0x11: {  	s0 =	rddreg [dreg:$0x3]  }
0x12: {  	[tilespmem:s3], [sflag:$0x6] =	stream.linear.gather [hbm4b:s0+s3], $0x400, $0x38;
	[tilespmem:$0x18300] =	vst v63  }
0x13: {  	_ =	swait.ge [sflag:s12], $0x400  }
0x14: {  	[sflag:s12] =	ssyncset.done $0x0  }
0x15: {  	s24 =	simm.s32 $0xC00;
	[sflag:s12] =	ssyncadd.s32 $0xFFFFFC00  }
0x16: {  	[tilespmem:s24], [sflag:$0x1] =	stream.indirect.gather [hbm4b:s1+s13], $0x20, s3, s13, $0xb8;
	[tilespmem:$0x18300] =	vst v63  }
0x17: {  	s25 =	simm.s32 $0x80;
	s2 =	simm.s32 $0x1BA0  }
0x18: {  	[tilespmem:s2], [sflag:$0x1] =	stream.indirect.gather [hbm4b:s1+s13], $0x20, s25, s13, $0xb8;
	[tilespmem:$0x18300] =	vst v63  }
0x19: {  	s15 =	simm.s32 $0x100;
	s16 =	simm.s32 $0x2B40  }
0x1a: {  	[tilespmem:s16], [sflag:$0x1] =	stream.indirect.gather [hbm4b:s1+s13], $0x20, s15, s13, $0xb8;
	[tilespmem:$0x18300] =	vst v63  }
0x1b: {  	s22 =	simm.s32 $0x180;
	s23 =	simm.s32 $0x3AE0  }
0x1c: {  	[tilespmem:s23], [sflag:$0x1] =	stream.indirect.gather [hbm4b:s1+s13], $0x20, s22, s13, $0xb8;
	[tilespmem:$0x18300] =	vst v63  }
0x1d: {  	s24 =	simm.s32 $0x200;
	s25 =	simm.s32 $0x4A80  }
0x1e: {  	[tilespmem:s25], [sflag:$0x1] =	stream.indirect.gather [hbm4b:s1+s13], $0x20, s24, s13, $0xb8;
	[tilespmem:$0x18300] =	vst v63  }
0x1f: {  	s2 =	simm.s32 $0x280;
	s15 =	simm.s32 $0x5A20  }
0x20: {  	[tilespmem:s15], [sflag:$0x1] =	stream.indirect.gather [hbm4b:s1+s13], $0x20, s2, s13, $0xb8;
	[tilespmem:$0x18300] =	vst v63  }
0x21: {  	s16 =	simm.s32 $0x300;
	s22 =	simm.s32 $0x69C0  }
0x22: {  	[tilespmem:s22], [sflag:$0x1] =	stream.indirect.gather [hbm4b:s1+s13], $0x20, s16, s13, $0xb8;
	[tilespmem:$0x18300] =	vst v63  }
0x23: {  	s23 =	simm.s32 $0x380;
	s24 =	simm.s32 $0x7960  }
0x24: {  	[tilespmem:s24], [sflag:$0x1] =	stream.indirect.gather [hbm4b:s1+s13], $0x20, s23, s13, $0xb8;
	[tilespmem:$0x18300] =	vst v63  }
0x25: {  	s25 =	rddreg [dreg:$0x4]  }
0x26: {  	[tilespmem:s30], [sflag:$0x6] =	stream.linear.gather [hbm4b:s25+s3], $0x400, $0x38;
	[tilespmem:$0x18300] =	vst v63  }
0x27: {  	_ =	swait.ge [sflag:s12], $0x400  }
0x28: {  	[sflag:s12] =	ssyncset.done $0x0  }
0x29: {  	s2 =	simm.s32 $0x10600;
	[sflag:s12] =	ssyncadd.s32 $0xFFFFFC00  }
0x2a: {  	[tilespmem:s2], [sflag:$0x3] =	stream.indirect.gather [hbm4b:s4+s13], $0x20, s30, s13, $0xb8;
	[tilespmem:$0x18300] =	vst v63  }
0x2b: {  	s15 =	simm.s32 $0x880;
	s16 =	simm.s32 $0x115A0  }
0x2c: {  	[tilespmem:s16], [sflag:$0x3] =	stream.indirect.gather [hbm4b:s4+s13], $0x20, s15, s13, $0xb8;
	[tilespmem:$0x18300] =	vst v63  }
0x2d: {  	s22 =	simm.s32 $0x900;
	s23 =	simm.s32 $0x12540  }
0x2e: {  	[tilespmem:s23], [sflag:$0x3] =	stream.indirect.gather [hbm4b:s4+s13], $0x20, s22, s13, $0xb8;
	[tilespmem:$0x18300] =	vst v63  }
0x2f: {  	s24 =	simm.s32 $0x980;
	s25 =	simm.s32 $0x134E0  }
0x30: {  	[tilespmem:s25], [sflag:$0x3] =	stream.indirect.gather [hbm4b:s4+s13], $0x20, s24, s13, $0xb8;
	[tilespmem:$0x18300] =	vst v63  }
0x31: {  	s2 =	simm.s32 $0xA00;
	s15 =	simm.s32 $0x14480  }
0x32: {  	[tilespmem:s15], [sflag:$0x3] =	stream.indirect.gather [hbm4b:s4+s13], $0x20, s2, s13, $0xb8;
	[tilespmem:$0x18300] =	vst v63  }
0x33: {  	s16 =	simm.s32 $0xA80;
	s22 =	simm.s32 $0x15420  }
0x34: {  	[tilespmem:s22], [sflag:$0x3] =	stream.indirect.gather [hbm4b:s4+s13], $0x20, s16, s13, $0xb8;
	[tilespmem:$0x18300] =	vst v63  }
0x35: {  	s23 =	simm.s32 $0xB00;
	s24 =	simm.s32 $0x163C0  }
0x36: {  	[tilespmem:s24], [sflag:$0x3] =	stream.indirect.gather [hbm4b:s4+s13], $0x20, s23, s13, $0xb8;
	[tilespmem:$0x18300] =	vst v63  }
0x37: {  	s0 =	simm.s32 $0x0;
	s25 =	simm.s32 $0xB80  }
0x38: {  	[tilespmem:s26], [sflag:$0x3] =	stream.indirect.gather [hbm4b:s4+s13], $0x20, s25, s13, $0xb8;
	[tilespmem:$0x18300] =	vst v63  }
.LBB2_2:
0x39: {  	_ =	swait.ge [sflag:s28], $0x7D00  }
0x3a: {  	[sflag:s28] =	ssyncset.done $0x0  }
0x3b: {  	[sflag:s28] =	ssyncadd.s32 $0xFFFF8300  }
0x3c: {  	_ =	swait.ge [sflag:s29], $0x7D00  }
0x3d: {  	s2 =	sshllo.u32 s0, $0x1;
	p0 =	seq.s32 s0, $0x0;
	[sflag:s29] =	ssyncset.done $0x0  }
0x3e: {  	s15 =	simm.s32 @!p0 $0x5;
	s22 =	sadd.s32 s10, s2;
	[sflag:s29] =	ssyncadd.s32 $0xFFFF8300  }
0x3f: {  	s2 =	sshll.u32 s22, $0x7;
	_ =	swait.ge @!p0 [sflag:s15], $0x7D00  }
0x40: {  	s2 =	sand.u32 $0x1FFFFF80, s2;
	[sflag:s15] =	ssyncset.done @!p0 $0x0  }
0x41: {  	s16 =	simm.s32 $0x0;
	s25 =	sadd.s32 s5, s2;
	[sflag:s15] =	ssyncadd.s32 @!p0 $0xFFFF8300  }
0x42: {  	[tilespmem:s8], [sflag:$0x6] =	stream.linear.gather [hbm4b:s25+s16], $0x400, $0x38;
	[tilespmem:$0x18300] =	vst v63  }
0x43: {  	_ =	swait.ge [sflag:s12], $0x400  }
0x44: {  	[sflag:s12] =	ssyncset.done $0x0  }
0x45: {  	[sflag:s12] =	ssyncadd.s32 $0xFFFFFC00  }
0x46: {  	[tilespmem:s9], [sflag:$0x2] =	stream.indirect.gather [hbm4b:s1+s13], $0x20, s8, s13, $0xb8;
	[tilespmem:$0x18300] =	vst v63  }
0x47: {  	s23 =	simm.s32 $0x98A0;
	s16 =	simm.s32 $0x480  }
0x48: {  	[tilespmem:s23], [sflag:$0x2] =	stream.indirect.gather [hbm4b:s1+s13], $0x20, s16, s13, $0xb8;
	[tilespmem:$0x18300] =	vst v63  }
0x49: {  	s24 =	simm.s32 $0x500;
	s25 =	simm.s32 $0xA840  }
0x4a: {  	[tilespmem:s25], [sflag:$0x2] =	stream.indirect.gather [hbm4b:s1+s13], $0x20, s24, s13, $0xb8;
	[tilespmem:$0x18300] =	vst v63  }
0x4b: {  	s16 =	simm.s32 $0x580;
	s23 =	simm.s32 $0xB7E0  }
0x4c: {  	[tilespmem:s23], [sflag:$0x2] =	stream.indirect.gather [hbm4b:s1+s13], $0x20, s16, s13, $0xb8;
	[tilespmem:$0x18300] =	vst v63  }
0x4d: {  	s24 =	simm.s32 $0x600  }
0x4e: {  	[tilespmem:s17], [sflag:$0x2] =	stream.indirect.gather [hbm4b:s1+s13], $0x20, s24, s13, $0xb8;
	[tilespmem:$0x18300] =	vst v63  }
0x4f: {  	_ = 	snop  }
0x50: {  	[tilespmem:s11], [sflag:$0x2] =	stream.indirect.gather [hbm4b:s1+s13], $0x20, s18, s13, $0xb8;
	[tilespmem:$0x18300] =	vst v63  }
0x51: {  	_ = 	snop  }
0x52: {  	[tilespmem:s14], [sflag:$0x2] =	stream.indirect.gather [hbm4b:s1+s13], $0x20, s19, s13, $0xb8;
	[tilespmem:$0x18300] =	vst v63  }
0x53: {  	s15 =	simm.s32 $0x0  }
0x54: {  	[tilespmem:s31], [sflag:$0x2] =	stream.indirect.gather [hbm4b:s1+s13], $0x20, s20, s13, $0xb8;
	[tilespmem:$0x18300] =	vst v63  }
0x55: {  	v7 =	vld [tilespmem:s15+$0x10600]  }
0x56: {  	v11 =	vld [tilespmem:s15+$0x10610]  }
0x57: {  	v5 =	vld [tilespmem:s15+$0x10620]  }
0x58: {  	v4 =	vld [tilespmem:s15+$0x10630]  }
0x59: {  	v3 =	vld [tilespmem:s15+$0x10640]  }
0x5a: {  	v2 =	vld [tilespmem:s15+$0x10650]  }
0x5b: {  	v1 =	vld [tilespmem:s15+$0x10660]  }
0x5c: {  	v0 =	vld [tilespmem:s15+$0x10670]  }
0x5d: {  	v12 =	vld [tilespmem:s15+$0xC00]  }
0x5e: {  	v13 =	vld [tilespmem:s15+$0xC10]  }
0x5f: {  	s23 =	sshll.u32 s0, $0x1;
	v10 =	vld [tilespmem:s15+$0xC20]  }
0x60: {  	s25 =	sadd.s32 s10, s23;
	v9 =	vld [tilespmem:s15+$0xC30]  }
0x61: {  	s16 =	smul.u32 $0xFA0, s25;
	v8 =	vld [tilespmem:s15+$0xC40]  }
0x62: {  	v6 =	vld [tilespmem:s15+$0xC50];
	v12 =	vadd.f32 v7, v12  }
0x63: {  	s24 =	sadd.s32 s7, s16;
	s16 =	simm.s32 $0x200;
	v11 =	vadd.f32 v11, v13;
	v7 =	vld [tilespmem:s15+$0xC60]  }
.LBB2_3:
0x64: {  	s25 =	sshra.s32 s16, $0x2;
	p0 =	sne.s32 s16, $0x1F200;
	[tilespmem:s15+$0xC00] =	vst v12;
	v5 =	vadd.f32 v5, v10;
	v10 =	vld [tilespmem:s15+$0xC70]  }
0x65: {  	v12 =	vld [tilespmem:s25+$0x10600];
	[tilespmem:s15+$0xC10] =	vst v11;
	v4 =	vadd.f32 v4, v9  }
0x66: {  	v11 =	vld [tilespmem:s25+$0x10610];
	[tilespmem:s15+$0xC20] =	vst v5;
	v3 =	vadd.f32 v3, v8  }
0x67: {  	v5 =	vld [tilespmem:s25+$0x10620];
	[tilespmem:s15+$0xC30] =	vst v4;
	v2 =	vadd.f32 v2, v6  }
0x68: {  	v4 =	vld [tilespmem:s25+$0x10630];
	[tilespmem:s15+$0xC40] =	vst v3;
	v1 =	vadd.f32 v1, v7  }
0x69: {  	v3 =	vld [tilespmem:s25+$0x10640];
	[tilespmem:s15+$0xC50] =	vst v2;
	v0 =	vadd.f32 v0, v10  }
0x6a: {  	v2 =	vld [tilespmem:s25+$0x10650];
	[tilespmem:s15+$0xC60] =	vst v1  }
0x6b: {  	v1 =	vld [tilespmem:s25+$0x10660];
	[tilespmem:s15+$0xC70] =	vst v0;
	s15 =	smov.u32 s25  }
0x6c: {  	v0 =	vld [tilespmem:s15+$0x10670]  }
0x6d: {  	v6 =	vld [tilespmem:s15+$0xC00]  }
0x6e: {  	v7 =	vld [tilespmem:s15+$0xC10]  }
.Ltmp0:
0x6f: {  	v10 =	vld [tilespmem:s15+$0xC20];
	(pc) =	sbr.rel @p0 .LBB2_3-.Ltmp0, $4  }
0x70: {  	v9 =	vld [tilespmem:s15+$0xC30]  }
0x71: {  	v8 =	vld [tilespmem:s15+$0xC40]  }
0x72: {  	v12 =	vadd.f32 v12, v6;
	v6 =	vld [tilespmem:s15+$0xC50]  }
0x73: {  	s16 =	sadd.s32 $0x200, s16;
	v11 =	vadd.f32 v11, v7;
	v7 =	vld [tilespmem:s15+$0xC60]  }
0x74: {  	[tilespmem:s15+$0xC00] =	vst v12;
	v5 =	vadd.f32 v5, v10;
	v10 =	vld [tilespmem:s15+$0xC70]  }
0x75: {  	[tilespmem:s15+$0xC10] =	vst v11;
	v4 =	vadd.f32 v4, v9  }
0x76: {  	[tilespmem:s15+$0xC20] =	vst v5;
	v3 =	vadd.f32 v3, v8  }
0x77: {  	[tilespmem:s15+$0xC30] =	vst v4;
	v2 =	vadd.f32 v2, v6  }
0x78: {  	[tilespmem:s15+$0xC40] =	vst v3;
	v1 =	vadd.f32 v1, v7  }
0x79: {  	[tilespmem:s15+$0xC50] =	vst v2;
	v0 =	vadd.f32 v0, v10  }
0x7a: {  	[tilespmem:s15+$0xC60] =	vst v1  }
0x7b: {  	s2 =	sadd.s32 s6, s2;
	[tilespmem:s15+$0xC70] =	vst v0  }
0x7c: {  	[tilespmem:s30], [sflag:$0x6] =	stream.linear.gather [hbm4b:s2+s3], $0x400, $0x38;
	[tilespmem:$0x18300] =	vst v63  }
0x7d: {  	_ =	swait.ge [sflag:s12], $0x400  }
0x7e: {  	[sflag:s12] =	ssyncset.done $0x0  }
0x7f: {  	s15 =	simm.s32 $0x10600;
	[sflag:s12] =	ssyncadd.s32 $0xFFFFFC00  }
0x80: {  	[tilespmem:s15], [sflag:$0x3] =	stream.indirect.gather [hbm4b:s4+s13], $0x20, s30, s13, $0xb8;
	[tilespmem:$0x18300] =	vst v63  }
0x81: {  	s16 =	simm.s32 $0x880;
	s25 =	simm.s32 $0x115A0  }
0x82: {  	[tilespmem:s25], [sflag:$0x3] =	stream.indirect.gather [hbm4b:s4+s13], $0x20, s16, s13, $0xb8;
	[tilespmem:$0x18300] =	vst v63  }
0x83: {  	s16 =	simm.s32 $0x900;
	s25 =	simm.s32 $0x12540  }
0x84: {  	[tilespmem:s25], [sflag:$0x3] =	stream.indirect.gather [hbm4b:s4+s13], $0x20, s16, s13, $0xb8;
	[tilespmem:$0x18300] =	vst v63  }
0x85: {  	s16 =	simm.s32 $0x980;
	s25 =	simm.s32 $0x134E0  }
0x86: {  	[tilespmem:s25], [sflag:$0x3] =	stream.indirect.gather [hbm4b:s4+s13], $0x20, s16, s13, $0xb8;
	[tilespmem:$0x18300] =	vst v63  }
0x87: {  	s16 =	simm.s32 $0xA00;
	s25 =	simm.s32 $0x14480  }
0x88: {  	[tilespmem:s25], [sflag:$0x3] =	stream.indirect.gather [hbm4b:s4+s13], $0x20, s16, s13, $0xb8;
	[tilespmem:$0x18300] =	vst v63  }
0x89: {  	s16 =	simm.s32 $0xA80;
	s25 =	simm.s32 $0x15420  }
0x8a: {  	[tilespmem:s25], [sflag:$0x3] =	stream.indirect.gather [hbm4b:s4+s13], $0x20, s16, s13, $0xb8;
	[tilespmem:$0x18300] =	vst v63  }
0x8b: {  	s16 =	simm.s32 $0xB00;
	s25 =	simm.s32 $0x163C0  }
0x8c: {  	[tilespmem:s25], [sflag:$0x3] =	stream.indirect.gather [hbm4b:s4+s13], $0x20, s16, s13, $0xb8;
	[tilespmem:$0x18300] =	vst v63  }
0x8d: {  	s15 =	simm.s32 $0xB80  }
0x8e: {  	[tilespmem:s26], [sflag:$0x3] =	stream.indirect.gather [hbm4b:s4+s13], $0x20, s15, s13, $0xb8;
	[tilespmem:$0x18300] =	vst v63  }
0x8f: {  	s16 =	simm.s32 $0xC00  }
0x90: {  	[hbm4b:s24+s3] =	stream.linear.scatter [tilespmem:s16], [sflag:$0x4], $0x7D00, $0x38;
	[tilespmem:$0x18300] =	vst v63  }
0x91: {  	_ =	swait.ge [sflag:s21], $0x7D00  }
0x92: {  	[sflag:s21] =	ssyncset.done $0x0  }
0x93: {  	[sflag:s21] =	ssyncadd.s32 $0xFFFF8300  }
0x94: {  	_ =	swait.ge [sflag:s29], $0x7D00  }
0x95: {  	p0 =	seq.s32 s0, $0x18;
	s2 =	sadd.s32 $0x2, s23;
	[sflag:s29] =	ssyncset.done $0x0  }
0x96: {  	s2 =	sadd.s32 @!p0 s10, s2;
	s15 =	simm.s32 @!p0 $0x4;
	[sflag:s29] =	ssyncadd.s32 $0xFFFF8300  }
0x97: {  	s2 =	sshll.u32 @!p0 s2, $0x7;
	_ =	swait.ge @!p0 [sflag:s15], $0x7D00  }
0x98: {  	s2 =	sand.u32 @!p0 $0x1FFFFF00, s2;
	[sflag:s15] =	ssyncset.done @!p0 $0x0  }
0x99: {  	s16 =	simm.s32 @!p0 $0x0;
	[sflag:s15] =	ssyncadd.s32 @!p0 $0xFFFF8300;
	s15 =	sadd.s32 @!p0 s5, s2  }
0x9a: {  	[tilespmem:s16], [sflag:$0x6] =	stream.linear.gather @!p0 [hbm4b:s15+s16], $0x400, $0x38;
	[tilespmem:$0x18300] =	vst v63  }
0x9b: {  	s15 =	simm.s32 @!p0 $0x6  }
0x9c: {  	_ =	swait.ge @!p0 [sflag:s15], $0x400  }
0x9d: {  	[sflag:s15] =	ssyncset.done @!p0 $0x0  }
0x9e: {  	s23 =	simm.s32 @!p0 $0xC00;
	[sflag:s15] =	ssyncadd.s32 @!p0 $0xFFFFFC00;
	s15 =	simm.s32 @!p0 $0x7D  }
0x9f: {  	[tilespmem:s23], [sflag:$0x1] =	stream.indirect.gather @!p0 [hbm4b:s1+s15], $0x20, s16, s15, $0xb8;
	[tilespmem:$0x18300] =	vst v63  }
0xa0: {  	s16 =	simm.s32 @!p0 $0x80;
	s23 =	simm.s32 @!p0 $0x1BA0  }
0xa1: {  	[tilespmem:s23], [sflag:$0x1] =	stream.indirect.gather @!p0 [hbm4b:s1+s15], $0x20, s16, s15, $0xb8;
	[tilespmem:$0x18300] =	vst v63  }
0xa2: {  	s16 =	simm.s32 @!p0 $0x100;
	s23 =	simm.s32 @!p0 $0x2B40  }
0xa3: {  	[tilespmem:s23], [sflag:$0x1] =	stream.indirect.gather @!p0 [hbm4b:s1+s15], $0x20, s16, s15, $0xb8;
	[tilespmem:$0x18300] =	vst v63  }
0xa4: {  	s16 =	simm.s32 @!p0 $0x180;
	s23 =	simm.s32 @!p0 $0x3AE0  }
0xa5: {  	[tilespmem:s23], [sflag:$0x1] =	stream.indirect.gather @!p0 [hbm4b:s1+s15], $0x20, s16, s15, $0xb8;
	[tilespmem:$0x18300] =	vst v63  }
0xa6: {  	s16 =	simm.s32 @!p0 $0x200;
	s23 =	simm.s32 @!p0 $0x4A80  }
0xa7: {  	[tilespmem:s23], [sflag:$0x1] =	stream.indirect.gather @!p0 [hbm4b:s1+s15], $0x20, s16, s15, $0xb8;
	[tilespmem:$0x18300] =	vst v63  }
0xa8: {  	s16 =	simm.s32 @!p0 $0x280;
	s23 =	simm.s32 @!p0 $0x5A20  }
0xa9: {  	[tilespmem:s23], [sflag:$0x1] =	stream.indirect.gather @!p0 [hbm4b:s1+s15], $0x20, s16, s15, $0xb8;
	[tilespmem:$0x18300] =	vst v63  }
0xaa: {  	s16 =	simm.s32 @!p0 $0x300;
	s23 =	simm.s32 @!p0 $0x69C0  }
0xab: {  	[tilespmem:s23], [sflag:$0x1] =	stream.indirect.gather @!p0 [hbm4b:s1+s15], $0x20, s16, s15, $0xb8;
	[tilespmem:$0x18300] =	vst v63  }
0xac: {  	s16 =	simm.s32 @!p0 $0x380;
	s23 =	simm.s32 @!p0 $0x7960  }
0xad: {  	[tilespmem:s23], [sflag:$0x1] =	stream.indirect.gather @!p0 [hbm4b:s1+s15], $0x20, s16, s15, $0xb8;
	[tilespmem:$0x18300] =	vst v63  }
0xae: {  	s15 =	simm.s32 $0x0  }
0xaf: {  	v7 =	vld [tilespmem:s15+$0x10600]  }
0xb0: {  	v11 =	vld [tilespmem:s15+$0x10610]  }
0xb1: {  	v5 =	vld [tilespmem:s15+$0x10620]  }
0xb2: {  	v4 =	vld [tilespmem:s15+$0x10630]  }
0xb3: {  	v3 =	vld [tilespmem:s15+$0x10640]  }
0xb4: {  	v2 =	vld [tilespmem:s15+$0x10650]  }
0xb5: {  	v1 =	vld [tilespmem:s15+$0x10660]  }
0xb6: {  	v0 =	vld [tilespmem:s15+$0x10670]  }
0xb7: {  	v12 =	vld [tilespmem:s15+$0x8900]  }
0xb8: {  	v13 =	vld [tilespmem:s15+$0x8910]  }
0xb9: {  	v10 =	vld [tilespmem:s15+$0x8920]  }
0xba: {  	v9 =	vld [tilespmem:s15+$0x8930]  }
0xbb: {  	s25 =	smul.u32 $0xFA0, s22;
	v8 =	vld [tilespmem:s15+$0x8940]  }
0xbc: {  	v6 =	vld [tilespmem:s15+$0x8950];
	v12 =	vadd.f32 v7, v12  }
0xbd: {  	s22 =	sadd.s32 s7, s25;
	s16 =	simm.s32 $0x200;
	v11 =	vadd.f32 v11, v13;
	v7 =	vld [tilespmem:s15+$0x8960]  }
.LBB2_5:
0xbe: {  	s23 =	sshra.s32 s16, $0x2;
	p1 =	sne.s32 s16, $0x1F200;
	[tilespmem:s15+$0x8900] =	vst v12;
	v5 =	vadd.f32 v5, v10;
	v10 =	vld [tilespmem:s15+$0x8970]  }
0xbf: {  	v12 =	vld [tilespmem:s23+$0x10600];
	[tilespmem:s15+$0x8910] =	vst v11;
	v4 =	vadd.f32 v4, v9  }
0xc0: {  	v11 =	vld [tilespmem:s23+$0x10610];
	[tilespmem:s15+$0x8920] =	vst v5;
	v3 =	vadd.f32 v3, v8  }
0xc1: {  	v5 =	vld [tilespmem:s23+$0x10620];
	[tilespmem:s15+$0x8930] =	vst v4;
	v2 =	vadd.f32 v2, v6  }
0xc2: {  	v4 =	vld [tilespmem:s23+$0x10630];
	[tilespmem:s15+$0x8940] =	vst v3;
	v1 =	vadd.f32 v1, v7  }
0xc3: {  	v3 =	vld [tilespmem:s23+$0x10640];
	[tilespmem:s15+$0x8950] =	vst v2;
	v0 =	vadd.f32 v0, v10  }
0xc4: {  	v2 =	vld [tilespmem:s23+$0x10650];
	[tilespmem:s15+$0x8960] =	vst v1  }
0xc5: {  	v1 =	vld [tilespmem:s23+$0x10660];
	[tilespmem:s15+$0x8970] =	vst v0;
	s15 =	smov.u32 s23  }
0xc6: {  	v0 =	vld [tilespmem:s15+$0x10670]  }
0xc7: {  	v6 =	vld [tilespmem:s15+$0x8900]  }
0xc8: {  	v7 =	vld [tilespmem:s15+$0x8910]  }
.Ltmp1:
0xc9: {  	v10 =	vld [tilespmem:s15+$0x8920];
	(pc) =	sbr.rel @p1 .LBB2_5-.Ltmp1, $4  }
0xca: {  	v9 =	vld [tilespmem:s15+$0x8930]  }
0xcb: {  	v8 =	vld [tilespmem:s15+$0x8940]  }
0xcc: {  	v12 =	vadd.f32 v12, v6;
	v6 =	vld [tilespmem:s15+$0x8950]  }
0xcd: {  	s16 =	sadd.s32 $0x200, s16;
	v11 =	vadd.f32 v11, v7;
	v7 =	vld [tilespmem:s15+$0x8960]  }
0xce: {  	[tilespmem:s15+$0x8900] =	vst v12;
	v5 =	vadd.f32 v5, v10;
	v63 =	vld [tilespmem:s15+$0x8970]  }
0xcf: {  	[tilespmem:s15+$0x8910] =	vst v11;
	v4 =	vadd.f32 v4, v9  }
0xd0: {  	[tilespmem:s15+$0x8920] =	vst v5;
	v3 =	vadd.f32 v3, v8  }
0xd1: {  	[tilespmem:s15+$0x8930] =	vst v4;
	v2 =	vadd.f32 v2, v6  }
0xd2: {  	[tilespmem:s15+$0x8940] =	vst v3;
	v1 =	vadd.f32 v1, v7  }
0xd3: {  	[tilespmem:s15+$0x8950] =	vst v2;
	v0 =	vadd.f32 v0, v63  }
0xd4: {  	[tilespmem:s15+$0x8960] =	vst v1  }
0xd5: {  	s2 =	sadd.s32 @!p0 s6, s2;
	s16 =	simm.s32 @!p0 $0x800;
	[tilespmem:s15+$0x8970] =	vst v0;
	s15 =	simm.s32 @!p0 $0x0  }
0xd6: {  	[tilespmem:s16], [sflag:$0x6] =	stream.linear.gather @!p0 [hbm4b:s2+s15], $0x400, $0x38;
	[tilespmem:$0x18300] =	vst v63  }
0xd7: {  	s2 =	simm.s32 @!p0 $0x6  }
0xd8: {  	_ =	swait.ge @!p0 [sflag:s2], $0x400  }
0xd9: {  	[sflag:s2] =	ssyncset.done @!p0 $0x0  }
0xda: {  	s15 =	simm.s32 @!p0 $0x10600;
	[sflag:s2] =	ssyncadd.s32 @!p0 $0xFFFFFC00;
	s2 =	simm.s32 @!p0 $0x7D  }
0xdb: {  	[tilespmem:s15], [sflag:$0x3] =	stream.indirect.gather @!p0 [hbm4b:s4+s2], $0x20, s16, s2, $0xb8;
	[tilespmem:$0x18300] =	vst v63  }
0xdc: {  	s15 =	simm.s32 @!p0 $0x880;
	s16 =	simm.s32 @!p0 $0x115A0  }
0xdd: {  	[tilespmem:s16], [sflag:$0x3] =	stream.indirect.gather @!p0 [hbm4b:s4+s2], $0x20, s15, s2, $0xb8;
	[tilespmem:$0x18300] =	vst v63  }
0xde: {  	s15 =	simm.s32 @!p0 $0x900;
	s16 =	simm.s32 @!p0 $0x12540  }
0xdf: {  	[tilespmem:s16], [sflag:$0x3] =	stream.indirect.gather @!p0 [hbm4b:s4+s2], $0x20, s15, s2, $0xb8;
	[tilespmem:$0x18300] =	vst v63  }
0xe0: {  	s15 =	simm.s32 @!p0 $0x980;
	s16 =	simm.s32 @!p0 $0x134E0  }
0xe1: {  	[tilespmem:s16], [sflag:$0x3] =	stream.indirect.gather @!p0 [hbm4b:s4+s2], $0x20, s15, s2, $0xb8;
	[tilespmem:$0x18300] =	vst v63  }
0xe2: {  	s15 =	simm.s32 @!p0 $0xA00;
	s16 =	simm.s32 @!p0 $0x14480  }
0xe3: {  	[tilespmem:s16], [sflag:$0x3] =	stream.indirect.gather @!p0 [hbm4b:s4+s2], $0x20, s15, s2, $0xb8;
	[tilespmem:$0x18300] =	vst v63  }
0xe4: {  	s15 =	simm.s32 @!p0 $0xA80;
	s16 =	simm.s32 @!p0 $0x15420  }
0xe5: {  	[tilespmem:s16], [sflag:$0x3] =	stream.indirect.gather @!p0 [hbm4b:s4+s2], $0x20, s15, s2, $0xb8;
	[tilespmem:$0x18300] =	vst v63  }
0xe6: {  	s15 =	simm.s32 @!p0 $0xB00;
	s16 =	simm.s32 @!p0 $0x163C0  }
0xe7: {  	[tilespmem:s16], [sflag:$0x3] =	stream.indirect.gather @!p0 [hbm4b:s4+s2], $0x20, s15, s2, $0xb8;
	[tilespmem:$0x18300] =	vst v63  }
0xe8: {  	s0 =	sadd.s32 $0x1, s0;
	s15 =	simm.s32 @!p0 $0xB80;
	s16 =	simm.s32 @!p0 $0x17360  }
0xe9: {  	[tilespmem:s16], [sflag:$0x3] =	stream.indirect.gather @!p0 [hbm4b:s4+s2], $0x20, s15, s2, $0xb8;
	[tilespmem:$0x18300] =	vst v63  }
0xea: {  	p0 =	sne.s32 s0, $0x19  }
.Ltmp2:
0xeb: {  	_ = 	snop;
	(pc) =	sbr.rel @p0 .LBB2_2-.Ltmp2, $2  }
0xec: {  	_ =	sdelay $0x2  }
0xed: {  	[hbm4b:s22+s3] =	stream.linear.scatter [tilespmem:s9], [sflag:$0x5], $0x7D00, $0x38;
	[tilespmem:$0x18300] =	vst v63  }
0xee: {  	s0 =	simm.s32 $0x4  }
0xef: {  	_ =	swait.ge [sflag:s0], $0x7D00  }
0xf0: {  	[sflag:s0] =	ssyncset.done $0x0  }
0xf1: {  	s2 =	simm.s32 $0x5;
	[sflag:s0] =	ssyncadd.s32 $0xFFFF8300  }
0xf2: {  	_ =	swait.ge [sflag:s2], $0x7D00  }
0xf3: {  	s15 =	rddreg [dreg:$0x6]  }
0xf4: {  	s25 =	rddreg [dreg:$0x5];
	s15 =	sadd.s32 $0x1, s15  }
0xf5: {  	p0 =	sne.s32 s15, s25  }
.Ltmp3:
0xf6: {  	_ = 	snop;
	(pc) =	sbr.rel @p0 .LBB2_1-.Ltmp3, $3  }
0xf7: {  	_ =	sdelay $0x1  }
0xf8: {  	[sflag:s2] =	ssyncset.done $0x0  }
0xf9: {  	[sflag:s2] =	ssyncadd.s32 $0xFFFF8300  }
0xfa: {  	_ =	sfence.sel $0x180000  }
0xfb: {  	[bflag:$0x0] =	sbarrier.arrive $0xFFFF  }
0xfc: {  	_ =	strace $0x90000047  }
0xfd: {  	s0 =	stileid.u32;
	[bflag:$0x2] =	sbarrier.arrive $0xFFFF  }
0xfe: {  	p0 =	sne.s32 s0, $0x0;
	s0 =	rddreg [dreg:$0x2]  }
0xff: {  	s0 =	sadd.s32 @!p0 $0x100000, s0  }
0x100: {  	[sflag:s0] =	ssyncadd.tile.s32 @!p0 $0x1;
	_ =	shalt  }
.Lfunc_end2:
_tile_overlayer_lowered:
.L_overlay_start_2:
0x101: {  	(tag) =	ssettag $0x2  }
0x102: {  	s0 =	rddreg [dreg:$0x0];
	s2 =	stileid.u32  }
0x103: {  	s1 =	rddreg [dreg:$0x1];
	p0 =	sne.s32 s2, $0x0  }
0x104: {  	s3 =	rddreg [dreg:$0x2];
	[bflag:$0x3] =	sbarrier.arrive $0xFFFF;
	s2 =	simm.s32 @!p0 $0x1C06  }
0x105: {  	[timem:s3], [sflag:s2] =	dma.local @!p0 [hbm:s0], s1  }
0x106: {  	s0 =	simm.s32 @!p0 $0x6  }
0x107: {  	_ =	swait.ge @!p0 [sflag:s0], s1  }
0x108: {  	s1 =	ssub.s32 @!p0 $0x0, s1;
	[sflag:s0] =	ssyncset.done @!p0 $0x0  }
0x109: {  	[sflag:s0] =	ssyncadd.s32 @!p0 s1  }
0x10a: {  	[bflag:$0x3] =	sbarrier.arrive $0xFFFF  }
0x10b: {  	_ =	shalt  }

// kernel: kernel.13.cloned.1.call-start
scs
__scs_entry_jumppad:
0x0: {  	(pc) =	sbr.rel $0x88, $3  }
0x1: {  	(tag) =	ssettag $0x0;
	lr =	simm.s32 $0x1  }
0x2: {  	[smem:$0x3F8E] =	sst lr;
	_ =	strace $0xD0000000  }
0x3: {  	_ = 	snop  }
0x4: {  	_ = 	snop  }
0x5: {  	_ = 	snop  }
0x6: {  	_ = 	snop  }
0x7: {  	_ = 	snop  }
__scs_overlays_trampoline_lowered:
0x8: {  	[smem:$0x3F9D] =	sst s0  }
0x9: {  	[smem:$0x3F9E] =	sst s1  }
0xa: {  	[smem:$0x3F9F] =	sst s2  }
0xb: {  	[smem:$0x3FA0] =	sst s3  }
0xc: {  	[smem:$0x3FA1] =	sst s4  }
0xd: {  	[smem:$0x3FA2] =	sst s5  }
0xe: {  	[smem:$0x3FA3] =	sst s6  }
0xf: {  	[smem:$0x3FA4] =	sst s7  }
0x10: {  	[smem:$0x3FA5] =	sst s8  }
0x11: {  	[smem:$0x3FA6] =	sst s9;
	s0 =	simm.s32 @!p0 $0x0  }
0x12: {  	s1 =	sld [smem:$0x3F8C];
	s0 =	simm.s32 @p0 $0x1  }
0x13: {  	[smem:$0x3FA7] =	sst s0;
	s0 =	simm.s32 @!p1 $0x0  }
0x14: {  	s2 =	sld [smem:$0x3F8B];
	s0 =	simm.s32 @p1 $0x1  }
0x15: {  	[smem:$0x3FA8] =	sst s0;
	s0 =	simm.s32 @!p2 $0x0  }
0x16: {  	s3 =	sld [smem:$0x3FDB];
	s0 =	simm.s32 @p2 $0x1  }
0x17: {  	s4 =	simm.s32 $0x1BF5;
	[smem:$0x3FAA] =	sst s0  }
0x18: {  	s0 =	sld [smem:$0x3F8D];
	_ =	swait.ge [sflag:s4], $0x0  }
0x19: {  	s7 =	sld [smem:$0x3F8E]  }
0x1a: {  	s8 =	sadd.s32 $0xFFFFE003, lr  }
0x1b: {  	s9 =	sadd.s32 $0xFFFFFEF7, lr;
	s5 =	simm.s32 $0xFFFFFFFF;
	p2 =	slt.u32 s8, $0xFFFFF086  }
0x1c: {  	p1 =	slt.u32 s9, $0xF7A;
	s5 =	simm.s32 @!p2 $0x0  }
0x1d: {  	s5 =	simm.s32 @p1 $0x1;
	p0 =	seq.s32 s7, s2  }
0x1e: {  	s7 =	smul.u32 @!p0 $0xF7A, s2;
	p2 =	seq.s32 @!p0 s5, $0x0  }
0x1f: {  	s9 =	smul.u32 $0xF7A, s1;
	s8 =	simm.s32 @!p0 $0x1BF5;
	p2 =	por !p2, p0  }
0x20: {  	[sflag:s8] =	ssyncset.s32 @!p0 $0xFFFFF086;
	s6 =	sadd.s32 @!p0 s3, s7;
	s7 =	simm.s32 @!p0 $0x108  }
0x21: {  	s3 =	sadd.s32 s3, s9;
	s6 =	sadd.s32 @!p0 $0x88, s6;
	s7 =	simm.s32 @p2 $0x1082  }
0x22: {  	[simem:s7], [sflag:s8] =	dma.local @!p0 [hbm:s6], $0xF7A  }
0x23: {  	s9 =	sor.u32 $0xD0000000, s2;
	s6 =	simm.s32 $0x108;
	_ =	swait.ge @!p0 [sflag:s8], $0x0  }
0x24: {  	s3 =	sadd.s32 $0x88, s3;
	s6 =	simm.s32 @!p1 $0x1082;
	[sflag:s4] =	ssyncset.s32 $0xFFFFF086  }
0x25: {  	[simem:s6], [sflag:s4] =	dma.local [hbm:s3], $0xF7A  }
0x26: {  	[smem:$0x3F8E] =	sst s1;
	(tag) =	ssettag s2;
	_ =	strace s9  }
0x27: {  	s1 =	sld [smem:$0x3F9E]  }
0x28: {  	s2 =	sld [smem:$0x3F9F]  }
0x29: {  	s4 =	sld [smem:$0x3FA1]  }
0x2a: {  	p0 =	seq.s32 s5, $0x0;
	s5 =	sld [smem:$0x3FA2]  }
0x2b: {  	s6 =	sld [smem:$0x3FA3]  }
0x2c: {  	s7 =	sld [smem:$0x3FA4]  }
0x2d: {  	s3 =	simm.s32 $0x108;
	s8 =	sld [smem:$0x3FA5]  }
0x2e: {  	s3 =	simm.s32 @!p0 $0x1082;
	s9 =	sld [smem:$0x3FA6]  }
0x2f: {  	lr =	sadd.s32 s0, s3;
	s0 =	sld [smem:$0x3F9D]  }
0x30: {  	s3 =	sld [smem:$0x3FA0]  }
0x31: {  	[smem:$0x3FA9] =	sst s10  }
0x32: {  	s10 =	sld [smem:$0x3FA7];
	_ =	sdelay $0x3  }
0x33: {  	p0 =	seq.s32 s10, $0x1;
	s10 =	sld [smem:$0x3FA9];
	_ =	sdelay $0x3  }
0x34: {  	[smem:$0x3FA9] =	sst s10  }
0x35: {  	s10 =	sld [smem:$0x3FA8];
	_ =	sdelay $0x3  }
0x36: {  	p1 =	seq.s32 s10, $0x1;
	s10 =	sld [smem:$0x3FA9];
	_ =	sdelay $0x3  }
0x37: {  	[smem:$0x3FA9] =	sst s10  }
0x38: {  	s10 =	sld [smem:$0x3FAA]  }
0x39: {  	_ = 	snop;
	(pc) =	sbr.ind lr, $3  }
0x3a: {  	_ = 	snop  }
0x3b: {  	_ = 	snop  }
0x3c: {  	p2 =	seq.s32 s10, $0x1;
	s10 =	sld [smem:$0x3FA9]  }
0x3d: {  	_ =	shalt  }
0x3e: {  	_ =	shalt  }
0x3f: {  	_ =	shalt  }
0x40: {  	_ =	shalt  }
0x41: {  	_ =	shalt  }
0x42: {  	_ =	shalt  }
0x43: {  	_ =	shalt  }
0x44: {  	_ =	shalt  }
0x45: {  	_ =	shalt  }
0x46: {  	_ =	shalt  }
0x47: {  	_ =	shalt  }
0x48: {  	_ =	shalt  }
0x49: {  	_ =	shalt  }
0x4a: {  	_ =	shalt  }
0x4b: {  	_ =	shalt  }
0x4c: {  	_ =	shalt  }
0x4d: {  	_ =	shalt  }
0x4e: {  	_ =	shalt  }
0x4f: {  	_ =	shalt  }
0x50: {  	_ =	shalt  }
0x51: {  	_ =	shalt  }
0x52: {  	_ =	shalt  }
0x53: {  	_ =	shalt  }
0x54: {  	_ =	shalt  }
0x55: {  	_ =	shalt  }
0x56: {  	_ =	shalt  }
0x57: {  	_ =	shalt  }
0x58: {  	_ =	shalt  }
0x59: {  	_ =	shalt  }
0x5a: {  	_ =	shalt  }
0x5b: {  	_ =	shalt  }
0x5c: {  	_ =	shalt  }
0x5d: {  	_ =	shalt  }
0x5e: {  	_ =	shalt  }
0x5f: {  	_ =	shalt  }
0x60: {  	_ =	shalt  }
0x61: {  	_ =	shalt  }
0x62: {  	_ =	shalt  }
0x63: {  	_ =	shalt  }
0x64: {  	_ =	shalt  }
0x65: {  	_ =	shalt  }
0x66: {  	_ =	shalt  }
0x67: {  	_ =	shalt  }
0x68: {  	_ =	shalt  }
0x69: {  	_ =	shalt  }
0x6a: {  	_ =	shalt  }
0x6b: {  	_ =	shalt  }
0x6c: {  	_ =	shalt  }
0x6d: {  	_ =	shalt  }
0x6e: {  	_ =	shalt  }
0x6f: {  	_ =	shalt  }
0x70: {  	_ =	shalt  }
0x71: {  	_ =	shalt  }
0x72: {  	_ =	shalt  }
0x73: {  	_ =	shalt  }
0x74: {  	_ =	shalt  }
0x75: {  	_ =	shalt  }
0x76: {  	_ =	shalt  }
0x77: {  	_ =	shalt  }
0x78: {  	_ =	shalt  }
0x79: {  	_ =	shalt  }
0x7a: {  	_ =	shalt  }
0x7b: {  	_ =	shalt  }
0x7c: {  	_ =	shalt  }
0x7d: {  	_ =	shalt  }
0x7e: {  	_ =	shalt  }
0x7f: {  	_ =	shalt  }
0x80: {  	_ =	shalt  }
0x81: {  	_ =	shalt  }
0x82: {  	_ =	shalt  }
0x83: {  	_ =	shalt  }
0x84: {  	_ =	shalt  }
0x85: {  	_ =	shalt  }
0x86: {  	_ =	shalt  }
0x87: {  	_ =	shalt  }
.Lfunc_end0:
.L_simem_size_0:
called_computation.1_lowered:
.L_overlay_start_0:
0x88: {  	s2 =	sld [smem:$0x3FD9]  }
0x89: {  	s3 =	sld [smem:$0x3FFE];
	_ =	sdelay $0x1  }
0x8a: {  	s1 =	srdreg.scid  }
0x8b: {  	s0 =	sand.u32 $0x1, s1  }
0x8c: {  	s17 =	sshll.u32 s0, $0xA;
	s2 =	sadd.s32 s3, s2  }
0x8d: {  	s2 =	sadd.s32 s2, s17  }
0x8e: {  	[smem:$0x3FB5] =	sst s2  }
0x8f: {  	_ = 	snop  }
0x90: {  	s2 =	sld [smem:$0x3FD0];
	(tm) =	ssettm $0x1  }
0x91: {  	s18 =	sld [smem:$0x3FFB];
	_ =	sdelay $0x3  }
0x92: {  	_ =	strace s18  }
0x93: {  	s3 =	sld [smem:$0x3FFC];
	_ =	sdelay $0x3  }
0x94: {  	_ =	strace s3  }
0x95: {  	s3 =	sld [smem:$0x3FFD];
	_ =	sdelay $0x3  }
0x96: {  	_ =	strace s3  }
0x97: {  	_ =	strace $0x8FFFFFFF  }
0x98: {  	s19 =	sld [smem:$0x3FDB];
	_ =	sdelay $0x1  }
0x99: {  	s4 =	simm.s32 $_scs_section_size  }
0x9a: {  	s5 =	simm.s32 $_size__tile_overlayer_lowered;
	s6 =	simm.s32 $_tile_overlayer_lowered  }
0x9b: {  	s22 =	simm.s32 $0x1BFF;
	s21 =	sshll.u32 s6, $0x1;
	s3 =	sadd.s32 s4, s19  }
0x9c: {  	s7 =	simm.s32 $0x0;
	s20 =	sshll.u32 s5, $0x1;
	s5 =	sadd.s32 s21, s3  }
0x9d: {  	[timem:s7], [sflag:s22] =	dma.local [hbm:s5], s20  }
0x9e: {  	_ =	swait.ge [sflag:s22], s20  }
0x9f: {  	s4 =	ssub.s32 $0x0, s20;
	[sflag:s22] =	ssyncset.done $0x0  }
0xa0: {  	[sflag:s22] =	ssyncadd.s32 s4;
	_ =	sdelay $0x1  }
0xa1: {  	s23 =	simm.s32 $0x1B8B  }
0xa2: {  	_ =	swait.ge [sflag:s23], $0x1  }
0xa3: {  	[sflag:s23] =	ssyncset.done $0x0  }
0xa4: {  	s25 =	simm.s32 $0x1B8E;
	s24 =	sld [smem:$0x3FFE];
	[sflag:s23] =	ssyncadd.s32 $0xFFFFFFFF  }
0xa5: {  	s26 =	simm.s32 $execute0_lowered;
	[smem:$0x3FD2] =	sst s25  }
0xa6: {  	s5 =	sshll.u32 s26, $0x1;
	_ =	strace $0x80000049;
	[dreg:$0x1] =	wrdreg $0xFFFFFFFF  }
0xa7: {  	s28 =	simm.s32 $_size_execute0_lowered;
	s3 =	sadd.s32 s3, s5;
	[dreg:$0x0] =	wrdreg $0x0  }
0xa8: {  	s5 =	sshll.u32 s28, $0x1;
	[dreg:$0x2] =	wrdreg s3  }
0xa9: {  	[dreg:$0x3] =	wrdreg s5  }
0xaa: {  	[dreg:$0x4] =	wrdreg $0xC0  }
0xab: {  	_ =	task [dreg:s7], $0x5FFFF  }
0xac: {  	[dreg:$0x1] =	wrdreg $0xFFFFFFFF  }
0xad: {  	[dreg:$0x0] =	wrdreg $0x60  }
0xae: {  	[dreg:$0x2] =	wrdreg s24  }
0xaf: {  	[dreg:$0x3] =	wrdreg s2  }
0xb0: {  	[dreg:$0x4] =	wrdreg $0xBF800  }
0xb1: {  	[dreg:$0x5] =	wrdreg $0x9  }
0xb2: {  	_ =	task.clear_ibuf [dreg:s7], $0x6FFFF;
	_ =	strace $0x90000049  }
0xb3: {  	s29 =	simm.s32 $0x9;
	_ =	strace $0x8000004B  }
0xb4: {  	_ =	swait.ge [sflag:s29], $0x1  }
0xb5: {  	[sflag:s29] =	ssyncadd.s32 $0xFFFFFFFF  }
0xb6: {  	_ =	strace $0x9000004B  }
0xb7: {  	_ =	sfence  }
0xb8: {  	s30 =	sld [smem:$0x0];
	_ =	sdelay $0x2  }
0xb9: {  	s31 =	sshll.u32 s1, $0xD;
	s1 =	sshrl.u32 s1, $0x2  }
0xba: {  	s3 =	sand.u32 $0x4000, s31;
	s1 =	sadd.s32 s1, s30  }
0xbb: {  	s0 =	sor.u32 s3, s0;
	s1 =	sshll.u32 s1, $0x11  }
0xbc: {  	s0 =	sor.u32 s1, s0  }
0xbd: {  	s0 =	sadd.s32 $0x8F2B, s0  }
0xbe: {  	[sflag:s0] =	ssyncadd.remote.s32 $0x1  }
0xbf: {  	_ =	sfence.sel $0xFFFF  }
0xc0: {  	[dreg:$0x0] =	wrdreg $0xFFFFFFFF;
	(pc) =	sbr.abs _section_cstart, $3  }
0xc1: {  	[dreg:$0x1] =	wrdreg $0xFFFFFFFF  }
0xc2: {  	_ =	task.clear_ibuf [dreg:s7], $0x2FFFF;
	_ =	strace $0x9FFFFFFF  }
0xc3: {  	(tm) =	ssettm $0x7FFFFFFF  }
tec
execute0_lowered:
.L_overlay_start_1:
0x0: {  	(tag) =	ssettag $0x1  }
0x1: {  	s0 =	rddreg [dreg:$0x0]  }
0x2: {  	s3 =	rddreg [dreg:$0x1]  }
0x3: {  	s1 =	rddreg [dreg:$0x2]  }
0x4: {  	s2 =	simm.s32 $0x0;
	s4 =	srdreg.scid;
	s10 =	stileid.u32  }
0x5: {  	s16 =	simm.s32 $0x8100;
	s17 =	simm.s32 $0x1;
	s18 =	simm.s32 $0x400  }
0x6: {  	s28 =	simm.s32 $0xA040;
	s29 =	simm.s32 $0x280;
	s30 =	simm.s32 $0xA810  }
0x7: {  	s31 =	simm.s32 $0x300;
	[smem:$0x7FF] =	sst s2;
	s6 =	sand.u32 $0x1, s4  }
0x8: {  	s4 =	sadd.s32 $0x6B2C00, s0;
	s9 =	smul.u32 $0xC350, s10;
	s5 =	sadd.s32 $0x35400, s0  }
0x9: {  	s20 =	sshll.u32 s10, $0x1;
	_ =	strace $0x8000004A;
	s7 =	ssub.s32 $0x2, s6  }
0xa: {  	s8 =	sshrl.u32 s7, $0x1;
	s11 =	sadd.s32 $0x3E80, s9;
	s12 =	sadd.s32 $0x7D00, s9  }
0xb: {  	s13 =	sadd.s32 $0xBB80, s9;
	s19 =	ssub.s32 s7, s8;
	s7 =	sor.u32 s6, s20  }
0xc: {  	s6 =	smul.u32 $0xC3500, s6;
	s8 =	sadd.s32 s9, s1;
	s21 =	sadd.s32 s12, s1  }
0xd: {  	s15 =	sadd.s32 s11, s1;
	s22 =	sadd.s32 s13, s1;
	[dreg:$0x5] =	wrdreg s21  }
0xe: {  	s20 =	simm.s32 $0x80;
	[dreg:$0x6] =	wrdreg s22;
	s10 =	smul.u32 $0x32, s7  }
0xf: {  	s0 =	smax.u32 s19, $0x1;
	s19 =	simm.s32 $0x7D;
	s21 =	simm.s32 $0x88D0  }
0x10: {  	s22 =	simm.s32 $0x100;
	[dreg:$0x4] =	wrdreg s15;
	s14 =	sadd.s32 s9, s6  }
0x11: {  	s24 =	sadd.s32 s6, s11;
	s25 =	sadd.s32 s6, s12;
	s6 =	sadd.s32 s6, s13  }
0x12: {  	[dreg:$0xb] =	wrdreg s0;
	s0 =	simm.s32 $0xAFE0;
	s12 =	simm.s32 $0x0  }
0x13: {  	s23 =	sshrl.u32 s14, $0x3;
	s11 =	sshrl.u32 s25, $0x3;
	s6 =	sshrl.u32 s6, $0x3  }
0x14: {  	s25 =	simm.s32 $0x9870;
	s7 =	sadd.s32 s3, s23;
	s26 =	sadd.s32 s3, s11  }
0x15: {  	s23 =	simm.s32 $0x90A0;
	[dreg:$0x7] =	wrdreg s7;
	s7 =	sshrl.u32 s24, $0x3  }
0x16: {  	s11 =	simm.s32 $0xB7B0;
	[dreg:$0x9] =	wrdreg s26;
	s7 =	sadd.s32 s3, s7  }
0x17: {  	s24 =	simm.s32 $0x180;
	s3 =	sadd.s32 s3, s6;
	[dreg:$0x8] =	wrdreg s7  }
0x18: {  	v0 =	vimm.f32 $0.0e+00;
	s26 =	simm.s32 $0x200;
	[dreg:$0xa] =	wrdreg s3;
	s3 =	simm.s32 $0x380  }
.LBB2_1:
0x19: {  	s7 =	simm.s32 $0x100;
	s6 =	simm.s32 $0x0  }
.LBB2_2:
0x1a: {  	p0 =	sne.s32 s7, $0xF900;
	[tilespmem:s6+$0x8130] =	vst v0;
	s13 =	smov.u32 s7;
	s7 =	sadd.s32 $0x100, s7  }
.Ltmp0:
0x1b: {  	[tilespmem:s6+$0x8120] =	vst v0;
	(pc) =	sbr.rel @p0 .LBB2_2-.Ltmp0, $3  }
0x1c: {  	[tilespmem:s6+$0x8100] =	vst v0  }
0x1d: {  	[tilespmem:s6+$0x8110] =	vst v0;
	_ =	sdelay $0x1  }
0x1e: {  	s6 =	sshra.s32 s13, $0x2  }
0x1f: {  	[tilespmem:s6+$0x8130] =	vst v0  }
0x20: {  	[tilespmem:s6+$0x8120] =	vst v0  }
0x21: {  	[tilespmem:s6+$0x8100] =	vst v0  }
0x22: {  	[tilespmem:s6+$0x8110] =	vst v0  }
0x23: {  	[spmem:s8] =	stream.linear.scatter [tilespmem:s16], [sflag:$0x1], $0x3E80, $0x38;
	[tilespmem:$0x182D0] =	vst v63  }
0x24: {  	_ =	swait.ge [sflag:s17], $0x3E80  }
0x25: {  	[sflag:s17] =	ssyncset.done $0x0  }
0x26: {  	[sflag:s17] =	ssyncadd.s32 $0xFFFFC180  }
0x27: {  	[spmem:s15] =	stream.linear.scatter [tilespmem:s16], [sflag:$0x1], $0x3E80, $0x38;
	[tilespmem:$0x182D0] =	vst v63  }
0x28: {  	_ =	swait.ge [sflag:s17], $0x3E80  }
0x29: {  	[sflag:s17] =	ssyncset.done $0x0  }
0x2a: {  	s14 =	rddreg [dreg:$0x5];
	[sflag:s17] =	ssyncadd.s32 $0xFFFFC180  }
0x2b: {  	[spmem:s14] =	stream.linear.scatter [tilespmem:s16], [sflag:$0x1], $0x3E80, $0x38;
	[tilespmem:$0x182D0] =	vst v63  }
0x2c: {  	_ =	swait.ge [sflag:s17], $0x3E80  }
0x2d: {  	[sflag:s17] =	ssyncset.done $0x0  }
0x2e: {  	s15 =	rddreg [dreg:$0x6];
	[sflag:s17] =	ssyncadd.s32 $0xFFFFC180  }
0x2f: {  	[spmem:s15] =	stream.linear.scatter [tilespmem:s16], [sflag:$0x1], $0x7D0, $0x38;
	[tilespmem:$0x182D0] =	vst v63  }
0x30: {  	_ =	swait.ge [sflag:s17], $0x7D0  }
0x31: {  	[sflag:s17] =	ssyncset.done $0x0  }
0x32: {  	s9 =	smov.u32 s8;
	[sflag:s17] =	ssyncadd.s32 $0xFFFFF830  }
0x33: {  	s13 =	simm.s32 $0x0;
	s14 =	simm.s32 $0x0;
	[bflag:$0x0] =	sbarrier.arrive $0xFFFF  }
.LBB2_4:
0x34: {  	s6 =	sadd.s32 s10, s14  }
0x35: {  	s7 =	sshll.u32 s6, $0x7  }
0x36: {  	s7 =	sadd.s32 s5, s7  }
0x37: {  	[tilespmem:s13], [sflag:$0x1] =	stream.linear.gather [hbm4b:s7+s13], $0x400, $0x38;
	[tilespmem:$0x182D0] =	vst v63  }
0x38: {  	s6 =	smul.u32 $0xFA0, s6;
	_ =	swait.ge [sflag:s17], $0x400  }
0x39: {  	[sflag:s17] =	ssyncset.done $0x0  }
0x3a: {  	s6 =	sadd.s32 s4, s6;
	[sflag:s17] =	ssyncadd.s32 $0xFFFFFC00  }
0x3b: {  	[tilespmem:s18], [sflag:$0x1] =	stream.linear.gather [hbm4b:s6+s13], $0x7D00, $0x38;
	[tilespmem:$0x182D0] =	vst v63  }
0x3c: {  	_ =	swait.ge [sflag:s17], $0x7D00  }
0x3d: {  	[sflag:s17] =	ssyncset.done $0x0  }
0x3e: {  	s15 =	simm.s32 $0x480;
	[sflag:s17] =	ssyncadd.s32 $0xFFFF8300  }
0x3f: {  	s7 =	simm.s32 $0x0;
	s6 =	simm.s32 $0x200;
	v1 =	vld [tilespmem:s15+$0xFFFFFF80]  }
.LBB2_5:
0x40: {  	p0 =	sne.s32 s6, $0xF800;
	_ =	sdelay $0x2  }
0x41: {  	s8 =	sshra.s32 s7, $0x2;
	s7 =	smov.u32 s6  }
0x42: {  	[tilespmem:s8+$0x8100] =	vst v1  }
0x43: {  	v1 =	vld [tilespmem:s15+$0xFFFFFF90];
	_ =	sdelay $0x4  }
0x44: {  	[tilespmem:s8+$0x8110] =	vst v1  }
0x45: {  	v1 =	vld [tilespmem:s15+$0xFFFFFFA0];
	_ =	sdelay $0x4  }
0x46: {  	[tilespmem:s8+$0x8120] =	vst v1  }
0x47: {  	v1 =	vld [tilespmem:s15+$0xFFFFFFB0];
	_ =	sdelay $0x4  }
0x48: {  	[tilespmem:s8+$0x8130] =	vst v1  }
0x49: {  	v1 =	vld [tilespmem:s15+$0x0];
	_ =	sdelay $0x4  }
0x4a: {  	[tilespmem:s8+$0x8140] =	vst v1  }
0x4b: {  	v1 =	vld [tilespmem:s15+$0x10];
	_ =	sdelay $0x4  }
0x4c: {  	[tilespmem:s8+$0x8150] =	vst v1  }
0x4d: {  	v1 =	vld [tilespmem:s15+$0x20];
	_ =	sdelay $0x4  }
0x4e: {  	[tilespmem:s8+$0x8160] =	vst v1  }
0x4f: {  	v1 =	vld [tilespmem:s15+$0x30];
	_ =	sdelay $0x1  }
.Ltmp1:
0x50: {  	(pc) =	sbr.rel @p0 .LBB2_5-.Ltmp1, $3  }
0x51: {  	_ =	sdelay $0x1  }
0x52: {  	s15 =	sadd.s32 $0x100, s15;
	[tilespmem:s8+$0x8170] =	vst v1  }
0x53: {  	s6 =	sadd.s32 $0x200, s6;
	v1 =	vld [tilespmem:s15+$0xFFFFFF80]  }
0x54: {  	_ =	sdelay $0x2  }
0x55: {  	s6 =	sshra.s32 s7, $0x2  }
0x56: {  	[tilespmem:s6+$0x8100] =	vst v1  }
0x57: {  	v1 =	vld [tilespmem:s15+$0xFFFFFF90];
	_ =	sdelay $0x4  }
0x58: {  	[tilespmem:s6+$0x8110] =	vst v1  }
0x59: {  	v1 =	vld [tilespmem:s15+$0xFFFFFFA0];
	_ =	sdelay $0x4  }
0x5a: {  	[tilespmem:s6+$0x8120] =	vst v1  }
0x5b: {  	v1 =	vld [tilespmem:s15+$0xFFFFFFB0];
	_ =	sdelay $0x4  }
0x5c: {  	[tilespmem:s6+$0x8130] =	vst v1  }
0x5d: {  	v1 =	vld [tilespmem:s15+$0x0];
	_ =	sdelay $0x4  }
0x5e: {  	[tilespmem:s6+$0x8140] =	vst v1  }
0x5f: {  	v1 =	vld [tilespmem:s15+$0x10];
	_ =	sdelay $0x4  }
0x60: {  	[tilespmem:s6+$0x8150] =	vst v1  }
0x61: {  	v1 =	vld [tilespmem:s15+$0x20];
	_ =	sdelay $0x4  }
0x62: {  	[tilespmem:s6+$0x8160] =	vst v1  }
0x63: {  	v1 =	vld [tilespmem:s15+$0x30];
	_ =	sdelay $0x4  }
0x64: {  	[tilespmem:s6+$0x8170] =	vst v1  }
0x65: {  	[spmem:s1] =	stream.indirect.scatter.add.f32 [tilespmem:s16], [sflag:$0x1], $0x10, s2, s19, $0xb8;
	[tilespmem:$0x182D0] =	vst v63  }
0x66: {  	_ =	swait.ge [sflag:s17], $0x7D0  }
0x67: {  	[sflag:s17] =	ssyncset.done $0x0  }
0x68: {  	[sflag:s17] =	ssyncadd.s32 $0xFFFFF830  }
0x69: {  	[spmem:s1] =	stream.indirect.scatter.add.f32 [tilespmem:s21], [sflag:$0x1], $0x10, s20, s19, $0xb8;
	[tilespmem:$0x182D0] =	vst v63  }
0x6a: {  	_ =	swait.ge [sflag:s17], $0x7D0  }
0x6b: {  	[sflag:s17] =	ssyncset.done $0x0  }
0x6c: {  	[sflag:s17] =	ssyncadd.s32 $0xFFFFF830  }
0x6d: {  	[spmem:s1] =	stream.indirect.scatter.add.f32 [tilespmem:s23], [sflag:$0x1], $0x10, s22, s19, $0xb8;
	[tilespmem:$0x182D0] =	vst v63  }
0x6e: {  	_ =	swait.ge [sflag:s17], $0x7D0  }
0x6f: {  	[sflag:s17] =	ssyncset.done $0x0  }
0x70: {  	[sflag:s17] =	ssyncadd.s32 $0xFFFFF830  }
0x71: {  	[spmem:s1] =	stream.indirect.scatter.add.f32 [tilespmem:s25], [sflag:$0x1], $0x10, s24, s19, $0xb8;
	[tilespmem:$0x182D0] =	vst v63  }
0x72: {  	_ =	swait.ge [sflag:s17], $0x7D0  }
0x73: {  	[sflag:s17] =	ssyncset.done $0x0  }
0x74: {  	[sflag:s17] =	ssyncadd.s32 $0xFFFFF830  }
0x75: {  	[spmem:s1] =	stream.indirect.scatter.add.f32 [tilespmem:s28], [sflag:$0x1], $0x10, s26, s19, $0xb8;
	[tilespmem:$0x182D0] =	vst v63  }
0x76: {  	_ =	swait.ge [sflag:s17], $0x7D0  }
0x77: {  	[sflag:s17] =	ssyncset.done $0x0  }
0x78: {  	[sflag:s17] =	ssyncadd.s32 $0xFFFFF830  }
0x79: {  	[spmem:s1] =	stream.indirect.scatter.add.f32 [tilespmem:s30], [sflag:$0x1], $0x10, s29, s19, $0xb8;
	[tilespmem:$0x182D0] =	vst v63  }
0x7a: {  	_ =	swait.ge [sflag:s17], $0x7D0  }
0x7b: {  	[sflag:s17] =	ssyncset.done $0x0  }
0x7c: {  	[sflag:s17] =	ssyncadd.s32 $0xFFFFF830  }
0x7d: {  	[spmem:s1] =	stream.indirect.scatter.add.f32 [tilespmem:s0], [sflag:$0x1], $0x10, s31, s19, $0xb8;
	[tilespmem:$0x182D0] =	vst v63  }
0x7e: {  	s14 =	sadd.s32 $0x1, s14;
	_ =	swait.ge [sflag:s17], $0x7D0  }
0x7f: {  	p0 =	sne.s32 s14, $0x32;
	[sflag:s17] =	ssyncset.done $0x0  }
.Ltmp2:
0x80: {  	[sflag:s17] =	ssyncadd.s32 $0xFFFFF830;
	(pc) =	sbr.rel @p0 .LBB2_4-.Ltmp2, $4  }
0x81: {  	[spmem:s1] =	stream.indirect.scatter.add.f32 [tilespmem:s11], [sflag:$0x1], $0x10, s3, s19, $0xb8;
	[tilespmem:$0x182D0] =	vst v63  }
0x82: {  	_ =	swait.ge [sflag:s17], $0x7D0  }
0x83: {  	[sflag:s17] =	ssyncset.done $0x0  }
0x84: {  	[sflag:s17] =	ssyncadd.s32 $0xFFFFF830  }
0x85: {  	[bflag:$0x0] =	sbarrier.arrive $0xFFFF  }
0x86: {  	[tilespmem:s16], [sflag:$0x1] =	stream.linear.gather [spmem:s9], $0x3E80, $0x38;
	[tilespmem:$0x182D0] =	vst v63  }
0x87: {  	_ =	swait.ge [sflag:s17], $0x3E80  }
0x88: {  	[sflag:s17] =	ssyncset.done $0x0  }
0x89: {  	s6 =	rddreg [dreg:$0x7];
	[sflag:s17] =	ssyncadd.s32 $0xFFFFC180  }
0x8a: {  	[hbm4b:s6+s2] =	stream.linear.scatter [tilespmem:s16], [sflag:$0x1], $0x3E80, $0x38;
	[tilespmem:$0x182D0] =	vst v63  }
0x8b: {  	_ =	swait.ge [sflag:s17], $0x3E80  }
0x8c: {  	[sflag:s17] =	ssyncset.done $0x0  }
0x8d: {  	s15 =	rddreg [dreg:$0x4];
	[sflag:s17] =	ssyncadd.s32 $0xFFFFC180  }
0x8e: {  	[tilespmem:s16], [sflag:$0x1] =	stream.linear.gather [spmem:s15], $0x3E80, $0x38;
	[tilespmem:$0x182D0] =	vst v63  }
0x8f: {  	_ =	swait.ge [sflag:s17], $0x3E80  }
0x90: {  	[sflag:s17] =	ssyncset.done $0x0  }
0x91: {  	s13 =	rddreg [dreg:$0x8];
	[sflag:s17] =	ssyncadd.s32 $0xFFFFC180  }
0x92: {  	[hbm4b:s13+s2] =	stream.linear.scatter [tilespmem:s16], [sflag:$0x1], $0x3E80, $0x38;
	[tilespmem:$0x182D0] =	vst v63  }
0x93: {  	_ =	swait.ge [sflag:s17], $0x3E80  }
0x94: {  	[sflag:s17] =	ssyncset.done $0x0  }
0x95: {  	s14 =	rddreg [dreg:$0x5];
	[sflag:s17] =	ssyncadd.s32 $0xFFFFC180  }
0x96: {  	[tilespmem:s16], [sflag:$0x1] =	stream.linear.gather [spmem:s14], $0x3E80, $0x38;
	[tilespmem:$0x182D0] =	vst v63  }
0x97: {  	_ =	swait.ge [sflag:s17], $0x3E80  }
0x98: {  	[sflag:s17] =	ssyncset.done $0x0  }
0x99: {  	s7 =	rddreg [dreg:$0x9];
	[sflag:s17] =	ssyncadd.s32 $0xFFFFC180  }
0x9a: {  	[hbm4b:s7+s2] =	stream.linear.scatter [tilespmem:s16], [sflag:$0x1], $0x3E80, $0x38;
	[tilespmem:$0x182D0] =	vst v63  }
0x9b: {  	_ =	swait.ge [sflag:s17], $0x3E80  }
0x9c: {  	[sflag:s17] =	ssyncset.done $0x0  }
0x9d: {  	s8 =	smov.u32 s9;
	s9 =	rddreg [dreg:$0x6];
	[sflag:s17] =	ssyncadd.s32 $0xFFFFC180  }
0x9e: {  	[tilespmem:s16], [sflag:$0x1] =	stream.linear.gather [spmem:s9], $0x7D0, $0x38;
	[tilespmem:$0x182D0] =	vst v63  }
0x9f: {  	_ =	swait.ge [sflag:s17], $0x7D0  }
0xa0: {  	[sflag:s17] =	ssyncset.done $0x0  }
0xa1: {  	s13 =	rddreg [dreg:$0xa];
	[sflag:s17] =	ssyncadd.s32 $0xFFFFF830  }
0xa2: {  	[hbm4b:s13+s2] =	stream.linear.scatter [tilespmem:s16], [sflag:$0x1], $0x7D0, $0x38;
	[tilespmem:$0x182D0] =	vst v63  }
0xa3: {  	_ =	swait.ge [sflag:s17], $0x7D0  }
0xa4: {  	s12 =	sadd.s32 $0x1, s12;
	s14 =	rddreg [dreg:$0xb]  }
0xa5: {  	p0 =	sne.s32 s12, s14  }
.Ltmp3:
0xa6: {  	_ = 	snop;
	(pc) =	sbr.rel @p0 .LBB2_1-.Ltmp3, $3  }
0xa7: {  	_ =	sdelay $0x1  }
0xa8: {  	[sflag:s17] =	ssyncset.done $0x0  }
0xa9: {  	[sflag:s17] =	ssyncadd.s32 $0xFFFFF830  }
0xaa: {  	_ =	sfence.sel $0x180000  }
0xab: {  	[bflag:$0x0] =	sbarrier.arrive $0xFFFF  }
0xac: {  	_ =	strace $0x9000004A  }
0xad: {  	s0 =	stileid.u32;
	[bflag:$0x2] =	sbarrier.arrive $0xFFFF  }
0xae: {  	p0 =	sne.s32 s0, $0x0;
	s0 =	rddreg [dreg:$0x3]  }
0xaf: {  	s0 =	sadd.s32 @!p0 $0x100000, s0  }
0xb0: {  	[sflag:s0] =	ssyncadd.tile.s32 @!p0 $0x1;
	_ =	shalt  }
.Lfunc_end2:
_tile_overlayer_lowered:
.L_overlay_start_2:
0xb1: {  	(tag) =	ssettag $0x2  }
0xb2: {  	s0 =	rddreg [dreg:$0x0];
	s2 =	stileid.u32  }
0xb3: {  	s1 =	rddreg [dreg:$0x1];
	p0 =	sne.s32 s2, $0x0  }
0xb4: {  	s3 =	rddreg [dreg:$0x2];
	[bflag:$0x3] =	sbarrier.arrive $0xFFFF;
	s2 =	simm.s32 @!p0 $0x1C01  }
0xb5: {  	[timem:s3], [sflag:s2] =	dma.local @!p0 [hbm:s0], s1  }
0xb6: {  	s0 =	simm.s32 @!p0 $0x1  }
0xb7: {  	_ =	swait.ge @!p0 [sflag:s0], s1  }
0xb8: {  	s1 =	ssub.s32 @!p0 $0x0, s1;
	[sflag:s0] =	ssyncset.done @!p0 $0x0  }
0xb9: {  	[sflag:s0] =	ssyncadd.s32 @!p0 s1  }
0xba: {  	[bflag:$0x3] =	sbarrier.arrive $0xFFFF  }
0xbb: {  	_ =	shalt  }

// kernel: kernel.16.cloned.1.call-start
scs
__scs_entry_jumppad:
0x0: {  	(pc) =	sbr.rel $0x88, $3  }
0x1: {  	(tag) =	ssettag $0x0;
	lr =	simm.s32 $0x1  }
0x2: {  	[smem:$0x3F8E] =	sst lr;
	_ =	strace $0xD0000000  }
0x3: {  	_ = 	snop  }
0x4: {  	_ = 	snop  }
0x5: {  	_ = 	snop  }
0x6: {  	_ = 	snop  }
0x7: {  	_ = 	snop  }
__scs_overlays_trampoline_lowered:
0x8: {  	[smem:$0x3F9D] =	sst s0  }
0x9: {  	[smem:$0x3F9E] =	sst s1  }
0xa: {  	[smem:$0x3F9F] =	sst s2  }
0xb: {  	[smem:$0x3FA0] =	sst s3  }
0xc: {  	[smem:$0x3FA1] =	sst s4  }
0xd: {  	[smem:$0x3FA2] =	sst s5  }
0xe: {  	[smem:$0x3FA3] =	sst s6  }
0xf: {  	[smem:$0x3FA4] =	sst s7  }
0x10: {  	[smem:$0x3FA5] =	sst s8  }
0x11: {  	[smem:$0x3FA6] =	sst s9;
	s0 =	simm.s32 @!p0 $0x0  }
0x12: {  	s1 =	sld [smem:$0x3F8C];
	s0 =	simm.s32 @p0 $0x1  }
0x13: {  	[smem:$0x3FA7] =	sst s0;
	s0 =	simm.s32 @!p1 $0x0  }
0x14: {  	s2 =	sld [smem:$0x3F8B];
	s0 =	simm.s32 @p1 $0x1  }
0x15: {  	[smem:$0x3FA8] =	sst s0;
	s0 =	simm.s32 @!p2 $0x0  }
0x16: {  	s3 =	sld [smem:$0x3FDB];
	s0 =	simm.s32 @p2 $0x1  }
0x17: {  	s4 =	simm.s32 $0x1BF5;
	[smem:$0x3FAA] =	sst s0  }
0x18: {  	s0 =	sld [smem:$0x3F8D];
	_ =	swait.ge [sflag:s4], $0x0  }
0x19: {  	s7 =	sld [smem:$0x3F8E]  }
0x1a: {  	s8 =	sadd.s32 $0xFFFFE003, lr  }
0x1b: {  	s9 =	sadd.s32 $0xFFFFFEF7, lr;
	s5 =	simm.s32 $0xFFFFFFFF;
	p2 =	slt.u32 s8, $0xFFFFF086  }
0x1c: {  	p1 =	slt.u32 s9, $0xF7A;
	s5 =	simm.s32 @!p2 $0x0  }
0x1d: {  	s5 =	simm.s32 @p1 $0x1;
	p0 =	seq.s32 s7, s2  }
0x1e: {  	s7 =	smul.u32 @!p0 $0xF7A, s2;
	p2 =	seq.s32 @!p0 s5, $0x0  }
0x1f: {  	s9 =	smul.u32 $0xF7A, s1;
	s8 =	simm.s32 @!p0 $0x1BF5;
	p2 =	por !p2, p0  }
0x20: {  	[sflag:s8] =	ssyncset.s32 @!p0 $0xFFFFF086;
	s6 =	sadd.s32 @!p0 s3, s7;
	s7 =	simm.s32 @!p0 $0x108  }
0x21: {  	s3 =	sadd.s32 s3, s9;
	s6 =	sadd.s32 @!p0 $0x88, s6;
	s7 =	simm.s32 @p2 $0x1082  }
0x22: {  	[simem:s7], [sflag:s8] =	dma.local @!p0 [hbm:s6], $0xF7A  }
0x23: {  	s9 =	sor.u32 $0xD0000000, s2;
	s6 =	simm.s32 $0x108;
	_ =	swait.ge @!p0 [sflag:s8], $0x0  }
0x24: {  	s3 =	sadd.s32 $0x88, s3;
	s6 =	simm.s32 @!p1 $0x1082;
	[sflag:s4] =	ssyncset.s32 $0xFFFFF086  }
0x25: {  	[simem:s6], [sflag:s4] =	dma.local [hbm:s3], $0xF7A  }
0x26: {  	[smem:$0x3F8E] =	sst s1;
	(tag) =	ssettag s2;
	_ =	strace s9  }
0x27: {  	s1 =	sld [smem:$0x3F9E]  }
0x28: {  	s2 =	sld [smem:$0x3F9F]  }
0x29: {  	s4 =	sld [smem:$0x3FA1]  }
0x2a: {  	p0 =	seq.s32 s5, $0x0;
	s5 =	sld [smem:$0x3FA2]  }
0x2b: {  	s6 =	sld [smem:$0x3FA3]  }
0x2c: {  	s7 =	sld [smem:$0x3FA4]  }
0x2d: {  	s3 =	simm.s32 $0x108;
	s8 =	sld [smem:$0x3FA5]  }
0x2e: {  	s3 =	simm.s32 @!p0 $0x1082;
	s9 =	sld [smem:$0x3FA6]  }
0x2f: {  	lr =	sadd.s32 s0, s3;
	s0 =	sld [smem:$0x3F9D]  }
0x30: {  	s3 =	sld [smem:$0x3FA0]  }
0x31: {  	[smem:$0x3FA9] =	sst s10  }
0x32: {  	s10 =	sld [smem:$0x3FA7];
	_ =	sdelay $0x3  }
0x33: {  	p0 =	seq.s32 s10, $0x1;
	s10 =	sld [smem:$0x3FA9];
	_ =	sdelay $0x3  }
0x34: {  	[smem:$0x3FA9] =	sst s10  }
0x35: {  	s10 =	sld [smem:$0x3FA8];
	_ =	sdelay $0x3  }
0x36: {  	p1 =	seq.s32 s10, $0x1;
	s10 =	sld [smem:$0x3FA9];
	_ =	sdelay $0x3  }
0x37: {  	[smem:$0x3FA9] =	sst s10  }
0x38: {  	s10 =	sld [smem:$0x3FAA]  }
0x39: {  	_ = 	snop;
	(pc) =	sbr.ind lr, $3  }
0x3a: {  	_ = 	snop  }
0x3b: {  	_ = 	snop  }
0x3c: {  	p2 =	seq.s32 s10, $0x1;
	s10 =	sld [smem:$0x3FA9]  }
0x3d: {  	_ =	shalt  }
0x3e: {  	_ =	shalt  }
0x3f: {  	_ =	shalt  }
0x40: {  	_ =	shalt  }
0x41: {  	_ =	shalt  }
0x42: {  	_ =	shalt  }
0x43: {  	_ =	shalt  }
0x44: {  	_ =	shalt  }
0x45: {  	_ =	shalt  }
0x46: {  	_ =	shalt  }
0x47: {  	_ =	shalt  }
0x48: {  	_ =	shalt  }
0x49: {  	_ =	shalt  }
0x4a: {  	_ =	shalt  }
0x4b: {  	_ =	shalt  }
0x4c: {  	_ =	shalt  }
0x4d: {  	_ =	shalt  }
0x4e: {  	_ =	shalt  }
0x4f: {  	_ =	shalt  }
0x50: {  	_ =	shalt  }
0x51: {  	_ =	shalt  }
0x52: {  	_ =	shalt  }
0x53: {  	_ =	shalt  }
0x54: {  	_ =	shalt  }
0x55: {  	_ =	shalt  }
0x56: {  	_ =	shalt  }
0x57: {  	_ =	shalt  }
0x58: {  	_ =	shalt  }
0x59: {  	_ =	shalt  }
0x5a: {  	_ =	shalt  }
0x5b: {  	_ =	shalt  }
0x5c: {  	_ =	shalt  }
0x5d: {  	_ =	shalt  }
0x5e: {  	_ =	shalt  }
0x5f: {  	_ =	shalt  }
0x60: {  	_ =	shalt  }
0x61: {  	_ =	shalt  }
0x62: {  	_ =	shalt  }
0x63: {  	_ =	shalt  }
0x64: {  	_ =	shalt  }
0x65: {  	_ =	shalt  }
0x66: {  	_ =	shalt  }
0x67: {  	_ =	shalt  }
0x68: {  	_ =	shalt  }
0x69: {  	_ =	shalt  }
0x6a: {  	_ =	shalt  }
0x6b: {  	_ =	shalt  }
0x6c: {  	_ =	shalt  }
0x6d: {  	_ =	shalt  }
0x6e: {  	_ =	shalt  }
0x6f: {  	_ =	shalt  }
0x70: {  	_ =	shalt  }
0x71: {  	_ =	shalt  }
0x72: {  	_ =	shalt  }
0x73: {  	_ =	shalt  }
0x74: {  	_ =	shalt  }
0x75: {  	_ =	shalt  }
0x76: {  	_ =	shalt  }
0x77: {  	_ =	shalt  }
0x78: {  	_ =	shalt  }
0x79: {  	_ =	shalt  }
0x7a: {  	_ =	shalt  }
0x7b: {  	_ =	shalt  }
0x7c: {  	_ =	shalt  }
0x7d: {  	_ =	shalt  }
0x7e: {  	_ =	shalt  }
0x7f: {  	_ =	shalt  }
0x80: {  	_ =	shalt  }
0x81: {  	_ =	shalt  }
0x82: {  	_ =	shalt  }
0x83: {  	_ =	shalt  }
0x84: {  	_ =	shalt  }
0x85: {  	_ =	shalt  }
0x86: {  	_ =	shalt  }
0x87: {  	_ =	shalt  }
.Lfunc_end0:
.L_simem_size_0:
called_computation.2_lowered:
.L_overlay_start_0:
0x88: {  	s2 =	sld [smem:$0x3FD9]  }
0x89: {  	s3 =	sld [smem:$0x3FFE];
	_ =	sdelay $0x1  }
0x8a: {  	s1 =	srdreg.scid  }
0x8b: {  	s0 =	sand.u32 $0x1, s1  }
0x8c: {  	s17 =	sshll.u32 s0, $0xA;
	s2 =	sadd.s32 s3, s2  }
0x8d: {  	s2 =	sadd.s32 s2, s17  }
0x8e: {  	[smem:$0x3FB5] =	sst s2  }
0x8f: {  	_ = 	snop  }
0x90: {  	s2 =	sld [smem:$0x3FD0];
	(tm) =	ssettm $0x1  }
0x91: {  	s18 =	sld [smem:$0x3FFB];
	_ =	sdelay $0x3  }
0x92: {  	_ =	strace s18  }
0x93: {  	s3 =	sld [smem:$0x3FFC];
	_ =	sdelay $0x3  }
0x94: {  	_ =	strace s3  }
0x95: {  	s3 =	sld [smem:$0x3FFD];
	_ =	sdelay $0x3  }
0x96: {  	_ =	strace s3  }
0x97: {  	_ =	strace $0x8FFFFFFF  }
0x98: {  	s19 =	sld [smem:$0x3FDB];
	_ =	sdelay $0x1  }
0x99: {  	s4 =	simm.s32 $_scs_section_size  }
0x9a: {  	s5 =	simm.s32 $_size__tile_overlayer_lowered;
	s6 =	simm.s32 $_tile_overlayer_lowered  }
0x9b: {  	s22 =	simm.s32 $0x1BFF;
	s21 =	sshll.u32 s6, $0x1;
	s3 =	sadd.s32 s4, s19  }
0x9c: {  	s7 =	simm.s32 $0x0;
	s20 =	sshll.u32 s5, $0x1;
	s5 =	sadd.s32 s21, s3  }
0x9d: {  	[timem:s7], [sflag:s22] =	dma.local [hbm:s5], s20  }
0x9e: {  	_ =	swait.ge [sflag:s22], s20  }
0x9f: {  	s4 =	ssub.s32 $0x0, s20;
	[sflag:s22] =	ssyncset.done $0x0  }
0xa0: {  	[sflag:s22] =	ssyncadd.s32 s4;
	_ =	sdelay $0x1  }
0xa1: {  	s23 =	simm.s32 $0x1B8B  }
0xa2: {  	_ =	swait.ge [sflag:s23], $0x1  }
0xa3: {  	[sflag:s23] =	ssyncset.done $0x0  }
0xa4: {  	s25 =	simm.s32 $0x1B8E;
	s24 =	sld [smem:$0x3FFE];
	[sflag:s23] =	ssyncadd.s32 $0xFFFFFFFF  }
0xa5: {  	s26 =	simm.s32 $execute0_lowered;
	[smem:$0x3FD2] =	sst s25  }
0xa6: {  	s5 =	sshll.u32 s26, $0x1;
	_ =	strace $0x8000004C;
	[dreg:$0x1] =	wrdreg $0xFFFFFFFF  }
0xa7: {  	s28 =	simm.s32 $_size_execute0_lowered;
	s3 =	sadd.s32 s3, s5;
	[dreg:$0x0] =	wrdreg $0x0  }
0xa8: {  	s5 =	sshll.u32 s28, $0x1;
	[dreg:$0x2] =	wrdreg s3  }
0xa9: {  	[dreg:$0x3] =	wrdreg s5  }
0xaa: {  	[dreg:$0x4] =	wrdreg $0xC0  }
0xab: {  	_ =	task [dreg:s7], $0x5FFFF  }
0xac: {  	[dreg:$0x1] =	wrdreg $0xFFFFFFFF  }
0xad: {  	[dreg:$0x0] =	wrdreg $0x60  }
0xae: {  	[dreg:$0x2] =	wrdreg s24  }
0xaf: {  	[dreg:$0x3] =	wrdreg s2  }
0xb0: {  	[dreg:$0x4] =	wrdreg $0x9  }
0xb1: {  	_ =	task.clear_ibuf [dreg:s7], $0x5FFFF;
	_ =	strace $0x9000004C  }
0xb2: {  	s29 =	simm.s32 $0x9;
	_ =	strace $0x8000004E  }
0xb3: {  	_ =	swait.ge [sflag:s29], $0x1  }
0xb4: {  	[sflag:s29] =	ssyncadd.s32 $0xFFFFFFFF  }
0xb5: {  	_ =	strace $0x9000004E  }
0xb6: {  	_ =	sfence  }
0xb7: {  	s30 =	sld [smem:$0x0];
	_ =	sdelay $0x2  }
0xb8: {  	s31 =	sshll.u32 s1, $0xD;
	s1 =	sshrl.u32 s1, $0x2  }
0xb9: {  	s3 =	sand.u32 $0x4000, s31;
	s1 =	sadd.s32 s1, s30  }
0xba: {  	s0 =	sor.u32 s3, s0;
	s1 =	sshll.u32 s1, $0x11  }
0xbb: {  	s0 =	sor.u32 s1, s0  }
0xbc: {  	s0 =	sadd.s32 $0x8F2B, s0  }
0xbd: {  	[sflag:s0] =	ssyncadd.remote.s32 $0x1  }
0xbe: {  	_ =	sfence.sel $0xFFFF  }
0xbf: {  	[dreg:$0x0] =	wrdreg $0xFFFFFFFF;
	(pc) =	sbr.abs _section_cstart, $3  }
0xc0: {  	[dreg:$0x1] =	wrdreg $0xFFFFFFFF  }
0xc1: {  	_ =	task.clear_ibuf [dreg:s7], $0x2FFFF;
	_ =	strace $0x9FFFFFFF  }
0xc2: {  	(tm) =	ssettm $0x7FFFFFFF  }
0xc3: {  	_ =	shalt  }
tec
execute0_lowered:
.L_overlay_start_1:
0x0: {  	(tag) =	ssettag $0x1  }
0x1: {  	s0 =	rddreg [dreg:$0x0]  }
0x2: {  	s2 =	rddreg [dreg:$0x1];
	s3 =	simm.s32 $0x0  }
0x3: {  	s1 =	srdreg.scid;
	s4 =	stileid.u32;
	s12 =	simm.s32 $0x6  }
0x4: {  	s13 =	simm.s32 $0x7D;
	s30 =	simm.s32 $0x800;
	s28 =	simm.s32 $0x1  }
0x5: {  	s29 =	simm.s32 $0x3;
	s17 =	simm.s32 $0xC780;
	s18 =	simm.s32 $0x680  }
0x6: {  	s11 =	simm.s32 $0xD720;
	s19 =	simm.s32 $0x700;
	s14 =	simm.s32 $0xE6C0  }
0x7: {  	s20 =	simm.s32 $0x780;
	s31 =	simm.s32 $0xF660;
	s21 =	simm.s32 $0x2  }
0x8: {  	s15 =	simm.s32 $0x0;
	s1 =	sand.u32 $0x1, s1;
	s5 =	sshll.u32 s4, $0x1  }
0x9: {  	[smem:$0x7FF] =	sst s3;
	s4 =	sadd.s32 $0x67400, s0;
	s8 =	sor.u32 s1, s5  }
0xa: {  	s6 =	sadd.s32 $0x35400, s0;
	s7 =	sadd.s32 $0x98200, s0;
	s9 =	smul.u32 $0x1900, s8  }
0xb: {  	_ =	strace $0x8000004D;
	s5 =	sadd.s32 $0x3400, s0;
	s1 =	ssub.s32 $0x2, s1  }
0xc: {  	s24 =	sshrl.u32 s1, $0x1;
	s10 =	smul.u32 $0x32, s8;
	s25 =	sadd.s32 s5, s9  }
0xd: {  	s0 =	ssub.s32 s1, s24;
	s26 =	sadd.s32 s6, s9;
	[dreg:$0x3] =	wrdreg s25  }
0xe: {  	s8 =	simm.s32 $0x400;
	s0 =	smax.u32 s0, $0x1;
	[dreg:$0x4] =	wrdreg s26  }
0xf: {  	s9 =	simm.s32 $0x8900;
	[dreg:$0x5] =	wrdreg s0;
	s26 =	simm.s32 $0x17360  }
.LBB2_1:
0x10: {  	[dreg:$0x6] =	wrdreg s15  }
0x11: {  	s0 =	rddreg [dreg:$0x3]  }
0x12: {  	[tilespmem:s3], [sflag:$0x6] =	stream.linear.gather [hbm4b:s0+s3], $0x400, $0x38;
	[tilespmem:$0x18300] =	vst v63  }
0x13: {  	_ =	swait.ge [sflag:s12], $0x400  }
0x14: {  	[sflag:s12] =	ssyncset.done $0x0  }
0x15: {  	s24 =	simm.s32 $0xC00;
	[sflag:s12] =	ssyncadd.s32 $0xFFFFFC00  }
0x16: {  	[tilespmem:s24], [sflag:$0x1] =	stream.indirect.gather [hbm4b:s4+s13], $0x20, s3, s13, $0xb8;
	[tilespmem:$0x18300] =	vst v63  }
0x17: {  	s25 =	simm.s32 $0x80;
	s1 =	simm.s32 $0x1BA0  }
0x18: {  	[tilespmem:s1], [sflag:$0x1] =	stream.indirect.gather [hbm4b:s4+s13], $0x20, s25, s13, $0xb8;
	[tilespmem:$0x18300] =	vst v63  }
0x19: {  	s15 =	simm.s32 $0x100;
	s16 =	simm.s32 $0x2B40  }
0x1a: {  	[tilespmem:s16], [sflag:$0x1] =	stream.indirect.gather [hbm4b:s4+s13], $0x20, s15, s13, $0xb8;
	[tilespmem:$0x18300] =	vst v63  }
0x1b: {  	s22 =	simm.s32 $0x180;
	s23 =	simm.s32 $0x3AE0  }
0x1c: {  	[tilespmem:s23], [sflag:$0x1] =	stream.indirect.gather [hbm4b:s4+s13], $0x20, s22, s13, $0xb8;
	[tilespmem:$0x18300] =	vst v63  }
0x1d: {  	s24 =	simm.s32 $0x200;
	s25 =	simm.s32 $0x4A80  }
0x1e: {  	[tilespmem:s25], [sflag:$0x1] =	stream.indirect.gather [hbm4b:s4+s13], $0x20, s24, s13, $0xb8;
	[tilespmem:$0x18300] =	vst v63  }
0x1f: {  	s1 =	simm.s32 $0x280;
	s15 =	simm.s32 $0x5A20  }
0x20: {  	[tilespmem:s15], [sflag:$0x1] =	stream.indirect.gather [hbm4b:s4+s13], $0x20, s1, s13, $0xb8;
	[tilespmem:$0x18300] =	vst v63  }
0x21: {  	s16 =	simm.s32 $0x300;
	s22 =	simm.s32 $0x69C0  }
0x22: {  	[tilespmem:s22], [sflag:$0x1] =	stream.indirect.gather [hbm4b:s4+s13], $0x20, s16, s13, $0xb8;
	[tilespmem:$0x18300] =	vst v63  }
0x23: {  	s23 =	simm.s32 $0x380;
	s24 =	simm.s32 $0x7960  }
0x24: {  	[tilespmem:s24], [sflag:$0x1] =	stream.indirect.gather [hbm4b:s4+s13], $0x20, s23, s13, $0xb8;
	[tilespmem:$0x18300] =	vst v63  }
0x25: {  	s25 =	rddreg [dreg:$0x4]  }
0x26: {  	[tilespmem:s30], [sflag:$0x6] =	stream.linear.gather [hbm4b:s25+s3], $0x400, $0x38;
	[tilespmem:$0x18300] =	vst v63  }
0x27: {  	_ =	swait.ge [sflag:s12], $0x400  }
0x28: {  	[sflag:s12] =	ssyncset.done $0x0  }
0x29: {  	s1 =	simm.s32 $0x10600;
	[sflag:s12] =	ssyncadd.s32 $0xFFFFFC00  }
0x2a: {  	[tilespmem:s1], [sflag:$0x3] =	stream.indirect.gather [hbm4b:s2+s13], $0x20, s30, s13, $0xb8;
	[tilespmem:$0x18300] =	vst v63  }
0x2b: {  	s15 =	simm.s32 $0x880;
	s16 =	simm.s32 $0x115A0  }
0x2c: {  	[tilespmem:s16], [sflag:$0x3] =	stream.indirect.gather [hbm4b:s2+s13], $0x20, s15, s13, $0xb8;
	[tilespmem:$0x18300] =	vst v63  }
0x2d: {  	s22 =	simm.s32 $0x900;
	s23 =	simm.s32 $0x12540  }
0x2e: {  	[tilespmem:s23], [sflag:$0x3] =	stream.indirect.gather [hbm4b:s2+s13], $0x20, s22, s13, $0xb8;
	[tilespmem:$0x18300] =	vst v63  }
0x2f: {  	s24 =	simm.s32 $0x980;
	s25 =	simm.s32 $0x134E0  }
0x30: {  	[tilespmem:s25], [sflag:$0x3] =	stream.indirect.gather [hbm4b:s2+s13], $0x20, s24, s13, $0xb8;
	[tilespmem:$0x18300] =	vst v63  }
0x31: {  	s1 =	simm.s32 $0xA00;
	s15 =	simm.s32 $0x14480  }
0x32: {  	[tilespmem:s15], [sflag:$0x3] =	stream.indirect.gather [hbm4b:s2+s13], $0x20, s1, s13, $0xb8;
	[tilespmem:$0x18300] =	vst v63  }
0x33: {  	s16 =	simm.s32 $0xA80;
	s22 =	simm.s32 $0x15420  }
0x34: {  	[tilespmem:s22], [sflag:$0x3] =	stream.indirect.gather [hbm4b:s2+s13], $0x20, s16, s13, $0xb8;
	[tilespmem:$0x18300] =	vst v63  }
0x35: {  	s23 =	simm.s32 $0xB00;
	s24 =	simm.s32 $0x163C0  }
0x36: {  	[tilespmem:s24], [sflag:$0x3] =	stream.indirect.gather [hbm4b:s2+s13], $0x20, s23, s13, $0xb8;
	[tilespmem:$0x18300] =	vst v63  }
0x37: {  	s0 =	simm.s32 $0x0;
	s25 =	simm.s32 $0xB80  }
0x38: {  	[tilespmem:s26], [sflag:$0x3] =	stream.indirect.gather [hbm4b:s2+s13], $0x20, s25, s13, $0xb8;
	[tilespmem:$0x18300] =	vst v63  }
.LBB2_2:
0x39: {  	_ =	swait.ge [sflag:s28], $0x7D00  }
0x3a: {  	[sflag:s28] =	ssyncset.done $0x0  }
0x3b: {  	[sflag:s28] =	ssyncadd.s32 $0xFFFF8300  }
0x3c: {  	_ =	swait.ge [sflag:s29], $0x7D00  }
0x3d: {  	s1 =	sshllo.u32 s0, $0x1;
	p0 =	seq.s32 s0, $0x0;
	[sflag:s29] =	ssyncset.done $0x0  }
0x3e: {  	s15 =	simm.s32 @!p0 $0x5;
	s22 =	sadd.s32 s10, s1;
	[sflag:s29] =	ssyncadd.s32 $0xFFFF8300  }
0x3f: {  	s1 =	sshll.u32 s22, $0x7;
	_ =	swait.ge @!p0 [sflag:s15], $0x7D00  }
0x40: {  	s1 =	sand.u32 $0x1FFFFF80, s1;
	[sflag:s15] =	ssyncset.done @!p0 $0x0  }
0x41: {  	s16 =	simm.s32 $0x0;
	s25 =	sadd.s32 s5, s1;
	[sflag:s15] =	ssyncadd.s32 @!p0 $0xFFFF8300  }
0x42: {  	[tilespmem:s8], [sflag:$0x6] =	stream.linear.gather [hbm4b:s25+s16], $0x400, $0x38;
	[tilespmem:$0x18300] =	vst v63  }
0x43: {  	_ =	swait.ge [sflag:s12], $0x400  }
0x44: {  	[sflag:s12] =	ssyncset.done $0x0  }
0x45: {  	[sflag:s12] =	ssyncadd.s32 $0xFFFFFC00  }
0x46: {  	[tilespmem:s9], [sflag:$0x2] =	stream.indirect.gather [hbm4b:s4+s13], $0x20, s8, s13, $0xb8;
	[tilespmem:$0x18300] =	vst v63  }
0x47: {  	s23 =	simm.s32 $0x98A0;
	s16 =	simm.s32 $0x480  }
0x48: {  	[tilespmem:s23], [sflag:$0x2] =	stream.indirect.gather [hbm4b:s4+s13], $0x20, s16, s13, $0xb8;
	[tilespmem:$0x18300] =	vst v63  }
0x49: {  	s24 =	simm.s32 $0x500;
	s25 =	simm.s32 $0xA840  }
0x4a: {  	[tilespmem:s25], [sflag:$0x2] =	stream.indirect.gather [hbm4b:s4+s13], $0x20, s24, s13, $0xb8;
	[tilespmem:$0x18300] =	vst v63  }
0x4b: {  	s16 =	simm.s32 $0x580;
	s23 =	simm.s32 $0xB7E0  }
0x4c: {  	[tilespmem:s23], [sflag:$0x2] =	stream.indirect.gather [hbm4b:s4+s13], $0x20, s16, s13, $0xb8;
	[tilespmem:$0x18300] =	vst v63  }
0x4d: {  	s24 =	simm.s32 $0x600  }
0x4e: {  	[tilespmem:s17], [sflag:$0x2] =	stream.indirect.gather [hbm4b:s4+s13], $0x20, s24, s13, $0xb8;
	[tilespmem:$0x18300] =	vst v63  }
0x4f: {  	_ = 	snop  }
0x50: {  	[tilespmem:s11], [sflag:$0x2] =	stream.indirect.gather [hbm4b:s4+s13], $0x20, s18, s13, $0xb8;
	[tilespmem:$0x18300] =	vst v63  }
0x51: {  	_ = 	snop  }
0x52: {  	[tilespmem:s14], [sflag:$0x2] =	stream.indirect.gather [hbm4b:s4+s13], $0x20, s19, s13, $0xb8;
	[tilespmem:$0x18300] =	vst v63  }
0x53: {  	s15 =	simm.s32 $0x0  }
0x54: {  	[tilespmem:s31], [sflag:$0x2] =	stream.indirect.gather [hbm4b:s4+s13], $0x20, s20, s13, $0xb8;
	[tilespmem:$0x18300] =	vst v63  }
0x55: {  	v7 =	vld [tilespmem:s15+$0x10600]  }
0x56: {  	v11 =	vld [tilespmem:s15+$0x10610]  }
0x57: {  	v5 =	vld [tilespmem:s15+$0x10620]  }
0x58: {  	v4 =	vld [tilespmem:s15+$0x10630]  }
0x59: {  	v3 =	vld [tilespmem:s15+$0x10640]  }
0x5a: {  	v2 =	vld [tilespmem:s15+$0x10650]  }
0x5b: {  	v1 =	vld [tilespmem:s15+$0x10660]  }
0x5c: {  	v0 =	vld [tilespmem:s15+$0x10670]  }
0x5d: {  	v12 =	vld [tilespmem:s15+$0xC00]  }
0x5e: {  	v13 =	vld [tilespmem:s15+$0xC10]  }
0x5f: {  	s23 =	sshll.u32 s0, $0x1;
	v10 =	vld [tilespmem:s15+$0xC20]  }
0x60: {  	s25 =	sadd.s32 s10, s23;
	v9 =	vld [tilespmem:s15+$0xC30]  }
0x61: {  	s16 =	smul.u32 $0xFA0, s25;
	v8 =	vld [tilespmem:s15+$0xC40]  }
0x62: {  	v6 =	vld [tilespmem:s15+$0xC50];
	v12 =	vadd.f32 v7, v12  }
0x63: {  	s24 =	sadd.s32 s7, s16;
	s16 =	simm.s32 $0x200;
	v11 =	vadd.f32 v11, v13;
	v7 =	vld [tilespmem:s15+$0xC60]  }
.LBB2_3:
0x64: {  	s25 =	sshra.s32 s16, $0x2;
	p0 =	sne.s32 s16, $0x1F200;
	[tilespmem:s15+$0xC00] =	vst v12;
	v5 =	vadd.f32 v5, v10;
	v10 =	vld [tilespmem:s15+$0xC70]  }
0x65: {  	v12 =	vld [tilespmem:s25+$0x10600];
	[tilespmem:s15+$0xC10] =	vst v11;
	v4 =	vadd.f32 v4, v9  }
0x66: {  	v11 =	vld [tilespmem:s25+$0x10610];
	[tilespmem:s15+$0xC20] =	vst v5;
	v3 =	vadd.f32 v3, v8  }
0x67: {  	v5 =	vld [tilespmem:s25+$0x10620];
	[tilespmem:s15+$0xC30] =	vst v4;
	v2 =	vadd.f32 v2, v6  }
0x68: {  	v4 =	vld [tilespmem:s25+$0x10630];
	[tilespmem:s15+$0xC40] =	vst v3;
	v1 =	vadd.f32 v1, v7  }
0x69: {  	v3 =	vld [tilespmem:s25+$0x10640];
	[tilespmem:s15+$0xC50] =	vst v2;
	v0 =	vadd.f32 v0, v10  }
0x6a: {  	v2 =	vld [tilespmem:s25+$0x10650];
	[tilespmem:s15+$0xC60] =	vst v1  }
0x6b: {  	v1 =	vld [tilespmem:s25+$0x10660];
	[tilespmem:s15+$0xC70] =	vst v0;
	s15 =	smov.u32 s25  }
0x6c: {  	v0 =	vld [tilespmem:s15+$0x10670]  }
0x6d: {  	v6 =	vld [tilespmem:s15+$0xC00]  }
0x6e: {  	v7 =	vld [tilespmem:s15+$0xC10]  }
.Ltmp0:
0x6f: {  	v10 =	vld [tilespmem:s15+$0xC20];
	(pc) =	sbr.rel @p0 .LBB2_3-.Ltmp0, $4  }
0x70: {  	v9 =	vld [tilespmem:s15+$0xC30]  }
0x71: {  	v8 =	vld [tilespmem:s15+$0xC40]  }
0x72: {  	v12 =	vadd.f32 v12, v6;
	v6 =	vld [tilespmem:s15+$0xC50]  }
0x73: {  	s16 =	sadd.s32 $0x200, s16;
	v11 =	vadd.f32 v11, v7;
	v7 =	vld [tilespmem:s15+$0xC60]  }
0x74: {  	[tilespmem:s15+$0xC00] =	vst v12;
	v5 =	vadd.f32 v5, v10;
	v10 =	vld [tilespmem:s15+$0xC70]  }
0x75: {  	[tilespmem:s15+$0xC10] =	vst v11;
	v4 =	vadd.f32 v4, v9  }
0x76: {  	[tilespmem:s15+$0xC20] =	vst v5;
	v3 =	vadd.f32 v3, v8  }
0x77: {  	[tilespmem:s15+$0xC30] =	vst v4;
	v2 =	vadd.f32 v2, v6  }
0x78: {  	[tilespmem:s15+$0xC40] =	vst v3;
	v1 =	vadd.f32 v1, v7  }
0x79: {  	[tilespmem:s15+$0xC50] =	vst v2;
	v0 =	vadd.f32 v0, v10  }
0x7a: {  	[tilespmem:s15+$0xC60] =	vst v1  }
0x7b: {  	s1 =	sadd.s32 s6, s1;
	[tilespmem:s15+$0xC70] =	vst v0  }
0x7c: {  	[tilespmem:s30], [sflag:$0x6] =	stream.linear.gather [hbm4b:s1+s3], $0x400, $0x38;
	[tilespmem:$0x18300] =	vst v63  }
0x7d: {  	_ =	swait.ge [sflag:s12], $0x400  }
0x7e: {  	[sflag:s12] =	ssyncset.done $0x0  }
0x7f: {  	s15 =	simm.s32 $0x10600;
	[sflag:s12] =	ssyncadd.s32 $0xFFFFFC00  }
0x80: {  	[tilespmem:s15], [sflag:$0x3] =	stream.indirect.gather [hbm4b:s2+s13], $0x20, s30, s13, $0xb8;
	[tilespmem:$0x18300] =	vst v63  }
0x81: {  	s16 =	simm.s32 $0x880;
	s25 =	simm.s32 $0x115A0  }
0x82: {  	[tilespmem:s25], [sflag:$0x3] =	stream.indirect.gather [hbm4b:s2+s13], $0x20, s16, s13, $0xb8;
	[tilespmem:$0x18300] =	vst v63  }
0x83: {  	s16 =	simm.s32 $0x900;
	s25 =	simm.s32 $0x12540  }
0x84: {  	[tilespmem:s25], [sflag:$0x3] =	stream.indirect.gather [hbm4b:s2+s13], $0x20, s16, s13, $0xb8;
	[tilespmem:$0x18300] =	vst v63  }
0x85: {  	s16 =	simm.s32 $0x980;
	s25 =	simm.s32 $0x134E0  }
0x86: {  	[tilespmem:s25], [sflag:$0x3] =	stream.indirect.gather [hbm4b:s2+s13], $0x20, s16, s13, $0xb8;
	[tilespmem:$0x18300] =	vst v63  }
0x87: {  	s16 =	simm.s32 $0xA00;
	s25 =	simm.s32 $0x14480  }
0x88: {  	[tilespmem:s25], [sflag:$0x3] =	stream.indirect.gather [hbm4b:s2+s13], $0x20, s16, s13, $0xb8;
	[tilespmem:$0x18300] =	vst v63  }
0x89: {  	s16 =	simm.s32 $0xA80;
	s25 =	simm.s32 $0x15420  }
0x8a: {  	[tilespmem:s25], [sflag:$0x3] =	stream.indirect.gather [hbm4b:s2+s13], $0x20, s16, s13, $0xb8;
	[tilespmem:$0x18300] =	vst v63  }
0x8b: {  	s16 =	simm.s32 $0xB00;
	s25 =	simm.s32 $0x163C0  }
0x8c: {  	[tilespmem:s25], [sflag:$0x3] =	stream.indirect.gather [hbm4b:s2+s13], $0x20, s16, s13, $0xb8;
	[tilespmem:$0x18300] =	vst v63  }
0x8d: {  	s15 =	simm.s32 $0xB80  }
0x8e: {  	[tilespmem:s26], [sflag:$0x3] =	stream.indirect.gather [hbm4b:s2+s13], $0x20, s15, s13, $0xb8;
	[tilespmem:$0x18300] =	vst v63  }
0x8f: {  	s16 =	simm.s32 $0xC00  }
0x90: {  	[hbm4b:s24+s3] =	stream.linear.scatter [tilespmem:s16], [sflag:$0x4], $0x7D00, $0x38;
	[tilespmem:$0x18300] =	vst v63  }
0x91: {  	_ =	swait.ge [sflag:s21], $0x7D00  }
0x92: {  	[sflag:s21] =	ssyncset.done $0x0  }
0x93: {  	[sflag:s21] =	ssyncadd.s32 $0xFFFF8300  }
0x94: {  	_ =	swait.ge [sflag:s29], $0x7D00  }
0x95: {  	p0 =	seq.s32 s0, $0x18;
	s1 =	sadd.s32 $0x2, s23;
	[sflag:s29] =	ssyncset.done $0x0  }
0x96: {  	s1 =	sadd.s32 @!p0 s10, s1;
	s15 =	simm.s32 @!p0 $0x4;
	[sflag:s29] =	ssyncadd.s32 $0xFFFF8300  }
0x97: {  	s1 =	sshll.u32 @!p0 s1, $0x7;
	_ =	swait.ge @!p0 [sflag:s15], $0x7D00  }
0x98: {  	s1 =	sand.u32 @!p0 $0x1FFFFF00, s1;
	[sflag:s15] =	ssyncset.done @!p0 $0x0  }
0x99: {  	s16 =	simm.s32 @!p0 $0x0;
	[sflag:s15] =	ssyncadd.s32 @!p0 $0xFFFF8300;
	s15 =	sadd.s32 @!p0 s5, s1  }
0x9a: {  	[tilespmem:s16], [sflag:$0x6] =	stream.linear.gather @!p0 [hbm4b:s15+s16], $0x400, $0x38;
	[tilespmem:$0x18300] =	vst v63  }
0x9b: {  	s15 =	simm.s32 @!p0 $0x6  }
0x9c: {  	_ =	swait.ge @!p0 [sflag:s15], $0x400  }
0x9d: {  	[sflag:s15] =	ssyncset.done @!p0 $0x0  }
0x9e: {  	s23 =	simm.s32 @!p0 $0xC00;
	[sflag:s15] =	ssyncadd.s32 @!p0 $0xFFFFFC00;
	s15 =	simm.s32 @!p0 $0x7D  }
0x9f: {  	[tilespmem:s23], [sflag:$0x1] =	stream.indirect.gather @!p0 [hbm4b:s4+s15], $0x20, s16, s15, $0xb8;
	[tilespmem:$0x18300] =	vst v63  }
0xa0: {  	s16 =	simm.s32 @!p0 $0x80;
	s23 =	simm.s32 @!p0 $0x1BA0  }
0xa1: {  	[tilespmem:s23], [sflag:$0x1] =	stream.indirect.gather @!p0 [hbm4b:s4+s15], $0x20, s16, s15, $0xb8;
	[tilespmem:$0x18300] =	vst v63  }
0xa2: {  	s16 =	simm.s32 @!p0 $0x100;
	s23 =	simm.s32 @!p0 $0x2B40  }
0xa3: {  	[tilespmem:s23], [sflag:$0x1] =	stream.indirect.gather @!p0 [hbm4b:s4+s15], $0x20, s16, s15, $0xb8;
	[tilespmem:$0x18300] =	vst v63  }
0xa4: {  	s16 =	simm.s32 @!p0 $0x180;
	s23 =	simm.s32 @!p0 $0x3AE0  }
0xa5: {  	[tilespmem:s23], [sflag:$0x1] =	stream.indirect.gather @!p0 [hbm4b:s4+s15], $0x20, s16, s15, $0xb8;
	[tilespmem:$0x18300] =	vst v63  }
0xa6: {  	s16 =	simm.s32 @!p0 $0x200;
	s23 =	simm.s32 @!p0 $0x4A80  }
0xa7: {  	[tilespmem:s23], [sflag:$0x1] =	stream.indirect.gather @!p0 [hbm4b:s4+s15], $0x20, s16, s15, $0xb8;
	[tilespmem:$0x18300] =	vst v63  }
0xa8: {  	s16 =	simm.s32 @!p0 $0x280;
	s23 =	simm.s32 @!p0 $0x5A20  }
0xa9: {  	[tilespmem:s23], [sflag:$0x1] =	stream.indirect.gather @!p0 [hbm4b:s4+s15], $0x20, s16, s15, $0xb8;
	[tilespmem:$0x18300] =	vst v63  }
0xaa: {  	s16 =	simm.s32 @!p0 $0x300;
	s23 =	simm.s32 @!p0 $0x69C0  }
0xab: {  	[tilespmem:s23], [sflag:$0x1] =	stream.indirect.gather @!p0 [hbm4b:s4+s15], $0x20, s16, s15, $0xb8;
	[tilespmem:$0x18300] =	vst v63  }
0xac: {  	s16 =	simm.s32 @!p0 $0x380;
	s23 =	simm.s32 @!p0 $0x7960  }
0xad: {  	[tilespmem:s23], [sflag:$0x1] =	stream.indirect.gather @!p0 [hbm4b:s4+s15], $0x20, s16, s15, $0xb8;
	[tilespmem:$0x18300] =	vst v63  }
0xae: {  	s15 =	simm.s32 $0x0  }
0xaf: {  	v7 =	vld [tilespmem:s15+$0x10600]  }
0xb0: {  	v11 =	vld [tilespmem:s15+$0x10610]  }
0xb1: {  	v5 =	vld [tilespmem:s15+$0x10620]  }
0xb2: {  	v4 =	vld [tilespmem:s15+$0x10630]  }
0xb3: {  	v3 =	vld [tilespmem:s15+$0x10640]  }
0xb4: {  	v2 =	vld [tilespmem:s15+$0x10650]  }
0xb5: {  	v1 =	vld [tilespmem:s15+$0x10660]  }
0xb6: {  	v0 =	vld [tilespmem:s15+$0x10670]  }
0xb7: {  	v12 =	vld [tilespmem:s15+$0x8900]  }
0xb8: {  	v13 =	vld [tilespmem:s15+$0x8910]  }
0xb9: {  	v10 =	vld [tilespmem:s15+$0x8920]  }
0xba: {  	v9 =	vld [tilespmem:s15+$0x8930]  }
0xbb: {  	s25 =	smul.u32 $0xFA0, s22;
	v8 =	vld [tilespmem:s15+$0x8940]  }
0xbc: {  	v6 =	vld [tilespmem:s15+$0x8950];
	v12 =	vadd.f32 v7, v12  }
0xbd: {  	s22 =	sadd.s32 s7, s25;
	s16 =	simm.s32 $0x200;
	v11 =	vadd.f32 v11, v13;
	v7 =	vld [tilespmem:s15+$0x8960]  }
.LBB2_5:
0xbe: {  	s23 =	sshra.s32 s16, $0x2;
	p1 =	sne.s32 s16, $0x1F200;
	[tilespmem:s15+$0x8900] =	vst v12;
	v5 =	vadd.f32 v5, v10;
	v10 =	vld [tilespmem:s15+$0x8970]  }
0xbf: {  	v12 =	vld [tilespmem:s23+$0x10600];
	[tilespmem:s15+$0x8910] =	vst v11;
	v4 =	vadd.f32 v4, v9  }
0xc0: {  	v11 =	vld [tilespmem:s23+$0x10610];
	[tilespmem:s15+$0x8920] =	vst v5;
	v3 =	vadd.f32 v3, v8  }
0xc1: {  	v5 =	vld [tilespmem:s23+$0x10620];
	[tilespmem:s15+$0x8930] =	vst v4;
	v2 =	vadd.f32 v2, v6  }
0xc2: {  	v4 =	vld [tilespmem:s23+$0x10630];
	[tilespmem:s15+$0x8940] =	vst v3;
	v1 =	vadd.f32 v1, v7  }
0xc3: {  	v3 =	vld [tilespmem:s23+$0x10640];
	[tilespmem:s15+$0x8950] =	vst v2;
	v0 =	vadd.f32 v0, v10  }
0xc4: {  	v2 =	vld [tilespmem:s23+$0x10650];
	[tilespmem:s15+$0x8960] =	vst v1  }
0xc5: {  	v1 =	vld [tilespmem:s23+$0x10660];
	[tilespmem:s15+$0x8970] =	vst v0;
	s15 =	smov.u32 s23  }
0xc6: {  	v0 =	vld [tilespmem:s15+$0x10670]  }
0xc7: {  	v6 =	vld [tilespmem:s15+$0x8900]  }
0xc8: {  	v7 =	vld [tilespmem:s15+$0x8910]  }
.Ltmp1:
0xc9: {  	v10 =	vld [tilespmem:s15+$0x8920];
	(pc) =	sbr.rel @p1 .LBB2_5-.Ltmp1, $4  }
0xca: {  	v9 =	vld [tilespmem:s15+$0x8930]  }
0xcb: {  	v8 =	vld [tilespmem:s15+$0x8940]  }
0xcc: {  	v12 =	vadd.f32 v12, v6;
	v6 =	vld [tilespmem:s15+$0x8950]  }
0xcd: {  	s16 =	sadd.s32 $0x200, s16;
	v11 =	vadd.f32 v11, v7;
	v7 =	vld [tilespmem:s15+$0x8960]  }
0xce: {  	[tilespmem:s15+$0x8900] =	vst v12;
	v5 =	vadd.f32 v5, v10;
	v63 =	vld [tilespmem:s15+$0x8970]  }
0xcf: {  	[tilespmem:s15+$0x8910] =	vst v11;
	v4 =	vadd.f32 v4, v9  }
0xd0: {  	[tilespmem:s15+$0x8920] =	vst v5;
	v3 =	vadd.f32 v3, v8  }
0xd1: {  	[tilespmem:s15+$0x8930] =	vst v4;
	v2 =	vadd.f32 v2, v6  }
0xd2: {  	[tilespmem:s15+$0x8940] =	vst v3;
	v1 =	vadd.f32 v1, v7  }
0xd3: {  	[tilespmem:s15+$0x8950] =	vst v2;
	v0 =	vadd.f32 v0, v63  }
0xd4: {  	[tilespmem:s15+$0x8960] =	vst v1  }
0xd5: {  	s1 =	sadd.s32 @!p0 s6, s1;
	s16 =	simm.s32 @!p0 $0x800;
	[tilespmem:s15+$0x8970] =	vst v0;
	s15 =	simm.s32 @!p0 $0x0  }
0xd6: {  	[tilespmem:s16], [sflag:$0x6] =	stream.linear.gather @!p0 [hbm4b:s1+s15], $0x400, $0x38;
	[tilespmem:$0x18300] =	vst v63  }
0xd7: {  	s1 =	simm.s32 @!p0 $0x6  }
0xd8: {  	_ =	swait.ge @!p0 [sflag:s1], $0x400  }
0xd9: {  	[sflag:s1] =	ssyncset.done @!p0 $0x0  }
0xda: {  	s15 =	simm.s32 @!p0 $0x10600;
	[sflag:s1] =	ssyncadd.s32 @!p0 $0xFFFFFC00;
	s1 =	simm.s32 @!p0 $0x7D  }
0xdb: {  	[tilespmem:s15], [sflag:$0x3] =	stream.indirect.gather @!p0 [hbm4b:s2+s1], $0x20, s16, s1, $0xb8;
	[tilespmem:$0x18300] =	vst v63  }
0xdc: {  	s15 =	simm.s32 @!p0 $0x880;
	s16 =	simm.s32 @!p0 $0x115A0  }
0xdd: {  	[tilespmem:s16], [sflag:$0x3] =	stream.indirect.gather @!p0 [hbm4b:s2+s1], $0x20, s15, s1, $0xb8;
	[tilespmem:$0x18300] =	vst v63  }
0xde: {  	s15 =	simm.s32 @!p0 $0x900;
	s16 =	simm.s32 @!p0 $0x12540  }
0xdf: {  	[tilespmem:s16], [sflag:$0x3] =	stream.indirect.gather @!p0 [hbm4b:s2+s1], $0x20, s15, s1, $0xb8;
	[tilespmem:$0x18300] =	vst v63  }
0xe0: {  	s15 =	simm.s32 @!p0 $0x980;
	s16 =	simm.s32 @!p0 $0x134E0  }
0xe1: {  	[tilespmem:s16], [sflag:$0x3] =	stream.indirect.gather @!p0 [hbm4b:s2+s1], $0x20, s15, s1, $0xb8;
	[tilespmem:$0x18300] =	vst v63  }
0xe2: {  	s15 =	simm.s32 @!p0 $0xA00;
	s16 =	simm.s32 @!p0 $0x14480  }
0xe3: {  	[tilespmem:s16], [sflag:$0x3] =	stream.indirect.gather @!p0 [hbm4b:s2+s1], $0x20, s15, s1, $0xb8;
	[tilespmem:$0x18300] =	vst v63  }
0xe4: {  	s15 =	simm.s32 @!p0 $0xA80;
	s16 =	simm.s32 @!p0 $0x15420  }
0xe5: {  	[tilespmem:s16], [sflag:$0x3] =	stream.indirect.gather @!p0 [hbm4b:s2+s1], $0x20, s15, s1, $0xb8;
	[tilespmem:$0x18300] =	vst v63  }
0xe6: {  	s15 =	simm.s32 @!p0 $0xB00;
	s16 =	simm.s32 @!p0 $0x163C0  }
0xe7: {  	[tilespmem:s16], [sflag:$0x3] =	stream.indirect.gather @!p0 [hbm4b:s2+s1], $0x20, s15, s1, $0xb8;
	[tilespmem:$0x18300] =	vst v63  }
0xe8: {  	s0 =	sadd.s32 $0x1, s0;
	s15 =	simm.s32 @!p0 $0xB80;
	s16 =	simm.s32 @!p0 $0x17360  }
0xe9: {  	[tilespmem:s16], [sflag:$0x3] =	stream.indirect.gather @!p0 [hbm4b:s2+s1], $0x20, s15, s1, $0xb8;
	[tilespmem:$0x18300] =	vst v63  }
0xea: {  	p0 =	sne.s32 s0, $0x19  }
.Ltmp2:
0xeb: {  	_ = 	snop;
	(pc) =	sbr.rel @p0 .LBB2_2-.Ltmp2, $2  }
0xec: {  	_ =	sdelay $0x2  }
0xed: {  	[hbm4b:s22+s3] =	stream.linear.scatter [tilespmem:s9], [sflag:$0x5], $0x7D00, $0x38;
	[tilespmem:$0x18300] =	vst v63  }
0xee: {  	s0 =	simm.s32 $0x4  }
0xef: {  	_ =	swait.ge [sflag:s0], $0x7D00  }
0xf0: {  	[sflag:s0] =	ssyncset.done $0x0  }
0xf1: {  	s1 =	simm.s32 $0x5;
	[sflag:s0] =	ssyncadd.s32 $0xFFFF8300  }
0xf2: {  	_ =	swait.ge [sflag:s1], $0x7D00  }
0xf3: {  	s15 =	rddreg [dreg:$0x6]  }
0xf4: {  	s25 =	rddreg [dreg:$0x5];
	s15 =	sadd.s32 $0x1, s15  }
0xf5: {  	p0 =	sne.s32 s15, s25  }
.Ltmp3:
0xf6: {  	_ = 	snop;
	(pc) =	sbr.rel @p0 .LBB2_1-.Ltmp3, $3  }
0xf7: {  	_ =	sdelay $0x1  }
0xf8: {  	[sflag:s1] =	ssyncset.done $0x0  }
0xf9: {  	[sflag:s1] =	ssyncadd.s32 $0xFFFF8300  }
0xfa: {  	_ =	sfence.sel $0x180000  }
0xfb: {  	[bflag:$0x0] =	sbarrier.arrive $0xFFFF  }
0xfc: {  	_ =	strace $0x9000004D  }
0xfd: {  	s0 =	stileid.u32;
	[bflag:$0x2] =	sbarrier.arrive $0xFFFF  }
0xfe: {  	p0 =	sne.s32 s0, $0x0;
	s0 =	rddreg [dreg:$0x2]  }
0xff: {  	s0 =	sadd.s32 @!p0 $0x100000, s0  }
0x100: {  	[sflag:s0] =	ssyncadd.tile.s32 @!p0 $0x1;
	_ =	shalt  }
.Lfunc_end2:
_tile_overlayer_lowered:
.L_overlay_start_2:
0x101: {  	(tag) =	ssettag $0x2  }
0x102: {  	s0 =	rddreg [dreg:$0x0];
	s2 =	stileid.u32  }
0x103: {  	s1 =	rddreg [dreg:$0x1];
	p0 =	sne.s32 s2, $0x0  }
0x104: {  	s3 =	rddreg [dreg:$0x2];
	[bflag:$0x3] =	sbarrier.arrive $0xFFFF;
	s2 =	simm.s32 @!p0 $0x1C06  }
0x105: {  	[timem:s3], [sflag:s2] =	dma.local @!p0 [hbm:s0], s1  }
0x106: {  	s0 =	simm.s32 @!p0 $0x6  }
0x107: {  	_ =	swait.ge @!p0 [sflag:s0], s1  }
0x108: {  	s1 =	ssub.s32 @!p0 $0x0, s1;
	[sflag:s0] =	ssyncset.done @!p0 $0x0  }
0x109: {  	[sflag:s0] =	ssyncadd.s32 @!p0 s1  }
0x10a: {  	[bflag:$0x3] =	sbarrier.arrive $0xFFFF  }
0x10b: {  	_ =	shalt  }

// kernel: kernel.19.cloned.1.call-start
scs
__scs_entry_jumppad:
0x0: {  	(pc) =	sbr.rel $0x88, $3  }
0x1: {  	(tag) =	ssettag $0x0;
	lr =	simm.s32 $0x1  }
0x2: {  	[smem:$0x3F8E] =	sst lr;
	_ =	strace $0xD0000000  }
0x3: {  	_ = 	snop  }
0x4: {  	_ = 	snop  }
0x5: {  	_ = 	snop  }
0x6: {  	_ = 	snop  }
0x7: {  	_ = 	snop  }
__scs_overlays_trampoline_lowered:
0x8: {  	[smem:$0x3F9D] =	sst s0  }
0x9: {  	[smem:$0x3F9E] =	sst s1  }
0xa: {  	[smem:$0x3F9F] =	sst s2  }
0xb: {  	[smem:$0x3FA0] =	sst s3  }
0xc: {  	[smem:$0x3FA1] =	sst s4  }
0xd: {  	[smem:$0x3FA2] =	sst s5  }
0xe: {  	[smem:$0x3FA3] =	sst s6  }
0xf: {  	[smem:$0x3FA4] =	sst s7  }
0x10: {  	[smem:$0x3FA5] =	sst s8  }
0x11: {  	[smem:$0x3FA6] =	sst s9;
	s0 =	simm.s32 @!p0 $0x0  }
0x12: {  	s1 =	sld [smem:$0x3F8C];
	s0 =	simm.s32 @p0 $0x1  }
0x13: {  	[smem:$0x3FA7] =	sst s0;
	s0 =	simm.s32 @!p1 $0x0  }
0x14: {  	s2 =	sld [smem:$0x3F8B];
	s0 =	simm.s32 @p1 $0x1  }
0x15: {  	[smem:$0x3FA8] =	sst s0;
	s0 =	simm.s32 @!p2 $0x0  }
0x16: {  	s3 =	sld [smem:$0x3FDB];
	s0 =	simm.s32 @p2 $0x1  }
0x17: {  	s4 =	simm.s32 $0x1BF5;
	[smem:$0x3FAA] =	sst s0  }
0x18: {  	s0 =	sld [smem:$0x3F8D];
	_ =	swait.ge [sflag:s4], $0x0  }
0x19: {  	s7 =	sld [smem:$0x3F8E]  }
0x1a: {  	s8 =	sadd.s32 $0xFFFFE003, lr  }
0x1b: {  	s9 =	sadd.s32 $0xFFFFFEF7, lr;
	s5 =	simm.s32 $0xFFFFFFFF;
	p2 =	slt.u32 s8, $0xFFFFF086  }
0x1c: {  	p1 =	slt.u32 s9, $0xF7A;
	s5 =	simm.s32 @!p2 $0x0  }
0x1d: {  	s5 =	simm.s32 @p1 $0x1;
	p0 =	seq.s32 s7, s2  }
0x1e: {  	s7 =	smul.u32 @!p0 $0xF7A, s2;
	p2 =	seq.s32 @!p0 s5, $0x0  }
0x1f: {  	s9 =	smul.u32 $0xF7A, s1;
	s8 =	simm.s32 @!p0 $0x1BF5;
	p2 =	por !p2, p0  }
0x20: {  	[sflag:s8] =	ssyncset.s32 @!p0 $0xFFFFF086;
	s6 =	sadd.s32 @!p0 s3, s7;
	s7 =	simm.s32 @!p0 $0x108  }
0x21: {  	s3 =	sadd.s32 s3, s9;
	s6 =	sadd.s32 @!p0 $0x88, s6;
	s7 =	simm.s32 @p2 $0x1082  }
0x22: {  	[simem:s7], [sflag:s8] =	dma.local @!p0 [hbm:s6], $0xF7A  }
0x23: {  	s9 =	sor.u32 $0xD0000000, s2;
	s6 =	simm.s32 $0x108;
	_ =	swait.ge @!p0 [sflag:s8], $0x0  }
0x24: {  	s3 =	sadd.s32 $0x88, s3;
	s6 =	simm.s32 @!p1 $0x1082;
	[sflag:s4] =	ssyncset.s32 $0xFFFFF086  }
0x25: {  	[simem:s6], [sflag:s4] =	dma.local [hbm:s3], $0xF7A  }
0x26: {  	[smem:$0x3F8E] =	sst s1;
	(tag) =	ssettag s2;
	_ =	strace s9  }
0x27: {  	s1 =	sld [smem:$0x3F9E]  }
0x28: {  	s2 =	sld [smem:$0x3F9F]  }
0x29: {  	s4 =	sld [smem:$0x3FA1]  }
0x2a: {  	p0 =	seq.s32 s5, $0x0;
	s5 =	sld [smem:$0x3FA2]  }
0x2b: {  	s6 =	sld [smem:$0x3FA3]  }
0x2c: {  	s7 =	sld [smem:$0x3FA4]  }
0x2d: {  	s3 =	simm.s32 $0x108;
	s8 =	sld [smem:$0x3FA5]  }
0x2e: {  	s3 =	simm.s32 @!p0 $0x1082;
	s9 =	sld [smem:$0x3FA6]  }
0x2f: {  	lr =	sadd.s32 s0, s3;
	s0 =	sld [smem:$0x3F9D]  }
0x30: {  	s3 =	sld [smem:$0x3FA0]  }
0x31: {  	[smem:$0x3FA9] =	sst s10  }
0x32: {  	s10 =	sld [smem:$0x3FA7];
	_ =	sdelay $0x3  }
0x33: {  	p0 =	seq.s32 s10, $0x1;
	s10 =	sld [smem:$0x3FA9];
	_ =	sdelay $0x3  }
0x34: {  	[smem:$0x3FA9] =	sst s10  }
0x35: {  	s10 =	sld [smem:$0x3FA8];
	_ =	sdelay $0x3  }
0x36: {  	p1 =	seq.s32 s10, $0x1;
	s10 =	sld [smem:$0x3FA9];
	_ =	sdelay $0x3  }
0x37: {  	[smem:$0x3FA9] =	sst s10  }
0x38: {  	s10 =	sld [smem:$0x3FAA]  }
0x39: {  	_ = 	snop;
	(pc) =	sbr.ind lr, $3  }
0x3a: {  	_ = 	snop  }
0x3b: {  	_ = 	snop  }
0x3c: {  	p2 =	seq.s32 s10, $0x1;
	s10 =	sld [smem:$0x3FA9]  }
0x3d: {  	_ =	shalt  }
0x3e: {  	_ =	shalt  }
0x3f: {  	_ =	shalt  }
0x40: {  	_ =	shalt  }
0x41: {  	_ =	shalt  }
0x42: {  	_ =	shalt  }
0x43: {  	_ =	shalt  }
0x44: {  	_ =	shalt  }
0x45: {  	_ =	shalt  }
0x46: {  	_ =	shalt  }
0x47: {  	_ =	shalt  }
0x48: {  	_ =	shalt  }
0x49: {  	_ =	shalt  }
0x4a: {  	_ =	shalt  }
0x4b: {  	_ =	shalt  }
0x4c: {  	_ =	shalt  }
0x4d: {  	_ =	shalt  }
0x4e: {  	_ =	shalt  }
0x4f: {  	_ =	shalt  }
0x50: {  	_ =	shalt  }
0x51: {  	_ =	shalt  }
0x52: {  	_ =	shalt  }
0x53: {  	_ =	shalt  }
0x54: {  	_ =	shalt  }
0x55: {  	_ =	shalt  }
0x56: {  	_ =	shalt  }
0x57: {  	_ =	shalt  }
0x58: {  	_ =	shalt  }
0x59: {  	_ =	shalt  }
0x5a: {  	_ =	shalt  }
0x5b: {  	_ =	shalt  }
0x5c: {  	_ =	shalt  }
0x5d: {  	_ =	shalt  }
0x5e: {  	_ =	shalt  }
0x5f: {  	_ =	shalt  }
0x60: {  	_ =	shalt  }
0x61: {  	_ =	shalt  }
0x62: {  	_ =	shalt  }
0x63: {  	_ =	shalt  }
0x64: {  	_ =	shalt  }
0x65: {  	_ =	shalt  }
0x66: {  	_ =	shalt  }
0x67: {  	_ =	shalt  }
0x68: {  	_ =	shalt  }
0x69: {  	_ =	shalt  }
0x6a: {  	_ =	shalt  }
0x6b: {  	_ =	shalt  }
0x6c: {  	_ =	shalt  }
0x6d: {  	_ =	shalt  }
0x6e: {  	_ =	shalt  }
0x6f: {  	_ =	shalt  }
0x70: {  	_ =	shalt  }
0x71: {  	_ =	shalt  }
0x72: {  	_ =	shalt  }
0x73: {  	_ =	shalt  }
0x74: {  	_ =	shalt  }
0x75: {  	_ =	shalt  }
0x76: {  	_ =	shalt  }
0x77: {  	_ =	shalt  }
0x78: {  	_ =	shalt  }
0x79: {  	_ =	shalt  }
0x7a: {  	_ =	shalt  }
0x7b: {  	_ =	shalt  }
0x7c: {  	_ =	shalt  }
0x7d: {  	_ =	shalt  }
0x7e: {  	_ =	shalt  }
0x7f: {  	_ =	shalt  }
0x80: {  	_ =	shalt  }
0x81: {  	_ =	shalt  }
0x82: {  	_ =	shalt  }
0x83: {  	_ =	shalt  }
0x84: {  	_ =	shalt  }
0x85: {  	_ =	shalt  }
0x86: {  	_ =	shalt  }
0x87: {  	_ =	shalt  }
.Lfunc_end0:
.L_simem_size_0:
called_computation.3_lowered:
.L_overlay_start_0:
0x88: {  	s2 =	sld [smem:$0x3FD9]  }
0x89: {  	s3 =	sld [smem:$0x3FFE];
	_ =	sdelay $0x1  }
0x8a: {  	s1 =	srdreg.scid  }
0x8b: {  	s0 =	sand.u32 $0x1, s1  }
0x8c: {  	s17 =	sshll.u32 s0, $0xA;
	s2 =	sadd.s32 s3, s2  }
0x8d: {  	s2 =	sadd.s32 s2, s17  }
0x8e: {  	[smem:$0x3FB5] =	sst s2  }
0x8f: {  	_ = 	snop  }
0x90: {  	s2 =	sld [smem:$0x3FD0];
	(tm) =	ssettm $0x1  }
0x91: {  	s18 =	sld [smem:$0x3FFB];
	_ =	sdelay $0x3  }
0x92: {  	_ =	strace s18  }
0x93: {  	s3 =	sld [smem:$0x3FFC];
	_ =	sdelay $0x3  }
0x94: {  	_ =	strace s3  }
0x95: {  	s3 =	sld [smem:$0x3FFD];
	_ =	sdelay $0x3  }
0x96: {  	_ =	strace s3  }
0x97: {  	_ =	strace $0x8FFFFFFF  }
0x98: {  	s19 =	sld [smem:$0x3FDB];
	_ =	sdelay $0x1  }
0x99: {  	s4 =	simm.s32 $_scs_section_size  }
0x9a: {  	s5 =	simm.s32 $_size__tile_overlayer_lowered;
	s6 =	simm.s32 $_tile_overlayer_lowered  }
0x9b: {  	s22 =	simm.s32 $0x1BFF;
	s21 =	sshll.u32 s6, $0x1;
	s3 =	sadd.s32 s4, s19  }
0x9c: {  	s7 =	simm.s32 $0x0;
	s20 =	sshll.u32 s5, $0x1;
	s5 =	sadd.s32 s21, s3  }
0x9d: {  	[timem:s7], [sflag:s22] =	dma.local [hbm:s5], s20  }
0x9e: {  	_ =	swait.ge [sflag:s22], s20  }
0x9f: {  	s4 =	ssub.s32 $0x0, s20;
	[sflag:s22] =	ssyncset.done $0x0  }
0xa0: {  	[sflag:s22] =	ssyncadd.s32 s4;
	_ =	sdelay $0x1  }
0xa1: {  	s23 =	simm.s32 $0x1B8B  }
0xa2: {  	_ =	swait.ge [sflag:s23], $0x1  }
0xa3: {  	[sflag:s23] =	ssyncset.done $0x0  }
0xa4: {  	s25 =	simm.s32 $0x1B8E;
	s24 =	sld [smem:$0x3FFE];
	[sflag:s23] =	ssyncadd.s32 $0xFFFFFFFF  }
0xa5: {  	s26 =	simm.s32 $execute0_lowered;
	[smem:$0x3FD2] =	sst s25  }
0xa6: {  	s5 =	sshll.u32 s26, $0x1;
	_ =	strace $0x8000004F;
	[dreg:$0x1] =	wrdreg $0xFFFFFFFF  }
0xa7: {  	s28 =	simm.s32 $_size_execute0_lowered;
	s3 =	sadd.s32 s3, s5;
	[dreg:$0x0] =	wrdreg $0x0  }
0xa8: {  	s5 =	sshll.u32 s28, $0x1;
	[dreg:$0x2] =	wrdreg s3  }
0xa9: {  	[dreg:$0x3] =	wrdreg s5  }
0xaa: {  	[dreg:$0x4] =	wrdreg $0xC0  }
0xab: {  	_ =	task [dreg:s7], $0x5FFFF  }
0xac: {  	[dreg:$0x1] =	wrdreg $0xFFFFFFFF  }
0xad: {  	[dreg:$0x0] =	wrdreg $0x60  }
0xae: {  	[dreg:$0x2] =	wrdreg s24  }
0xaf: {  	[dreg:$0x3] =	wrdreg s2  }
0xb0: {  	[dreg:$0x4] =	wrdreg $0x9  }
0xb1: {  	_ =	task.clear_ibuf [dreg:s7], $0x5FFFF;
	_ =	strace $0x9000004F  }
0xb2: {  	s29 =	simm.s32 $0x9;
	_ =	strace $0x80000051  }
0xb3: {  	_ =	swait.ge [sflag:s29], $0x1  }
0xb4: {  	[sflag:s29] =	ssyncadd.s32 $0xFFFFFFFF  }
0xb5: {  	_ =	strace $0x90000051  }
0xb6: {  	_ =	sfence  }
0xb7: {  	s30 =	sld [smem:$0x0];
	_ =	sdelay $0x2  }
0xb8: {  	s31 =	sshll.u32 s1, $0xD;
	s1 =	sshrl.u32 s1, $0x2  }
0xb9: {  	s3 =	sand.u32 $0x4000, s31;
	s1 =	sadd.s32 s1, s30  }
0xba: {  	s0 =	sor.u32 s3, s0;
	s1 =	sshll.u32 s1, $0x11  }
0xbb: {  	s0 =	sor.u32 s1, s0  }
0xbc: {  	s0 =	sadd.s32 $0x8F2B, s0  }
0xbd: {  	[sflag:s0] =	ssyncadd.remote.s32 $0x1  }
0xbe: {  	_ =	sfence.sel $0xFFFF  }
0xbf: {  	[dreg:$0x0] =	wrdreg $0xFFFFFFFF;
	(pc) =	sbr.abs _section_cstart, $3  }
0xc0: {  	[dreg:$0x1] =	wrdreg $0xFFFFFFFF  }
0xc1: {  	_ =	task.clear_ibuf [dreg:s7], $0x2FFFF;
	_ =	strace $0x9FFFFFFF  }
0xc2: {  	(tm) =	ssettm $0x7FFFFFFF  }
0xc3: {  	_ =	shalt  }
tec
execute0_lowered:
.L_overlay_start_1:
0x0: {  	(tag) =	ssettag $0x1  }
0x1: {  	s4 =	rddreg [dreg:$0x0]  }
0x2: {  	s1 =	rddreg [dreg:$0x1]  }
0x3: {  	s2 =	srdreg.scid;
	s0 =	rddreg [dreg:$0x2];
	s3 =	simm.s32 $0x0  }
0x4: {  	s9 =	simm.s32 $0x0;
	s5 =	sand.u32 $0x1, s2;
	s2 =	stileid.u32  }
0x5: {  	[smem:$0x7FF] =	sst s3;
	s4 =	sadd.s32 $0x6B2A00, s4;
	s6 =	ssub.s32 $0x2, s5  }
0x6: {  	s8 =	sshll.u32 s2, $0x1;
	_ =	strace $0x80000050;
	s7 =	sshrl.u32 s6, $0x1  }
0x7: {  	s5 =	sor.u32 s5, s8;
	s8 =	simm.s32 $0x7D00;
	s6 =	ssub.s32 s6, s7  }
0x8: {  	s5 =	smul.u32 $0x32, s5;
	s7 =	simm.s32 $0x1;
	s6 =	smax.u32 s6, $0x1  }
.LBB2_1:
0x9: {  	s10 =	simm.s32 $0x0  }
.LBB2_2:
0xa: {  	s11 =	sadd.s32 s5, s10  }
0xb: {  	s12 =	smul.u32 $0xFA0, s11;
	_ =	sdelay $0x1  }
0xc: {  	s13 =	simm.s32 $0x0;
	s12 =	sadd.s32 s4, s12  }
0xd: {  	[tilespmem:s13], [sflag:$0x1] =	stream.linear.gather [hbm4b:s12+s13], $0x7D00, $0x38;
	[tilespmem:$0x8CA0] =	vst v63  }
0xe: {  	_ =	swait.ge [sflag:s7], $0x7D00  }
0xf: {  	[sflag:s7] =	ssyncset.done $0x0  }
0x10: {  	s12 =	simm.s32 $0x100;
	[sflag:s7] =	ssyncadd.s32 $0xFFFF8300  }
0x11: {  	s14 =	simm.s32 $0x140;
	v0 =	vld [tilespmem:s12+$0xFFFFFF00]  }
.LBB2_3:
0x12: {  	p0 =	sne.s32 s14, $0x3D40;
	_ =	sdelay $0x2  }
0x13: {  	s15 =	sshra.s32 s13, $0x2;
	s13 =	smov.u32 s14  }
0x14: {  	[tilespmem:s15+$0x7D00] =	vst v0  }
0x15: {  	v0 =	vld [tilespmem:s12+$0xFFFFFF80];
	_ =	sdelay $0x4  }
0x16: {  	[tilespmem:s15+$0x7D10] =	vst v0  }
0x17: {  	v0 =	vld [tilespmem:s12+$0x0];
	_ =	sdelay $0x4  }
0x18: {  	[tilespmem:s15+$0x7D20] =	vst v0  }
0x19: {  	v0 =	vld [tilespmem:s12+$0x80];
	_ =	sdelay $0x4  }
0x1a: {  	[tilespmem:s15+$0x7D30] =	vst v0  }
0x1b: {  	v0 =	vld [tilespmem:s12+$0x100];
	_ =	sdelay $0x1  }
.Ltmp0:
0x1c: {  	(pc) =	sbr.rel @p0 .LBB2_3-.Ltmp0, $3  }
0x1d: {  	_ =	sdelay $0x1  }
0x1e: {  	s12 =	sadd.s32 $0x280, s12;
	[tilespmem:s15+$0x7D40] =	vst v0  }
0x1f: {  	s14 =	sadd.s32 $0x140, s14;
	v0 =	vld [tilespmem:s12+$0xFFFFFF00]  }
0x20: {  	_ =	sdelay $0x2  }
0x21: {  	s13 =	sshra.s32 s13, $0x2  }
0x22: {  	[tilespmem:s13+$0x7D00] =	vst v0  }
0x23: {  	v0 =	vld [tilespmem:s12+$0xFFFFFF80];
	_ =	sdelay $0x4  }
0x24: {  	[tilespmem:s13+$0x7D10] =	vst v0  }
0x25: {  	v0 =	vld [tilespmem:s12+$0x0];
	_ =	sdelay $0x4  }
0x26: {  	[tilespmem:s13+$0x7D20] =	vst v0  }
0x27: {  	v0 =	vld [tilespmem:s12+$0x80];
	_ =	sdelay $0x4  }
0x28: {  	[tilespmem:s13+$0x7D30] =	vst v0  }
0x29: {  	v0 =	vld [tilespmem:s12+$0x100];
	_ =	sdelay $0x2  }
0x2a: {  	s11 =	smul.u32 $0x1F4, s11;
	s10 =	sadd.s32 $0x1, s10  }
0x2b: {  	p0 =	sne.s32 s10, $0x32  }
.Ltmp1:
0x2c: {  	s11 =	sadd.s32 s1, s11;
	[tilespmem:s13+$0x7D40] =	vst v0;
	(pc) =	sbr.rel @p0 .LBB2_2-.Ltmp1, $4  }
0x2d: {  	[hbm4b:s11+s3] =	stream.linear.scatter [tilespmem:s8], [sflag:$0x1], $0xFA0, $0x38;
	[tilespmem:$0x8CA0] =	vst v63  }
0x2e: {  	_ =	swait.ge [sflag:s7], $0xFA0  }
0x2f: {  	[sflag:s7] =	ssyncset.done $0x0  }
0x30: {  	[sflag:s7] =	ssyncadd.s32 $0xFFFFF060  }
0x31: {  	s9 =	sadd.s32 $0x1, s9  }
0x32: {  	p0 =	sne.s32 s9, s6  }
.Ltmp2:
0x33: {  	_ = 	snop;
	(pc) =	sbr.rel @p0 .LBB2_1-.Ltmp2, $1  }
0x34: {  	_ =	sdelay $0x3  }
0x35: {  	_ =	sfence.sel $0x180000  }
0x36: {  	[bflag:$0x0] =	sbarrier.arrive $0xFFFF  }
0x37: {  	p0 =	sne.s32 s2, $0x0;
	_ =	strace $0x90000050  }
0x38: {  	s0 =	sadd.s32 @!p0 $0x100000, s0;
	[bflag:$0x2] =	sbarrier.arrive $0xFFFF  }
0x39: {  	[sflag:s0] =	ssyncadd.tile.s32 @!p0 $0x1;
	_ =	shalt  }
.Lfunc_end2:
_tile_overlayer_lowered:
.L_overlay_start_2:
0x3a: {  	(tag) =	ssettag $0x2  }
0x3b: {  	s0 =	rddreg [dreg:$0x0];
	s2 =	stileid.u32  }
0x3c: {  	s1 =	rddreg [dreg:$0x1];
	p0 =	sne.s32 s2, $0x0  }
0x3d: {  	s3 =	rddreg [dreg:$0x2];
	[bflag:$0x3] =	sbarrier.arrive $0xFFFF;
	s2 =	simm.s32 @!p0 $0x1C01  }
0x3e: {  	[timem:s3], [sflag:s2] =	dma.local @!p0 [hbm:s0], s1  }
0x3f: {  	s0 =	simm.s32 @!p0 $0x1  }
0x40: {  	_ =	swait.ge @!p0 [sflag:s0], s1  }
0x41: {  	s1 =	ssub.s32 @!p0 $0x0, s1;
	[sflag:s0] =	ssyncset.done @!p0 $0x0  }
0x42: {  	[sflag:s0] =	ssyncadd.s32 @!p0 s1  }
0x43: {  	[bflag:$0x3] =	sbarrier.arrive $0xFFFF  }
0x44: {  	_ =	shalt  }

</sc_bundles>
